<compile_context>
chip_gen: v7x
topology: tpu7x:2x2x1
jax: 0.10.2.dev20260603
libtpu: 0.0.44.dev20260713+nightly
codegen_flags: <defaults>
</compile_context>

<pallas_src>
import functools

import jax
import jax.numpy as jnp
from jax import lax
from jax.experimental import pallas as pl
from jax.experimental.pallas import tpu as pltpu
from jax.experimental.pallas import tpu_sc as plsc

D_MODEL = 2048
B_TOTAL = 16384

_info = plsc.get_sparse_core_info()
_NC = _info.num_cores
_NS = _info.num_subcores
_NW = _NC * _NS
_BPW = B_TOTAL // _NW
_K = 8
_NBUF = 6
_LOOK = 3
_NCHUNK = _BPW // _K
assert B_TOTAL % _NW == 0 and _BPW % _K == 0

_mesh = plsc.VectorSubcoreMesh(core_axis_name="c", subcore_axis_name="s")


@functools.partial(
    pl.kernel,
    mesh=_mesh,
    out_type=jax.ShapeDtypeStruct((B_TOTAL, D_MODEL), jnp.float32),
    scratch_types=(
        [pltpu.VMEM((_NCHUNK, _K), jnp.int32)]
        + [pltpu.VMEM((_K, D_MODEL), jnp.float32) for _ in range(_NBUF)]
        + [pltpu.SemaphoreType.DMA for _ in range(2 * _NBUF)]
    ),
)
def _embed_gather(ids_hbm, table_hbm, out_hbm, idx_v, *bufs_and_sems):
    bufs = bufs_and_sems[:_NBUF]
    gsem = bufs_and_sems[_NBUF:2 * _NBUF]
    ssem = bufs_and_sems[2 * _NBUF:]
    wid = lax.axis_index("s") * _NC + lax.axis_index("c")
    base = wid * _BPW
    pltpu.sync_copy(ids_hbm.at[wid], idx_v)

    def start_gather(c):
        b = c % _NBUF
        return pltpu.async_copy(table_hbm.at[idx_v.at[c]], bufs[b], gsem[b])

    def start_store(c):
        b = c % _NBUF
        return pltpu.async_copy(
            bufs[b], out_hbm.at[pl.ds(base + c * _K, _K)], ssem[b])

    pend_g = {c: start_gather(c) for c in range(_LOOK)}
    pend_s = {}
    for c in range(_NCHUNK):
        pend_g.pop(c).wait()
        pend_s[c] = start_store(c)
        nc = c + _LOOK
        if nc < _NCHUNK:
            prev = nc - _NBUF
            if prev in pend_s:
                pend_s.pop(prev).wait()
            pend_g[nc] = start_gather(nc)
    for c in sorted(pend_s):
        pend_s.pop(c).wait()


def kernel(input_ids, labels, W):
    batch, seq = input_ids.shape
    ids = input_ids.astype(jnp.int32).reshape(_NW, _NCHUNK, _K)
    out = _embed_gather(ids, W)
    return (out.reshape(batch, seq, D_MODEL), labels)

# --- scband reference (transcript-rebuilt; emitter-appended) ---
"""Pipeline reference for scband-embedding-pipe-layer-42425686950477 (READ-ONLY COPY).

The authoritative reference and input builder live on the scoring server;
editing this copy changes nothing except your own understanding.
"""

import jax, jax.numpy as jnp
import numpy as np

VOCAB = 100000
D_MODEL = 2048
BATCH = 4
SEQ = 4096

def setup_inputs(seed: int = 0) -> dict:
    key = jax.random.key(seed)
    k1, k2, k3 = jax.random.split(key, 3)
    input_ids = jax.random.randint(k1, (BATCH, SEQ), 0, VOCAB, dtype=jnp.int64 if jax.config.jax_enable_x64 else jnp.int32)
    labels = jax.random.randint(k2, (BATCH, SEQ), 0, VOCAB, dtype=jnp.int64 if jax.config.jax_enable_x64 else jnp.int32)
    W = jax.random.normal(k3, (VOCAB, D_MODEL), dtype=jnp.float32) * 0.02
    return {"input_ids": input_ids, "labels": labels, "W": W}

def reference(input_ids, labels, W):
    # EmbeddingPipeLayer.forward: ipt = (input_ids, labels)
    # inputs_embeds = self.embed_tokens(input_ids); return (inputs_embeds, labels)
    inputs_embeds = jnp.take(W, input_ids, axis=0)
    return (inputs_embeds, labels)

if __name__ == "__main__":
    import jax
    _d = setup_inputs()
    print(jax.jit(kernel)(*tuple(_d.values())))

</pallas_src>

<mosaic_0001>
#map = affine_map<(d0, d1) -> (0, 0, 0)>
#map1 = affine_map<(d0, d1) -> (0, 0)>
module attributes {stable_mosaic.version = 14 : i64} {
  func.func @_embed_gather(%arg0: i32, %arg1: i32, %arg2: memref<32x64x8xi32, #tpu.memory_space<hbm>>, %arg3: memref<100000x2048xf32, #tpu.memory_space<hbm>>, %arg4: memref<16384x2048xf32, #tpu.memory_space<hbm>>, %arg5: memref<64x8xi32, #tpu.memory_space<vmem>>, %arg6: memref<8x2048xf32, #tpu.memory_space<vmem>>, %arg7: memref<8x2048xf32, #tpu.memory_space<vmem>>, %arg8: memref<8x2048xf32, #tpu.memory_space<vmem>>, %arg9: memref<8x2048xf32, #tpu.memory_space<vmem>>, %arg10: memref<8x2048xf32, #tpu.memory_space<vmem>>, %arg11: memref<8x2048xf32, #tpu.memory_space<vmem>>, %arg12: memref<!tpu.dma_semaphore, #tpu.memory_space<semaphore_mem>>, %arg13: memref<!tpu.dma_semaphore, #tpu.memory_space<semaphore_mem>>, %arg14: memref<!tpu.dma_semaphore, #tpu.memory_space<semaphore_mem>>, %arg15: memref<!tpu.dma_semaphore, #tpu.memory_space<semaphore_mem>>, %arg16: memref<!tpu.dma_semaphore, #tpu.memory_space<semaphore_mem>>, %arg17: memref<!tpu.dma_semaphore, #tpu.memory_space<semaphore_mem>>, %arg18: memref<!tpu.dma_semaphore, #tpu.memory_space<semaphore_mem>>, %arg19: memref<!tpu.dma_semaphore, #tpu.memory_space<semaphore_mem>>, %arg20: memref<!tpu.dma_semaphore, #tpu.memory_space<semaphore_mem>>, %arg21: memref<!tpu.dma_semaphore, #tpu.memory_space<semaphore_mem>>, %arg22: memref<!tpu.dma_semaphore, #tpu.memory_space<semaphore_mem>>, %arg23: memref<!tpu.dma_semaphore, #tpu.memory_space<semaphore_mem>>) attributes {dimension_semantics = [#tpu.dimension_semantics<core_parallel>, #tpu.dimension_semantics<subcore_parallel>], iteration_bounds = array<i64: 2, 16>, scalar_prefetch = 0 : i64, scratch_operands = 19 : i64, tpu.core_type = #tpu.core_type<sc_vector_subcore>, window_params = [{transform_indices = #map}, {transform_indices = #map1}, {transform_indices = #map1}]} {
    %mul3A = arith.constant 2 : i32
    %mul3A_0 = arith.muli %arg1, %mul3A : i32
    %add3A = arith.addi %mul3A_0, %arg0 : i32
    %mul3A_1 = arith.constant 512 : i32
    %mul3A_2 = arith.muli %add3A, %mul3A_1 : i32
    "tpu.region"() ({
      %run_scoped3A = tpu.sem_alloc : memref<!tpu.dma_semaphore, #tpu.memory_space<semaphore_mem>>
      %dma_start3A_1537 = arith.constant 0 : i32
      %dma_start3A_1538 = arith.constant 0 : i32
      %dma_start3A_1539 = tpu.memref_slice %arg2[%add3A, %dma_start3A_1537, %dma_start3A_1538] : memref<32x64x8xi32, #tpu.memory_space<hbm>> -> memref<1x64x8xi32, #tpu.memory_space<hbm>>
      %dma_start3A_1540 = tpu.memref_squeeze %dma_start3A_1539 : memref<1x64x8xi32, #tpu.memory_space<hbm>> -> memref<64x8xi32, #tpu.memory_space<hbm>>
      %dma_start3A_1541 = arith.constant 0 : i32
      %dma_start3A_1542 = arith.constant 0 : i32
      %dma_start3A_1543 = tpu.memref_slice %arg2[%add3A, %dma_start3A_1541, %dma_start3A_1542] : memref<32x64x8xi32, #tpu.memory_space<hbm>> -> memref<1x64x8xi32, #tpu.memory_space<hbm>>
      %dma_start3A_1544 = tpu.memref_squeeze %dma_start3A_1543 : memref<1x64x8xi32, #tpu.memory_space<hbm>> -> memref<64x8xi32, #tpu.memory_space<hbm>>
      tpu.enqueue_dma source(%dma_start3A_1544 : memref<64x8xi32, #tpu.memory_space<hbm>>) target(%arg5 : memref<64x8xi32, #tpu.memory_space<vmem>>) target_semaphore(%run_scoped3A : memref<!tpu.dma_semaphore, #tpu.memory_space<semaphore_mem>>)
      %dma_wait3A_1545 = arith.constant 0 : i32
      %dma_wait3A_1546 = arith.constant 0 : i32
      %dma_wait3A_1547 = tpu.memref_slice %arg2[%add3A, %dma_wait3A_1545, %dma_wait3A_1546] : memref<32x64x8xi32, #tpu.memory_space<hbm>> -> memref<1x64x8xi32, #tpu.memory_space<hbm>>
      %dma_wait3A_1548 = tpu.memref_squeeze %dma_wait3A_1547 : memref<1x64x8xi32, #tpu.memory_space<hbm>> -> memref<64x8xi32, #tpu.memory_space<hbm>>
      %dma_wait3A_1549 = arith.constant 0 : i32
      %dma_wait3A_1550 = arith.constant 0 : i32
      %dma_wait3A_1551 = tpu.memref_slice %arg2[%add3A, %dma_wait3A_1549, %dma_wait3A_1550] : memref<32x64x8xi32, #tpu.memory_space<hbm>> -> memref<1x64x8xi32, #tpu.memory_space<hbm>>
      %dma_wait3A_1552 = tpu.memref_squeeze %dma_wait3A_1551 : memref<1x64x8xi32, #tpu.memory_space<hbm>> -> memref<64x8xi32, #tpu.memory_space<hbm>>
      tpu.wait_dma2 semaphore(%run_scoped3A : memref<!tpu.dma_semaphore, #tpu.memory_space<semaphore_mem>>) src(%dma_wait3A_1552 : memref<64x8xi32, #tpu.memory_space<hbm>>) dst(%arg5 : memref<64x8xi32, #tpu.memory_space<vmem>>)
      tpu.yield
    }) : () -> ()
    %dma_start3A = arith.constant 0 : i32
    %dma_start3A_3 = arith.constant 0 : i32
    %dma_start3A_4 = tpu.memref_slice %arg5[%dma_start3A, %dma_start3A_3] : memref<64x8xi32, #tpu.memory_space<vmem>> -> memref<1x8xi32, #tpu.memory_space<vmem>>
    %dma_start3A_5 = tpu.memref_squeeze %dma_start3A_4 : memref<1x8xi32, #tpu.memory_space<vmem>> -> memref<8xi32, #tpu.memory_space<vmem>>
    %dma_start3A_6 = arith.constant 0 : i32
    %dma_start3A_7 = arith.constant 0 : i32
    %dma_start3A_8 = tpu.memref_slice %arg3[%dma_start3A_6, %dma_start3A_7] : memref<100000x2048xf32, #tpu.memory_space<hbm>> -> memref<100000x2048xf32, #tpu.memory_space<hbm>>
    tpu.enqueue_indirect_dma source(%dma_start3A_8 : memref<100000x2048xf32, #tpu.memory_space<hbm>>) target(%arg6 : memref<8x2048xf32, #tpu.memory_space<vmem>>) offsets(%dma_start3A_5 : memref<8xi32, #tpu.memory_space<vmem>>) semaphore(%arg12 : memref<!tpu.dma_semaphore, #tpu.memory_space<semaphore_mem>>)
    %dma_start3A_9 = arith.constant 1 : i32
    %dma_start3A_10 = arith.constant 0 : i32
    %dma_start3A_11 = tpu.memref_slice %arg5[%dma_start3A_9, %dma_start3A_10] : memref<64x8xi32, #tpu.memory_space<vmem>> -> memref<1x8xi32, #tpu.memory_space<vmem>>
    %dma_start3A_12 = tpu.memref_squeeze %dma_start3A_11 : memref<1x8xi32, #tpu.memory_space<vmem>> -> memref<8xi32, #tpu.memory_space<vmem>>
    %dma_start3A_13 = arith.constant 0 : i32
    %dma_start3A_14 = arith.constant 0 : i32
    %dma_start3A_15 = tpu.memref_slice %arg3[%dma_start3A_13, %dma_start3A_14] : memref<100000x2048xf32, #tpu.memory_space<hbm>> -> memref<100000x2048xf32, #tpu.memory_space<hbm>>
    tpu.enqueue_indirect_dma source(%dma_start3A_15 : memref<100000x2048xf32, #tpu.memory_space<hbm>>) target(%arg7 : memref<8x2048xf32, #tpu.memory_space<vmem>>) offsets(%dma_start3A_12 : memref<8xi32, #tpu.memory_space<vmem>>) semaphore(%arg13 : memref<!tpu.dma_semaphore, #tpu.memory_space<semaphore_mem>>)
    %dma_start3A_16 = arith.constant 2 : i32
    %dma_start3A_17 = arith.constant 0 : i32
    %dma_start3A_18 = tpu.memref_slice %arg5[%dma_start3A_16, %dma_start3A_17] : memref<64x8xi32, #tpu.memory_space<vmem>> -> memref<1x8xi32, #tpu.memory_space<vmem>>
    %dma_start3A_19 = tpu.memref_squeeze %dma_start3A_18 : memref<1x8xi32, #tpu.memory_space<vmem>> -> memref<8xi32, #tpu.memory_space<vmem>>
    %dma_start3A_20 = arith.constant 0 : i32
    %dma_start3A_21 = arith.constant 0 : i32
    %dma_start3A_22 = tpu.memref_slice %arg3[%dma_start3A_20, %dma_start3A_21] : memref<100000x2048xf32, #tpu.memory_space<hbm>> -> memref<100000x2048xf32, #tpu.memory_space<hbm>>
    tpu.enqueue_indirect_dma source(%dma_start3A_22 : memref<100000x2048xf32, #tpu.memory_space<hbm>>) target(%arg8 : memref<8x2048xf32, #tpu.memory_space<vmem>>) offsets(%dma_start3A_19 : memref<8xi32, #tpu.memory_space<vmem>>) semaphore(%arg14 : memref<!tpu.dma_semaphore, #tpu.memory_space<semaphore_mem>>)
    %dma_wait3A = arith.constant 0 : i32
    %dma_wait3A_23 = arith.constant 0 : i32
    %dma_wait3A_24 = tpu.memref_slice %arg5[%dma_wait3A, %dma_wait3A_23] : memref<64x8xi32, #tpu.memory_space<vmem>> -> memref<1x8xi32, #tpu.memory_space<vmem>>
    %dma_wait3A_25 = tpu.memref_squeeze %dma_wait3A_24 : memref<1x8xi32, #tpu.memory_space<vmem>> -> memref<8xi32, #tpu.memory_space<vmem>>
    %dma_wait3A_26 = arith.constant 0 : i32
    %dma_wait3A_27 = arith.constant 0 : i32
    %dma_wait3A_28 = tpu.memref_slice %arg3[%dma_wait3A_26, %dma_wait3A_27] : memref<100000x2048xf32, #tpu.memory_space<hbm>> -> memref<100000x2048xf32, #tpu.memory_space<hbm>>
    tpu.wait_indirect_dma semaphore(%arg12 : memref<!tpu.dma_semaphore, #tpu.memory_space<semaphore_mem>>) src(%dma_wait3A_28 : memref<100000x2048xf32, #tpu.memory_space<hbm>>) dst(%arg6 : memref<8x2048xf32, #tpu.memory_space<vmem>>)
    %add3A_29 = arith.constant 0 : i32
    %add3A_30 = arith.addi %mul3A_2, %add3A_29 : i32
    %dma_start3A_31 = arith.constant 0 : i32
    %dma_start3A_32 = tpu.memref_slice %arg4[%add3A_30, %dma_start3A_31] : memref<16384x2048xf32, #tpu.memory_space<hbm>> -> memref<8x2048xf32, #tpu.memory_space<hbm>>
    %dma_start3A_33 = arith.constant 0 : i32
    %dma_start3A_34 = tpu.memref_slice %arg4[%add3A_30, %dma_start3A_33] : memref<16384x2048xf32, #tpu.memory_space<hbm>> -> memref<8x2048xf32, #tpu.memory_space<hbm>>
    tpu.enqueue_dma source(%arg6 : memref<8x2048xf32, #tpu.memory_space<vmem>>) target(%dma_start3A_34 : memref<8x2048xf32, #tpu.memory_space<hbm>>) target_semaphore(%arg18 : memref<!tpu.dma_semaphore, #tpu.memory_space<semaphore_mem>>)
    %dma_start3A_35 = arith.constant 3 : i32
    %dma_start3A_36 = arith.constant 0 : i32
    %dma_start3A_37 = tpu.memref_slice %arg5[%dma_start3A_35, %dma_start3A_36] : memref<64x8xi32, #tpu.memory_space<vmem>> -> memref<1x8xi32, #tpu.memory_space<vmem>>
    %dma_start3A_38 = tpu.memref_squeeze %dma_start3A_37 : memref<1x8xi32, #tpu.memory_space<vmem>> -> memref<8xi32, #tpu.memory_space<vmem>>
    %dma_start3A_39 = arith.constant 0 : i32
    %dma_start3A_40 = arith.constant 0 : i32
    %dma_start3A_41 = tpu.memref_slice %arg3[%dma_start3A_39, %dma_start3A_40] : memref<100000x2048xf32, #tpu.memory_space<hbm>> -> memref<100000x2048xf32, #tpu.memory_space<hbm>>
    tpu.enqueue_indirect_dma source(%dma_start3A_41 : memref<100000x2048xf32, #tpu.memory_space<hbm>>) target(%arg9 : memref<8x2048xf32, #tpu.memory_space<vmem>>) offsets(%dma_start3A_38 : memref<8xi32, #tpu.memory_space<vmem>>) semaphore(%arg15 : memref<!tpu.dma_semaphore, #tpu.memory_space<semaphore_mem>>)
    %dma_wait3A_42 = arith.constant 1 : i32
    %dma_wait3A_43 = arith.constant 0 : i32
    %dma_wait3A_44 = tpu.memref_slice %arg5[%dma_wait3A_42, %dma_wait3A_43] : memref<64x8xi32, #tpu.memory_space<vmem>> -> memref<1x8xi32, #tpu.memory_space<vmem>>
    %dma_wait3A_45 = tpu.memref_squeeze %dma_wait3A_44 : memref<1x8xi32, #tpu.memory_space<vmem>> -> memref<8xi32, #tpu.memory_space<vmem>>
    %dma_wait3A_46 = arith.constant 0 : i32
    %dma_wait3A_47 = arith.constant 0 : i32
    %dma_wait3A_48 = tpu.memref_slice %arg3[%dma_wait3A_46, %dma_wait3A_47] : memref<100000x2048xf32, #tpu.memory_space<hbm>> -> memref<100000x2048xf32, #tpu.memory_space<hbm>>
    tpu.wait_indirect_dma semaphore(%arg13 : memref<!tpu.dma_semaphore, #tpu.memory_space<semaphore_mem>>) src(%dma_wait3A_48 : memref<100000x2048xf32, #tpu.memory_space<hbm>>) dst(%arg7 : memref<8x2048xf32, #tpu.memory_space<vmem>>)
    %add3A_49 = arith.constant 8 : i32
    %add3A_50 = arith.addi %mul3A_2, %add3A_49 : i32
    %dma_start3A_51 = arith.constant 0 : i32
    %dma_start3A_52 = tpu.memref_slice %arg4[%add3A_50, %dma_start3A_51] : memref<16384x2048xf32, #tpu.memory_space<hbm>> -> memref<8x2048xf32, #tpu.memory_space<hbm>>
    %dma_start3A_53 = arith.constant 0 : i32
    %dma_start3A_54 = tpu.memref_slice %arg4[%add3A_50, %dma_start3A_53] : memref<16384x2048xf32, #tpu.memory_space<hbm>> -> memref<8x2048xf32, #tpu.memory_space<hbm>>
    tpu.enqueue_dma source(%arg7 : memref<8x2048xf32, #tpu.memory_space<vmem>>) target(%dma_start3A_54 : memref<8x2048xf32, #tpu.memory_space<hbm>>) target_semaphore(%arg19 : memref<!tpu.dma_semaphore, #tpu.memory_space<semaphore_mem>>)
    %dma_start3A_55 = arith.constant 4 : i32
    %dma_start3A_56 = arith.constant 0 : i32
    %dma_start3A_57 = tpu.memref_slice %arg5[%dma_start3A_55, %dma_start3A_56] : memref<64x8xi32, #tpu.memory_space<vmem>> -> memref<1x8xi32, #tpu.memory_space<vmem>>
    %dma_start3A_58 = tpu.memref_squeeze %dma_start3A_57 : memref<1x8xi32, #tpu.memory_space<vmem>> -> memref<8xi32, #tpu.memory_space<vmem>>
    %dma_start3A_59 = arith.constant 0 : i32
    %dma_start3A_60 = arith.constant 0 : i32
    %dma_start3A_61 = tpu.memref_slice %arg3[%dma_start3A_59, %dma_start3A_60] : memref<100000x2048xf32, #tpu.memory_space<hbm>> -> memref<100000x2048xf32, #tpu.memory_space<hbm>>
    tpu.enqueue_indirect_dma source(%dma_start3A_61 : memref<100000x2048xf32, #tpu.memory_space<hbm>>) target(%arg10 : memref<8x2048xf32, #tpu.memory_space<vmem>>) offsets(%dma_start3A_58 : memref<8xi32, #tpu.memory_space<vmem>>) semaphore(%arg16 : memref<!tpu.dma_semaphore, #tpu.memory_space<semaphore_mem>>)
    %dma_wait3A_62 = arith.constant 2 : i32
    %dma_wait3A_63 = arith.constant 0 : i32
    %dma_wait3A_64 = tpu.memref_slice %arg5[%dma_wait3A_62, %dma_wait3A_63] : memref<64x8xi32, #tpu.memory_space<vmem>> -> memref<1x8xi32, #tpu.memory_space<vmem>>
    %dma_wait3A_65 = tpu.memref_squeeze %dma_wait3A_64 : memref<1x8xi32, #tpu.memory_space<vmem>> -> memref<8xi32, #tpu.memory_space<vmem>>
    %dma_wait3A_66 = arith.constant 0 : i32
    %dma_wait3A_67 = arith.constant 0 : i32
    %dma_wait3A_68 = tpu.memref_slice %arg3[%dma_wait3A_66, %dma_wait3A_67] : memref<100000x2048xf32, #tpu.memory_space<hbm>> -> memref<100000x2048xf32, #tpu.memory_space<hbm>>
    tpu.wait_indirect_dma semaphore(%arg14 : memref<!tpu.dma_semaphore, #tpu.memory_space<semaphore_mem>>) src(%dma_wait3A_68 : memref<100000x2048xf32, #tpu.memory_space<hbm>>) dst(%arg8 : memref<8x2048xf32, #tpu.memory_space<vmem>>)
    %add3A_69 = arith.constant 16 : i32
    %add3A_70 = arith.addi %mul3A_2, %add3A_69 : i32
    %dma_start3A_71 = arith.constant 0 : i32
    %dma_start3A_72 = tpu.memref_slice %arg4[%add3A_70, %dma_start3A_71] : memref<16384x2048xf32, #tpu.memory_space<hbm>> -> memref<8x2048xf32, #tpu.memory_space<hbm>>
    %dma_start3A_73 = arith.constant 0 : i32
    %dma_start3A_74 = tpu.memref_slice %arg4[%add3A_70, %dma_start3A_73] : memref<16384x2048xf32, #tpu.memory_space<hbm>> -> memref<8x2048xf32, #tpu.memory_space<hbm>>
    tpu.enqueue_dma source(%arg8 : memref<8x2048xf32, #tpu.memory_space<vmem>>) target(%dma_start3A_74 : memref<8x2048xf32, #tpu.memory_space<hbm>>) target_semaphore(%arg20 : memref<!tpu.dma_semaphore, #tpu.memory_space<semaphore_mem>>)
    %dma_start3A_75 = arith.constant 5 : i32
    %dma_start3A_76 = arith.constant 0 : i32
    %dma_start3A_77 = tpu.memref_slice %arg5[%dma_start3A_75, %dma_start3A_76] : memref<64x8xi32, #tpu.memory_space<vmem>> -> memref<1x8xi32, #tpu.memory_space<vmem>>
    %dma_start3A_78 = tpu.memref_squeeze %dma_start3A_77 : memref<1x8xi32, #tpu.memory_space<vmem>> -> memref<8xi32, #tpu.memory_space<vmem>>
    %dma_start3A_79 = arith.constant 0 : i32
    %dma_start3A_80 = arith.constant 0 : i32
    %dma_start3A_81 = tpu.memref_slice %arg3[%dma_start3A_79, %dma_start3A_80] : memref<100000x2048xf32, #tpu.memory_space<hbm>> -> memref<100000x2048xf32, #tpu.memory_space<hbm>>
    tpu.enqueue_indirect_dma source(%dma_start3A_81 : memref<100000x2048xf32, #tpu.memory_space<hbm>>) target(%arg11 : memref<8x2048xf32, #tpu.memory_space<vmem>>) offsets(%dma_start3A_78 : memref<8xi32, #tpu.memory_space<vmem>>) semaphore(%arg17 : memref<!tpu.dma_semaphore, #tpu.memory_space<semaphore_mem>>)
    %dma_wait3A_82 = arith.constant 3 : i32
    %dma_wait3A_83 = arith.constant 0 : i32
    %dma_wait3A_84 = tpu.memref_slice %arg5[%dma_wait3A_82, %dma_wait3A_83] : memref<64x8xi32, #tpu.memory_space<vmem>> -> memref<1x8xi32, #tpu.memory_space<vmem>>
    %dma_wait3A_85 = tpu.memref_squeeze %dma_wait3A_84 : memref<1x8xi32, #tpu.memory_space<vmem>> -> memref<8xi32, #tpu.memory_space<vmem>>
    %dma_wait3A_86 = arith.constant 0 : i32
    %dma_wait3A_87 = arith.constant 0 : i32
    %dma_wait3A_88 = tpu.memref_slice %arg3[%dma_wait3A_86, %dma_wait3A_87] : memref<100000x2048xf32, #tpu.memory_space<hbm>> -> memref<100000x2048xf32, #tpu.memory_space<hbm>>
    tpu.wait_indirect_dma semaphore(%arg15 : memref<!tpu.dma_semaphore, #tpu.memory_space<semaphore_mem>>) src(%dma_wait3A_88 : memref<100000x2048xf32, #tpu.memory_space<hbm>>) dst(%arg9 : memref<8x2048xf32, #tpu.memory_space<vmem>>)
    %add3A_89 = arith.constant 24 : i32
    %add3A_90 = arith.addi %mul3A_2, %add3A_89 : i32
    %dma_start3A_91 = arith.constant 0 : i32
    %dma_start3A_92 = tpu.memref_slice %arg4[%add3A_90, %dma_start3A_91] : memref<16384x2048xf32, #tpu.memory_space<hbm>> -> memref<8x2048xf32, #tpu.memory_space<hbm>>
    %dma_start3A_93 = arith.constant 0 : i32
    %dma_start3A_94 = tpu.memref_slice %arg4[%add3A_90, %dma_start3A_93] : memref<16384x2048xf32, #tpu.memory_space<hbm>> -> memref<8x2048xf32, #tpu.memory_space<hbm>>
    tpu.enqueue_dma source(%arg9 : memref<8x2048xf32, #tpu.memory_space<vmem>>) target(%dma_start3A_94 : memref<8x2048xf32, #tpu.memory_space<hbm>>) target_semaphore(%arg21 : memref<!tpu.dma_semaphore, #tpu.memory_space<semaphore_mem>>)
    %dma_wait3A_95 = arith.constant 0 : i32
    %dma_wait3A_96 = tpu.memref_slice %arg4[%add3A_30, %dma_wait3A_95] : memref<16384x2048xf32, #tpu.memory_space<hbm>> -> memref<8x2048xf32, #tpu.memory_space<hbm>>
    %dma_wait3A_97 = arith.constant 0 : i32
    %dma_wait3A_98 = tpu.memref_slice %arg4[%add3A_30, %dma_wait3A_97] : memref<16384x2048xf32, #tpu.memory_space<hbm>> -> memref<8x2048xf32, #tpu.memory_space<hbm>>
    tpu.wait_dma2 semaphore(%arg18 : memref<!tpu.dma_semaphore, #tpu.memory_space<semaphore_mem>>) src(%arg6 : memref<8x2048xf32, #tpu.memory_space<vmem>>) dst(%dma_wait3A_98 : memref<8x2048xf32, #tpu.memory_space<hbm>>)
    %dma_start3A_99 = arith.constant 6 : i32
    %dma_start3A_100 = arith.constant 0 : i32
    %dma_start3A_101 = tpu.memref_slice %arg5[%dma_start3A_99, %dma_start3A_100] : memref<64x8xi32, #tpu.memory_space<vmem>> -> memref<1x8xi32, #tpu.memory_space<vmem>>
    %dma_start3A_102 = tpu.memref_squeeze %dma_start3A_101 : memref<1x8xi32, #tpu.memory_space<vmem>> -> memref<8xi32, #tpu.memory_space<vmem>>
    %dma_start3A_103 = arith.constant 0 : i32
    %dma_start3A_104 = arith.constant 0 : i32
    %dma_start3A_105 = tpu.memref_slice %arg3[%dma_start3A_103, %dma_start3A_104] : memref<100000x2048xf32, #tpu.memory_space<hbm>> -> memref<100000x2048xf32, #tpu.memory_space<hbm>>
    tpu.enqueue_indirect_dma source(%dma_start3A_105 : memref<100000x2048xf32, #tpu.memory_space<hbm>>) target(%arg6 : memref<8x2048xf32, #tpu.memory_space<vmem>>) offsets(%dma_start3A_102 : memref<8xi32, #tpu.memory_space<vmem>>) semaphore(%arg12 : memref<!tpu.dma_semaphore, #tpu.memory_space<semaphore_mem>>)
    %dma_wait3A_106 = arith.constant 4 : i32
    %dma_wait3A_107 = arith.constant 0 : i32
    %dma_wait3A_108 = tpu.memref_slice %arg5[%dma_wait3A_106, %dma_wait3A_107] : memref<64x8xi32, #tpu.memory_space<vmem>> -> memref<1x8xi32, #tpu.memory_space<vmem>>
    %dma_wait3A_109 = tpu.memref_squeeze %dma_wait3A_108 : memref<1x8xi32, #tpu.memory_space<vmem>> -> memref<8xi32, #tpu.memory_space<vmem>>
    %dma_wait3A_110 = arith.constant 0 : i32
    %dma_wait3A_111 = arith.constant 0 : i32
    %dma_wait3A_112 = tpu.memref_slice %arg3[%dma_wait3A_110, %dma_wait3A_111] : memref<100000x2048xf32, #tpu.memory_space<hbm>> -> memref<100000x2048xf32, #tpu.memory_space<hbm>>
    tpu.wait_indirect_dma semaphore(%arg16 : memref<!tpu.dma_semaphore, #tpu.memory_space<semaphore_mem>>) src(%dma_wait3A_112 : memref<100000x2048xf32, #tpu.memory_space<hbm>>) dst(%arg10 : memref<8x2048xf32, #tpu.memory_space<vmem>>)
    %add3A_113 = arith.constant 32 : i32
    %add3A_114 = arith.addi %mul3A_2, %add3A_113 : i32
    %dma_start3A_115 = arith.constant 0 : i32
    %dma_start3A_116 = tpu.memref_slice %arg4[%add3A_114, %dma_start3A_115] : memref<16384x2048xf32, #tpu.memory_space<hbm>> -> memref<8x2048xf32, #tpu.memory_space<hbm>>
    %dma_start3A_117 = arith.constant 0 : i32
    %dma_start3A_118 = tpu.memref_slice %arg4[%add3A_114, %dma_start3A_117] : memref<16384x2048xf32, #tpu.memory_space<hbm>> -> memref<8x2048xf32, #tpu.memory_space<hbm>>
    tpu.enqueue_dma source(%arg10 : memref<8x2048xf32, #tpu.memory_space<vmem>>) target(%dma_start3A_118 : memref<8x2048xf32, #tpu.memory_space<hbm>>) target_semaphore(%arg22 : memref<!tpu.dma_semaphore, #tpu.memory_space<semaphore_mem>>)
    %dma_wait3A_119 = arith.constant 0 : i32
    %dma_wait3A_120 = tpu.memref_slice %arg4[%add3A_50, %dma_wait3A_119] : memref<16384x2048xf32, #tpu.memory_space<hbm>> -> memref<8x2048xf32, #tpu.memory_space<hbm>>
    %dma_wait3A_121 = arith.constant 0 : i32
    %dma_wait3A_122 = tpu.memref_slice %arg4[%add3A_50, %dma_wait3A_121] : memref<16384x2048xf32, #tpu.memory_space<hbm>> -> memref<8x2048xf32, #tpu.memory_space<hbm>>
    tpu.wait_dma2 semaphore(%arg19 : memref<!tpu.dma_semaphore, #tpu.memory_space<semaphore_mem>>) src(%arg7 : memref<8x2048xf32, #tpu.memory_space<vmem>>) dst(%dma_wait3A_122 : memref<8x2048xf32, #tpu.memory_space<hbm>>)
    %dma_start3A_123 = arith.constant 7 : i32
    %dma_start3A_124 = arith.constant 0 : i32
    %dma_start3A_125 = tpu.memref_slice %arg5[%dma_start3A_123, %dma_start3A_124] : memref<64x8xi32, #tpu.memory_space<vmem>> -> memref<1x8xi32, #tpu.memory_space<vmem>>
    %dma_start3A_126 = tpu.memref_squeeze %dma_start3A_125 : memref<1x8xi32, #tpu.memory_space<vmem>> -> memref<8xi32, #tpu.memory_space<vmem>>
    %dma_start3A_127 = arith.constant 0 : i32
    %dma_start3A_128 = arith.constant 0 : i32
    %dma_start3A_129 = tpu.memref_slice %arg3[%dma_start3A_127, %dma_start3A_128] : memref<100000x2048xf32, #tpu.memory_space<hbm>> -> memref<100000x2048xf32, #tpu.memory_space<hbm>>
    tpu.enqueue_indirect_dma source(%dma_start3A_129 : memref<100000x2048xf32, #tpu.memory_space<hbm>>) target(%arg7 : memref<8x2048xf32, #tpu.memory_space<vmem>>) offsets(%dma_start3A_126 : memref<8xi32, #tpu.memory_space<vmem>>) semaphore(%arg13 : memref<!tpu.dma_semaphore, #tpu.memory_space<semaphore_mem>>)
    %dma_wait3A_130 = arith.constant 5 : i32
    %dma_wait3A_131 = arith.constant 0 : i32
    %dma_wait3A_132 = tpu.memref_slice %arg5[%dma_wait3A_130, %dma_wait3A_131] : memref<64x8xi32, #tpu.memory_space<vmem>> -> memref<1x8xi32, #tpu.memory_space<vmem>>
    %dma_wait3A_133 = tpu.memref_squeeze %dma_wait3A_132 : memref<1x8xi32, #tpu.memory_space<vmem>> -> memref<8xi32, #tpu.memory_space<vmem>>
    %dma_wait3A_134 = arith.constant 0 : i32
    %dma_wait3A_135 = arith.constant 0 : i32
    %dma_wait3A_136 = tpu.memref_slice %arg3[%dma_wait3A_134, %dma_wait3A_135] : memref<100000x2048xf32, #tpu.memory_space<hbm>> -> memref<100000x2048xf32, #tpu.memory_space<hbm>>
    tpu.wait_indirect_dma semaphore(%arg17 : memref<!tpu.dma_semaphore, #tpu.memory_space<semaphore_mem>>) src(%dma_wait3A_136 : memref<100000x2048xf32, #tpu.memory_space<hbm>>) dst(%arg11 : memref<8x2048xf32, #tpu.memory_space<vmem>>)
    %add3A_137 = arith.constant 40 : i32
    %add3A_138 = arith.addi %mul3A_2, %add3A_137 : i32
    %dma_start3A_139 = arith.constant 0 : i32
    %dma_start3A_140 = tpu.memref_slice %arg4[%add3A_138, %dma_start3A_139] : memref<16384x2048xf32, #tpu.memory_space<hbm>> -> memref<8x2048xf32, #tpu.memory_space<hbm>>
    %dma_start3A_141 = arith.constant 0 : i32
    %dma_start3A_142 = tpu.memref_slice %arg4[%add3A_138, %dma_start3A_141] : memref<16384x2048xf32, #tpu.memory_space<hbm>> -> memref<8x2048xf32, #tpu.memory_space<hbm>>
    tpu.enqueue_dma source(%arg11 : memref<8x2048xf32, #tpu.memory_space<vmem>>) target(%dma_start3A_142 : memref<8x2048xf32, #tpu.memory_space<hbm>>) target_semaphore(%arg23 : memref<!tpu.dma_semaphore, #tpu.memory_space<semaphore_mem>>)
    %dma_wait3A_143 = arith.constant 0 : i32
    %dma_wait3A_144 = tpu.memref_slice %arg4[%add3A_70, %dma_wait3A_143] : memref<16384x2048xf32, #tpu.memory_space<hbm>> -> memref<8x2048xf32, #tpu.memory_space<hbm>>
    %dma_wait3A_145 = arith.constant 0 : i32
    %dma_wait3A_146 = tpu.memref_slice %arg4[%add3A_70, %dma_wait3A_145] : memref<16384x2048xf32, #tpu.memory_space<hbm>> -> memref<8x2048xf32, #tpu.memory_space<hbm>>
    tpu.wait_dma2 semaphore(%arg20 : memref<!tpu.dma_semaphore, #tpu.memory_space<semaphore_mem>>) src(%arg8 : memref<8x2048xf32, #tpu.memory_space<vmem>>) dst(%dma_wait3A_146 : memref<8x2048xf32, #tpu.memory_space<hbm>>)
    %dma_start3A_147 = arith.constant 8 : i32
    %dma_start3A_148 = arith.constant 0 : i32
    %dma_start3A_149 = tpu.memref_slice %arg5[%dma_start3A_147, %dma_start3A_148] : memref<64x8xi32, #tpu.memory_space<vmem>> -> memref<1x8xi32, #tpu.memory_space<vmem>>
    %dma_start3A_150 = tpu.memref_squeeze %dma_start3A_149 : memref<1x8xi32, #tpu.memory_space<vmem>> -> memref<8xi32, #tpu.memory_space<vmem>>
    %dma_start3A_151 = arith.constant 0 : i32
    %dma_start3A_152 = arith.constant 0 : i32
    %dma_start3A_153 = tpu.memref_slice %arg3[%dma_start3A_151, %dma_start3A_152] : memref<100000x2048xf32, #tpu.memory_space<hbm>> -> memref<100000x2048xf32, #tpu.memory_space<hbm>>
    tpu.enqueue_indirect_dma source(%dma_start3A_153 : memref<100000x2048xf32, #tpu.memory_space<hbm>>) target(%arg8 : memref<8x2048xf32, #tpu.memory_space<vmem>>) offsets(%dma_start3A_150 : memref<8xi32, #tpu.memory_space<vmem>>) semaphore(%arg14 : memref<!tpu.dma_semaphore, #tpu.memory_space<semaphore_mem>>)
    %dma_wait3A_154 = arith.constant 6 : i32
    %dma_wait3A_155 = arith.constant 0 : i32
    %dma_wait3A_156 = tpu.memref_slice %arg5[%dma_wait3A_154, %dma_wait3A_155] : memref<64x8xi32, #tpu.memory_space<vmem>> -> memref<1x8xi32, #tpu.memory_space<vmem>>
    %dma_wait3A_157 = tpu.memref_squeeze %dma_wait3A_156 : memref<1x8xi32, #tpu.memory_space<vmem>> -> memref<8xi32, #tpu.memory_space<vmem>>
    %dma_wait3A_158 = arith.constant 0 : i32
    %dma_wait3A_159 = arith.constant 0 : i32
    %dma_wait3A_160 = tpu.memref_slice %arg3[%dma_wait3A_158, %dma_wait3A_159] : memref<100000x2048xf32, #tpu.memory_space<hbm>> -> memref<100000x2048xf32, #tpu.memory_space<hbm>>
    tpu.wait_indirect_dma semaphore(%arg12 : memref<!tpu.dma_semaphore, #tpu.memory_space<semaphore_mem>>) src(%dma_wait3A_160 : memref<100000x2048xf32, #tpu.memory_space<hbm>>) dst(%arg6 : memref<8x2048xf32, #tpu.memory_space<vmem>>)
    %add3A_161 = arith.constant 48 : i32
    %add3A_162 = arith.addi %mul3A_2, %add3A_161 : i32
    %dma_start3A_163 = arith.constant 0 : i32
    %dma_start3A_164 = tpu.memref_slice %arg4[%add3A_162, %dma_start3A_163] : memref<16384x2048xf32, #tpu.memory_space<hbm>> -> memref<8x2048xf32, #tpu.memory_space<hbm>>
    %dma_start3A_165 = arith.constant 0 : i32
    %dma_start3A_166 = tpu.memref_slice %arg4[%add3A_162, %dma_start3A_165] : memref<16384x2048xf32, #tpu.memory_space<hbm>> -> memref<8x2048xf32, #tpu.memory_space<hbm>>
    tpu.enqueue_dma source(%arg6 : memref<8x2048xf32, #tpu.memory_space<vmem>>) target(%dma_start3A_166 : memref<8x2048xf32, #tpu.memory_space<hbm>>) target_semaphore(%arg18 : memref<!tpu.dma_semaphore, #tpu.memory_space<semaphore_mem>>)
    %dma_wait3A_167 = arith.constant 0 : i32
    %dma_wait3A_168 = tpu.memref_slice %arg4[%add3A_90, %dma_wait3A_167] : memref<16384x2048xf32, #tpu.memory_space<hbm>> -> memref<8x2048xf32, #tpu.memory_space<hbm>>
    %dma_wait3A_169 = arith.constant 0 : i32
    %dma_wait3A_170 = tpu.memref_slice %arg4[%add3A_90, %dma_wait3A_169] : memref<16384x2048xf32, #tpu.memory_space<hbm>> -> memref<8x2048xf32, #tpu.memory_space<hbm>>
    tpu.wait_dma2 semaphore(%arg21 : memref<!tpu.dma_semaphore, #tpu.memory_space<semaphore_mem>>) src(%arg9 : memref<8x2048xf32, #tpu.memory_space<vmem>>) dst(%dma_wait3A_170 : memref<8x2048xf32, #tpu.memory_space<hbm>>)
    %dma_start3A_171 = arith.constant 9 : i32
    %dma_start3A_172 = arith.constant 0 : i32
    %dma_start3A_173 = tpu.memref_slice %arg5[%dma_start3A_171, %dma_start3A_172] : memref<64x8xi32, #tpu.memory_space<vmem>> -> memref<1x8xi32, #tpu.memory_space<vmem>>
    %dma_start3A_174 = tpu.memref_squeeze %dma_start3A_173 : memref<1x8xi32, #tpu.memory_space<vmem>> -> memref<8xi32, #tpu.memory_space<vmem>>
    %dma_start3A_175 = arith.constant 0 : i32
    %dma_start3A_176 = arith.constant 0 : i32
    %dma_start3A_177 = tpu.memref_slice %arg3[%dma_start3A_175, %dma_start3A_176] : memref<100000x2048xf32, #tpu.memory_space<hbm>> -> memref<100000x2048xf32, #tpu.memory_space<hbm>>
    tpu.enqueue_indirect_dma source(%dma_start3A_177 : memref<100000x2048xf32, #tpu.memory_space<hbm>>) target(%arg9 : memref<8x2048xf32, #tpu.memory_space<vmem>>) offsets(%dma_start3A_174 : memref<8xi32, #tpu.memory_space<vmem>>) semaphore(%arg15 : memref<!tpu.dma_semaphore, #tpu.memory_space<semaphore_mem>>)
    %dma_wait3A_178 = arith.constant 7 : i32
    %dma_wait3A_179 = arith.constant 0 : i32
    %dma_wait3A_180 = tpu.memref_slice %arg5[%dma_wait3A_178, %dma_wait3A_179] : memref<64x8xi32, #tpu.memory_space<vmem>> -> memref<1x8xi32, #tpu.memory_space<vmem>>
    %dma_wait3A_181 = tpu.memref_squeeze %dma_wait3A_180 : memref<1x8xi32, #tpu.memory_space<vmem>> -> memref<8xi32, #tpu.memory_space<vmem>>
    %dma_wait3A_182 = arith.constant 0 : i32
    %dma_wait3A_183 = arith.constant 0 : i32
    %dma_wait3A_184 = tpu.memref_slice %arg3[%dma_wait3A_182, %dma_wait3A_183] : memref<100000x2048xf32, #tpu.memory_space<hbm>> -> memref<100000x2048xf32, #tpu.memory_space<hbm>>
    tpu.wait_indirect_dma semaphore(%arg13 : memref<!tpu.dma_semaphore, #tpu.memory_space<semaphore_mem>>) src(%dma_wait3A_184 : memref<100000x2048xf32, #tpu.memory_space<hbm>>) dst(%arg7 : memref<8x2048xf32, #tpu.memory_space<vmem>>)
    %add3A_185 = arith.constant 56 : i32
    %add3A_186 = arith.addi %mul3A_2, %add3A_185 : i32
    %dma_start3A_187 = arith.constant 0 : i32
    %dma_start3A_188 = tpu.memref_slice %arg4[%add3A_186, %dma_start3A_187] : memref<16384x2048xf32, #tpu.memory_space<hbm>> -> memref<8x2048xf32, #tpu.memory_space<hbm>>
    %dma_start3A_189 = arith.constant 0 : i32
    %dma_start3A_190 = tpu.memref_slice %arg4[%add3A_186, %dma_start3A_189] : memref<16384x2048xf32, #tpu.memory_space<hbm>> -> memref<8x2048xf32, #tpu.memory_space<hbm>>
    tpu.enqueue_dma source(%arg7 : memref<8x2048xf32, #tpu.memory_space<vmem>>) target(%dma_start3A_190 : memref<8x2048xf32, #tpu.memory_space<hbm>>) target_semaphore(%arg19 : memref<!tpu.dma_semaphore, #tpu.memory_space<semaphore_mem>>)
    %dma_wait3A_191 = arith.constant 0 : i32
    %dma_wait3A_192 = tpu.memref_slice %arg4[%add3A_114, %dma_wait3A_191] : memref<16384x2048xf32, #tpu.memory_space<hbm>> -> memref<8x2048xf32, #tpu.memory_space<hbm>>
    %dma_wait3A_193 = arith.constant 0 : i32
    %dma_wait3A_194 = tpu.memref_slice %arg4[%add3A_114, %dma_wait3A_193] : memref<16384x2048xf32, #tpu.memory_space<hbm>> -> memref<8x2048xf32, #tpu.memory_space<hbm>>
    tpu.wait_dma2 semaphore(%arg22 : memref<!tpu.dma_semaphore, #tpu.memory_space<semaphore_mem>>) src(%arg10 : memref<8x2048xf32, #tpu.memory_space<vmem>>) dst(%dma_wait3A_194 : memref<8x2048xf32, #tpu.memory_space<hbm>>)
    %dma_start3A_195 = arith.constant 10 : i32
    %dma_start3A_196 = arith.constant 0 : i32
    %dma_start3A_197 = tpu.memref_slice %arg5[%dma_start3A_195, %dma_start3A_196] : memref<64x8xi32, #tpu.memory_space<vmem>> -> memref<1x8xi32, #tpu.memory_space<vmem>>
    %dma_start3A_198 = tpu.memref_squeeze %dma_start3A_197 : memref<1x8xi32, #tpu.memory_space<vmem>> -> memref<8xi32, #tpu.memory_space<vmem>>
    %dma_start3A_199 = arith.constant 0 : i32
    %dma_start3A_200 = arith.constant 0 : i32
    %dma_start3A_201 = tpu.memref_slice %arg3[%dma_start3A_199, %dma_start3A_200] : memref<100000x2048xf32, #tpu.memory_space<hbm>> -> memref<100000x2048xf32, #tpu.memory_space<hbm>>
    tpu.enqueue_indirect_dma source(%dma_start3A_201 : memref<100000x2048xf32, #tpu.memory_space<hbm>>) target(%arg10 : memref<8x2048xf32, #tpu.memory_space<vmem>>) offsets(%dma_start3A_198 : memref<8xi32, #tpu.memory_space<vmem>>) semaphore(%arg16 : memref<!tpu.dma_semaphore, #tpu.memory_space<semaphore_mem>>)
    %dma_wait3A_202 = arith.constant 8 : i32
    %dma_wait3A_203 = arith.constant 0 : i32
    %dma_wait3A_204 = tpu.memref_slice %arg5[%dma_wait3A_202, %dma_wait3A_203] : memref<64x8xi32, #tpu.memory_space<vmem>> -> memref<1x8xi32, #tpu.memory_space<vmem>>
    %dma_wait3A_205 = tpu.memref_squeeze %dma_wait3A_204 : memref<1x8xi32, #tpu.memory_space<vmem>> -> memref<8xi32, #tpu.memory_space<vmem>>
    %dma_wait3A_206 = arith.constant 0 : i32
    %dma_wait3A_207 = arith.constant 0 : i32
    %dma_wait3A_208 = tpu.memref_slice %arg3[%dma_wait3A_206, %dma_wait3A_207] : memref<100000x2048xf32, #tpu.memory_space<hbm>> -> memref<100000x2048xf32, #tpu.memory_space<hbm>>
    tpu.wait_indirect_dma semaphore(%arg14 : memref<!tpu.dma_semaphore, #tpu.memory_space<semaphore_mem>>) src(%dma_wait3A_208 : memref<100000x2048xf32, #tpu.memory_space<hbm>>) dst(%arg8 : memref<8x2048xf32, #tpu.memory_space<vmem>>)
    %add3A_209 = arith.constant 64 : i32
    %add3A_210 = arith.addi %mul3A_2, %add3A_209 : i32
    %dma_start3A_211 = arith.constant 0 : i32
    %dma_start3A_212 = tpu.memref_slice %arg4[%add3A_210, %dma_start3A_211] : memref<16384x2048xf32, #tpu.memory_space<hbm>> -> memref<8x2048xf32, #tpu.memory_space<hbm>>
    %dma_start3A_213 = arith.constant 0 : i32
    %dma_start3A_214 = tpu.memref_slice %arg4[%add3A_210, %dma_start3A_213] : memref<16384x2048xf32, #tpu.memory_space<hbm>> -> memref<8x2048xf32, #tpu.memory_space<hbm>>
    tpu.enqueue_dma source(%arg8 : memref<8x2048xf32, #tpu.memory_space<vmem>>) target(%dma_start3A_214 : memref<8x2048xf32, #tpu.memory_space<hbm>>) target_semaphore(%arg20 : memref<!tpu.dma_semaphore, #tpu.memory_space<semaphore_mem>>)
    %dma_wait3A_215 = arith.constant 0 : i32
    %dma_wait3A_216 = tpu.memref_slice %arg4[%add3A_138, %dma_wait3A_215] : memref<16384x2048xf32, #tpu.memory_space<hbm>> -> memref<8x2048xf32, #tpu.memory_space<hbm>>
    %dma_wait3A_217 = arith.constant 0 : i32
    %dma_wait3A_218 = tpu.memref_slice %arg4[%add3A_138, %dma_wait3A_217] : memref<16384x2048xf32, #tpu.memory_space<hbm>> -> memref<8x2048xf32, #tpu.memory_space<hbm>>
    tpu.wait_dma2 semaphore(%arg23 : memref<!tpu.dma_semaphore, #tpu.memory_space<semaphore_mem>>) src(%arg11 : memref<8x2048xf32, #tpu.memory_space<vmem>>) dst(%dma_wait3A_218 : memref<8x2048xf32, #tpu.memory_space<hbm>>)
    %dma_start3A_219 = arith.constant 11 : i32
    %dma_start3A_220 = arith.constant 0 : i32
    %dma_start3A_221 = tpu.memref_slice %arg5[%dma_start3A_219, %dma_start3A_220] : memref<64x8xi32, #tpu.memory_space<vmem>> -> memref<1x8xi32, #tpu.memory_space<vmem>>
    %dma_start3A_222 = tpu.memref_squeeze %dma_start3A_221 : memref<1x8xi32, #tpu.memory_space<vmem>> -> memref<8xi32, #tpu.memory_space<vmem>>
    %dma_start3A_223 = arith.constant 0 : i32
    %dma_start3A_224 = arith.constant 0 : i32
    %dma_start3A_225 = tpu.memref_slice %arg3[%dma_start3A_223, %dma_start3A_224] : memref<100000x2048xf32, #tpu.memory_space<hbm>> -> memref<100000x2048xf32, #tpu.memory_space<hbm>>
    tpu.enqueue_indirect_dma source(%dma_start3A_225 : memref<100000x2048xf32, #tpu.memory_space<hbm>>) target(%arg11 : memref<8x2048xf32, #tpu.memory_space<vmem>>) offsets(%dma_start3A_222 : memref<8xi32, #tpu.memory_space<vmem>>) semaphore(%arg17 : memref<!tpu.dma_semaphore, #tpu.memory_space<semaphore_mem>>)
    %dma_wait3A_226 = arith.constant 9 : i32
    %dma_wait3A_227 = arith.constant 0 : i32
    %dma_wait3A_228 = tpu.memref_slice %arg5[%dma_wait3A_226, %dma_wait3A_227] : memref<64x8xi32, #tpu.memory_space<vmem>> -> memref<1x8xi32, #tpu.memory_space<vmem>>
    %dma_wait3A_229 = tpu.memref_squeeze %dma_wait3A_228 : memref<1x8xi32, #tpu.memory_space<vmem>> -> memref<8xi32, #tpu.memory_space<vmem>>
    %dma_wait3A_230 = arith.constant 0 : i32
    %dma_wait3A_231 = arith.constant 0 : i32
    %dma_wait3A_232 = tpu.memref_slice %arg3[%dma_wait3A_230, %dma_wait3A_231] : memref<100000x2048xf32, #tpu.memory_space<hbm>> -> memref<100000x2048xf32, #tpu.memory_space<hbm>>
    tpu.wait_indirect_dma semaphore(%arg15 : memref<!tpu.dma_semaphore, #tpu.memory_space<semaphore_mem>>) src(%dma_wait3A_232 : memref<100000x2048xf32, #tpu.memory_space<hbm>>) dst(%arg9 : memref<8x2048xf32, #tpu.memory_space<vmem>>)
    %add3A_233 = arith.constant 72 : i32
    %add3A_234 = arith.addi %mul3A_2, %add3A_233 : i32
    %dma_start3A_235 = arith.constant 0 : i32
    %dma_start3A_236 = tpu.memref_slice %arg4[%add3A_234, %dma_start3A_235] : memref<16384x2048xf32, #tpu.memory_space<hbm>> -> memref<8x2048xf32, #tpu.memory_space<hbm>>
    %dma_start3A_237 = arith.constant 0 : i32
    %dma_start3A_238 = tpu.memref_slice %arg4[%add3A_234, %dma_start3A_237] : memref<16384x2048xf32, #tpu.memory_space<hbm>> -> memref<8x2048xf32, #tpu.memory_space<hbm>>
    tpu.enqueue_dma source(%arg9 : memref<8x2048xf32, #tpu.memory_space<vmem>>) target(%dma_start3A_238 : memref<8x2048xf32, #tpu.memory_space<hbm>>) target_semaphore(%arg21 : memref<!tpu.dma_semaphore, #tpu.memory_space<semaphore_mem>>)
    %dma_wait3A_239 = arith.constant 0 : i32
    %dma_wait3A_240 = tpu.memref_slice %arg4[%add3A_162, %dma_wait3A_239] : memref<16384x2048xf32, #tpu.memory_space<hbm>> -> memref<8x2048xf32, #tpu.memory_space<hbm>>
    %dma_wait3A_241 = arith.constant 0 : i32
    %dma_wait3A_242 = tpu.memref_slice %arg4[%add3A_162, %dma_wait3A_241] : memref<16384x2048xf32, #tpu.memory_space<hbm>> -> memref<8x2048xf32, #tpu.memory_space<hbm>>
    tpu.wait_dma2 semaphore(%arg18 : memref<!tpu.dma_semaphore, #tpu.memory_space<semaphore_mem>>) src(%arg6 : memref<8x2048xf32, #tpu.memory_space<vmem>>) dst(%dma_wait3A_242 : memref<8x2048xf32, #tpu.memory_space<hbm>>)
    %dma_start3A_243 = arith.constant 12 : i32
    %dma_start3A_244 = arith.constant 0 : i32
    %dma_start3A_245 = tpu.memref_slice %arg5[%dma_start3A_243, %dma_start3A_244] : memref<64x8xi32, #tpu.memory_space<vmem>> -> memref<1x8xi32, #tpu.memory_space<vmem>>
    %dma_start3A_246 = tpu.memref_squeeze %dma_start3A_245 : memref<1x8xi32, #tpu.memory_space<vmem>> -> memref<8xi32, #tpu.memory_space<vmem>>
    %dma_start3A_247 = arith.constant 0 : i32
    %dma_start3A_248 = arith.constant 0 : i32
    %dma_start3A_249 = tpu.memref_slice %arg3[%dma_start3A_247, %dma_start3A_248] : memref<100000x2048xf32, #tpu.memory_space<hbm>> -> memref<100000x2048xf32, #tpu.memory_space<hbm>>
    tpu.enqueue_indirect_dma source(%dma_start3A_249 : memref<100000x2048xf32, #tpu.memory_space<hbm>>) target(%arg6 : memref<8x2048xf32, #tpu.memory_space<vmem>>) offsets(%dma_start3A_246 : memref<8xi32, #tpu.memory_space<vmem>>) semaphore(%arg12 : memref<!tpu.dma_semaphore, #tpu.memory_space<semaphore_mem>>)
    %dma_wait3A_250 = arith.constant 10 : i32
    %dma_wait3A_251 = arith.constant 0 : i32
    %dma_wait3A_252 = tpu.memref_slice %arg5[%dma_wait3A_250, %dma_wait3A_251] : memref<64x8xi32, #tpu.memory_space<vmem>> -> memref<1x8xi32, #tpu.memory_space<vmem>>
    %dma_wait3A_253 = tpu.memref_squeeze %dma_wait3A_252 : memref<1x8xi32, #tpu.memory_space<vmem>> -> memref<8xi32, #tpu.memory_space<vmem>>
    %dma_wait3A_254 = arith.constant 0 : i32
    %dma_wait3A_255 = arith.constant 0 : i32
    %dma_wait3A_256 = tpu.memref_slice %arg3[%dma_wait3A_254, %dma_wait3A_255] : memref<100000x2048xf32, #tpu.memory_space<hbm>> -> memref<100000x2048xf32, #tpu.memory_space<hbm>>
    tpu.wait_indirect_dma semaphore(%arg16 : memref<!tpu.dma_semaphore, #tpu.memory_space<semaphore_mem>>) src(%dma_wait3A_256 : memref<100000x2048xf32, #tpu.memory_space<hbm>>) dst(%arg10 : memref<8x2048xf32, #tpu.memory_space<vmem>>)
    %add3A_257 = arith.constant 80 : i32
    %add3A_258 = arith.addi %mul3A_2, %add3A_257 : i32
    %dma_start3A_259 = arith.constant 0 : i32
    %dma_start3A_260 = tpu.memref_slice %arg4[%add3A_258, %dma_start3A_259] : memref<16384x2048xf32, #tpu.memory_space<hbm>> -> memref<8x2048xf32, #tpu.memory_space<hbm>>
    %dma_start3A_261 = arith.constant 0 : i32
    %dma_start3A_262 = tpu.memref_slice %arg4[%add3A_258, %dma_start3A_261] : memref<16384x2048xf32, #tpu.memory_space<hbm>> -> memref<8x2048xf32, #tpu.memory_space<hbm>>
    tpu.enqueue_dma source(%arg10 : memref<8x2048xf32, #tpu.memory_space<vmem>>) target(%dma_start3A_262 : memref<8x2048xf32, #tpu.memory_space<hbm>>) target_semaphore(%arg22 : memref<!tpu.dma_semaphore, #tpu.memory_space<semaphore_mem>>)
    %dma_wait3A_263 = arith.constant 0 : i32
    %dma_wait3A_264 = tpu.memref_slice %arg4[%add3A_186, %dma_wait3A_263] : memref<16384x2048xf32, #tpu.memory_space<hbm>> -> memref<8x2048xf32, #tpu.memory_space<hbm>>
    %dma_wait3A_265 = arith.constant 0 : i32
    %dma_wait3A_266 = tpu.memref_slice %arg4[%add3A_186, %dma_wait3A_265] : memref<16384x2048xf32, #tpu.memory_space<hbm>> -> memref<8x2048xf32, #tpu.memory_space<hbm>>
    tpu.wait_dma2 semaphore(%arg19 : memref<!tpu.dma_semaphore, #tpu.memory_space<semaphore_mem>>) src(%arg7 : memref<8x2048xf32, #tpu.memory_space<vmem>>) dst(%dma_wait3A_266 : memref<8x2048xf32, #tpu.memory_space<hbm>>)
    %dma_start3A_267 = arith.constant 13 : i32
    %dma_start3A_268 = arith.constant 0 : i32
    %dma_start3A_269 = tpu.memref_slice %arg5[%dma_start3A_267, %dma_start3A_268] : memref<64x8xi32, #tpu.memory_space<vmem>> -> memref<1x8xi32, #tpu.memory_space<vmem>>
    %dma_start3A_270 = tpu.memref_squeeze %dma_start3A_269 : memref<1x8xi32, #tpu.memory_space<vmem>> -> memref<8xi32, #tpu.memory_space<vmem>>
    %dma_start3A_271 = arith.constant 0 : i32
    %dma_start3A_272 = arith.constant 0 : i32
    %dma_start3A_273 = tpu.memref_slice %arg3[%dma_start3A_271, %dma_start3A_272] : memref<100000x2048xf32, #tpu.memory_space<hbm>> -> memref<100000x2048xf32, #tpu.memory_space<hbm>>
    tpu.enqueue_indirect_dma source(%dma_start3A_273 : memref<100000x2048xf32, #tpu.memory_space<hbm>>) target(%arg7 : memref<8x2048xf32, #tpu.memory_space<vmem>>) offsets(%dma_start3A_270 : memref<8xi32, #tpu.memory_space<vmem>>) semaphore(%arg13 : memref<!tpu.dma_semaphore, #tpu.memory_space<semaphore_mem>>)
    %dma_wait3A_274 = arith.constant 11 : i32
    %dma_wait3A_275 = arith.constant 0 : i32
    %dma_wait3A_276 = tpu.memref_slice %arg5[%dma_wait3A_274, %dma_wait3A_275] : memref<64x8xi32, #tpu.memory_space<vmem>> -> memref<1x8xi32, #tpu.memory_space<vmem>>
    %dma_wait3A_277 = tpu.memref_squeeze %dma_wait3A_276 : memref<1x8xi32, #tpu.memory_space<vmem>> -> memref<8xi32, #tpu.memory_space<vmem>>
    %dma_wait3A_278 = arith.constant 0 : i32
    %dma_wait3A_279 = arith.constant 0 : i32
    %dma_wait3A_280 = tpu.memref_slice %arg3[%dma_wait3A_278, %dma_wait3A_279] : memref<100000x2048xf32, #tpu.memory_space<hbm>> -> memref<100000x2048xf32, #tpu.memory_space<hbm>>
    tpu.wait_indirect_dma semaphore(%arg17 : memref<!tpu.dma_semaphore, #tpu.memory_space<semaphore_mem>>) src(%dma_wait3A_280 : memref<100000x2048xf32, #tpu.memory_space<hbm>>) dst(%arg11 : memref<8x2048xf32, #tpu.memory_space<vmem>>)
    %add3A_281 = arith.constant 88 : i32
    %add3A_282 = arith.addi %mul3A_2, %add3A_281 : i32
    %dma_start3A_283 = arith.constant 0 : i32
    %dma_start3A_284 = tpu.memref_slice %arg4[%add3A_282, %dma_start3A_283] : memref<16384x2048xf32, #tpu.memory_space<hbm>> -> memref<8x2048xf32, #tpu.memory_space<hbm>>
    %dma_start3A_285 = arith.constant 0 : i32
    %dma_start3A_286 = tpu.memref_slice %arg4[%add3A_282, %dma_start3A_285] : memref<16384x2048xf32, #tpu.memory_space<hbm>> -> memref<8x2048xf32, #tpu.memory_space<hbm>>
    tpu.enqueue_dma source(%arg11 : memref<8x2048xf32, #tpu.memory_space<vmem>>) target(%dma_start3A_286 : memref<8x2048xf32, #tpu.memory_space<hbm>>) target_semaphore(%arg23 : memref<!tpu.dma_semaphore, #tpu.memory_space<semaphore_mem>>)
    %dma_wait3A_287 = arith.constant 0 : i32
    %dma_wait3A_288 = tpu.memref_slice %arg4[%add3A_210, %dma_wait3A_287] : memref<16384x2048xf32, #tpu.memory_space<hbm>> -> memref<8x2048xf32, #tpu.memory_space<hbm>>
    %dma_wait3A_289 = arith.constant 0 : i32
    %dma_wait3A_290 = tpu.memref_slice %arg4[%add3A_210, %dma_wait3A_289] : memref<16384x2048xf32, #tpu.memory_space<hbm>> -> memref<8x2048xf32, #tpu.memory_space<hbm>>
    tpu.wait_dma2 semaphore(%arg20 : memref<!tpu.dma_semaphore, #tpu.memory_space<semaphore_mem>>) src(%arg8 : memref<8x2048xf32, #tpu.memory_space<vmem>>) dst(%dma_wait3A_290 : memref<8x2048xf32, #tpu.memory_space<hbm>>)
    %dma_start3A_291 = arith.constant 14 : i32
    %dma_start3A_292 = arith.constant 0 : i32
    %dma_start3A_293 = tpu.memref_slice %arg5[%dma_start3A_291, %dma_start3A_292] : memref<64x8xi32, #tpu.memory_space<vmem>> -> memref<1x8xi32, #tpu.memory_space<vmem>>
    %dma_start3A_294 = tpu.memref_squeeze %dma_start3A_293 : memref<1x8xi32, #tpu.memory_space<vmem>> -> memref<8xi32, #tpu.memory_space<vmem>>
    %dma_start3A_295 = arith.constant 0 : i32
    %dma_start3A_296 = arith.constant 0 : i32
    %dma_start3A_297 = tpu.memref_slice %arg3[%dma_start3A_295, %dma_start3A_296] : memref<100000x2048xf32, #tpu.memory_space<hbm>> -> memref<100000x2048xf32, #tpu.memory_space<hbm>>
    tpu.enqueue_indirect_dma source(%dma_start3A_297 : memref<100000x2048xf32, #tpu.memory_space<hbm>>) target(%arg8 : memref<8x2048xf32, #tpu.memory_space<vmem>>) offsets(%dma_start3A_294 : memref<8xi32, #tpu.memory_space<vmem>>) semaphore(%arg14 : memref<!tpu.dma_semaphore, #tpu.memory_space<semaphore_mem>>)
    %dma_wait3A_298 = arith.constant 12 : i32
    %dma_wait3A_299 = arith.constant 0 : i32
    %dma_wait3A_300 = tpu.memref_slice %arg5[%dma_wait3A_298, %dma_wait3A_299] : memref<64x8xi32, #tpu.memory_space<vmem>> -> memref<1x8xi32, #tpu.memory_space<vmem>>
    %dma_wait3A_301 = tpu.memref_squeeze %dma_wait3A_300 : memref<1x8xi32, #tpu.memory_space<vmem>> -> memref<8xi32, #tpu.memory_space<vmem>>
    %dma_wait3A_302 = arith.constant 0 : i32
    %dma_wait3A_303 = arith.constant 0 : i32
    %dma_wait3A_304 = tpu.memref_slice %arg3[%dma_wait3A_302, %dma_wait3A_303] : memref<100000x2048xf32, #tpu.memory_space<hbm>> -> memref<100000x2048xf32, #tpu.memory_space<hbm>>
    tpu.wait_indirect_dma semaphore(%arg12 : memref<!tpu.dma_semaphore, #tpu.memory_space<semaphore_mem>>) src(%dma_wait3A_304 : memref<100000x2048xf32, #tpu.memory_space<hbm>>) dst(%arg6 : memref<8x2048xf32, #tpu.memory_space<vmem>>)
    %add3A_305 = arith.constant 96 : i32
    %add3A_306 = arith.addi %mul3A_2, %add3A_305 : i32
    %dma_start3A_307 = arith.constant 0 : i32
    %dma_start3A_308 = tpu.memref_slice %arg4[%add3A_306, %dma_start3A_307] : memref<16384x2048xf32, #tpu.memory_space<hbm>> -> memref<8x2048xf32, #tpu.memory_space<hbm>>
    %dma_start3A_309 = arith.constant 0 : i32
    %dma_start3A_310 = tpu.memref_slice %arg4[%add3A_306, %dma_start3A_309] : memref<16384x2048xf32, #tpu.memory_space<hbm>> -> memref<8x2048xf32, #tpu.memory_space<hbm>>
    tpu.enqueue_dma source(%arg6 : memref<8x2048xf32, #tpu.memory_space<vmem>>) target(%dma_start3A_310 : memref<8x2048xf32, #tpu.memory_space<hbm>>) target_semaphore(%arg18 : memref<!tpu.dma_semaphore, #tpu.memory_space<semaphore_mem>>)
    %dma_wait3A_311 = arith.constant 0 : i32
    %dma_wait3A_312 = tpu.memref_slice %arg4[%add3A_234, %dma_wait3A_311] : memref<16384x2048xf32, #tpu.memory_space<hbm>> -> memref<8x2048xf32, #tpu.memory_space<hbm>>
    %dma_wait3A_313 = arith.constant 0 : i32
    %dma_wait3A_314 = tpu.memref_slice %arg4[%add3A_234, %dma_wait3A_313] : memref<16384x2048xf32, #tpu.memory_space<hbm>> -> memref<8x2048xf32, #tpu.memory_space<hbm>>
    tpu.wait_dma2 semaphore(%arg21 : memref<!tpu.dma_semaphore, #tpu.memory_space<semaphore_mem>>) src(%arg9 : memref<8x2048xf32, #tpu.memory_space<vmem>>) dst(%dma_wait3A_314 : memref<8x2048xf32, #tpu.memory_space<hbm>>)
    %dma_start3A_315 = arith.constant 15 : i32
    %dma_start3A_316 = arith.constant 0 : i32
    %dma_start3A_317 = tpu.memref_slice %arg5[%dma_start3A_315, %dma_start3A_316] : memref<64x8xi32, #tpu.memory_space<vmem>> -> memref<1x8xi32, #tpu.memory_space<vmem>>
    %dma_start3A_318 = tpu.memref_squeeze %dma_start3A_317 : memref<1x8xi32, #tpu.memory_space<vmem>> -> memref<8xi32, #tpu.memory_space<vmem>>
    %dma_start3A_319 = arith.constant 0 : i32
    %dma_start3A_320 = arith.constant 0 : i32
    %dma_start3A_321 = tpu.memref_slice %arg3[%dma_start3A_319, %dma_start3A_320] : memref<100000x2048xf32, #tpu.memory_space<hbm>> -> memref<100000x2048xf32, #tpu.memory_space<hbm>>
    tpu.enqueue_indirect_dma source(%dma_start3A_321 : memref<100000x2048xf32, #tpu.memory_space<hbm>>) target(%arg9 : memref<8x2048xf32, #tpu.memory_space<vmem>>) offsets(%dma_start3A_318 : memref<8xi32, #tpu.memory_space<vmem>>) semaphore(%arg15 : memref<!tpu.dma_semaphore, #tpu.memory_space<semaphore_mem>>)
    %dma_wait3A_322 = arith.constant 13 : i32
    %dma_wait3A_323 = arith.constant 0 : i32
    %dma_wait3A_324 = tpu.memref_slice %arg5[%dma_wait3A_322, %dma_wait3A_323] : memref<64x8xi32, #tpu.memory_space<vmem>> -> memref<1x8xi32, #tpu.memory_space<vmem>>
    %dma_wait3A_325 = tpu.memref_squeeze %dma_wait3A_324 : memref<1x8xi32, #tpu.memory_space<vmem>> -> memref<8xi32, #tpu.memory_space<vmem>>
    %dma_wait3A_326 = arith.constant 0 : i32
    %dma_wait3A_327 = arith.constant 0 : i32
    %dma_wait3A_328 = tpu.memref_slice %arg3[%dma_wait3A_326, %dma_wait3A_327] : memref<100000x2048xf32, #tpu.memory_space<hbm>> -> memref<100000x2048xf32, #tpu.memory_space<hbm>>
    tpu.wait_indirect_dma semaphore(%arg13 : memref<!tpu.dma_semaphore, #tpu.memory_space<semaphore_mem>>) src(%dma_wait3A_328 : memref<100000x2048xf32, #tpu.memory_space<hbm>>) dst(%arg7 : memref<8x2048xf32, #tpu.memory_space<vmem>>)
    %add3A_329 = arith.constant 104 : i32
    %add3A_330 = arith.addi %mul3A_2, %add3A_329 : i32
    %dma_start3A_331 = arith.constant 0 : i32
    %dma_start3A_332 = tpu.memref_slice %arg4[%add3A_330, %dma_start3A_331] : memref<16384x2048xf32, #tpu.memory_space<hbm>> -> memref<8x2048xf32, #tpu.memory_space<hbm>>
    %dma_start3A_333 = arith.constant 0 : i32
    %dma_start3A_334 = tpu.memref_slice %arg4[%add3A_330, %dma_start3A_333] : memref<16384x2048xf32, #tpu.memory_space<hbm>> -> memref<8x2048xf32, #tpu.memory_space<hbm>>
    tpu.enqueue_dma source(%arg7 : memref<8x2048xf32, #tpu.memory_space<vmem>>) target(%dma_start3A_334 : memref<8x2048xf32, #tpu.memory_space<hbm>>) target_semaphore(%arg19 : memref<!tpu.dma_semaphore, #tpu.memory_space<semaphore_mem>>)
    %dma_wait3A_335 = arith.constant 0 : i32
    %dma_wait3A_336 = tpu.memref_slice %arg4[%add3A_258, %dma_wait3A_335] : memref<16384x2048xf32, #tpu.memory_space<hbm>> -> memref<8x2048xf32, #tpu.memory_space<hbm>>
    %dma_wait3A_337 = arith.constant 0 : i32
    %dma_wait3A_338 = tpu.memref_slice %arg4[%add3A_258, %dma_wait3A_337] : memref<16384x2048xf32, #tpu.memory_space<hbm>> -> memref<8x2048xf32, #tpu.memory_space<hbm>>
    tpu.wait_dma2 semaphore(%arg22 : memref<!tpu.dma_semaphore, #tpu.memory_space<semaphore_mem>>) src(%arg10 : memref<8x2048xf32, #tpu.memory_space<vmem>>) dst(%dma_wait3A_338 : memref<8x2048xf32, #tpu.memory_space<hbm>>)
    %dma_start3A_339 = arith.constant 16 : i32
    %dma_start3A_340 = arith.constant 0 : i32
    %dma_start3A_341 = tpu.memref_slice %arg5[%dma_start3A_339, %dma_start3A_340] : memref<64x8xi32, #tpu.memory_space<vmem>> -> memref<1x8xi32, #tpu.memory_space<vmem>>
    %dma_start3A_342 = tpu.memref_squeeze %dma_start3A_341 : memref<1x8xi32, #tpu.memory_space<vmem>> -> memref<8xi32, #tpu.memory_space<vmem>>
    %dma_start3A_343 = arith.constant 0 : i32
    %dma_start3A_344 = arith.constant 0 : i32
    %dma_start3A_345 = tpu.memref_slice %arg3[%dma_start3A_343, %dma_start3A_344] : memref<100000x2048xf32, #tpu.memory_space<hbm>> -> memref<100000x2048xf32, #tpu.memory_space<hbm>>
    tpu.enqueue_indirect_dma source(%dma_start3A_345 : memref<100000x2048xf32, #tpu.memory_space<hbm>>) target(%arg10 : memref<8x2048xf32, #tpu.memory_space<vmem>>) offsets(%dma_start3A_342 : memref<8xi32, #tpu.memory_space<vmem>>) semaphore(%arg16 : memref<!tpu.dma_semaphore, #tpu.memory_space<semaphore_mem>>)
    %dma_wait3A_346 = arith.constant 14 : i32
    %dma_wait3A_347 = arith.constant 0 : i32
    %dma_wait3A_348 = tpu.memref_slice %arg5[%dma_wait3A_346, %dma_wait3A_347] : memref<64x8xi32, #tpu.memory_space<vmem>> -> memref<1x8xi32, #tpu.memory_space<vmem>>
    %dma_wait3A_349 = tpu.memref_squeeze %dma_wait3A_348 : memref<1x8xi32, #tpu.memory_space<vmem>> -> memref<8xi32, #tpu.memory_space<vmem>>
    %dma_wait3A_350 = arith.constant 0 : i32
    %dma_wait3A_351 = arith.constant 0 : i32
    %dma_wait3A_352 = tpu.memref_slice %arg3[%dma_wait3A_350, %dma_wait3A_351] : memref<100000x2048xf32, #tpu.memory_space<hbm>> -> memref<100000x2048xf32, #tpu.memory_space<hbm>>
    tpu.wait_indirect_dma semaphore(%arg14 : memref<!tpu.dma_semaphore, #tpu.memory_space<semaphore_mem>>) src(%dma_wait3A_352 : memref<100000x2048xf32, #tpu.memory_space<hbm>>) dst(%arg8 : memref<8x2048xf32, #tpu.memory_space<vmem>>)
    %add3A_353 = arith.constant 112 : i32
    %add3A_354 = arith.addi %mul3A_2, %add3A_353 : i32
    %dma_start3A_355 = arith.constant 0 : i32
    %dma_start3A_356 = tpu.memref_slice %arg4[%add3A_354, %dma_start3A_355] : memref<16384x2048xf32, #tpu.memory_space<hbm>> -> memref<8x2048xf32, #tpu.memory_space<hbm>>
    %dma_start3A_357 = arith.constant 0 : i32
    %dma_start3A_358 = tpu.memref_slice %arg4[%add3A_354, %dma_start3A_357] : memref<16384x2048xf32, #tpu.memory_space<hbm>> -> memref<8x2048xf32, #tpu.memory_space<hbm>>
    tpu.enqueue_dma source(%arg8 : memref<8x2048xf32, #tpu.memory_space<vmem>>) target(%dma_start3A_358 : memref<8x2048xf32, #tpu.memory_space<hbm>>) target_semaphore(%arg20 : memref<!tpu.dma_semaphore, #tpu.memory_space<semaphore_mem>>)
    %dma_wait3A_359 = arith.constant 0 : i32
    %dma_wait3A_360 = tpu.memref_slice %arg4[%add3A_282, %dma_wait3A_359] : memref<16384x2048xf32, #tpu.memory_space<hbm>> -> memref<8x2048xf32, #tpu.memory_space<hbm>>
    %dma_wait3A_361 = arith.constant 0 : i32
    %dma_wait3A_362 = tpu.memref_slice %arg4[%add3A_282, %dma_wait3A_361] : memref<16384x2048xf32, #tpu.memory_space<hbm>> -> memref<8x2048xf32, #tpu.memory_space<hbm>>
    tpu.wait_dma2 semaphore(%arg23 : memref<!tpu.dma_semaphore, #tpu.memory_space<semaphore_mem>>) src(%arg11 : memref<8x2048xf32, #tpu.memory_space<vmem>>) dst(%dma_wait3A_362 : memref<8x2048xf32, #tpu.memory_space<hbm>>)
    %dma_start3A_363 = arith.constant 17 : i32
    %dma_start3A_364 = arith.constant 0 : i32
    %dma_start3A_365 = tpu.memref_slice %arg5[%dma_start3A_363, %dma_start3A_364] : memref<64x8xi32, #tpu.memory_space<vmem>> -> memref<1x8xi32, #tpu.memory_space<vmem>>
    %dma_start3A_366 = tpu.memref_squeeze %dma_start3A_365 : memref<1x8xi32, #tpu.memory_space<vmem>> -> memref<8xi32, #tpu.memory_space<vmem>>
    %dma_start3A_367 = arith.constant 0 : i32
    %dma_start3A_368 = arith.constant 0 : i32
    %dma_start3A_369 = tpu.memref_slice %arg3[%dma_start3A_367, %dma_start3A_368] : memref<100000x2048xf32, #tpu.memory_space<hbm>> -> memref<100000x2048xf32, #tpu.memory_space<hbm>>
    tpu.enqueue_indirect_dma source(%dma_start3A_369 : memref<100000x2048xf32, #tpu.memory_space<hbm>>) target(%arg11 : memref<8x2048xf32, #tpu.memory_space<vmem>>) offsets(%dma_start3A_366 : memref<8xi32, #tpu.memory_space<vmem>>) semaphore(%arg17 : memref<!tpu.dma_semaphore, #tpu.memory_space<semaphore_mem>>)
    %dma_wait3A_370 = arith.constant 15 : i32
    %dma_wait3A_371 = arith.constant 0 : i32
    %dma_wait3A_372 = tpu.memref_slice %arg5[%dma_wait3A_370, %dma_wait3A_371] : memref<64x8xi32, #tpu.memory_space<vmem>> -> memref<1x8xi32, #tpu.memory_space<vmem>>
    %dma_wait3A_373 = tpu.memref_squeeze %dma_wait3A_372 : memref<1x8xi32, #tpu.memory_space<vmem>> -> memref<8xi32, #tpu.memory_space<vmem>>
    %dma_wait3A_374 = arith.constant 0 : i32
    %dma_wait3A_375 = arith.constant 0 : i32
    %dma_wait3A_376 = tpu.memref_slice %arg3[%dma_wait3A_374, %dma_wait3A_375] : memref<100000x2048xf32, #tpu.memory_space<hbm>> -> memref<100000x2048xf32, #tpu.memory_space<hbm>>
    tpu.wait_indirect_dma semaphore(%arg15 : memref<!tpu.dma_semaphore, #tpu.memory_space<semaphore_mem>>) src(%dma_wait3A_376 : memref<100000x2048xf32, #tpu.memory_space<hbm>>) dst(%arg9 : memref<8x2048xf32, #tpu.memory_space<vmem>>)
    %add3A_377 = arith.constant 120 : i32
    %add3A_378 = arith.addi %mul3A_2, %add3A_377 : i32
    %dma_start3A_379 = arith.constant 0 : i32
    %dma_start3A_380 = tpu.memref_slice %arg4[%add3A_378, %dma_start3A_379] : memref<16384x2048xf32, #tpu.memory_space<hbm>> -> memref<8x2048xf32, #tpu.memory_space<hbm>>
    %dma_start3A_381 = arith.constant 0 : i32
    %dma_start3A_382 = tpu.memref_slice %arg4[%add3A_378, %dma_start3A_381] : memref<16384x2048xf32, #tpu.memory_space<hbm>> -> memref<8x2048xf32, #tpu.memory_space<hbm>>
    tpu.enqueue_dma source(%arg9 : memref<8x2048xf32, #tpu.memory_space<vmem>>) target(%dma_start3A_382 : memref<8x2048xf32, #tpu.memory_space<hbm>>) target_semaphore(%arg21 : memref<!tpu.dma_semaphore, #tpu.memory_space<semaphore_mem>>)
    %dma_wait3A_383 = arith.constant 0 : i32
    %dma_wait3A_384 = tpu.memref_slice %arg4[%add3A_306, %dma_wait3A_383] : memref<16384x2048xf32, #tpu.memory_space<hbm>> -> memref<8x2048xf32, #tpu.memory_space<hbm>>
    %dma_wait3A_385 = arith.constant 0 : i32
    %dma_wait3A_386 = tpu.memref_slice %arg4[%add3A_306, %dma_wait3A_385] : memref<16384x2048xf32, #tpu.memory_space<hbm>> -> memref<8x2048xf32, #tpu.memory_space<hbm>>
    tpu.wait_dma2 semaphore(%arg18 : memref<!tpu.dma_semaphore, #tpu.memory_space<semaphore_mem>>) src(%arg6 : memref<8x2048xf32, #tpu.memory_space<vmem>>) dst(%dma_wait3A_386 : memref<8x2048xf32, #tpu.memory_space<hbm>>)
    %dma_start3A_387 = arith.constant 18 : i32
    %dma_start3A_388 = arith.constant 0 : i32
    %dma_start3A_389 = tpu.memref_slice %arg5[%dma_start3A_387, %dma_start3A_388] : memref<64x8xi32, #tpu.memory_space<vmem>> -> memref<1x8xi32, #tpu.memory_space<vmem>>
    %dma_start3A_390 = tpu.memref_squeeze %dma_start3A_389 : memref<1x8xi32, #tpu.memory_space<vmem>> -> memref<8xi32, #tpu.memory_space<vmem>>
    %dma_start3A_391 = arith.constant 0 : i32
    %dma_start3A_392 = arith.constant 0 : i32
    %dma_start3A_393 = tpu.memref_slice %arg3[%dma_start3A_391, %dma_start3A_392] : memref<100000x2048xf32, #tpu.memory_space<hbm>> -> memref<100000x2048xf32, #tpu.memory_space<hbm>>
    tpu.enqueue_indirect_dma source(%dma_start3A_393 : memref<100000x2048xf32, #tpu.memory_space<hbm>>) target(%arg6 : memref<8x2048xf32, #tpu.memory_space<vmem>>) offsets(%dma_start3A_390 : memref<8xi32, #tpu.memory_space<vmem>>) semaphore(%arg12 : memref<!tpu.dma_semaphore, #tpu.memory_space<semaphore_mem>>)
    %dma_wait3A_394 = arith.constant 16 : i32
    %dma_wait3A_395 = arith.constant 0 : i32
    %dma_wait3A_396 = tpu.memref_slice %arg5[%dma_wait3A_394, %dma_wait3A_395] : memref<64x8xi32, #tpu.memory_space<vmem>> -> memref<1x8xi32, #tpu.memory_space<vmem>>
    %dma_wait3A_397 = tpu.memref_squeeze %dma_wait3A_396 : memref<1x8xi32, #tpu.memory_space<vmem>> -> memref<8xi32, #tpu.memory_space<vmem>>
    %dma_wait3A_398 = arith.constant 0 : i32
    %dma_wait3A_399 = arith.constant 0 : i32
    %dma_wait3A_400 = tpu.memref_slice %arg3[%dma_wait3A_398, %dma_wait3A_399] : memref<100000x2048xf32, #tpu.memory_space<hbm>> -> memref<100000x2048xf32, #tpu.memory_space<hbm>>
    tpu.wait_indirect_dma semaphore(%arg16 : memref<!tpu.dma_semaphore, #tpu.memory_space<semaphore_mem>>) src(%dma_wait3A_400 : memref<100000x2048xf32, #tpu.memory_space<hbm>>) dst(%arg10 : memref<8x2048xf32, #tpu.memory_space<vmem>>)
    %add3A_401 = arith.constant 128 : i32
    %add3A_402 = arith.addi %mul3A_2, %add3A_401 : i32
    %dma_start3A_403 = arith.constant 0 : i32
    %dma_start3A_404 = tpu.memref_slice %arg4[%add3A_402, %dma_start3A_403] : memref<16384x2048xf32, #tpu.memory_space<hbm>> -> memref<8x2048xf32, #tpu.memory_space<hbm>>
    %dma_start3A_405 = arith.constant 0 : i32
    %dma_start3A_406 = tpu.memref_slice %arg4[%add3A_402, %dma_start3A_405] : memref<16384x2048xf32, #tpu.memory_space<hbm>> -> memref<8x2048xf32, #tpu.memory_space<hbm>>
    tpu.enqueue_dma source(%arg10 : memref<8x2048xf32, #tpu.memory_space<vmem>>) target(%dma_start3A_406 : memref<8x2048xf32, #tpu.memory_space<hbm>>) target_semaphore(%arg22 : memref<!tpu.dma_semaphore, #tpu.memory_space<semaphore_mem>>)
    %dma_wait3A_407 = arith.constant 0 : i32
    %dma_wait3A_408 = tpu.memref_slice %arg4[%add3A_330, %dma_wait3A_407] : memref<16384x2048xf32, #tpu.memory_space<hbm>> -> memref<8x2048xf32, #tpu.memory_space<hbm>>
    %dma_wait3A_409 = arith.constant 0 : i32
    %dma_wait3A_410 = tpu.memref_slice %arg4[%add3A_330, %dma_wait3A_409] : memref<16384x2048xf32, #tpu.memory_space<hbm>> -> memref<8x2048xf32, #tpu.memory_space<hbm>>
    tpu.wait_dma2 semaphore(%arg19 : memref<!tpu.dma_semaphore, #tpu.memory_space<semaphore_mem>>) src(%arg7 : memref<8x2048xf32, #tpu.memory_space<vmem>>) dst(%dma_wait3A_410 : memref<8x2048xf32, #tpu.memory_space<hbm>>)
    %dma_start3A_411 = arith.constant 19 : i32
    %dma_start3A_412 = arith.constant 0 : i32
    %dma_start3A_413 = tpu.memref_slice %arg5[%dma_start3A_411, %dma_start3A_412] : memref<64x8xi32, #tpu.memory_space<vmem>> -> memref<1x8xi32, #tpu.memory_space<vmem>>
    %dma_start3A_414 = tpu.memref_squeeze %dma_start3A_413 : memref<1x8xi32, #tpu.memory_space<vmem>> -> memref<8xi32, #tpu.memory_space<vmem>>
    %dma_start3A_415 = arith.constant 0 : i32
    %dma_start3A_416 = arith.constant 0 : i32
    %dma_start3A_417 = tpu.memref_slice %arg3[%dma_start3A_415, %dma_start3A_416] : memref<100000x2048xf32, #tpu.memory_space<hbm>> -> memref<100000x2048xf32, #tpu.memory_space<hbm>>
    tpu.enqueue_indirect_dma source(%dma_start3A_417 : memref<100000x2048xf32, #tpu.memory_space<hbm>>) target(%arg7 : memref<8x2048xf32, #tpu.memory_space<vmem>>) offsets(%dma_start3A_414 : memref<8xi32, #tpu.memory_space<vmem>>) semaphore(%arg13 : memref<!tpu.dma_semaphore, #tpu.memory_space<semaphore_mem>>)
    %dma_wait3A_418 = arith.constant 17 : i32
    %dma_wait3A_419 = arith.constant 0 : i32
    %dma_wait3A_420 = tpu.memref_slice %arg5[%dma_wait3A_418, %dma_wait3A_419] : memref<64x8xi32, #tpu.memory_space<vmem>> -> memref<1x8xi32, #tpu.memory_space<vmem>>
    %dma_wait3A_421 = tpu.memref_squeeze %dma_wait3A_420 : memref<1x8xi32, #tpu.memory_space<vmem>> -> memref<8xi32, #tpu.memory_space<vmem>>
    %dma_wait3A_422 = arith.constant 0 : i32
    %dma_wait3A_423 = arith.constant 0 : i32
    %dma_wait3A_424 = tpu.memref_slice %arg3[%dma_wait3A_422, %dma_wait3A_423] : memref<100000x2048xf32, #tpu.memory_space<hbm>> -> memref<100000x2048xf32, #tpu.memory_space<hbm>>
    tpu.wait_indirect_dma semaphore(%arg17 : memref<!tpu.dma_semaphore, #tpu.memory_space<semaphore_mem>>) src(%dma_wait3A_424 : memref<100000x2048xf32, #tpu.memory_space<hbm>>) dst(%arg11 : memref<8x2048xf32, #tpu.memory_space<vmem>>)
    %add3A_425 = arith.constant 136 : i32
    %add3A_426 = arith.addi %mul3A_2, %add3A_425 : i32
    %dma_start3A_427 = arith.constant 0 : i32
    %dma_start3A_428 = tpu.memref_slice %arg4[%add3A_426, %dma_start3A_427] : memref<16384x2048xf32, #tpu.memory_space<hbm>> -> memref<8x2048xf32, #tpu.memory_space<hbm>>
    %dma_start3A_429 = arith.constant 0 : i32
    %dma_start3A_430 = tpu.memref_slice %arg4[%add3A_426, %dma_start3A_429] : memref<16384x2048xf32, #tpu.memory_space<hbm>> -> memref<8x2048xf32, #tpu.memory_space<hbm>>
    tpu.enqueue_dma source(%arg11 : memref<8x2048xf32, #tpu.memory_space<vmem>>) target(%dma_start3A_430 : memref<8x2048xf32, #tpu.memory_space<hbm>>) target_semaphore(%arg23 : memref<!tpu.dma_semaphore, #tpu.memory_space<semaphore_mem>>)
    %dma_wait3A_431 = arith.constant 0 : i32
    %dma_wait3A_432 = tpu.memref_slice %arg4[%add3A_354, %dma_wait3A_431] : memref<16384x2048xf32, #tpu.memory_space<hbm>> -> memref<8x2048xf32, #tpu.memory_space<hbm>>
    %dma_wait3A_433 = arith.constant 0 : i32
    %dma_wait3A_434 = tpu.memref_slice %arg4[%add3A_354, %dma_wait3A_433] : memref<16384x2048xf32, #tpu.memory_space<hbm>> -> memref<8x2048xf32, #tpu.memory_space<hbm>>
    tpu.wait_dma2 semaphore(%arg20 : memref<!tpu.dma_semaphore, #tpu.memory_space<semaphore_mem>>) src(%arg8 : memref<8x2048xf32, #tpu.memory_space<vmem>>) dst(%dma_wait3A_434 : memref<8x2048xf32, #tpu.memory_space<hbm>>)
    %dma_start3A_435 = arith.constant 20 : i32
    %dma_start3A_436 = arith.constant 0 : i32
    %dma_start3A_437 = tpu.memref_slice %arg5[%dma_start3A_435, %dma_start3A_436] : memref<64x8xi32, #tpu.memory_space<vmem>> -> memref<1x8xi32, #tpu.memory_space<vmem>>
    %dma_start3A_438 = tpu.memref_squeeze %dma_start3A_437 : memref<1x8xi32, #tpu.memory_space<vmem>> -> memref<8xi32, #tpu.memory_space<vmem>>
    %dma_start3A_439 = arith.constant 0 : i32
    %dma_start3A_440 = arith.constant 0 : i32
    %dma_start3A_441 = tpu.memref_slice %arg3[%dma_start3A_439, %dma_start3A_440] : memref<100000x2048xf32, #tpu.memory_space<hbm>> -> memref<100000x2048xf32, #tpu.memory_space<hbm>>
    tpu.enqueue_indirect_dma source(%dma_start3A_441 : memref<100000x2048xf32, #tpu.memory_space<hbm>>) target(%arg8 : memref<8x2048xf32, #tpu.memory_space<vmem>>) offsets(%dma_start3A_438 : memref<8xi32, #tpu.memory_space<vmem>>) semaphore(%arg14 : memref<!tpu.dma_semaphore, #tpu.memory_space<semaphore_mem>>)
    %dma_wait3A_442 = arith.constant 18 : i32
    %dma_wait3A_443 = arith.constant 0 : i32
    %dma_wait3A_444 = tpu.memref_slice %arg5[%dma_wait3A_442, %dma_wait3A_443] : memref<64x8xi32, #tpu.memory_space<vmem>> -> memref<1x8xi32, #tpu.memory_space<vmem>>
    %dma_wait3A_445 = tpu.memref_squeeze %dma_wait3A_444 : memref<1x8xi32, #tpu.memory_space<vmem>> -> memref<8xi32, #tpu.memory_space<vmem>>
    %dma_wait3A_446 = arith.constant 0 : i32
    %dma_wait3A_447 = arith.constant 0 : i32
    %dma_wait3A_448 = tpu.memref_slice %arg3[%dma_wait3A_446, %dma_wait3A_447] : memref<100000x2048xf32, #tpu.memory_space<hbm>> -> memref<100000x2048xf32, #tpu.memory_space<hbm>>
    tpu.wait_indirect_dma semaphore(%arg12 : memref<!tpu.dma_semaphore, #tpu.memory_space<semaphore_mem>>) src(%dma_wait3A_448 : memref<100000x2048xf32, #tpu.memory_space<hbm>>) dst(%arg6 : memref<8x2048xf32, #tpu.memory_space<vmem>>)
    %add3A_449 = arith.constant 144 : i32
    %add3A_450 = arith.addi %mul3A_2, %add3A_449 : i32
    %dma_start3A_451 = arith.constant 0 : i32
    %dma_start3A_452 = tpu.memref_slice %arg4[%add3A_450, %dma_start3A_451] : memref<16384x2048xf32, #tpu.memory_space<hbm>> -> memref<8x2048xf32, #tpu.memory_space<hbm>>
    %dma_start3A_453 = arith.constant 0 : i32
    %dma_start3A_454 = tpu.memref_slice %arg4[%add3A_450, %dma_start3A_453] : memref<16384x2048xf32, #tpu.memory_space<hbm>> -> memref<8x2048xf32, #tpu.memory_space<hbm>>
    tpu.enqueue_dma source(%arg6 : memref<8x2048xf32, #tpu.memory_space<vmem>>) target(%dma_start3A_454 : memref<8x2048xf32, #tpu.memory_space<hbm>>) target_semaphore(%arg18 : memref<!tpu.dma_semaphore, #tpu.memory_space<semaphore_mem>>)
    %dma_wait3A_455 = arith.constant 0 : i32
    %dma_wait3A_456 = tpu.memref_slice %arg4[%add3A_378, %dma_wait3A_455] : memref<16384x2048xf32, #tpu.memory_space<hbm>> -> memref<8x2048xf32, #tpu.memory_space<hbm>>
    %dma_wait3A_457 = arith.constant 0 : i32
    %dma_wait3A_458 = tpu.memref_slice %arg4[%add3A_378, %dma_wait3A_457] : memref<16384x2048xf32, #tpu.memory_space<hbm>> -> memref<8x2048xf32, #tpu.memory_space<hbm>>
    tpu.wait_dma2 semaphore(%arg21 : memref<!tpu.dma_semaphore, #tpu.memory_space<semaphore_mem>>) src(%arg9 : memref<8x2048xf32, #tpu.memory_space<vmem>>) dst(%dma_wait3A_458 : memref<8x2048xf32, #tpu.memory_space<hbm>>)
    %dma_start3A_459 = arith.constant 21 : i32
    %dma_start3A_460 = arith.constant 0 : i32
    %dma_start3A_461 = tpu.memref_slice %arg5[%dma_start3A_459, %dma_start3A_460] : memref<64x8xi32, #tpu.memory_space<vmem>> -> memref<1x8xi32, #tpu.memory_space<vmem>>
    %dma_start3A_462 = tpu.memref_squeeze %dma_start3A_461 : memref<1x8xi32, #tpu.memory_space<vmem>> -> memref<8xi32, #tpu.memory_space<vmem>>
    %dma_start3A_463 = arith.constant 0 : i32
    %dma_start3A_464 = arith.constant 0 : i32
    %dma_start3A_465 = tpu.memref_slice %arg3[%dma_start3A_463, %dma_start3A_464] : memref<100000x2048xf32, #tpu.memory_space<hbm>> -> memref<100000x2048xf32, #tpu.memory_space<hbm>>
    tpu.enqueue_indirect_dma source(%dma_start3A_465 : memref<100000x2048xf32, #tpu.memory_space<hbm>>) target(%arg9 : memref<8x2048xf32, #tpu.memory_space<vmem>>) offsets(%dma_start3A_462 : memref<8xi32, #tpu.memory_space<vmem>>) semaphore(%arg15 : memref<!tpu.dma_semaphore, #tpu.memory_space<semaphore_mem>>)
    %dma_wait3A_466 = arith.constant 19 : i32
    %dma_wait3A_467 = arith.constant 0 : i32
    %dma_wait3A_468 = tpu.memref_slice %arg5[%dma_wait3A_466, %dma_wait3A_467] : memref<64x8xi32, #tpu.memory_space<vmem>> -> memref<1x8xi32, #tpu.memory_space<vmem>>
    %dma_wait3A_469 = tpu.memref_squeeze %dma_wait3A_468 : memref<1x8xi32, #tpu.memory_space<vmem>> -> memref<8xi32, #tpu.memory_space<vmem>>
    %dma_wait3A_470 = arith.constant 0 : i32
    %dma_wait3A_471 = arith.constant 0 : i32
    %dma_wait3A_472 = tpu.memref_slice %arg3[%dma_wait3A_470, %dma_wait3A_471] : memref<100000x2048xf32, #tpu.memory_space<hbm>> -> memref<100000x2048xf32, #tpu.memory_space<hbm>>
    tpu.wait_indirect_dma semaphore(%arg13 : memref<!tpu.dma_semaphore, #tpu.memory_space<semaphore_mem>>) src(%dma_wait3A_472 : memref<100000x2048xf32, #tpu.memory_space<hbm>>) dst(%arg7 : memref<8x2048xf32, #tpu.memory_space<vmem>>)
    %add3A_473 = arith.constant 152 : i32
    %add3A_474 = arith.addi %mul3A_2, %add3A_473 : i32
    %dma_start3A_475 = arith.constant 0 : i32
    %dma_start3A_476 = tpu.memref_slice %arg4[%add3A_474, %dma_start3A_475] : memref<16384x2048xf32, #tpu.memory_space<hbm>> -> memref<8x2048xf32, #tpu.memory_space<hbm>>
    %dma_start3A_477 = arith.constant 0 : i32
    %dma_start3A_478 = tpu.memref_slice %arg4[%add3A_474, %dma_start3A_477] : memref<16384x2048xf32, #tpu.memory_space<hbm>> -> memref<8x2048xf32, #tpu.memory_space<hbm>>
    tpu.enqueue_dma source(%arg7 : memref<8x2048xf32, #tpu.memory_space<vmem>>) target(%dma_start3A_478 : memref<8x2048xf32, #tpu.memory_space<hbm>>) target_semaphore(%arg19 : memref<!tpu.dma_semaphore, #tpu.memory_space<semaphore_mem>>)
    %dma_wait3A_479 = arith.constant 0 : i32
    %dma_wait3A_480 = tpu.memref_slice %arg4[%add3A_402, %dma_wait3A_479] : memref<16384x2048xf32, #tpu.memory_space<hbm>> -> memref<8x2048xf32, #tpu.memory_space<hbm>>
    %dma_wait3A_481 = arith.constant 0 : i32
    %dma_wait3A_482 = tpu.memref_slice %arg4[%add3A_402, %dma_wait3A_481] : memref<16384x2048xf32, #tpu.memory_space<hbm>> -> memref<8x2048xf32, #tpu.memory_space<hbm>>
    tpu.wait_dma2 semaphore(%arg22 : memref<!tpu.dma_semaphore, #tpu.memory_space<semaphore_mem>>) src(%arg10 : memref<8x2048xf32, #tpu.memory_space<vmem>>) dst(%dma_wait3A_482 : memref<8x2048xf32, #tpu.memory_space<hbm>>)
    %dma_start3A_483 = arith.constant 22 : i32
    %dma_start3A_484 = arith.constant 0 : i32
    %dma_start3A_485 = tpu.memref_slice %arg5[%dma_start3A_483, %dma_start3A_484] : memref<64x8xi32, #tpu.memory_space<vmem>> -> memref<1x8xi32, #tpu.memory_space<vmem>>
    %dma_start3A_486 = tpu.memref_squeeze %dma_start3A_485 : memref<1x8xi32, #tpu.memory_space<vmem>> -> memref<8xi32, #tpu.memory_space<vmem>>
    %dma_start3A_487 = arith.constant 0 : i32
    %dma_start3A_488 = arith.constant 0 : i32
    %dma_start3A_489 = tpu.memref_slice %arg3[%dma_start3A_487, %dma_start3A_488] : memref<100000x2048xf32, #tpu.memory_space<hbm>> -> memref<100000x2048xf32, #tpu.memory_space<hbm>>
    tpu.enqueue_indirect_dma source(%dma_start3A_489 : memref<100000x2048xf32, #tpu.memory_space<hbm>>) target(%arg10 : memref<8x2048xf32, #tpu.memory_space<vmem>>) offsets(%dma_start3A_486 : memref<8xi32, #tpu.memory_space<vmem>>) semaphore(%arg16 : memref<!tpu.dma_semaphore, #tpu.memory_space<semaphore_mem>>)
    %dma_wait3A_490 = arith.constant 20 : i32
    %dma_wait3A_491 = arith.constant 0 : i32
    %dma_wait3A_492 = tpu.memref_slice %arg5[%dma_wait3A_490, %dma_wait3A_491] : memref<64x8xi32, #tpu.memory_space<vmem>> -> memref<1x8xi32, #tpu.memory_space<vmem>>
    %dma_wait3A_493 = tpu.memref_squeeze %dma_wait3A_492 : memref<1x8xi32, #tpu.memory_space<vmem>> -> memref<8xi32, #tpu.memory_space<vmem>>
    %dma_wait3A_494 = arith.constant 0 : i32
    %dma_wait3A_495 = arith.constant 0 : i32
    %dma_wait3A_496 = tpu.memref_slice %arg3[%dma_wait3A_494, %dma_wait3A_495] : memref<100000x2048xf32, #tpu.memory_space<hbm>> -> memref<100000x2048xf32, #tpu.memory_space<hbm>>
    tpu.wait_indirect_dma semaphore(%arg14 : memref<!tpu.dma_semaphore, #tpu.memory_space<semaphore_mem>>) src(%dma_wait3A_496 : memref<100000x2048xf32, #tpu.memory_space<hbm>>) dst(%arg8 : memref<8x2048xf32, #tpu.memory_space<vmem>>)
    %add3A_497 = arith.constant 160 : i32
    %add3A_498 = arith.addi %mul3A_2, %add3A_497 : i32
    %dma_start3A_499 = arith.constant 0 : i32
    %dma_start3A_500 = tpu.memref_slice %arg4[%add3A_498, %dma_start3A_499] : memref<16384x2048xf32, #tpu.memory_space<hbm>> -> memref<8x2048xf32, #tpu.memory_space<hbm>>
    %dma_start3A_501 = arith.constant 0 : i32
    %dma_start3A_502 = tpu.memref_slice %arg4[%add3A_498, %dma_start3A_501] : memref<16384x2048xf32, #tpu.memory_space<hbm>> -> memref<8x2048xf32, #tpu.memory_space<hbm>>
    tpu.enqueue_dma source(%arg8 : memref<8x2048xf32, #tpu.memory_space<vmem>>) target(%dma_start3A_502 : memref<8x2048xf32, #tpu.memory_space<hbm>>) target_semaphore(%arg20 : memref<!tpu.dma_semaphore, #tpu.memory_space<semaphore_mem>>)
    %dma_wait3A_503 = arith.constant 0 : i32
    %dma_wait3A_504 = tpu.memref_slice %arg4[%add3A_426, %dma_wait3A_503] : memref<16384x2048xf32, #tpu.memory_space<hbm>> -> memref<8x2048xf32, #tpu.memory_space<hbm>>
    %dma_wait3A_505 = arith.constant 0 : i32
    %dma_wait3A_506 = tpu.memref_slice %arg4[%add3A_426, %dma_wait3A_505] : memref<16384x2048xf32, #tpu.memory_space<hbm>> -> memref<8x2048xf32, #tpu.memory_space<hbm>>
    tpu.wait_dma2 semaphore(%arg23 : memref<!tpu.dma_semaphore, #tpu.memory_space<semaphore_mem>>) src(%arg11 : memref<8x2048xf32, #tpu.memory_space<vmem>>) dst(%dma_wait3A_506 : memref<8x2048xf32, #tpu.memory_space<hbm>>)
    %dma_start3A_507 = arith.constant 23 : i32
    %dma_start3A_508 = arith.constant 0 : i32
    %dma_start3A_509 = tpu.memref_slice %arg5[%dma_start3A_507, %dma_start3A_508] : memref<64x8xi32, #tpu.memory_space<vmem>> -> memref<1x8xi32, #tpu.memory_space<vmem>>
    %dma_start3A_510 = tpu.memref_squeeze %dma_start3A_509 : memref<1x8xi32, #tpu.memory_space<vmem>> -> memref<8xi32, #tpu.memory_space<vmem>>
    %dma_start3A_511 = arith.constant 0 : i32
    %dma_start3A_512 = arith.constant 0 : i32
    %dma_start3A_513 = tpu.memref_slice %arg3[%dma_start3A_511, %dma_start3A_512] : memref<100000x2048xf32, #tpu.memory_space<hbm>> -> memref<100000x2048xf32, #tpu.memory_space<hbm>>
    tpu.enqueue_indirect_dma source(%dma_start3A_513 : memref<100000x2048xf32, #tpu.memory_space<hbm>>) target(%arg11 : memref<8x2048xf32, #tpu.memory_space<vmem>>) offsets(%dma_start3A_510 : memref<8xi32, #tpu.memory_space<vmem>>) semaphore(%arg17 : memref<!tpu.dma_semaphore, #tpu.memory_space<semaphore_mem>>)
    %dma_wait3A_514 = arith.constant 21 : i32
    %dma_wait3A_515 = arith.constant 0 : i32
    %dma_wait3A_516 = tpu.memref_slice %arg5[%dma_wait3A_514, %dma_wait3A_515] : memref<64x8xi32, #tpu.memory_space<vmem>> -> memref<1x8xi32, #tpu.memory_space<vmem>>
    %dma_wait3A_517 = tpu.memref_squeeze %dma_wait3A_516 : memref<1x8xi32, #tpu.memory_space<vmem>> -> memref<8xi32, #tpu.memory_space<vmem>>
    %dma_wait3A_518 = arith.constant 0 : i32
    %dma_wait3A_519 = arith.constant 0 : i32
    %dma_wait3A_520 = tpu.memref_slice %arg3[%dma_wait3A_518, %dma_wait3A_519] : memref<100000x2048xf32, #tpu.memory_space<hbm>> -> memref<100000x2048xf32, #tpu.memory_space<hbm>>
    tpu.wait_indirect_dma semaphore(%arg15 : memref<!tpu.dma_semaphore, #tpu.memory_space<semaphore_mem>>) src(%dma_wait3A_520 : memref<100000x2048xf32, #tpu.memory_space<hbm>>) dst(%arg9 : memref<8x2048xf32, #tpu.memory_space<vmem>>)
    %add3A_521 = arith.constant 168 : i32
    %add3A_522 = arith.addi %mul3A_2, %add3A_521 : i32
    %dma_start3A_523 = arith.constant 0 : i32
    %dma_start3A_524 = tpu.memref_slice %arg4[%add3A_522, %dma_start3A_523] : memref<16384x2048xf32, #tpu.memory_space<hbm>> -> memref<8x2048xf32, #tpu.memory_space<hbm>>
    %dma_start3A_525 = arith.constant 0 : i32
    %dma_start3A_526 = tpu.memref_slice %arg4[%add3A_522, %dma_start3A_525] : memref<16384x2048xf32, #tpu.memory_space<hbm>> -> memref<8x2048xf32, #tpu.memory_space<hbm>>
    tpu.enqueue_dma source(%arg9 : memref<8x2048xf32, #tpu.memory_space<vmem>>) target(%dma_start3A_526 : memref<8x2048xf32, #tpu.memory_space<hbm>>) target_semaphore(%arg21 : memref<!tpu.dma_semaphore, #tpu.memory_space<semaphore_mem>>)
    %dma_wait3A_527 = arith.constant 0 : i32
    %dma_wait3A_528 = tpu.memref_slice %arg4[%add3A_450, %dma_wait3A_527] : memref<16384x2048xf32, #tpu.memory_space<hbm>> -> memref<8x2048xf32, #tpu.memory_space<hbm>>
    %dma_wait3A_529 = arith.constant 0 : i32
    %dma_wait3A_530 = tpu.memref_slice %arg4[%add3A_450, %dma_wait3A_529] : memref<16384x2048xf32, #tpu.memory_space<hbm>> -> memref<8x2048xf32, #tpu.memory_space<hbm>>
    tpu.wait_dma2 semaphore(%arg18 : memref<!tpu.dma_semaphore, #tpu.memory_space<semaphore_mem>>) src(%arg6 : memref<8x2048xf32, #tpu.memory_space<vmem>>) dst(%dma_wait3A_530 : memref<8x2048xf32, #tpu.memory_space<hbm>>)
    %dma_start3A_531 = arith.constant 24 : i32
    %dma_start3A_532 = arith.constant 0 : i32
    %dma_start3A_533 = tpu.memref_slice %arg5[%dma_start3A_531, %dma_start3A_532] : memref<64x8xi32, #tpu.memory_space<vmem>> -> memref<1x8xi32, #tpu.memory_space<vmem>>
    %dma_start3A_534 = tpu.memref_squeeze %dma_start3A_533 : memref<1x8xi32, #tpu.memory_space<vmem>> -> memref<8xi32, #tpu.memory_space<vmem>>
    %dma_start3A_535 = arith.constant 0 : i32
    %dma_start3A_536 = arith.constant 0 : i32
    %dma_start3A_537 = tpu.memref_slice %arg3[%dma_start3A_535, %dma_start3A_536] : memref<100000x2048xf32, #tpu.memory_space<hbm>> -> memref<100000x2048xf32, #tpu.memory_space<hbm>>
    tpu.enqueue_indirect_dma source(%dma_start3A_537 : memref<100000x2048xf32, #tpu.memory_space<hbm>>) target(%arg6 : memref<8x2048xf32, #tpu.memory_space<vmem>>) offsets(%dma_start3A_534 : memref<8xi32, #tpu.memory_space<vmem>>) semaphore(%arg12 : memref<!tpu.dma_semaphore, #tpu.memory_space<semaphore_mem>>)
    %dma_wait3A_538 = arith.constant 22 : i32
    %dma_wait3A_539 = arith.constant 0 : i32
    %dma_wait3A_540 = tpu.memref_slice %arg5[%dma_wait3A_538, %dma_wait3A_539] : memref<64x8xi32, #tpu.memory_space<vmem>> -> memref<1x8xi32, #tpu.memory_space<vmem>>
    %dma_wait3A_541 = tpu.memref_squeeze %dma_wait3A_540 : memref<1x8xi32, #tpu.memory_space<vmem>> -> memref<8xi32, #tpu.memory_space<vmem>>
    %dma_wait3A_542 = arith.constant 0 : i32
    %dma_wait3A_543 = arith.constant 0 : i32
    %dma_wait3A_544 = tpu.memref_slice %arg3[%dma_wait3A_542, %dma_wait3A_543] : memref<100000x2048xf32, #tpu.memory_space<hbm>> -> memref<100000x2048xf32, #tpu.memory_space<hbm>>
    tpu.wait_indirect_dma semaphore(%arg16 : memref<!tpu.dma_semaphore, #tpu.memory_space<semaphore_mem>>) src(%dma_wait3A_544 : memref<100000x2048xf32, #tpu.memory_space<hbm>>) dst(%arg10 : memref<8x2048xf32, #tpu.memory_space<vmem>>)
    %add3A_545 = arith.constant 176 : i32
    %add3A_546 = arith.addi %mul3A_2, %add3A_545 : i32
    %dma_start3A_547 = arith.constant 0 : i32
    %dma_start3A_548 = tpu.memref_slice %arg4[%add3A_546, %dma_start3A_547] : memref<16384x2048xf32, #tpu.memory_space<hbm>> -> memref<8x2048xf32, #tpu.memory_space<hbm>>
    %dma_start3A_549 = arith.constant 0 : i32
    %dma_start3A_550 = tpu.memref_slice %arg4[%add3A_546, %dma_start3A_549] : memref<16384x2048xf32, #tpu.memory_space<hbm>> -> memref<8x2048xf32, #tpu.memory_space<hbm>>
    tpu.enqueue_dma source(%arg10 : memref<8x2048xf32, #tpu.memory_space<vmem>>) target(%dma_start3A_550 : memref<8x2048xf32, #tpu.memory_space<hbm>>) target_semaphore(%arg22 : memref<!tpu.dma_semaphore, #tpu.memory_space<semaphore_mem>>)
    %dma_wait3A_551 = arith.constant 0 : i32
    %dma_wait3A_552 = tpu.memref_slice %arg4[%add3A_474, %dma_wait3A_551] : memref<16384x2048xf32, #tpu.memory_space<hbm>> -> memref<8x2048xf32, #tpu.memory_space<hbm>>
    %dma_wait3A_553 = arith.constant 0 : i32
    %dma_wait3A_554 = tpu.memref_slice %arg4[%add3A_474, %dma_wait3A_553] : memref<16384x2048xf32, #tpu.memory_space<hbm>> -> memref<8x2048xf32, #tpu.memory_space<hbm>>
    tpu.wait_dma2 semaphore(%arg19 : memref<!tpu.dma_semaphore, #tpu.memory_space<semaphore_mem>>) src(%arg7 : memref<8x2048xf32, #tpu.memory_space<vmem>>) dst(%dma_wait3A_554 : memref<8x2048xf32, #tpu.memory_space<hbm>>)
    %dma_start3A_555 = arith.constant 25 : i32
    %dma_start3A_556 = arith.constant 0 : i32
    %dma_start3A_557 = tpu.memref_slice %arg5[%dma_start3A_555, %dma_start3A_556] : memref<64x8xi32, #tpu.memory_space<vmem>> -> memref<1x8xi32, #tpu.memory_space<vmem>>
    %dma_start3A_558 = tpu.memref_squeeze %dma_start3A_557 : memref<1x8xi32, #tpu.memory_space<vmem>> -> memref<8xi32, #tpu.memory_space<vmem>>
    %dma_start3A_559 = arith.constant 0 : i32
    %dma_start3A_560 = arith.constant 0 : i32
    %dma_start3A_561 = tpu.memref_slice %arg3[%dma_start3A_559, %dma_start3A_560] : memref<100000x2048xf32, #tpu.memory_space<hbm>> -> memref<100000x2048xf32, #tpu.memory_space<hbm>>
    tpu.enqueue_indirect_dma source(%dma_start3A_561 : memref<100000x2048xf32, #tpu.memory_space<hbm>>) target(%arg7 : memref<8x2048xf32, #tpu.memory_space<vmem>>) offsets(%dma_start3A_558 : memref<8xi32, #tpu.memory_space<vmem>>) semaphore(%arg13 : memref<!tpu.dma_semaphore, #tpu.memory_space<semaphore_mem>>)
    %dma_wait3A_562 = arith.constant 23 : i32
    %dma_wait3A_563 = arith.constant 0 : i32
    %dma_wait3A_564 = tpu.memref_slice %arg5[%dma_wait3A_562, %dma_wait3A_563] : memref<64x8xi32, #tpu.memory_space<vmem>> -> memref<1x8xi32, #tpu.memory_space<vmem>>
    %dma_wait3A_565 = tpu.memref_squeeze %dma_wait3A_564 : memref<1x8xi32, #tpu.memory_space<vmem>> -> memref<8xi32, #tpu.memory_space<vmem>>
    %dma_wait3A_566 = arith.constant 0 : i32
    %dma_wait3A_567 = arith.constant 0 : i32
    %dma_wait3A_568 = tpu.memref_slice %arg3[%dma_wait3A_566, %dma_wait3A_567] : memref<100000x2048xf32, #tpu.memory_space<hbm>> -> memref<100000x2048xf32, #tpu.memory_space<hbm>>
    tpu.wait_indirect_dma semaphore(%arg17 : memref<!tpu.dma_semaphore, #tpu.memory_space<semaphore_mem>>) src(%dma_wait3A_568 : memref<100000x2048xf32, #tpu.memory_space<hbm>>) dst(%arg11 : memref<8x2048xf32, #tpu.memory_space<vmem>>)
    %add3A_569 = arith.constant 184 : i32
    %add3A_570 = arith.addi %mul3A_2, %add3A_569 : i32
    %dma_start3A_571 = arith.constant 0 : i32
    %dma_start3A_572 = tpu.memref_slice %arg4[%add3A_570, %dma_start3A_571] : memref<16384x2048xf32, #tpu.memory_space<hbm>> -> memref<8x2048xf32, #tpu.memory_space<hbm>>
    %dma_start3A_573 = arith.constant 0 : i32
    %dma_start3A_574 = tpu.memref_slice %arg4[%add3A_570, %dma_start3A_573] : memref<16384x2048xf32, #tpu.memory_space<hbm>> -> memref<8x2048xf32, #tpu.memory_space<hbm>>
    tpu.enqueue_dma source(%arg11 : memref<8x2048xf32, #tpu.memory_space<vmem>>) target(%dma_start3A_574 : memref<8x2048xf32, #tpu.memory_space<hbm>>) target_semaphore(%arg23 : memref<!tpu.dma_semaphore, #tpu.memory_space<semaphore_mem>>)
    %dma_wait3A_575 = arith.constant 0 : i32
    %dma_wait3A_576 = tpu.memref_slice %arg4[%add3A_498, %dma_wait3A_575] : memref<16384x2048xf32, #tpu.memory_space<hbm>> -> memref<8x2048xf32, #tpu.memory_space<hbm>>
    %dma_wait3A_577 = arith.constant 0 : i32
    %dma_wait3A_578 = tpu.memref_slice %arg4[%add3A_498, %dma_wait3A_577] : memref<16384x2048xf32, #tpu.memory_space<hbm>> -> memref<8x2048xf32, #tpu.memory_space<hbm>>
    tpu.wait_dma2 semaphore(%arg20 : memref<!tpu.dma_semaphore, #tpu.memory_space<semaphore_mem>>) src(%arg8 : memref<8x2048xf32, #tpu.memory_space<vmem>>) dst(%dma_wait3A_578 : memref<8x2048xf32, #tpu.memory_space<hbm>>)
    %dma_start3A_579 = arith.constant 26 : i32
    %dma_start3A_580 = arith.constant 0 : i32
    %dma_start3A_581 = tpu.memref_slice %arg5[%dma_start3A_579, %dma_start3A_580] : memref<64x8xi32, #tpu.memory_space<vmem>> -> memref<1x8xi32, #tpu.memory_space<vmem>>
    %dma_start3A_582 = tpu.memref_squeeze %dma_start3A_581 : memref<1x8xi32, #tpu.memory_space<vmem>> -> memref<8xi32, #tpu.memory_space<vmem>>
    %dma_start3A_583 = arith.constant 0 : i32
    %dma_start3A_584 = arith.constant 0 : i32
    %dma_start3A_585 = tpu.memref_slice %arg3[%dma_start3A_583, %dma_start3A_584] : memref<100000x2048xf32, #tpu.memory_space<hbm>> -> memref<100000x2048xf32, #tpu.memory_space<hbm>>
    tpu.enqueue_indirect_dma source(%dma_start3A_585 : memref<100000x2048xf32, #tpu.memory_space<hbm>>) target(%arg8 : memref<8x2048xf32, #tpu.memory_space<vmem>>) offsets(%dma_start3A_582 : memref<8xi32, #tpu.memory_space<vmem>>) semaphore(%arg14 : memref<!tpu.dma_semaphore, #tpu.memory_space<semaphore_mem>>)
    %dma_wait3A_586 = arith.constant 24 : i32
    %dma_wait3A_587 = arith.constant 0 : i32
    %dma_wait3A_588 = tpu.memref_slice %arg5[%dma_wait3A_586, %dma_wait3A_587] : memref<64x8xi32, #tpu.memory_space<vmem>> -> memref<1x8xi32, #tpu.memory_space<vmem>>
    %dma_wait3A_589 = tpu.memref_squeeze %dma_wait3A_588 : memref<1x8xi32, #tpu.memory_space<vmem>> -> memref<8xi32, #tpu.memory_space<vmem>>
    %dma_wait3A_590 = arith.constant 0 : i32
    %dma_wait3A_591 = arith.constant 0 : i32
    %dma_wait3A_592 = tpu.memref_slice %arg3[%dma_wait3A_590, %dma_wait3A_591] : memref<100000x2048xf32, #tpu.memory_space<hbm>> -> memref<100000x2048xf32, #tpu.memory_space<hbm>>
    tpu.wait_indirect_dma semaphore(%arg12 : memref<!tpu.dma_semaphore, #tpu.memory_space<semaphore_mem>>) src(%dma_wait3A_592 : memref<100000x2048xf32, #tpu.memory_space<hbm>>) dst(%arg6 : memref<8x2048xf32, #tpu.memory_space<vmem>>)
    %add3A_593 = arith.constant 192 : i32
    %add3A_594 = arith.addi %mul3A_2, %add3A_593 : i32
    %dma_start3A_595 = arith.constant 0 : i32
    %dma_start3A_596 = tpu.memref_slice %arg4[%add3A_594, %dma_start3A_595] : memref<16384x2048xf32, #tpu.memory_space<hbm>> -> memref<8x2048xf32, #tpu.memory_space<hbm>>
    %dma_start3A_597 = arith.constant 0 : i32
    %dma_start3A_598 = tpu.memref_slice %arg4[%add3A_594, %dma_start3A_597] : memref<16384x2048xf32, #tpu.memory_space<hbm>> -> memref<8x2048xf32, #tpu.memory_space<hbm>>
    tpu.enqueue_dma source(%arg6 : memref<8x2048xf32, #tpu.memory_space<vmem>>) target(%dma_start3A_598 : memref<8x2048xf32, #tpu.memory_space<hbm>>) target_semaphore(%arg18 : memref<!tpu.dma_semaphore, #tpu.memory_space<semaphore_mem>>)
    %dma_wait3A_599 = arith.constant 0 : i32
    %dma_wait3A_600 = tpu.memref_slice %arg4[%add3A_522, %dma_wait3A_599] : memref<16384x2048xf32, #tpu.memory_space<hbm>> -> memref<8x2048xf32, #tpu.memory_space<hbm>>
    %dma_wait3A_601 = arith.constant 0 : i32
    %dma_wait3A_602 = tpu.memref_slice %arg4[%add3A_522, %dma_wait3A_601] : memref<16384x2048xf32, #tpu.memory_space<hbm>> -> memref<8x2048xf32, #tpu.memory_space<hbm>>
    tpu.wait_dma2 semaphore(%arg21 : memref<!tpu.dma_semaphore, #tpu.memory_space<semaphore_mem>>) src(%arg9 : memref<8x2048xf32, #tpu.memory_space<vmem>>) dst(%dma_wait3A_602 : memref<8x2048xf32, #tpu.memory_space<hbm>>)
    %dma_start3A_603 = arith.constant 27 : i32
    %dma_start3A_604 = arith.constant 0 : i32
    %dma_start3A_605 = tpu.memref_slice %arg5[%dma_start3A_603, %dma_start3A_604] : memref<64x8xi32, #tpu.memory_space<vmem>> -> memref<1x8xi32, #tpu.memory_space<vmem>>
    %dma_start3A_606 = tpu.memref_squeeze %dma_start3A_605 : memref<1x8xi32, #tpu.memory_space<vmem>> -> memref<8xi32, #tpu.memory_space<vmem>>
    %dma_start3A_607 = arith.constant 0 : i32
    %dma_start3A_608 = arith.constant 0 : i32
    %dma_start3A_609 = tpu.memref_slice %arg3[%dma_start3A_607, %dma_start3A_608] : memref<100000x2048xf32, #tpu.memory_space<hbm>> -> memref<100000x2048xf32, #tpu.memory_space<hbm>>
    tpu.enqueue_indirect_dma source(%dma_start3A_609 : memref<100000x2048xf32, #tpu.memory_space<hbm>>) target(%arg9 : memref<8x2048xf32, #tpu.memory_space<vmem>>) offsets(%dma_start3A_606 : memref<8xi32, #tpu.memory_space<vmem>>) semaphore(%arg15 : memref<!tpu.dma_semaphore, #tpu.memory_space<semaphore_mem>>)
    %dma_wait3A_610 = arith.constant 25 : i32
    %dma_wait3A_611 = arith.constant 0 : i32
    %dma_wait3A_612 = tpu.memref_slice %arg5[%dma_wait3A_610, %dma_wait3A_611] : memref<64x8xi32, #tpu.memory_space<vmem>> -> memref<1x8xi32, #tpu.memory_space<vmem>>
    %dma_wait3A_613 = tpu.memref_squeeze %dma_wait3A_612 : memref<1x8xi32, #tpu.memory_space<vmem>> -> memref<8xi32, #tpu.memory_space<vmem>>
    %dma_wait3A_614 = arith.constant 0 : i32
    %dma_wait3A_615 = arith.constant 0 : i32
    %dma_wait3A_616 = tpu.memref_slice %arg3[%dma_wait3A_614, %dma_wait3A_615] : memref<100000x2048xf32, #tpu.memory_space<hbm>> -> memref<100000x2048xf32, #tpu.memory_space<hbm>>
    tpu.wait_indirect_dma semaphore(%arg13 : memref<!tpu.dma_semaphore, #tpu.memory_space<semaphore_mem>>) src(%dma_wait3A_616 : memref<100000x2048xf32, #tpu.memory_space<hbm>>) dst(%arg7 : memref<8x2048xf32, #tpu.memory_space<vmem>>)
    %add3A_617 = arith.constant 200 : i32
    %add3A_618 = arith.addi %mul3A_2, %add3A_617 : i32
    %dma_start3A_619 = arith.constant 0 : i32
    %dma_start3A_620 = tpu.memref_slice %arg4[%add3A_618, %dma_start3A_619] : memref<16384x2048xf32, #tpu.memory_space<hbm>> -> memref<8x2048xf32, #tpu.memory_space<hbm>>
    %dma_start3A_621 = arith.constant 0 : i32
    %dma_start3A_622 = tpu.memref_slice %arg4[%add3A_618, %dma_start3A_621] : memref<16384x2048xf32, #tpu.memory_space<hbm>> -> memref<8x2048xf32, #tpu.memory_space<hbm>>
    tpu.enqueue_dma source(%arg7 : memref<8x2048xf32, #tpu.memory_space<vmem>>) target(%dma_start3A_622 : memref<8x2048xf32, #tpu.memory_space<hbm>>) target_semaphore(%arg19 : memref<!tpu.dma_semaphore, #tpu.memory_space<semaphore_mem>>)
    %dma_wait3A_623 = arith.constant 0 : i32
    %dma_wait3A_624 = tpu.memref_slice %arg4[%add3A_546, %dma_wait3A_623] : memref<16384x2048xf32, #tpu.memory_space<hbm>> -> memref<8x2048xf32, #tpu.memory_space<hbm>>
    %dma_wait3A_625 = arith.constant 0 : i32
    %dma_wait3A_626 = tpu.memref_slice %arg4[%add3A_546, %dma_wait3A_625] : memref<16384x2048xf32, #tpu.memory_space<hbm>> -> memref<8x2048xf32, #tpu.memory_space<hbm>>
    tpu.wait_dma2 semaphore(%arg22 : memref<!tpu.dma_semaphore, #tpu.memory_space<semaphore_mem>>) src(%arg10 : memref<8x2048xf32, #tpu.memory_space<vmem>>) dst(%dma_wait3A_626 : memref<8x2048xf32, #tpu.memory_space<hbm>>)
    %dma_start3A_627 = arith.constant 28 : i32
    %dma_start3A_628 = arith.constant 0 : i32
    %dma_start3A_629 = tpu.memref_slice %arg5[%dma_start3A_627, %dma_start3A_628] : memref<64x8xi32, #tpu.memory_space<vmem>> -> memref<1x8xi32, #tpu.memory_space<vmem>>
    %dma_start3A_630 = tpu.memref_squeeze %dma_start3A_629 : memref<1x8xi32, #tpu.memory_space<vmem>> -> memref<8xi32, #tpu.memory_space<vmem>>
    %dma_start3A_631 = arith.constant 0 : i32
    %dma_start3A_632 = arith.constant 0 : i32
    %dma_start3A_633 = tpu.memref_slice %arg3[%dma_start3A_631, %dma_start3A_632] : memref<100000x2048xf32, #tpu.memory_space<hbm>> -> memref<100000x2048xf32, #tpu.memory_space<hbm>>
    tpu.enqueue_indirect_dma source(%dma_start3A_633 : memref<100000x2048xf32, #tpu.memory_space<hbm>>) target(%arg10 : memref<8x2048xf32, #tpu.memory_space<vmem>>) offsets(%dma_start3A_630 : memref<8xi32, #tpu.memory_space<vmem>>) semaphore(%arg16 : memref<!tpu.dma_semaphore, #tpu.memory_space<semaphore_mem>>)
    %dma_wait3A_634 = arith.constant 26 : i32
    %dma_wait3A_635 = arith.constant 0 : i32
    %dma_wait3A_636 = tpu.memref_slice %arg5[%dma_wait3A_634, %dma_wait3A_635] : memref<64x8xi32, #tpu.memory_space<vmem>> -> memref<1x8xi32, #tpu.memory_space<vmem>>
    %dma_wait3A_637 = tpu.memref_squeeze %dma_wait3A_636 : memref<1x8xi32, #tpu.memory_space<vmem>> -> memref<8xi32, #tpu.memory_space<vmem>>
    %dma_wait3A_638 = arith.constant 0 : i32
    %dma_wait3A_639 = arith.constant 0 : i32
    %dma_wait3A_640 = tpu.memref_slice %arg3[%dma_wait3A_638, %dma_wait3A_639] : memref<100000x2048xf32, #tpu.memory_space<hbm>> -> memref<100000x2048xf32, #tpu.memory_space<hbm>>
    tpu.wait_indirect_dma semaphore(%arg14 : memref<!tpu.dma_semaphore, #tpu.memory_space<semaphore_mem>>) src(%dma_wait3A_640 : memref<100000x2048xf32, #tpu.memory_space<hbm>>) dst(%arg8 : memref<8x2048xf32, #tpu.memory_space<vmem>>)
    %add3A_641 = arith.constant 208 : i32
    %add3A_642 = arith.addi %mul3A_2, %add3A_641 : i32
    %dma_start3A_643 = arith.constant 0 : i32
    %dma_start3A_644 = tpu.memref_slice %arg4[%add3A_642, %dma_start3A_643] : memref<16384x2048xf32, #tpu.memory_space<hbm>> -> memref<8x2048xf32, #tpu.memory_space<hbm>>
    %dma_start3A_645 = arith.constant 0 : i32
    %dma_start3A_646 = tpu.memref_slice %arg4[%add3A_642, %dma_start3A_645] : memref<16384x2048xf32, #tpu.memory_space<hbm>> -> memref<8x2048xf32, #tpu.memory_space<hbm>>
    tpu.enqueue_dma source(%arg8 : memref<8x2048xf32, #tpu.memory_space<vmem>>) target(%dma_start3A_646 : memref<8x2048xf32, #tpu.memory_space<hbm>>) target_semaphore(%arg20 : memref<!tpu.dma_semaphore, #tpu.memory_space<semaphore_mem>>)
    %dma_wait3A_647 = arith.constant 0 : i32
    %dma_wait3A_648 = tpu.memref_slice %arg4[%add3A_570, %dma_wait3A_647] : memref<16384x2048xf32, #tpu.memory_space<hbm>> -> memref<8x2048xf32, #tpu.memory_space<hbm>>
    %dma_wait3A_649 = arith.constant 0 : i32
    %dma_wait3A_650 = tpu.memref_slice %arg4[%add3A_570, %dma_wait3A_649] : memref<16384x2048xf32, #tpu.memory_space<hbm>> -> memref<8x2048xf32, #tpu.memory_space<hbm>>
    tpu.wait_dma2 semaphore(%arg23 : memref<!tpu.dma_semaphore, #tpu.memory_space<semaphore_mem>>) src(%arg11 : memref<8x2048xf32, #tpu.memory_space<vmem>>) dst(%dma_wait3A_650 : memref<8x2048xf32, #tpu.memory_space<hbm>>)
    %dma_start3A_651 = arith.constant 29 : i32
    %dma_start3A_652 = arith.constant 0 : i32
    %dma_start3A_653 = tpu.memref_slice %arg5[%dma_start3A_651, %dma_start3A_652] : memref<64x8xi32, #tpu.memory_space<vmem>> -> memref<1x8xi32, #tpu.memory_space<vmem>>
    %dma_start3A_654 = tpu.memref_squeeze %dma_start3A_653 : memref<1x8xi32, #tpu.memory_space<vmem>> -> memref<8xi32, #tpu.memory_space<vmem>>
    %dma_start3A_655 = arith.constant 0 : i32
    %dma_start3A_656 = arith.constant 0 : i32
    %dma_start3A_657 = tpu.memref_slice %arg3[%dma_start3A_655, %dma_start3A_656] : memref<100000x2048xf32, #tpu.memory_space<hbm>> -> memref<100000x2048xf32, #tpu.memory_space<hbm>>
    tpu.enqueue_indirect_dma source(%dma_start3A_657 : memref<100000x2048xf32, #tpu.memory_space<hbm>>) target(%arg11 : memref<8x2048xf32, #tpu.memory_space<vmem>>) offsets(%dma_start3A_654 : memref<8xi32, #tpu.memory_space<vmem>>) semaphore(%arg17 : memref<!tpu.dma_semaphore, #tpu.memory_space<semaphore_mem>>)
    %dma_wait3A_658 = arith.constant 27 : i32
    %dma_wait3A_659 = arith.constant 0 : i32
    %dma_wait3A_660 = tpu.memref_slice %arg5[%dma_wait3A_658, %dma_wait3A_659] : memref<64x8xi32, #tpu.memory_space<vmem>> -> memref<1x8xi32, #tpu.memory_space<vmem>>
    %dma_wait3A_661 = tpu.memref_squeeze %dma_wait3A_660 : memref<1x8xi32, #tpu.memory_space<vmem>> -> memref<8xi32, #tpu.memory_space<vmem>>
    %dma_wait3A_662 = arith.constant 0 : i32
    %dma_wait3A_663 = arith.constant 0 : i32
    %dma_wait3A_664 = tpu.memref_slice %arg3[%dma_wait3A_662, %dma_wait3A_663] : memref<100000x2048xf32, #tpu.memory_space<hbm>> -> memref<100000x2048xf32, #tpu.memory_space<hbm>>
    tpu.wait_indirect_dma semaphore(%arg15 : memref<!tpu.dma_semaphore, #tpu.memory_space<semaphore_mem>>) src(%dma_wait3A_664 : memref<100000x2048xf32, #tpu.memory_space<hbm>>) dst(%arg9 : memref<8x2048xf32, #tpu.memory_space<vmem>>)
    %add3A_665 = arith.constant 216 : i32
    %add3A_666 = arith.addi %mul3A_2, %add3A_665 : i32
    %dma_start3A_667 = arith.constant 0 : i32
    %dma_start3A_668 = tpu.memref_slice %arg4[%add3A_666, %dma_start3A_667] : memref<16384x2048xf32, #tpu.memory_space<hbm>> -> memref<8x2048xf32, #tpu.memory_space<hbm>>
    %dma_start3A_669 = arith.constant 0 : i32
    %dma_start3A_670 = tpu.memref_slice %arg4[%add3A_666, %dma_start3A_669] : memref<16384x2048xf32, #tpu.memory_space<hbm>> -> memref<8x2048xf32, #tpu.memory_space<hbm>>
    tpu.enqueue_dma source(%arg9 : memref<8x2048xf32, #tpu.memory_space<vmem>>) target(%dma_start3A_670 : memref<8x2048xf32, #tpu.memory_space<hbm>>) target_semaphore(%arg21 : memref<!tpu.dma_semaphore, #tpu.memory_space<semaphore_mem>>)
    %dma_wait3A_671 = arith.constant 0 : i32
    %dma_wait3A_672 = tpu.memref_slice %arg4[%add3A_594, %dma_wait3A_671] : memref<16384x2048xf32, #tpu.memory_space<hbm>> -> memref<8x2048xf32, #tpu.memory_space<hbm>>
    %dma_wait3A_673 = arith.constant 0 : i32
    %dma_wait3A_674 = tpu.memref_slice %arg4[%add3A_594, %dma_wait3A_673] : memref<16384x2048xf32, #tpu.memory_space<hbm>> -> memref<8x2048xf32, #tpu.memory_space<hbm>>
    tpu.wait_dma2 semaphore(%arg18 : memref<!tpu.dma_semaphore, #tpu.memory_space<semaphore_mem>>) src(%arg6 : memref<8x2048xf32, #tpu.memory_space<vmem>>) dst(%dma_wait3A_674 : memref<8x2048xf32, #tpu.memory_space<hbm>>)
    %dma_start3A_675 = arith.constant 30 : i32
    %dma_start3A_676 = arith.constant 0 : i32
    %dma_start3A_677 = tpu.memref_slice %arg5[%dma_start3A_675, %dma_start3A_676] : memref<64x8xi32, #tpu.memory_space<vmem>> -> memref<1x8xi32, #tpu.memory_space<vmem>>
    %dma_start3A_678 = tpu.memref_squeeze %dma_start3A_677 : memref<1x8xi32, #tpu.memory_space<vmem>> -> memref<8xi32, #tpu.memory_space<vmem>>
    %dma_start3A_679 = arith.constant 0 : i32
    %dma_start3A_680 = arith.constant 0 : i32
    %dma_start3A_681 = tpu.memref_slice %arg3[%dma_start3A_679, %dma_start3A_680] : memref<100000x2048xf32, #tpu.memory_space<hbm>> -> memref<100000x2048xf32, #tpu.memory_space<hbm>>
    tpu.enqueue_indirect_dma source(%dma_start3A_681 : memref<100000x2048xf32, #tpu.memory_space<hbm>>) target(%arg6 : memref<8x2048xf32, #tpu.memory_space<vmem>>) offsets(%dma_start3A_678 : memref<8xi32, #tpu.memory_space<vmem>>) semaphore(%arg12 : memref<!tpu.dma_semaphore, #tpu.memory_space<semaphore_mem>>)
    %dma_wait3A_682 = arith.constant 28 : i32
    %dma_wait3A_683 = arith.constant 0 : i32
    %dma_wait3A_684 = tpu.memref_slice %arg5[%dma_wait3A_682, %dma_wait3A_683] : memref<64x8xi32, #tpu.memory_space<vmem>> -> memref<1x8xi32, #tpu.memory_space<vmem>>
    %dma_wait3A_685 = tpu.memref_squeeze %dma_wait3A_684 : memref<1x8xi32, #tpu.memory_space<vmem>> -> memref<8xi32, #tpu.memory_space<vmem>>
    %dma_wait3A_686 = arith.constant 0 : i32
    %dma_wait3A_687 = arith.constant 0 : i32
    %dma_wait3A_688 = tpu.memref_slice %arg3[%dma_wait3A_686, %dma_wait3A_687] : memref<100000x2048xf32, #tpu.memory_space<hbm>> -> memref<100000x2048xf32, #tpu.memory_space<hbm>>
    tpu.wait_indirect_dma semaphore(%arg16 : memref<!tpu.dma_semaphore, #tpu.memory_space<semaphore_mem>>) src(%dma_wait3A_688 : memref<100000x2048xf32, #tpu.memory_space<hbm>>) dst(%arg10 : memref<8x2048xf32, #tpu.memory_space<vmem>>)
    %add3A_689 = arith.constant 224 : i32
    %add3A_690 = arith.addi %mul3A_2, %add3A_689 : i32
    %dma_start3A_691 = arith.constant 0 : i32
    %dma_start3A_692 = tpu.memref_slice %arg4[%add3A_690, %dma_start3A_691] : memref<16384x2048xf32, #tpu.memory_space<hbm>> -> memref<8x2048xf32, #tpu.memory_space<hbm>>
    %dma_start3A_693 = arith.constant 0 : i32
    %dma_start3A_694 = tpu.memref_slice %arg4[%add3A_690, %dma_start3A_693] : memref<16384x2048xf32, #tpu.memory_space<hbm>> -> memref<8x2048xf32, #tpu.memory_space<hbm>>
    tpu.enqueue_dma source(%arg10 : memref<8x2048xf32, #tpu.memory_space<vmem>>) target(%dma_start3A_694 : memref<8x2048xf32, #tpu.memory_space<hbm>>) target_semaphore(%arg22 : memref<!tpu.dma_semaphore, #tpu.memory_space<semaphore_mem>>)
    %dma_wait3A_695 = arith.constant 0 : i32
    %dma_wait3A_696 = tpu.memref_slice %arg4[%add3A_618, %dma_wait3A_695] : memref<16384x2048xf32, #tpu.memory_space<hbm>> -> memref<8x2048xf32, #tpu.memory_space<hbm>>
    %dma_wait3A_697 = arith.constant 0 : i32
    %dma_wait3A_698 = tpu.memref_slice %arg4[%add3A_618, %dma_wait3A_697] : memref<16384x2048xf32, #tpu.memory_space<hbm>> -> memref<8x2048xf32, #tpu.memory_space<hbm>>
    tpu.wait_dma2 semaphore(%arg19 : memref<!tpu.dma_semaphore, #tpu.memory_space<semaphore_mem>>) src(%arg7 : memref<8x2048xf32, #tpu.memory_space<vmem>>) dst(%dma_wait3A_698 : memref<8x2048xf32, #tpu.memory_space<hbm>>)
    %dma_start3A_699 = arith.constant 31 : i32
    %dma_start3A_700 = arith.constant 0 : i32
    %dma_start3A_701 = tpu.memref_slice %arg5[%dma_start3A_699, %dma_start3A_700] : memref<64x8xi32, #tpu.memory_space<vmem>> -> memref<1x8xi32, #tpu.memory_space<vmem>>
    %dma_start3A_702 = tpu.memref_squeeze %dma_start3A_701 : memref<1x8xi32, #tpu.memory_space<vmem>> -> memref<8xi32, #tpu.memory_space<vmem>>
    %dma_start3A_703 = arith.constant 0 : i32
    %dma_start3A_704 = arith.constant 0 : i32
    %dma_start3A_705 = tpu.memref_slice %arg3[%dma_start3A_703, %dma_start3A_704] : memref<100000x2048xf32, #tpu.memory_space<hbm>> -> memref<100000x2048xf32, #tpu.memory_space<hbm>>
    tpu.enqueue_indirect_dma source(%dma_start3A_705 : memref<100000x2048xf32, #tpu.memory_space<hbm>>) target(%arg7 : memref<8x2048xf32, #tpu.memory_space<vmem>>) offsets(%dma_start3A_702 : memref<8xi32, #tpu.memory_space<vmem>>) semaphore(%arg13 : memref<!tpu.dma_semaphore, #tpu.memory_space<semaphore_mem>>)
    %dma_wait3A_706 = arith.constant 29 : i32
    %dma_wait3A_707 = arith.constant 0 : i32
    %dma_wait3A_708 = tpu.memref_slice %arg5[%dma_wait3A_706, %dma_wait3A_707] : memref<64x8xi32, #tpu.memory_space<vmem>> -> memref<1x8xi32, #tpu.memory_space<vmem>>
    %dma_wait3A_709 = tpu.memref_squeeze %dma_wait3A_708 : memref<1x8xi32, #tpu.memory_space<vmem>> -> memref<8xi32, #tpu.memory_space<vmem>>
    %dma_wait3A_710 = arith.constant 0 : i32
    %dma_wait3A_711 = arith.constant 0 : i32
    %dma_wait3A_712 = tpu.memref_slice %arg3[%dma_wait3A_710, %dma_wait3A_711] : memref<100000x2048xf32, #tpu.memory_space<hbm>> -> memref<100000x2048xf32, #tpu.memory_space<hbm>>
    tpu.wait_indirect_dma semaphore(%arg17 : memref<!tpu.dma_semaphore, #tpu.memory_space<semaphore_mem>>) src(%dma_wait3A_712 : memref<100000x2048xf32, #tpu.memory_space<hbm>>) dst(%arg11 : memref<8x2048xf32, #tpu.memory_space<vmem>>)
    %add3A_713 = arith.constant 232 : i32
    %add3A_714 = arith.addi %mul3A_2, %add3A_713 : i32
    %dma_start3A_715 = arith.constant 0 : i32
    %dma_start3A_716 = tpu.memref_slice %arg4[%add3A_714, %dma_start3A_715] : memref<16384x2048xf32, #tpu.memory_space<hbm>> -> memref<8x2048xf32, #tpu.memory_space<hbm>>
    %dma_start3A_717 = arith.constant 0 : i32
    %dma_start3A_718 = tpu.memref_slice %arg4[%add3A_714, %dma_start3A_717] : memref<16384x2048xf32, #tpu.memory_space<hbm>> -> memref<8x2048xf32, #tpu.memory_space<hbm>>
    tpu.enqueue_dma source(%arg11 : memref<8x2048xf32, #tpu.memory_space<vmem>>) target(%dma_start3A_718 : memref<8x2048xf32, #tpu.memory_space<hbm>>) target_semaphore(%arg23 : memref<!tpu.dma_semaphore, #tpu.memory_space<semaphore_mem>>)
    %dma_wait3A_719 = arith.constant 0 : i32
    %dma_wait3A_720 = tpu.memref_slice %arg4[%add3A_642, %dma_wait3A_719] : memref<16384x2048xf32, #tpu.memory_space<hbm>> -> memref<8x2048xf32, #tpu.memory_space<hbm>>
    %dma_wait3A_721 = arith.constant 0 : i32
    %dma_wait3A_722 = tpu.memref_slice %arg4[%add3A_642, %dma_wait3A_721] : memref<16384x2048xf32, #tpu.memory_space<hbm>> -> memref<8x2048xf32, #tpu.memory_space<hbm>>
    tpu.wait_dma2 semaphore(%arg20 : memref<!tpu.dma_semaphore, #tpu.memory_space<semaphore_mem>>) src(%arg8 : memref<8x2048xf32, #tpu.memory_space<vmem>>) dst(%dma_wait3A_722 : memref<8x2048xf32, #tpu.memory_space<hbm>>)
    %dma_start3A_723 = arith.constant 32 : i32
    %dma_start3A_724 = arith.constant 0 : i32
    %dma_start3A_725 = tpu.memref_slice %arg5[%dma_start3A_723, %dma_start3A_724] : memref<64x8xi32, #tpu.memory_space<vmem>> -> memref<1x8xi32, #tpu.memory_space<vmem>>
    %dma_start3A_726 = tpu.memref_squeeze %dma_start3A_725 : memref<1x8xi32, #tpu.memory_space<vmem>> -> memref<8xi32, #tpu.memory_space<vmem>>
    %dma_start3A_727 = arith.constant 0 : i32
    %dma_start3A_728 = arith.constant 0 : i32
    %dma_start3A_729 = tpu.memref_slice %arg3[%dma_start3A_727, %dma_start3A_728] : memref<100000x2048xf32, #tpu.memory_space<hbm>> -> memref<100000x2048xf32, #tpu.memory_space<hbm>>
    tpu.enqueue_indirect_dma source(%dma_start3A_729 : memref<100000x2048xf32, #tpu.memory_space<hbm>>) target(%arg8 : memref<8x2048xf32, #tpu.memory_space<vmem>>) offsets(%dma_start3A_726 : memref<8xi32, #tpu.memory_space<vmem>>) semaphore(%arg14 : memref<!tpu.dma_semaphore, #tpu.memory_space<semaphore_mem>>)
    %dma_wait3A_730 = arith.constant 30 : i32
    %dma_wait3A_731 = arith.constant 0 : i32
    %dma_wait3A_732 = tpu.memref_slice %arg5[%dma_wait3A_730, %dma_wait3A_731] : memref<64x8xi32, #tpu.memory_space<vmem>> -> memref<1x8xi32, #tpu.memory_space<vmem>>
    %dma_wait3A_733 = tpu.memref_squeeze %dma_wait3A_732 : memref<1x8xi32, #tpu.memory_space<vmem>> -> memref<8xi32, #tpu.memory_space<vmem>>
    %dma_wait3A_734 = arith.constant 0 : i32
    %dma_wait3A_735 = arith.constant 0 : i32
    %dma_wait3A_736 = tpu.memref_slice %arg3[%dma_wait3A_734, %dma_wait3A_735] : memref<100000x2048xf32, #tpu.memory_space<hbm>> -> memref<100000x2048xf32, #tpu.memory_space<hbm>>
    tpu.wait_indirect_dma semaphore(%arg12 : memref<!tpu.dma_semaphore, #tpu.memory_space<semaphore_mem>>) src(%dma_wait3A_736 : memref<100000x2048xf32, #tpu.memory_space<hbm>>) dst(%arg6 : memref<8x2048xf32, #tpu.memory_space<vmem>>)
    %add3A_737 = arith.constant 240 : i32
    %add3A_738 = arith.addi %mul3A_2, %add3A_737 : i32
    %dma_start3A_739 = arith.constant 0 : i32
    %dma_start3A_740 = tpu.memref_slice %arg4[%add3A_738, %dma_start3A_739] : memref<16384x2048xf32, #tpu.memory_space<hbm>> -> memref<8x2048xf32, #tpu.memory_space<hbm>>
    %dma_start3A_741 = arith.constant 0 : i32
    %dma_start3A_742 = tpu.memref_slice %arg4[%add3A_738, %dma_start3A_741] : memref<16384x2048xf32, #tpu.memory_space<hbm>> -> memref<8x2048xf32, #tpu.memory_space<hbm>>
    tpu.enqueue_dma source(%arg6 : memref<8x2048xf32, #tpu.memory_space<vmem>>) target(%dma_start3A_742 : memref<8x2048xf32, #tpu.memory_space<hbm>>) target_semaphore(%arg18 : memref<!tpu.dma_semaphore, #tpu.memory_space<semaphore_mem>>)
    %dma_wait3A_743 = arith.constant 0 : i32
    %dma_wait3A_744 = tpu.memref_slice %arg4[%add3A_666, %dma_wait3A_743] : memref<16384x2048xf32, #tpu.memory_space<hbm>> -> memref<8x2048xf32, #tpu.memory_space<hbm>>
    %dma_wait3A_745 = arith.constant 0 : i32
    %dma_wait3A_746 = tpu.memref_slice %arg4[%add3A_666, %dma_wait3A_745] : memref<16384x2048xf32, #tpu.memory_space<hbm>> -> memref<8x2048xf32, #tpu.memory_space<hbm>>
    tpu.wait_dma2 semaphore(%arg21 : memref<!tpu.dma_semaphore, #tpu.memory_space<semaphore_mem>>) src(%arg9 : memref<8x2048xf32, #tpu.memory_space<vmem>>) dst(%dma_wait3A_746 : memref<8x2048xf32, #tpu.memory_space<hbm>>)
    %dma_start3A_747 = arith.constant 33 : i32
    %dma_start3A_748 = arith.constant 0 : i32
    %dma_start3A_749 = tpu.memref_slice %arg5[%dma_start3A_747, %dma_start3A_748] : memref<64x8xi32, #tpu.memory_space<vmem>> -> memref<1x8xi32, #tpu.memory_space<vmem>>
    %dma_start3A_750 = tpu.memref_squeeze %dma_start3A_749 : memref<1x8xi32, #tpu.memory_space<vmem>> -> memref<8xi32, #tpu.memory_space<vmem>>
    %dma_start3A_751 = arith.constant 0 : i32
    %dma_start3A_752 = arith.constant 0 : i32
    %dma_start3A_753 = tpu.memref_slice %arg3[%dma_start3A_751, %dma_start3A_752] : memref<100000x2048xf32, #tpu.memory_space<hbm>> -> memref<100000x2048xf32, #tpu.memory_space<hbm>>
    tpu.enqueue_indirect_dma source(%dma_start3A_753 : memref<100000x2048xf32, #tpu.memory_space<hbm>>) target(%arg9 : memref<8x2048xf32, #tpu.memory_space<vmem>>) offsets(%dma_start3A_750 : memref<8xi32, #tpu.memory_space<vmem>>) semaphore(%arg15 : memref<!tpu.dma_semaphore, #tpu.memory_space<semaphore_mem>>)
    %dma_wait3A_754 = arith.constant 31 : i32
    %dma_wait3A_755 = arith.constant 0 : i32
    %dma_wait3A_756 = tpu.memref_slice %arg5[%dma_wait3A_754, %dma_wait3A_755] : memref<64x8xi32, #tpu.memory_space<vmem>> -> memref<1x8xi32, #tpu.memory_space<vmem>>
    %dma_wait3A_757 = tpu.memref_squeeze %dma_wait3A_756 : memref<1x8xi32, #tpu.memory_space<vmem>> -> memref<8xi32, #tpu.memory_space<vmem>>
    %dma_wait3A_758 = arith.constant 0 : i32
    %dma_wait3A_759 = arith.constant 0 : i32
    %dma_wait3A_760 = tpu.memref_slice %arg3[%dma_wait3A_758, %dma_wait3A_759] : memref<100000x2048xf32, #tpu.memory_space<hbm>> -> memref<100000x2048xf32, #tpu.memory_space<hbm>>
    tpu.wait_indirect_dma semaphore(%arg13 : memref<!tpu.dma_semaphore, #tpu.memory_space<semaphore_mem>>) src(%dma_wait3A_760 : memref<100000x2048xf32, #tpu.memory_space<hbm>>) dst(%arg7 : memref<8x2048xf32, #tpu.memory_space<vmem>>)
    %add3A_761 = arith.constant 248 : i32
    %add3A_762 = arith.addi %mul3A_2, %add3A_761 : i32
    %dma_start3A_763 = arith.constant 0 : i32
    %dma_start3A_764 = tpu.memref_slice %arg4[%add3A_762, %dma_start3A_763] : memref<16384x2048xf32, #tpu.memory_space<hbm>> -> memref<8x2048xf32, #tpu.memory_space<hbm>>
    %dma_start3A_765 = arith.constant 0 : i32
    %dma_start3A_766 = tpu.memref_slice %arg4[%add3A_762, %dma_start3A_765] : memref<16384x2048xf32, #tpu.memory_space<hbm>> -> memref<8x2048xf32, #tpu.memory_space<hbm>>
    tpu.enqueue_dma source(%arg7 : memref<8x2048xf32, #tpu.memory_space<vmem>>) target(%dma_start3A_766 : memref<8x2048xf32, #tpu.memory_space<hbm>>) target_semaphore(%arg19 : memref<!tpu.dma_semaphore, #tpu.memory_space<semaphore_mem>>)
    %dma_wait3A_767 = arith.constant 0 : i32
    %dma_wait3A_768 = tpu.memref_slice %arg4[%add3A_690, %dma_wait3A_767] : memref<16384x2048xf32, #tpu.memory_space<hbm>> -> memref<8x2048xf32, #tpu.memory_space<hbm>>
    %dma_wait3A_769 = arith.constant 0 : i32
    %dma_wait3A_770 = tpu.memref_slice %arg4[%add3A_690, %dma_wait3A_769] : memref<16384x2048xf32, #tpu.memory_space<hbm>> -> memref<8x2048xf32, #tpu.memory_space<hbm>>
    tpu.wait_dma2 semaphore(%arg22 : memref<!tpu.dma_semaphore, #tpu.memory_space<semaphore_mem>>) src(%arg10 : memref<8x2048xf32, #tpu.memory_space<vmem>>) dst(%dma_wait3A_770 : memref<8x2048xf32, #tpu.memory_space<hbm>>)
    %dma_start3A_771 = arith.constant 34 : i32
    %dma_start3A_772 = arith.constant 0 : i32
    %dma_start3A_773 = tpu.memref_slice %arg5[%dma_start3A_771, %dma_start3A_772] : memref<64x8xi32, #tpu.memory_space<vmem>> -> memref<1x8xi32, #tpu.memory_space<vmem>>
    %dma_start3A_774 = tpu.memref_squeeze %dma_start3A_773 : memref<1x8xi32, #tpu.memory_space<vmem>> -> memref<8xi32, #tpu.memory_space<vmem>>
    %dma_start3A_775 = arith.constant 0 : i32
    %dma_start3A_776 = arith.constant 0 : i32
    %dma_start3A_777 = tpu.memref_slice %arg3[%dma_start3A_775, %dma_start3A_776] : memref<100000x2048xf32, #tpu.memory_space<hbm>> -> memref<100000x2048xf32, #tpu.memory_space<hbm>>
    tpu.enqueue_indirect_dma source(%dma_start3A_777 : memref<100000x2048xf32, #tpu.memory_space<hbm>>) target(%arg10 : memref<8x2048xf32, #tpu.memory_space<vmem>>) offsets(%dma_start3A_774 : memref<8xi32, #tpu.memory_space<vmem>>) semaphore(%arg16 : memref<!tpu.dma_semaphore, #tpu.memory_space<semaphore_mem>>)
    %dma_wait3A_778 = arith.constant 32 : i32
    %dma_wait3A_779 = arith.constant 0 : i32
    %dma_wait3A_780 = tpu.memref_slice %arg5[%dma_wait3A_778, %dma_wait3A_779] : memref<64x8xi32, #tpu.memory_space<vmem>> -> memref<1x8xi32, #tpu.memory_space<vmem>>
    %dma_wait3A_781 = tpu.memref_squeeze %dma_wait3A_780 : memref<1x8xi32, #tpu.memory_space<vmem>> -> memref<8xi32, #tpu.memory_space<vmem>>
    %dma_wait3A_782 = arith.constant 0 : i32
    %dma_wait3A_783 = arith.constant 0 : i32
    %dma_wait3A_784 = tpu.memref_slice %arg3[%dma_wait3A_782, %dma_wait3A_783] : memref<100000x2048xf32, #tpu.memory_space<hbm>> -> memref<100000x2048xf32, #tpu.memory_space<hbm>>
    tpu.wait_indirect_dma semaphore(%arg14 : memref<!tpu.dma_semaphore, #tpu.memory_space<semaphore_mem>>) src(%dma_wait3A_784 : memref<100000x2048xf32, #tpu.memory_space<hbm>>) dst(%arg8 : memref<8x2048xf32, #tpu.memory_space<vmem>>)
    %add3A_785 = arith.constant 256 : i32
    %add3A_786 = arith.addi %mul3A_2, %add3A_785 : i32
    %dma_start3A_787 = arith.constant 0 : i32
    %dma_start3A_788 = tpu.memref_slice %arg4[%add3A_786, %dma_start3A_787] : memref<16384x2048xf32, #tpu.memory_space<hbm>> -> memref<8x2048xf32, #tpu.memory_space<hbm>>
    %dma_start3A_789 = arith.constant 0 : i32
    %dma_start3A_790 = tpu.memref_slice %arg4[%add3A_786, %dma_start3A_789] : memref<16384x2048xf32, #tpu.memory_space<hbm>> -> memref<8x2048xf32, #tpu.memory_space<hbm>>
    tpu.enqueue_dma source(%arg8 : memref<8x2048xf32, #tpu.memory_space<vmem>>) target(%dma_start3A_790 : memref<8x2048xf32, #tpu.memory_space<hbm>>) target_semaphore(%arg20 : memref<!tpu.dma_semaphore, #tpu.memory_space<semaphore_mem>>)
    %dma_wait3A_791 = arith.constant 0 : i32
    %dma_wait3A_792 = tpu.memref_slice %arg4[%add3A_714, %dma_wait3A_791] : memref<16384x2048xf32, #tpu.memory_space<hbm>> -> memref<8x2048xf32, #tpu.memory_space<hbm>>
    %dma_wait3A_793 = arith.constant 0 : i32
    %dma_wait3A_794 = tpu.memref_slice %arg4[%add3A_714, %dma_wait3A_793] : memref<16384x2048xf32, #tpu.memory_space<hbm>> -> memref<8x2048xf32, #tpu.memory_space<hbm>>
    tpu.wait_dma2 semaphore(%arg23 : memref<!tpu.dma_semaphore, #tpu.memory_space<semaphore_mem>>) src(%arg11 : memref<8x2048xf32, #tpu.memory_space<vmem>>) dst(%dma_wait3A_794 : memref<8x2048xf32, #tpu.memory_space<hbm>>)
    %dma_start3A_795 = arith.constant 35 : i32
    %dma_start3A_796 = arith.constant 0 : i32
    %dma_start3A_797 = tpu.memref_slice %arg5[%dma_start3A_795, %dma_start3A_796] : memref<64x8xi32, #tpu.memory_space<vmem>> -> memref<1x8xi32, #tpu.memory_space<vmem>>
    %dma_start3A_798 = tpu.memref_squeeze %dma_start3A_797 : memref<1x8xi32, #tpu.memory_space<vmem>> -> memref<8xi32, #tpu.memory_space<vmem>>
    %dma_start3A_799 = arith.constant 0 : i32
    %dma_start3A_800 = arith.constant 0 : i32
    %dma_start3A_801 = tpu.memref_slice %arg3[%dma_start3A_799, %dma_start3A_800] : memref<100000x2048xf32, #tpu.memory_space<hbm>> -> memref<100000x2048xf32, #tpu.memory_space<hbm>>
    tpu.enqueue_indirect_dma source(%dma_start3A_801 : memref<100000x2048xf32, #tpu.memory_space<hbm>>) target(%arg11 : memref<8x2048xf32, #tpu.memory_space<vmem>>) offsets(%dma_start3A_798 : memref<8xi32, #tpu.memory_space<vmem>>) semaphore(%arg17 : memref<!tpu.dma_semaphore, #tpu.memory_space<semaphore_mem>>)
    %dma_wait3A_802 = arith.constant 33 : i32
    %dma_wait3A_803 = arith.constant 0 : i32
    %dma_wait3A_804 = tpu.memref_slice %arg5[%dma_wait3A_802, %dma_wait3A_803] : memref<64x8xi32, #tpu.memory_space<vmem>> -> memref<1x8xi32, #tpu.memory_space<vmem>>
    %dma_wait3A_805 = tpu.memref_squeeze %dma_wait3A_804 : memref<1x8xi32, #tpu.memory_space<vmem>> -> memref<8xi32, #tpu.memory_space<vmem>>
    %dma_wait3A_806 = arith.constant 0 : i32
    %dma_wait3A_807 = arith.constant 0 : i32
    %dma_wait3A_808 = tpu.memref_slice %arg3[%dma_wait3A_806, %dma_wait3A_807] : memref<100000x2048xf32, #tpu.memory_space<hbm>> -> memref<100000x2048xf32, #tpu.memory_space<hbm>>
    tpu.wait_indirect_dma semaphore(%arg15 : memref<!tpu.dma_semaphore, #tpu.memory_space<semaphore_mem>>) src(%dma_wait3A_808 : memref<100000x2048xf32, #tpu.memory_space<hbm>>) dst(%arg9 : memref<8x2048xf32, #tpu.memory_space<vmem>>)
    %add3A_809 = arith.constant 264 : i32
    %add3A_810 = arith.addi %mul3A_2, %add3A_809 : i32
    %dma_start3A_811 = arith.constant 0 : i32
    %dma_start3A_812 = tpu.memref_slice %arg4[%add3A_810, %dma_start3A_811] : memref<16384x2048xf32, #tpu.memory_space<hbm>> -> memref<8x2048xf32, #tpu.memory_space<hbm>>
    %dma_start3A_813 = arith.constant 0 : i32
    %dma_start3A_814 = tpu.memref_slice %arg4[%add3A_810, %dma_start3A_813] : memref<16384x2048xf32, #tpu.memory_space<hbm>> -> memref<8x2048xf32, #tpu.memory_space<hbm>>
    tpu.enqueue_dma source(%arg9 : memref<8x2048xf32, #tpu.memory_space<vmem>>) target(%dma_start3A_814 : memref<8x2048xf32, #tpu.memory_space<hbm>>) target_semaphore(%arg21 : memref<!tpu.dma_semaphore, #tpu.memory_space<semaphore_mem>>)
    %dma_wait3A_815 = arith.constant 0 : i32
    %dma_wait3A_816 = tpu.memref_slice %arg4[%add3A_738, %dma_wait3A_815] : memref<16384x2048xf32, #tpu.memory_space<hbm>> -> memref<8x2048xf32, #tpu.memory_space<hbm>>
    %dma_wait3A_817 = arith.constant 0 : i32
    %dma_wait3A_818 = tpu.memref_slice %arg4[%add3A_738, %dma_wait3A_817] : memref<16384x2048xf32, #tpu.memory_space<hbm>> -> memref<8x2048xf32, #tpu.memory_space<hbm>>
    tpu.wait_dma2 semaphore(%arg18 : memref<!tpu.dma_semaphore, #tpu.memory_space<semaphore_mem>>) src(%arg6 : memref<8x2048xf32, #tpu.memory_space<vmem>>) dst(%dma_wait3A_818 : memref<8x2048xf32, #tpu.memory_space<hbm>>)
    %dma_start3A_819 = arith.constant 36 : i32
    %dma_start3A_820 = arith.constant 0 : i32
    %dma_start3A_821 = tpu.memref_slice %arg5[%dma_start3A_819, %dma_start3A_820] : memref<64x8xi32, #tpu.memory_space<vmem>> -> memref<1x8xi32, #tpu.memory_space<vmem>>
    %dma_start3A_822 = tpu.memref_squeeze %dma_start3A_821 : memref<1x8xi32, #tpu.memory_space<vmem>> -> memref<8xi32, #tpu.memory_space<vmem>>
    %dma_start3A_823 = arith.constant 0 : i32
    %dma_start3A_824 = arith.constant 0 : i32
    %dma_start3A_825 = tpu.memref_slice %arg3[%dma_start3A_823, %dma_start3A_824] : memref<100000x2048xf32, #tpu.memory_space<hbm>> -> memref<100000x2048xf32, #tpu.memory_space<hbm>>
    tpu.enqueue_indirect_dma source(%dma_start3A_825 : memref<100000x2048xf32, #tpu.memory_space<hbm>>) target(%arg6 : memref<8x2048xf32, #tpu.memory_space<vmem>>) offsets(%dma_start3A_822 : memref<8xi32, #tpu.memory_space<vmem>>) semaphore(%arg12 : memref<!tpu.dma_semaphore, #tpu.memory_space<semaphore_mem>>)
    %dma_wait3A_826 = arith.constant 34 : i32
    %dma_wait3A_827 = arith.constant 0 : i32
    %dma_wait3A_828 = tpu.memref_slice %arg5[%dma_wait3A_826, %dma_wait3A_827] : memref<64x8xi32, #tpu.memory_space<vmem>> -> memref<1x8xi32, #tpu.memory_space<vmem>>
    %dma_wait3A_829 = tpu.memref_squeeze %dma_wait3A_828 : memref<1x8xi32, #tpu.memory_space<vmem>> -> memref<8xi32, #tpu.memory_space<vmem>>
    %dma_wait3A_830 = arith.constant 0 : i32
    %dma_wait3A_831 = arith.constant 0 : i32
    %dma_wait3A_832 = tpu.memref_slice %arg3[%dma_wait3A_830, %dma_wait3A_831] : memref<100000x2048xf32, #tpu.memory_space<hbm>> -> memref<100000x2048xf32, #tpu.memory_space<hbm>>
    tpu.wait_indirect_dma semaphore(%arg16 : memref<!tpu.dma_semaphore, #tpu.memory_space<semaphore_mem>>) src(%dma_wait3A_832 : memref<100000x2048xf32, #tpu.memory_space<hbm>>) dst(%arg10 : memref<8x2048xf32, #tpu.memory_space<vmem>>)
    %add3A_833 = arith.constant 272 : i32
    %add3A_834 = arith.addi %mul3A_2, %add3A_833 : i32
    %dma_start3A_835 = arith.constant 0 : i32
    %dma_start3A_836 = tpu.memref_slice %arg4[%add3A_834, %dma_start3A_835] : memref<16384x2048xf32, #tpu.memory_space<hbm>> -> memref<8x2048xf32, #tpu.memory_space<hbm>>
    %dma_start3A_837 = arith.constant 0 : i32
    %dma_start3A_838 = tpu.memref_slice %arg4[%add3A_834, %dma_start3A_837] : memref<16384x2048xf32, #tpu.memory_space<hbm>> -> memref<8x2048xf32, #tpu.memory_space<hbm>>
    tpu.enqueue_dma source(%arg10 : memref<8x2048xf32, #tpu.memory_space<vmem>>) target(%dma_start3A_838 : memref<8x2048xf32, #tpu.memory_space<hbm>>) target_semaphore(%arg22 : memref<!tpu.dma_semaphore, #tpu.memory_space<semaphore_mem>>)
    %dma_wait3A_839 = arith.constant 0 : i32
    %dma_wait3A_840 = tpu.memref_slice %arg4[%add3A_762, %dma_wait3A_839] : memref<16384x2048xf32, #tpu.memory_space<hbm>> -> memref<8x2048xf32, #tpu.memory_space<hbm>>
    %dma_wait3A_841 = arith.constant 0 : i32
    %dma_wait3A_842 = tpu.memref_slice %arg4[%add3A_762, %dma_wait3A_841] : memref<16384x2048xf32, #tpu.memory_space<hbm>> -> memref<8x2048xf32, #tpu.memory_space<hbm>>
    tpu.wait_dma2 semaphore(%arg19 : memref<!tpu.dma_semaphore, #tpu.memory_space<semaphore_mem>>) src(%arg7 : memref<8x2048xf32, #tpu.memory_space<vmem>>) dst(%dma_wait3A_842 : memref<8x2048xf32, #tpu.memory_space<hbm>>)
    %dma_start3A_843 = arith.constant 37 : i32
    %dma_start3A_844 = arith.constant 0 : i32
    %dma_start3A_845 = tpu.memref_slice %arg5[%dma_start3A_843, %dma_start3A_844] : memref<64x8xi32, #tpu.memory_space<vmem>> -> memref<1x8xi32, #tpu.memory_space<vmem>>
    %dma_start3A_846 = tpu.memref_squeeze %dma_start3A_845 : memref<1x8xi32, #tpu.memory_space<vmem>> -> memref<8xi32, #tpu.memory_space<vmem>>
    %dma_start3A_847 = arith.constant 0 : i32
    %dma_start3A_848 = arith.constant 0 : i32
    %dma_start3A_849 = tpu.memref_slice %arg3[%dma_start3A_847, %dma_start3A_848] : memref<100000x2048xf32, #tpu.memory_space<hbm>> -> memref<100000x2048xf32, #tpu.memory_space<hbm>>
    tpu.enqueue_indirect_dma source(%dma_start3A_849 : memref<100000x2048xf32, #tpu.memory_space<hbm>>) target(%arg7 : memref<8x2048xf32, #tpu.memory_space<vmem>>) offsets(%dma_start3A_846 : memref<8xi32, #tpu.memory_space<vmem>>) semaphore(%arg13 : memref<!tpu.dma_semaphore, #tpu.memory_space<semaphore_mem>>)
    %dma_wait3A_850 = arith.constant 35 : i32
    %dma_wait3A_851 = arith.constant 0 : i32
    %dma_wait3A_852 = tpu.memref_slice %arg5[%dma_wait3A_850, %dma_wait3A_851] : memref<64x8xi32, #tpu.memory_space<vmem>> -> memref<1x8xi32, #tpu.memory_space<vmem>>
    %dma_wait3A_853 = tpu.memref_squeeze %dma_wait3A_852 : memref<1x8xi32, #tpu.memory_space<vmem>> -> memref<8xi32, #tpu.memory_space<vmem>>
    %dma_wait3A_854 = arith.constant 0 : i32
    %dma_wait3A_855 = arith.constant 0 : i32
    %dma_wait3A_856 = tpu.memref_slice %arg3[%dma_wait3A_854, %dma_wait3A_855] : memref<100000x2048xf32, #tpu.memory_space<hbm>> -> memref<100000x2048xf32, #tpu.memory_space<hbm>>
    tpu.wait_indirect_dma semaphore(%arg17 : memref<!tpu.dma_semaphore, #tpu.memory_space<semaphore_mem>>) src(%dma_wait3A_856 : memref<100000x2048xf32, #tpu.memory_space<hbm>>) dst(%arg11 : memref<8x2048xf32, #tpu.memory_space<vmem>>)
    %add3A_857 = arith.constant 280 : i32
    %add3A_858 = arith.addi %mul3A_2, %add3A_857 : i32
    %dma_start3A_859 = arith.constant 0 : i32
    %dma_start3A_860 = tpu.memref_slice %arg4[%add3A_858, %dma_start3A_859] : memref<16384x2048xf32, #tpu.memory_space<hbm>> -> memref<8x2048xf32, #tpu.memory_space<hbm>>
    %dma_start3A_861 = arith.constant 0 : i32
    %dma_start3A_862 = tpu.memref_slice %arg4[%add3A_858, %dma_start3A_861] : memref<16384x2048xf32, #tpu.memory_space<hbm>> -> memref<8x2048xf32, #tpu.memory_space<hbm>>
    tpu.enqueue_dma source(%arg11 : memref<8x2048xf32, #tpu.memory_space<vmem>>) target(%dma_start3A_862 : memref<8x2048xf32, #tpu.memory_space<hbm>>) target_semaphore(%arg23 : memref<!tpu.dma_semaphore, #tpu.memory_space<semaphore_mem>>)
    %dma_wait3A_863 = arith.constant 0 : i32
    %dma_wait3A_864 = tpu.memref_slice %arg4[%add3A_786, %dma_wait3A_863] : memref<16384x2048xf32, #tpu.memory_space<hbm>> -> memref<8x2048xf32, #tpu.memory_space<hbm>>
    %dma_wait3A_865 = arith.constant 0 : i32
    %dma_wait3A_866 = tpu.memref_slice %arg4[%add3A_786, %dma_wait3A_865] : memref<16384x2048xf32, #tpu.memory_space<hbm>> -> memref<8x2048xf32, #tpu.memory_space<hbm>>
    tpu.wait_dma2 semaphore(%arg20 : memref<!tpu.dma_semaphore, #tpu.memory_space<semaphore_mem>>) src(%arg8 : memref<8x2048xf32, #tpu.memory_space<vmem>>) dst(%dma_wait3A_866 : memref<8x2048xf32, #tpu.memory_space<hbm>>)
    %dma_start3A_867 = arith.constant 38 : i32
    %dma_start3A_868 = arith.constant 0 : i32
    %dma_start3A_869 = tpu.memref_slice %arg5[%dma_start3A_867, %dma_start3A_868] : memref<64x8xi32, #tpu.memory_space<vmem>> -> memref<1x8xi32, #tpu.memory_space<vmem>>
    %dma_start3A_870 = tpu.memref_squeeze %dma_start3A_869 : memref<1x8xi32, #tpu.memory_space<vmem>> -> memref<8xi32, #tpu.memory_space<vmem>>
    %dma_start3A_871 = arith.constant 0 : i32
    %dma_start3A_872 = arith.constant 0 : i32
    %dma_start3A_873 = tpu.memref_slice %arg3[%dma_start3A_871, %dma_start3A_872] : memref<100000x2048xf32, #tpu.memory_space<hbm>> -> memref<100000x2048xf32, #tpu.memory_space<hbm>>
    tpu.enqueue_indirect_dma source(%dma_start3A_873 : memref<100000x2048xf32, #tpu.memory_space<hbm>>) target(%arg8 : memref<8x2048xf32, #tpu.memory_space<vmem>>) offsets(%dma_start3A_870 : memref<8xi32, #tpu.memory_space<vmem>>) semaphore(%arg14 : memref<!tpu.dma_semaphore, #tpu.memory_space<semaphore_mem>>)
    %dma_wait3A_874 = arith.constant 36 : i32
    %dma_wait3A_875 = arith.constant 0 : i32
    %dma_wait3A_876 = tpu.memref_slice %arg5[%dma_wait3A_874, %dma_wait3A_875] : memref<64x8xi32, #tpu.memory_space<vmem>> -> memref<1x8xi32, #tpu.memory_space<vmem>>
    %dma_wait3A_877 = tpu.memref_squeeze %dma_wait3A_876 : memref<1x8xi32, #tpu.memory_space<vmem>> -> memref<8xi32, #tpu.memory_space<vmem>>
    %dma_wait3A_878 = arith.constant 0 : i32
    %dma_wait3A_879 = arith.constant 0 : i32
    %dma_wait3A_880 = tpu.memref_slice %arg3[%dma_wait3A_878, %dma_wait3A_879] : memref<100000x2048xf32, #tpu.memory_space<hbm>> -> memref<100000x2048xf32, #tpu.memory_space<hbm>>
    tpu.wait_indirect_dma semaphore(%arg12 : memref<!tpu.dma_semaphore, #tpu.memory_space<semaphore_mem>>) src(%dma_wait3A_880 : memref<100000x2048xf32, #tpu.memory_space<hbm>>) dst(%arg6 : memref<8x2048xf32, #tpu.memory_space<vmem>>)
    %add3A_881 = arith.constant 288 : i32
    %add3A_882 = arith.addi %mul3A_2, %add3A_881 : i32
    %dma_start3A_883 = arith.constant 0 : i32
    %dma_start3A_884 = tpu.memref_slice %arg4[%add3A_882, %dma_start3A_883] : memref<16384x2048xf32, #tpu.memory_space<hbm>> -> memref<8x2048xf32, #tpu.memory_space<hbm>>
    %dma_start3A_885 = arith.constant 0 : i32
    %dma_start3A_886 = tpu.memref_slice %arg4[%add3A_882, %dma_start3A_885] : memref<16384x2048xf32, #tpu.memory_space<hbm>> -> memref<8x2048xf32, #tpu.memory_space<hbm>>
    tpu.enqueue_dma source(%arg6 : memref<8x2048xf32, #tpu.memory_space<vmem>>) target(%dma_start3A_886 : memref<8x2048xf32, #tpu.memory_space<hbm>>) target_semaphore(%arg18 : memref<!tpu.dma_semaphore, #tpu.memory_space<semaphore_mem>>)
    %dma_wait3A_887 = arith.constant 0 : i32
    %dma_wait3A_888 = tpu.memref_slice %arg4[%add3A_810, %dma_wait3A_887] : memref<16384x2048xf32, #tpu.memory_space<hbm>> -> memref<8x2048xf32, #tpu.memory_space<hbm>>
    %dma_wait3A_889 = arith.constant 0 : i32
    %dma_wait3A_890 = tpu.memref_slice %arg4[%add3A_810, %dma_wait3A_889] : memref<16384x2048xf32, #tpu.memory_space<hbm>> -> memref<8x2048xf32, #tpu.memory_space<hbm>>
    tpu.wait_dma2 semaphore(%arg21 : memref<!tpu.dma_semaphore, #tpu.memory_space<semaphore_mem>>) src(%arg9 : memref<8x2048xf32, #tpu.memory_space<vmem>>) dst(%dma_wait3A_890 : memref<8x2048xf32, #tpu.memory_space<hbm>>)
    %dma_start3A_891 = arith.constant 39 : i32
    %dma_start3A_892 = arith.constant 0 : i32
    %dma_start3A_893 = tpu.memref_slice %arg5[%dma_start3A_891, %dma_start3A_892] : memref<64x8xi32, #tpu.memory_space<vmem>> -> memref<1x8xi32, #tpu.memory_space<vmem>>
    %dma_start3A_894 = tpu.memref_squeeze %dma_start3A_893 : memref<1x8xi32, #tpu.memory_space<vmem>> -> memref<8xi32, #tpu.memory_space<vmem>>
    %dma_start3A_895 = arith.constant 0 : i32
    %dma_start3A_896 = arith.constant 0 : i32
    %dma_start3A_897 = tpu.memref_slice %arg3[%dma_start3A_895, %dma_start3A_896] : memref<100000x2048xf32, #tpu.memory_space<hbm>> -> memref<100000x2048xf32, #tpu.memory_space<hbm>>
    tpu.enqueue_indirect_dma source(%dma_start3A_897 : memref<100000x2048xf32, #tpu.memory_space<hbm>>) target(%arg9 : memref<8x2048xf32, #tpu.memory_space<vmem>>) offsets(%dma_start3A_894 : memref<8xi32, #tpu.memory_space<vmem>>) semaphore(%arg15 : memref<!tpu.dma_semaphore, #tpu.memory_space<semaphore_mem>>)
    %dma_wait3A_898 = arith.constant 37 : i32
    %dma_wait3A_899 = arith.constant 0 : i32
    %dma_wait3A_900 = tpu.memref_slice %arg5[%dma_wait3A_898, %dma_wait3A_899] : memref<64x8xi32, #tpu.memory_space<vmem>> -> memref<1x8xi32, #tpu.memory_space<vmem>>
    %dma_wait3A_901 = tpu.memref_squeeze %dma_wait3A_900 : memref<1x8xi32, #tpu.memory_space<vmem>> -> memref<8xi32, #tpu.memory_space<vmem>>
    %dma_wait3A_902 = arith.constant 0 : i32
    %dma_wait3A_903 = arith.constant 0 : i32
    %dma_wait3A_904 = tpu.memref_slice %arg3[%dma_wait3A_902, %dma_wait3A_903] : memref<100000x2048xf32, #tpu.memory_space<hbm>> -> memref<100000x2048xf32, #tpu.memory_space<hbm>>
    tpu.wait_indirect_dma semaphore(%arg13 : memref<!tpu.dma_semaphore, #tpu.memory_space<semaphore_mem>>) src(%dma_wait3A_904 : memref<100000x2048xf32, #tpu.memory_space<hbm>>) dst(%arg7 : memref<8x2048xf32, #tpu.memory_space<vmem>>)
    %add3A_905 = arith.constant 296 : i32
    %add3A_906 = arith.addi %mul3A_2, %add3A_905 : i32
    %dma_start3A_907 = arith.constant 0 : i32
    %dma_start3A_908 = tpu.memref_slice %arg4[%add3A_906, %dma_start3A_907] : memref<16384x2048xf32, #tpu.memory_space<hbm>> -> memref<8x2048xf32, #tpu.memory_space<hbm>>
    %dma_start3A_909 = arith.constant 0 : i32
    %dma_start3A_910 = tpu.memref_slice %arg4[%add3A_906, %dma_start3A_909] : memref<16384x2048xf32, #tpu.memory_space<hbm>> -> memref<8x2048xf32, #tpu.memory_space<hbm>>
    tpu.enqueue_dma source(%arg7 : memref<8x2048xf32, #tpu.memory_space<vmem>>) target(%dma_start3A_910 : memref<8x2048xf32, #tpu.memory_space<hbm>>) target_semaphore(%arg19 : memref<!tpu.dma_semaphore, #tpu.memory_space<semaphore_mem>>)
    %dma_wait3A_911 = arith.constant 0 : i32
    %dma_wait3A_912 = tpu.memref_slice %arg4[%add3A_834, %dma_wait3A_911] : memref<16384x2048xf32, #tpu.memory_space<hbm>> -> memref<8x2048xf32, #tpu.memory_space<hbm>>
    %dma_wait3A_913 = arith.constant 0 : i32
    %dma_wait3A_914 = tpu.memref_slice %arg4[%add3A_834, %dma_wait3A_913] : memref<16384x2048xf32, #tpu.memory_space<hbm>> -> memref<8x2048xf32, #tpu.memory_space<hbm>>
    tpu.wait_dma2 semaphore(%arg22 : memref<!tpu.dma_semaphore, #tpu.memory_space<semaphore_mem>>) src(%arg10 : memref<8x2048xf32, #tpu.memory_space<vmem>>) dst(%dma_wait3A_914 : memref<8x2048xf32, #tpu.memory_space<hbm>>)
    %dma_start3A_915 = arith.constant 40 : i32
    %dma_start3A_916 = arith.constant 0 : i32
    %dma_start3A_917 = tpu.memref_slice %arg5[%dma_start3A_915, %dma_start3A_916] : memref<64x8xi32, #tpu.memory_space<vmem>> -> memref<1x8xi32, #tpu.memory_space<vmem>>
    %dma_start3A_918 = tpu.memref_squeeze %dma_start3A_917 : memref<1x8xi32, #tpu.memory_space<vmem>> -> memref<8xi32, #tpu.memory_space<vmem>>
    %dma_start3A_919 = arith.constant 0 : i32
    %dma_start3A_920 = arith.constant 0 : i32
    %dma_start3A_921 = tpu.memref_slice %arg3[%dma_start3A_919, %dma_start3A_920] : memref<100000x2048xf32, #tpu.memory_space<hbm>> -> memref<100000x2048xf32, #tpu.memory_space<hbm>>
    tpu.enqueue_indirect_dma source(%dma_start3A_921 : memref<100000x2048xf32, #tpu.memory_space<hbm>>) target(%arg10 : memref<8x2048xf32, #tpu.memory_space<vmem>>) offsets(%dma_start3A_918 : memref<8xi32, #tpu.memory_space<vmem>>) semaphore(%arg16 : memref<!tpu.dma_semaphore, #tpu.memory_space<semaphore_mem>>)
    %dma_wait3A_922 = arith.constant 38 : i32
    %dma_wait3A_923 = arith.constant 0 : i32
    %dma_wait3A_924 = tpu.memref_slice %arg5[%dma_wait3A_922, %dma_wait3A_923] : memref<64x8xi32, #tpu.memory_space<vmem>> -> memref<1x8xi32, #tpu.memory_space<vmem>>
    %dma_wait3A_925 = tpu.memref_squeeze %dma_wait3A_924 : memref<1x8xi32, #tpu.memory_space<vmem>> -> memref<8xi32, #tpu.memory_space<vmem>>
    %dma_wait3A_926 = arith.constant 0 : i32
    %dma_wait3A_927 = arith.constant 0 : i32
    %dma_wait3A_928 = tpu.memref_slice %arg3[%dma_wait3A_926, %dma_wait3A_927] : memref<100000x2048xf32, #tpu.memory_space<hbm>> -> memref<100000x2048xf32, #tpu.memory_space<hbm>>
    tpu.wait_indirect_dma semaphore(%arg14 : memref<!tpu.dma_semaphore, #tpu.memory_space<semaphore_mem>>) src(%dma_wait3A_928 : memref<100000x2048xf32, #tpu.memory_space<hbm>>) dst(%arg8 : memref<8x2048xf32, #tpu.memory_space<vmem>>)
    %add3A_929 = arith.constant 304 : i32
    %add3A_930 = arith.addi %mul3A_2, %add3A_929 : i32
    %dma_start3A_931 = arith.constant 0 : i32
    %dma_start3A_932 = tpu.memref_slice %arg4[%add3A_930, %dma_start3A_931] : memref<16384x2048xf32, #tpu.memory_space<hbm>> -> memref<8x2048xf32, #tpu.memory_space<hbm>>
    %dma_start3A_933 = arith.constant 0 : i32
    %dma_start3A_934 = tpu.memref_slice %arg4[%add3A_930, %dma_start3A_933] : memref<16384x2048xf32, #tpu.memory_space<hbm>> -> memref<8x2048xf32, #tpu.memory_space<hbm>>
    tpu.enqueue_dma source(%arg8 : memref<8x2048xf32, #tpu.memory_space<vmem>>) target(%dma_start3A_934 : memref<8x2048xf32, #tpu.memory_space<hbm>>) target_semaphore(%arg20 : memref<!tpu.dma_semaphore, #tpu.memory_space<semaphore_mem>>)
    %dma_wait3A_935 = arith.constant 0 : i32
    %dma_wait3A_936 = tpu.memref_slice %arg4[%add3A_858, %dma_wait3A_935] : memref<16384x2048xf32, #tpu.memory_space<hbm>> -> memref<8x2048xf32, #tpu.memory_space<hbm>>
    %dma_wait3A_937 = arith.constant 0 : i32
    %dma_wait3A_938 = tpu.memref_slice %arg4[%add3A_858, %dma_wait3A_937] : memref<16384x2048xf32, #tpu.memory_space<hbm>> -> memref<8x2048xf32, #tpu.memory_space<hbm>>
    tpu.wait_dma2 semaphore(%arg23 : memref<!tpu.dma_semaphore, #tpu.memory_space<semaphore_mem>>) src(%arg11 : memref<8x2048xf32, #tpu.memory_space<vmem>>) dst(%dma_wait3A_938 : memref<8x2048xf32, #tpu.memory_space<hbm>>)
    %dma_start3A_939 = arith.constant 41 : i32
    %dma_start3A_940 = arith.constant 0 : i32
    %dma_start3A_941 = tpu.memref_slice %arg5[%dma_start3A_939, %dma_start3A_940] : memref<64x8xi32, #tpu.memory_space<vmem>> -> memref<1x8xi32, #tpu.memory_space<vmem>>
    %dma_start3A_942 = tpu.memref_squeeze %dma_start3A_941 : memref<1x8xi32, #tpu.memory_space<vmem>> -> memref<8xi32, #tpu.memory_space<vmem>>
    %dma_start3A_943 = arith.constant 0 : i32
    %dma_start3A_944 = arith.constant 0 : i32
    %dma_start3A_945 = tpu.memref_slice %arg3[%dma_start3A_943, %dma_start3A_944] : memref<100000x2048xf32, #tpu.memory_space<hbm>> -> memref<100000x2048xf32, #tpu.memory_space<hbm>>
    tpu.enqueue_indirect_dma source(%dma_start3A_945 : memref<100000x2048xf32, #tpu.memory_space<hbm>>) target(%arg11 : memref<8x2048xf32, #tpu.memory_space<vmem>>) offsets(%dma_start3A_942 : memref<8xi32, #tpu.memory_space<vmem>>) semaphore(%arg17 : memref<!tpu.dma_semaphore, #tpu.memory_space<semaphore_mem>>)
    %dma_wait3A_946 = arith.constant 39 : i32
    %dma_wait3A_947 = arith.constant 0 : i32
    %dma_wait3A_948 = tpu.memref_slice %arg5[%dma_wait3A_946, %dma_wait3A_947] : memref<64x8xi32, #tpu.memory_space<vmem>> -> memref<1x8xi32, #tpu.memory_space<vmem>>
    %dma_wait3A_949 = tpu.memref_squeeze %dma_wait3A_948 : memref<1x8xi32, #tpu.memory_space<vmem>> -> memref<8xi32, #tpu.memory_space<vmem>>
    %dma_wait3A_950 = arith.constant 0 : i32
    %dma_wait3A_951 = arith.constant 0 : i32
    %dma_wait3A_952 = tpu.memref_slice %arg3[%dma_wait3A_950, %dma_wait3A_951] : memref<100000x2048xf32, #tpu.memory_space<hbm>> -> memref<100000x2048xf32, #tpu.memory_space<hbm>>
    tpu.wait_indirect_dma semaphore(%arg15 : memref<!tpu.dma_semaphore, #tpu.memory_space<semaphore_mem>>) src(%dma_wait3A_952 : memref<100000x2048xf32, #tpu.memory_space<hbm>>) dst(%arg9 : memref<8x2048xf32, #tpu.memory_space<vmem>>)
    %add3A_953 = arith.constant 312 : i32
    %add3A_954 = arith.addi %mul3A_2, %add3A_953 : i32
    %dma_start3A_955 = arith.constant 0 : i32
    %dma_start3A_956 = tpu.memref_slice %arg4[%add3A_954, %dma_start3A_955] : memref<16384x2048xf32, #tpu.memory_space<hbm>> -> memref<8x2048xf32, #tpu.memory_space<hbm>>
    %dma_start3A_957 = arith.constant 0 : i32
    %dma_start3A_958 = tpu.memref_slice %arg4[%add3A_954, %dma_start3A_957] : memref<16384x2048xf32, #tpu.memory_space<hbm>> -> memref<8x2048xf32, #tpu.memory_space<hbm>>
    tpu.enqueue_dma source(%arg9 : memref<8x2048xf32, #tpu.memory_space<vmem>>) target(%dma_start3A_958 : memref<8x2048xf32, #tpu.memory_space<hbm>>) target_semaphore(%arg21 : memref<!tpu.dma_semaphore, #tpu.memory_space<semaphore_mem>>)
    %dma_wait3A_959 = arith.constant 0 : i32
    %dma_wait3A_960 = tpu.memref_slice %arg4[%add3A_882, %dma_wait3A_959] : memref<16384x2048xf32, #tpu.memory_space<hbm>> -> memref<8x2048xf32, #tpu.memory_space<hbm>>
    %dma_wait3A_961 = arith.constant 0 : i32
    %dma_wait3A_962 = tpu.memref_slice %arg4[%add3A_882, %dma_wait3A_961] : memref<16384x2048xf32, #tpu.memory_space<hbm>> -> memref<8x2048xf32, #tpu.memory_space<hbm>>
    tpu.wait_dma2 semaphore(%arg18 : memref<!tpu.dma_semaphore, #tpu.memory_space<semaphore_mem>>) src(%arg6 : memref<8x2048xf32, #tpu.memory_space<vmem>>) dst(%dma_wait3A_962 : memref<8x2048xf32, #tpu.memory_space<hbm>>)
    %dma_start3A_963 = arith.constant 42 : i32
    %dma_start3A_964 = arith.constant 0 : i32
    %dma_start3A_965 = tpu.memref_slice %arg5[%dma_start3A_963, %dma_start3A_964] : memref<64x8xi32, #tpu.memory_space<vmem>> -> memref<1x8xi32, #tpu.memory_space<vmem>>
    %dma_start3A_966 = tpu.memref_squeeze %dma_start3A_965 : memref<1x8xi32, #tpu.memory_space<vmem>> -> memref<8xi32, #tpu.memory_space<vmem>>
    %dma_start3A_967 = arith.constant 0 : i32
    %dma_start3A_968 = arith.constant 0 : i32
    %dma_start3A_969 = tpu.memref_slice %arg3[%dma_start3A_967, %dma_start3A_968] : memref<100000x2048xf32, #tpu.memory_space<hbm>> -> memref<100000x2048xf32, #tpu.memory_space<hbm>>
    tpu.enqueue_indirect_dma source(%dma_start3A_969 : memref<100000x2048xf32, #tpu.memory_space<hbm>>) target(%arg6 : memref<8x2048xf32, #tpu.memory_space<vmem>>) offsets(%dma_start3A_966 : memref<8xi32, #tpu.memory_space<vmem>>) semaphore(%arg12 : memref<!tpu.dma_semaphore, #tpu.memory_space<semaphore_mem>>)
    %dma_wait3A_970 = arith.constant 40 : i32
    %dma_wait3A_971 = arith.constant 0 : i32
    %dma_wait3A_972 = tpu.memref_slice %arg5[%dma_wait3A_970, %dma_wait3A_971] : memref<64x8xi32, #tpu.memory_space<vmem>> -> memref<1x8xi32, #tpu.memory_space<vmem>>
    %dma_wait3A_973 = tpu.memref_squeeze %dma_wait3A_972 : memref<1x8xi32, #tpu.memory_space<vmem>> -> memref<8xi32, #tpu.memory_space<vmem>>
    %dma_wait3A_974 = arith.constant 0 : i32
    %dma_wait3A_975 = arith.constant 0 : i32
    %dma_wait3A_976 = tpu.memref_slice %arg3[%dma_wait3A_974, %dma_wait3A_975] : memref<100000x2048xf32, #tpu.memory_space<hbm>> -> memref<100000x2048xf32, #tpu.memory_space<hbm>>
    tpu.wait_indirect_dma semaphore(%arg16 : memref<!tpu.dma_semaphore, #tpu.memory_space<semaphore_mem>>) src(%dma_wait3A_976 : memref<100000x2048xf32, #tpu.memory_space<hbm>>) dst(%arg10 : memref<8x2048xf32, #tpu.memory_space<vmem>>)
    %add3A_977 = arith.constant 320 : i32
    %add3A_978 = arith.addi %mul3A_2, %add3A_977 : i32
    %dma_start3A_979 = arith.constant 0 : i32
    %dma_start3A_980 = tpu.memref_slice %arg4[%add3A_978, %dma_start3A_979] : memref<16384x2048xf32, #tpu.memory_space<hbm>> -> memref<8x2048xf32, #tpu.memory_space<hbm>>
    %dma_start3A_981 = arith.constant 0 : i32
    %dma_start3A_982 = tpu.memref_slice %arg4[%add3A_978, %dma_start3A_981] : memref<16384x2048xf32, #tpu.memory_space<hbm>> -> memref<8x2048xf32, #tpu.memory_space<hbm>>
    tpu.enqueue_dma source(%arg10 : memref<8x2048xf32, #tpu.memory_space<vmem>>) target(%dma_start3A_982 : memref<8x2048xf32, #tpu.memory_space<hbm>>) target_semaphore(%arg22 : memref<!tpu.dma_semaphore, #tpu.memory_space<semaphore_mem>>)
    %dma_wait3A_983 = arith.constant 0 : i32
    %dma_wait3A_984 = tpu.memref_slice %arg4[%add3A_906, %dma_wait3A_983] : memref<16384x2048xf32, #tpu.memory_space<hbm>> -> memref<8x2048xf32, #tpu.memory_space<hbm>>
    %dma_wait3A_985 = arith.constant 0 : i32
    %dma_wait3A_986 = tpu.memref_slice %arg4[%add3A_906, %dma_wait3A_985] : memref<16384x2048xf32, #tpu.memory_space<hbm>> -> memref<8x2048xf32, #tpu.memory_space<hbm>>
    tpu.wait_dma2 semaphore(%arg19 : memref<!tpu.dma_semaphore, #tpu.memory_space<semaphore_mem>>) src(%arg7 : memref<8x2048xf32, #tpu.memory_space<vmem>>) dst(%dma_wait3A_986 : memref<8x2048xf32, #tpu.memory_space<hbm>>)
    %dma_start3A_987 = arith.constant 43 : i32
    %dma_start3A_988 = arith.constant 0 : i32
    %dma_start3A_989 = tpu.memref_slice %arg5[%dma_start3A_987, %dma_start3A_988] : memref<64x8xi32, #tpu.memory_space<vmem>> -> memref<1x8xi32, #tpu.memory_space<vmem>>
    %dma_start3A_990 = tpu.memref_squeeze %dma_start3A_989 : memref<1x8xi32, #tpu.memory_space<vmem>> -> memref<8xi32, #tpu.memory_space<vmem>>
    %dma_start3A_991 = arith.constant 0 : i32
    %dma_start3A_992 = arith.constant 0 : i32
    %dma_start3A_993 = tpu.memref_slice %arg3[%dma_start3A_991, %dma_start3A_992] : memref<100000x2048xf32, #tpu.memory_space<hbm>> -> memref<100000x2048xf32, #tpu.memory_space<hbm>>
    tpu.enqueue_indirect_dma source(%dma_start3A_993 : memref<100000x2048xf32, #tpu.memory_space<hbm>>) target(%arg7 : memref<8x2048xf32, #tpu.memory_space<vmem>>) offsets(%dma_start3A_990 : memref<8xi32, #tpu.memory_space<vmem>>) semaphore(%arg13 : memref<!tpu.dma_semaphore, #tpu.memory_space<semaphore_mem>>)
    %dma_wait3A_994 = arith.constant 41 : i32
    %dma_wait3A_995 = arith.constant 0 : i32
    %dma_wait3A_996 = tpu.memref_slice %arg5[%dma_wait3A_994, %dma_wait3A_995] : memref<64x8xi32, #tpu.memory_space<vmem>> -> memref<1x8xi32, #tpu.memory_space<vmem>>
    %dma_wait3A_997 = tpu.memref_squeeze %dma_wait3A_996 : memref<1x8xi32, #tpu.memory_space<vmem>> -> memref<8xi32, #tpu.memory_space<vmem>>
    %dma_wait3A_998 = arith.constant 0 : i32
    %dma_wait3A_999 = arith.constant 0 : i32
    %dma_wait3A_1000 = tpu.memref_slice %arg3[%dma_wait3A_998, %dma_wait3A_999] : memref<100000x2048xf32, #tpu.memory_space<hbm>> -> memref<100000x2048xf32, #tpu.memory_space<hbm>>
    tpu.wait_indirect_dma semaphore(%arg17 : memref<!tpu.dma_semaphore, #tpu.memory_space<semaphore_mem>>) src(%dma_wait3A_1000 : memref<100000x2048xf32, #tpu.memory_space<hbm>>) dst(%arg11 : memref<8x2048xf32, #tpu.memory_space<vmem>>)
    %add3A_1001 = arith.constant 328 : i32
    %add3A_1002 = arith.addi %mul3A_2, %add3A_1001 : i32
    %dma_start3A_1003 = arith.constant 0 : i32
    %dma_start3A_1004 = tpu.memref_slice %arg4[%add3A_1002, %dma_start3A_1003] : memref<16384x2048xf32, #tpu.memory_space<hbm>> -> memref<8x2048xf32, #tpu.memory_space<hbm>>
    %dma_start3A_1005 = arith.constant 0 : i32
    %dma_start3A_1006 = tpu.memref_slice %arg4[%add3A_1002, %dma_start3A_1005] : memref<16384x2048xf32, #tpu.memory_space<hbm>> -> memref<8x2048xf32, #tpu.memory_space<hbm>>
    tpu.enqueue_dma source(%arg11 : memref<8x2048xf32, #tpu.memory_space<vmem>>) target(%dma_start3A_1006 : memref<8x2048xf32, #tpu.memory_space<hbm>>) target_semaphore(%arg23 : memref<!tpu.dma_semaphore, #tpu.memory_space<semaphore_mem>>)
    %dma_wait3A_1007 = arith.constant 0 : i32
    %dma_wait3A_1008 = tpu.memref_slice %arg4[%add3A_930, %dma_wait3A_1007] : memref<16384x2048xf32, #tpu.memory_space<hbm>> -> memref<8x2048xf32, #tpu.memory_space<hbm>>
    %dma_wait3A_1009 = arith.constant 0 : i32
    %dma_wait3A_1010 = tpu.memref_slice %arg4[%add3A_930, %dma_wait3A_1009] : memref<16384x2048xf32, #tpu.memory_space<hbm>> -> memref<8x2048xf32, #tpu.memory_space<hbm>>
    tpu.wait_dma2 semaphore(%arg20 : memref<!tpu.dma_semaphore, #tpu.memory_space<semaphore_mem>>) src(%arg8 : memref<8x2048xf32, #tpu.memory_space<vmem>>) dst(%dma_wait3A_1010 : memref<8x2048xf32, #tpu.memory_space<hbm>>)
    %dma_start3A_1011 = arith.constant 44 : i32
    %dma_start3A_1012 = arith.constant 0 : i32
    %dma_start3A_1013 = tpu.memref_slice %arg5[%dma_start3A_1011, %dma_start3A_1012] : memref<64x8xi32, #tpu.memory_space<vmem>> -> memref<1x8xi32, #tpu.memory_space<vmem>>
    %dma_start3A_1014 = tpu.memref_squeeze %dma_start3A_1013 : memref<1x8xi32, #tpu.memory_space<vmem>> -> memref<8xi32, #tpu.memory_space<vmem>>
    %dma_start3A_1015 = arith.constant 0 : i32
    %dma_start3A_1016 = arith.constant 0 : i32
    %dma_start3A_1017 = tpu.memref_slice %arg3[%dma_start3A_1015, %dma_start3A_1016] : memref<100000x2048xf32, #tpu.memory_space<hbm>> -> memref<100000x2048xf32, #tpu.memory_space<hbm>>
    tpu.enqueue_indirect_dma source(%dma_start3A_1017 : memref<100000x2048xf32, #tpu.memory_space<hbm>>) target(%arg8 : memref<8x2048xf32, #tpu.memory_space<vmem>>) offsets(%dma_start3A_1014 : memref<8xi32, #tpu.memory_space<vmem>>) semaphore(%arg14 : memref<!tpu.dma_semaphore, #tpu.memory_space<semaphore_mem>>)
    %dma_wait3A_1018 = arith.constant 42 : i32
    %dma_wait3A_1019 = arith.constant 0 : i32
    %dma_wait3A_1020 = tpu.memref_slice %arg5[%dma_wait3A_1018, %dma_wait3A_1019] : memref<64x8xi32, #tpu.memory_space<vmem>> -> memref<1x8xi32, #tpu.memory_space<vmem>>
    %dma_wait3A_1021 = tpu.memref_squeeze %dma_wait3A_1020 : memref<1x8xi32, #tpu.memory_space<vmem>> -> memref<8xi32, #tpu.memory_space<vmem>>
    %dma_wait3A_1022 = arith.constant 0 : i32
    %dma_wait3A_1023 = arith.constant 0 : i32
    %dma_wait3A_1024 = tpu.memref_slice %arg3[%dma_wait3A_1022, %dma_wait3A_1023] : memref<100000x2048xf32, #tpu.memory_space<hbm>> -> memref<100000x2048xf32, #tpu.memory_space<hbm>>
    tpu.wait_indirect_dma semaphore(%arg12 : memref<!tpu.dma_semaphore, #tpu.memory_space<semaphore_mem>>) src(%dma_wait3A_1024 : memref<100000x2048xf32, #tpu.memory_space<hbm>>) dst(%arg6 : memref<8x2048xf32, #tpu.memory_space<vmem>>)
    %add3A_1025 = arith.constant 336 : i32
    %add3A_1026 = arith.addi %mul3A_2, %add3A_1025 : i32
    %dma_start3A_1027 = arith.constant 0 : i32
    %dma_start3A_1028 = tpu.memref_slice %arg4[%add3A_1026, %dma_start3A_1027] : memref<16384x2048xf32, #tpu.memory_space<hbm>> -> memref<8x2048xf32, #tpu.memory_space<hbm>>
    %dma_start3A_1029 = arith.constant 0 : i32
    %dma_start3A_1030 = tpu.memref_slice %arg4[%add3A_1026, %dma_start3A_1029] : memref<16384x2048xf32, #tpu.memory_space<hbm>> -> memref<8x2048xf32, #tpu.memory_space<hbm>>
    tpu.enqueue_dma source(%arg6 : memref<8x2048xf32, #tpu.memory_space<vmem>>) target(%dma_start3A_1030 : memref<8x2048xf32, #tpu.memory_space<hbm>>) target_semaphore(%arg18 : memref<!tpu.dma_semaphore, #tpu.memory_space<semaphore_mem>>)
    %dma_wait3A_1031 = arith.constant 0 : i32
    %dma_wait3A_1032 = tpu.memref_slice %arg4[%add3A_954, %dma_wait3A_1031] : memref<16384x2048xf32, #tpu.memory_space<hbm>> -> memref<8x2048xf32, #tpu.memory_space<hbm>>
    %dma_wait3A_1033 = arith.constant 0 : i32
    %dma_wait3A_1034 = tpu.memref_slice %arg4[%add3A_954, %dma_wait3A_1033] : memref<16384x2048xf32, #tpu.memory_space<hbm>> -> memref<8x2048xf32, #tpu.memory_space<hbm>>
    tpu.wait_dma2 semaphore(%arg21 : memref<!tpu.dma_semaphore, #tpu.memory_space<semaphore_mem>>) src(%arg9 : memref<8x2048xf32, #tpu.memory_space<vmem>>) dst(%dma_wait3A_1034 : memref<8x2048xf32, #tpu.memory_space<hbm>>)
    %dma_start3A_1035 = arith.constant 45 : i32
    %dma_start3A_1036 = arith.constant 0 : i32
    %dma_start3A_1037 = tpu.memref_slice %arg5[%dma_start3A_1035, %dma_start3A_1036] : memref<64x8xi32, #tpu.memory_space<vmem>> -> memref<1x8xi32, #tpu.memory_space<vmem>>
    %dma_start3A_1038 = tpu.memref_squeeze %dma_start3A_1037 : memref<1x8xi32, #tpu.memory_space<vmem>> -> memref<8xi32, #tpu.memory_space<vmem>>
    %dma_start3A_1039 = arith.constant 0 : i32
    %dma_start3A_1040 = arith.constant 0 : i32
    %dma_start3A_1041 = tpu.memref_slice %arg3[%dma_start3A_1039, %dma_start3A_1040] : memref<100000x2048xf32, #tpu.memory_space<hbm>> -> memref<100000x2048xf32, #tpu.memory_space<hbm>>
    tpu.enqueue_indirect_dma source(%dma_start3A_1041 : memref<100000x2048xf32, #tpu.memory_space<hbm>>) target(%arg9 : memref<8x2048xf32, #tpu.memory_space<vmem>>) offsets(%dma_start3A_1038 : memref<8xi32, #tpu.memory_space<vmem>>) semaphore(%arg15 : memref<!tpu.dma_semaphore, #tpu.memory_space<semaphore_mem>>)
    %dma_wait3A_1042 = arith.constant 43 : i32
    %dma_wait3A_1043 = arith.constant 0 : i32
    %dma_wait3A_1044 = tpu.memref_slice %arg5[%dma_wait3A_1042, %dma_wait3A_1043] : memref<64x8xi32, #tpu.memory_space<vmem>> -> memref<1x8xi32, #tpu.memory_space<vmem>>
    %dma_wait3A_1045 = tpu.memref_squeeze %dma_wait3A_1044 : memref<1x8xi32, #tpu.memory_space<vmem>> -> memref<8xi32, #tpu.memory_space<vmem>>
    %dma_wait3A_1046 = arith.constant 0 : i32
    %dma_wait3A_1047 = arith.constant 0 : i32
    %dma_wait3A_1048 = tpu.memref_slice %arg3[%dma_wait3A_1046, %dma_wait3A_1047] : memref<100000x2048xf32, #tpu.memory_space<hbm>> -> memref<100000x2048xf32, #tpu.memory_space<hbm>>
    tpu.wait_indirect_dma semaphore(%arg13 : memref<!tpu.dma_semaphore, #tpu.memory_space<semaphore_mem>>) src(%dma_wait3A_1048 : memref<100000x2048xf32, #tpu.memory_space<hbm>>) dst(%arg7 : memref<8x2048xf32, #tpu.memory_space<vmem>>)
    %add3A_1049 = arith.constant 344 : i32
    %add3A_1050 = arith.addi %mul3A_2, %add3A_1049 : i32
    %dma_start3A_1051 = arith.constant 0 : i32
    %dma_start3A_1052 = tpu.memref_slice %arg4[%add3A_1050, %dma_start3A_1051] : memref<16384x2048xf32, #tpu.memory_space<hbm>> -> memref<8x2048xf32, #tpu.memory_space<hbm>>
    %dma_start3A_1053 = arith.constant 0 : i32
    %dma_start3A_1054 = tpu.memref_slice %arg4[%add3A_1050, %dma_start3A_1053] : memref<16384x2048xf32, #tpu.memory_space<hbm>> -> memref<8x2048xf32, #tpu.memory_space<hbm>>
    tpu.enqueue_dma source(%arg7 : memref<8x2048xf32, #tpu.memory_space<vmem>>) target(%dma_start3A_1054 : memref<8x2048xf32, #tpu.memory_space<hbm>>) target_semaphore(%arg19 : memref<!tpu.dma_semaphore, #tpu.memory_space<semaphore_mem>>)
    %dma_wait3A_1055 = arith.constant 0 : i32
    %dma_wait3A_1056 = tpu.memref_slice %arg4[%add3A_978, %dma_wait3A_1055] : memref<16384x2048xf32, #tpu.memory_space<hbm>> -> memref<8x2048xf32, #tpu.memory_space<hbm>>
    %dma_wait3A_1057 = arith.constant 0 : i32
    %dma_wait3A_1058 = tpu.memref_slice %arg4[%add3A_978, %dma_wait3A_1057] : memref<16384x2048xf32, #tpu.memory_space<hbm>> -> memref<8x2048xf32, #tpu.memory_space<hbm>>
    tpu.wait_dma2 semaphore(%arg22 : memref<!tpu.dma_semaphore, #tpu.memory_space<semaphore_mem>>) src(%arg10 : memref<8x2048xf32, #tpu.memory_space<vmem>>) dst(%dma_wait3A_1058 : memref<8x2048xf32, #tpu.memory_space<hbm>>)
    %dma_start3A_1059 = arith.constant 46 : i32
    %dma_start3A_1060 = arith.constant 0 : i32
    %dma_start3A_1061 = tpu.memref_slice %arg5[%dma_start3A_1059, %dma_start3A_1060] : memref<64x8xi32, #tpu.memory_space<vmem>> -> memref<1x8xi32, #tpu.memory_space<vmem>>
    %dma_start3A_1062 = tpu.memref_squeeze %dma_start3A_1061 : memref<1x8xi32, #tpu.memory_space<vmem>> -> memref<8xi32, #tpu.memory_space<vmem>>
    %dma_start3A_1063 = arith.constant 0 : i32
    %dma_start3A_1064 = arith.constant 0 : i32
    %dma_start3A_1065 = tpu.memref_slice %arg3[%dma_start3A_1063, %dma_start3A_1064] : memref<100000x2048xf32, #tpu.memory_space<hbm>> -> memref<100000x2048xf32, #tpu.memory_space<hbm>>
    tpu.enqueue_indirect_dma source(%dma_start3A_1065 : memref<100000x2048xf32, #tpu.memory_space<hbm>>) target(%arg10 : memref<8x2048xf32, #tpu.memory_space<vmem>>) offsets(%dma_start3A_1062 : memref<8xi32, #tpu.memory_space<vmem>>) semaphore(%arg16 : memref<!tpu.dma_semaphore, #tpu.memory_space<semaphore_mem>>)
    %dma_wait3A_1066 = arith.constant 44 : i32
    %dma_wait3A_1067 = arith.constant 0 : i32
    %dma_wait3A_1068 = tpu.memref_slice %arg5[%dma_wait3A_1066, %dma_wait3A_1067] : memref<64x8xi32, #tpu.memory_space<vmem>> -> memref<1x8xi32, #tpu.memory_space<vmem>>
    %dma_wait3A_1069 = tpu.memref_squeeze %dma_wait3A_1068 : memref<1x8xi32, #tpu.memory_space<vmem>> -> memref<8xi32, #tpu.memory_space<vmem>>
    %dma_wait3A_1070 = arith.constant 0 : i32
    %dma_wait3A_1071 = arith.constant 0 : i32
    %dma_wait3A_1072 = tpu.memref_slice %arg3[%dma_wait3A_1070, %dma_wait3A_1071] : memref<100000x2048xf32, #tpu.memory_space<hbm>> -> memref<100000x2048xf32, #tpu.memory_space<hbm>>
    tpu.wait_indirect_dma semaphore(%arg14 : memref<!tpu.dma_semaphore, #tpu.memory_space<semaphore_mem>>) src(%dma_wait3A_1072 : memref<100000x2048xf32, #tpu.memory_space<hbm>>) dst(%arg8 : memref<8x2048xf32, #tpu.memory_space<vmem>>)
    %add3A_1073 = arith.constant 352 : i32
    %add3A_1074 = arith.addi %mul3A_2, %add3A_1073 : i32
    %dma_start3A_1075 = arith.constant 0 : i32
    %dma_start3A_1076 = tpu.memref_slice %arg4[%add3A_1074, %dma_start3A_1075] : memref<16384x2048xf32, #tpu.memory_space<hbm>> -> memref<8x2048xf32, #tpu.memory_space<hbm>>
    %dma_start3A_1077 = arith.constant 0 : i32
    %dma_start3A_1078 = tpu.memref_slice %arg4[%add3A_1074, %dma_start3A_1077] : memref<16384x2048xf32, #tpu.memory_space<hbm>> -> memref<8x2048xf32, #tpu.memory_space<hbm>>
    tpu.enqueue_dma source(%arg8 : memref<8x2048xf32, #tpu.memory_space<vmem>>) target(%dma_start3A_1078 : memref<8x2048xf32, #tpu.memory_space<hbm>>) target_semaphore(%arg20 : memref<!tpu.dma_semaphore, #tpu.memory_space<semaphore_mem>>)
    %dma_wait3A_1079 = arith.constant 0 : i32
    %dma_wait3A_1080 = tpu.memref_slice %arg4[%add3A_1002, %dma_wait3A_1079] : memref<16384x2048xf32, #tpu.memory_space<hbm>> -> memref<8x2048xf32, #tpu.memory_space<hbm>>
    %dma_wait3A_1081 = arith.constant 0 : i32
    %dma_wait3A_1082 = tpu.memref_slice %arg4[%add3A_1002, %dma_wait3A_1081] : memref<16384x2048xf32, #tpu.memory_space<hbm>> -> memref<8x2048xf32, #tpu.memory_space<hbm>>
    tpu.wait_dma2 semaphore(%arg23 : memref<!tpu.dma_semaphore, #tpu.memory_space<semaphore_mem>>) src(%arg11 : memref<8x2048xf32, #tpu.memory_space<vmem>>) dst(%dma_wait3A_1082 : memref<8x2048xf32, #tpu.memory_space<hbm>>)
    %dma_start3A_1083 = arith.constant 47 : i32
    %dma_start3A_1084 = arith.constant 0 : i32
    %dma_start3A_1085 = tpu.memref_slice %arg5[%dma_start3A_1083, %dma_start3A_1084] : memref<64x8xi32, #tpu.memory_space<vmem>> -> memref<1x8xi32, #tpu.memory_space<vmem>>
    %dma_start3A_1086 = tpu.memref_squeeze %dma_start3A_1085 : memref<1x8xi32, #tpu.memory_space<vmem>> -> memref<8xi32, #tpu.memory_space<vmem>>
    %dma_start3A_1087 = arith.constant 0 : i32
    %dma_start3A_1088 = arith.constant 0 : i32
    %dma_start3A_1089 = tpu.memref_slice %arg3[%dma_start3A_1087, %dma_start3A_1088] : memref<100000x2048xf32, #tpu.memory_space<hbm>> -> memref<100000x2048xf32, #tpu.memory_space<hbm>>
    tpu.enqueue_indirect_dma source(%dma_start3A_1089 : memref<100000x2048xf32, #tpu.memory_space<hbm>>) target(%arg11 : memref<8x2048xf32, #tpu.memory_space<vmem>>) offsets(%dma_start3A_1086 : memref<8xi32, #tpu.memory_space<vmem>>) semaphore(%arg17 : memref<!tpu.dma_semaphore, #tpu.memory_space<semaphore_mem>>)
    %dma_wait3A_1090 = arith.constant 45 : i32
    %dma_wait3A_1091 = arith.constant 0 : i32
    %dma_wait3A_1092 = tpu.memref_slice %arg5[%dma_wait3A_1090, %dma_wait3A_1091] : memref<64x8xi32, #tpu.memory_space<vmem>> -> memref<1x8xi32, #tpu.memory_space<vmem>>
    %dma_wait3A_1093 = tpu.memref_squeeze %dma_wait3A_1092 : memref<1x8xi32, #tpu.memory_space<vmem>> -> memref<8xi32, #tpu.memory_space<vmem>>
    %dma_wait3A_1094 = arith.constant 0 : i32
    %dma_wait3A_1095 = arith.constant 0 : i32
    %dma_wait3A_1096 = tpu.memref_slice %arg3[%dma_wait3A_1094, %dma_wait3A_1095] : memref<100000x2048xf32, #tpu.memory_space<hbm>> -> memref<100000x2048xf32, #tpu.memory_space<hbm>>
    tpu.wait_indirect_dma semaphore(%arg15 : memref<!tpu.dma_semaphore, #tpu.memory_space<semaphore_mem>>) src(%dma_wait3A_1096 : memref<100000x2048xf32, #tpu.memory_space<hbm>>) dst(%arg9 : memref<8x2048xf32, #tpu.memory_space<vmem>>)
    %add3A_1097 = arith.constant 360 : i32
    %add3A_1098 = arith.addi %mul3A_2, %add3A_1097 : i32
    %dma_start3A_1099 = arith.constant 0 : i32
    %dma_start3A_1100 = tpu.memref_slice %arg4[%add3A_1098, %dma_start3A_1099] : memref<16384x2048xf32, #tpu.memory_space<hbm>> -> memref<8x2048xf32, #tpu.memory_space<hbm>>
    %dma_start3A_1101 = arith.constant 0 : i32
    %dma_start3A_1102 = tpu.memref_slice %arg4[%add3A_1098, %dma_start3A_1101] : memref<16384x2048xf32, #tpu.memory_space<hbm>> -> memref<8x2048xf32, #tpu.memory_space<hbm>>
    tpu.enqueue_dma source(%arg9 : memref<8x2048xf32, #tpu.memory_space<vmem>>) target(%dma_start3A_1102 : memref<8x2048xf32, #tpu.memory_space<hbm>>) target_semaphore(%arg21 : memref<!tpu.dma_semaphore, #tpu.memory_space<semaphore_mem>>)
    %dma_wait3A_1103 = arith.constant 0 : i32
    %dma_wait3A_1104 = tpu.memref_slice %arg4[%add3A_1026, %dma_wait3A_1103] : memref<16384x2048xf32, #tpu.memory_space<hbm>> -> memref<8x2048xf32, #tpu.memory_space<hbm>>
    %dma_wait3A_1105 = arith.constant 0 : i32
    %dma_wait3A_1106 = tpu.memref_slice %arg4[%add3A_1026, %dma_wait3A_1105] : memref<16384x2048xf32, #tpu.memory_space<hbm>> -> memref<8x2048xf32, #tpu.memory_space<hbm>>
    tpu.wait_dma2 semaphore(%arg18 : memref<!tpu.dma_semaphore, #tpu.memory_space<semaphore_mem>>) src(%arg6 : memref<8x2048xf32, #tpu.memory_space<vmem>>) dst(%dma_wait3A_1106 : memref<8x2048xf32, #tpu.memory_space<hbm>>)
    %dma_start3A_1107 = arith.constant 48 : i32
    %dma_start3A_1108 = arith.constant 0 : i32
    %dma_start3A_1109 = tpu.memref_slice %arg5[%dma_start3A_1107, %dma_start3A_1108] : memref<64x8xi32, #tpu.memory_space<vmem>> -> memref<1x8xi32, #tpu.memory_space<vmem>>
    %dma_start3A_1110 = tpu.memref_squeeze %dma_start3A_1109 : memref<1x8xi32, #tpu.memory_space<vmem>> -> memref<8xi32, #tpu.memory_space<vmem>>
    %dma_start3A_1111 = arith.constant 0 : i32
    %dma_start3A_1112 = arith.constant 0 : i32
    %dma_start3A_1113 = tpu.memref_slice %arg3[%dma_start3A_1111, %dma_start3A_1112] : memref<100000x2048xf32, #tpu.memory_space<hbm>> -> memref<100000x2048xf32, #tpu.memory_space<hbm>>
    tpu.enqueue_indirect_dma source(%dma_start3A_1113 : memref<100000x2048xf32, #tpu.memory_space<hbm>>) target(%arg6 : memref<8x2048xf32, #tpu.memory_space<vmem>>) offsets(%dma_start3A_1110 : memref<8xi32, #tpu.memory_space<vmem>>) semaphore(%arg12 : memref<!tpu.dma_semaphore, #tpu.memory_space<semaphore_mem>>)
    %dma_wait3A_1114 = arith.constant 46 : i32
    %dma_wait3A_1115 = arith.constant 0 : i32
    %dma_wait3A_1116 = tpu.memref_slice %arg5[%dma_wait3A_1114, %dma_wait3A_1115] : memref<64x8xi32, #tpu.memory_space<vmem>> -> memref<1x8xi32, #tpu.memory_space<vmem>>
    %dma_wait3A_1117 = tpu.memref_squeeze %dma_wait3A_1116 : memref<1x8xi32, #tpu.memory_space<vmem>> -> memref<8xi32, #tpu.memory_space<vmem>>
    %dma_wait3A_1118 = arith.constant 0 : i32
    %dma_wait3A_1119 = arith.constant 0 : i32
    %dma_wait3A_1120 = tpu.memref_slice %arg3[%dma_wait3A_1118, %dma_wait3A_1119] : memref<100000x2048xf32, #tpu.memory_space<hbm>> -> memref<100000x2048xf32, #tpu.memory_space<hbm>>
    tpu.wait_indirect_dma semaphore(%arg16 : memref<!tpu.dma_semaphore, #tpu.memory_space<semaphore_mem>>) src(%dma_wait3A_1120 : memref<100000x2048xf32, #tpu.memory_space<hbm>>) dst(%arg10 : memref<8x2048xf32, #tpu.memory_space<vmem>>)
    %add3A_1121 = arith.constant 368 : i32
    %add3A_1122 = arith.addi %mul3A_2, %add3A_1121 : i32
    %dma_start3A_1123 = arith.constant 0 : i32
    %dma_start3A_1124 = tpu.memref_slice %arg4[%add3A_1122, %dma_start3A_1123] : memref<16384x2048xf32, #tpu.memory_space<hbm>> -> memref<8x2048xf32, #tpu.memory_space<hbm>>
    %dma_start3A_1125 = arith.constant 0 : i32
    %dma_start3A_1126 = tpu.memref_slice %arg4[%add3A_1122, %dma_start3A_1125] : memref<16384x2048xf32, #tpu.memory_space<hbm>> -> memref<8x2048xf32, #tpu.memory_space<hbm>>
    tpu.enqueue_dma source(%arg10 : memref<8x2048xf32, #tpu.memory_space<vmem>>) target(%dma_start3A_1126 : memref<8x2048xf32, #tpu.memory_space<hbm>>) target_semaphore(%arg22 : memref<!tpu.dma_semaphore, #tpu.memory_space<semaphore_mem>>)
    %dma_wait3A_1127 = arith.constant 0 : i32
    %dma_wait3A_1128 = tpu.memref_slice %arg4[%add3A_1050, %dma_wait3A_1127] : memref<16384x2048xf32, #tpu.memory_space<hbm>> -> memref<8x2048xf32, #tpu.memory_space<hbm>>
    %dma_wait3A_1129 = arith.constant 0 : i32
    %dma_wait3A_1130 = tpu.memref_slice %arg4[%add3A_1050, %dma_wait3A_1129] : memref<16384x2048xf32, #tpu.memory_space<hbm>> -> memref<8x2048xf32, #tpu.memory_space<hbm>>
    tpu.wait_dma2 semaphore(%arg19 : memref<!tpu.dma_semaphore, #tpu.memory_space<semaphore_mem>>) src(%arg7 : memref<8x2048xf32, #tpu.memory_space<vmem>>) dst(%dma_wait3A_1130 : memref<8x2048xf32, #tpu.memory_space<hbm>>)
    %dma_start3A_1131 = arith.constant 49 : i32
    %dma_start3A_1132 = arith.constant 0 : i32
    %dma_start3A_1133 = tpu.memref_slice %arg5[%dma_start3A_1131, %dma_start3A_1132] : memref<64x8xi32, #tpu.memory_space<vmem>> -> memref<1x8xi32, #tpu.memory_space<vmem>>
    %dma_start3A_1134 = tpu.memref_squeeze %dma_start3A_1133 : memref<1x8xi32, #tpu.memory_space<vmem>> -> memref<8xi32, #tpu.memory_space<vmem>>
    %dma_start3A_1135 = arith.constant 0 : i32
    %dma_start3A_1136 = arith.constant 0 : i32
    %dma_start3A_1137 = tpu.memref_slice %arg3[%dma_start3A_1135, %dma_start3A_1136] : memref<100000x2048xf32, #tpu.memory_space<hbm>> -> memref<100000x2048xf32, #tpu.memory_space<hbm>>
    tpu.enqueue_indirect_dma source(%dma_start3A_1137 : memref<100000x2048xf32, #tpu.memory_space<hbm>>) target(%arg7 : memref<8x2048xf32, #tpu.memory_space<vmem>>) offsets(%dma_start3A_1134 : memref<8xi32, #tpu.memory_space<vmem>>) semaphore(%arg13 : memref<!tpu.dma_semaphore, #tpu.memory_space<semaphore_mem>>)
    %dma_wait3A_1138 = arith.constant 47 : i32
    %dma_wait3A_1139 = arith.constant 0 : i32
    %dma_wait3A_1140 = tpu.memref_slice %arg5[%dma_wait3A_1138, %dma_wait3A_1139] : memref<64x8xi32, #tpu.memory_space<vmem>> -> memref<1x8xi32, #tpu.memory_space<vmem>>
    %dma_wait3A_1141 = tpu.memref_squeeze %dma_wait3A_1140 : memref<1x8xi32, #tpu.memory_space<vmem>> -> memref<8xi32, #tpu.memory_space<vmem>>
    %dma_wait3A_1142 = arith.constant 0 : i32
    %dma_wait3A_1143 = arith.constant 0 : i32
    %dma_wait3A_1144 = tpu.memref_slice %arg3[%dma_wait3A_1142, %dma_wait3A_1143] : memref<100000x2048xf32, #tpu.memory_space<hbm>> -> memref<100000x2048xf32, #tpu.memory_space<hbm>>
    tpu.wait_indirect_dma semaphore(%arg17 : memref<!tpu.dma_semaphore, #tpu.memory_space<semaphore_mem>>) src(%dma_wait3A_1144 : memref<100000x2048xf32, #tpu.memory_space<hbm>>) dst(%arg11 : memref<8x2048xf32, #tpu.memory_space<vmem>>)
    %add3A_1145 = arith.constant 376 : i32
    %add3A_1146 = arith.addi %mul3A_2, %add3A_1145 : i32
    %dma_start3A_1147 = arith.constant 0 : i32
    %dma_start3A_1148 = tpu.memref_slice %arg4[%add3A_1146, %dma_start3A_1147] : memref<16384x2048xf32, #tpu.memory_space<hbm>> -> memref<8x2048xf32, #tpu.memory_space<hbm>>
    %dma_start3A_1149 = arith.constant 0 : i32
    %dma_start3A_1150 = tpu.memref_slice %arg4[%add3A_1146, %dma_start3A_1149] : memref<16384x2048xf32, #tpu.memory_space<hbm>> -> memref<8x2048xf32, #tpu.memory_space<hbm>>
    tpu.enqueue_dma source(%arg11 : memref<8x2048xf32, #tpu.memory_space<vmem>>) target(%dma_start3A_1150 : memref<8x2048xf32, #tpu.memory_space<hbm>>) target_semaphore(%arg23 : memref<!tpu.dma_semaphore, #tpu.memory_space<semaphore_mem>>)
    %dma_wait3A_1151 = arith.constant 0 : i32
    %dma_wait3A_1152 = tpu.memref_slice %arg4[%add3A_1074, %dma_wait3A_1151] : memref<16384x2048xf32, #tpu.memory_space<hbm>> -> memref<8x2048xf32, #tpu.memory_space<hbm>>
    %dma_wait3A_1153 = arith.constant 0 : i32
    %dma_wait3A_1154 = tpu.memref_slice %arg4[%add3A_1074, %dma_wait3A_1153] : memref<16384x2048xf32, #tpu.memory_space<hbm>> -> memref<8x2048xf32, #tpu.memory_space<hbm>>
    tpu.wait_dma2 semaphore(%arg20 : memref<!tpu.dma_semaphore, #tpu.memory_space<semaphore_mem>>) src(%arg8 : memref<8x2048xf32, #tpu.memory_space<vmem>>) dst(%dma_wait3A_1154 : memref<8x2048xf32, #tpu.memory_space<hbm>>)
    %dma_start3A_1155 = arith.constant 50 : i32
    %dma_start3A_1156 = arith.constant 0 : i32
    %dma_start3A_1157 = tpu.memref_slice %arg5[%dma_start3A_1155, %dma_start3A_1156] : memref<64x8xi32, #tpu.memory_space<vmem>> -> memref<1x8xi32, #tpu.memory_space<vmem>>
    %dma_start3A_1158 = tpu.memref_squeeze %dma_start3A_1157 : memref<1x8xi32, #tpu.memory_space<vmem>> -> memref<8xi32, #tpu.memory_space<vmem>>
    %dma_start3A_1159 = arith.constant 0 : i32
    %dma_start3A_1160 = arith.constant 0 : i32
    %dma_start3A_1161 = tpu.memref_slice %arg3[%dma_start3A_1159, %dma_start3A_1160] : memref<100000x2048xf32, #tpu.memory_space<hbm>> -> memref<100000x2048xf32, #tpu.memory_space<hbm>>
    tpu.enqueue_indirect_dma source(%dma_start3A_1161 : memref<100000x2048xf32, #tpu.memory_space<hbm>>) target(%arg8 : memref<8x2048xf32, #tpu.memory_space<vmem>>) offsets(%dma_start3A_1158 : memref<8xi32, #tpu.memory_space<vmem>>) semaphore(%arg14 : memref<!tpu.dma_semaphore, #tpu.memory_space<semaphore_mem>>)
    %dma_wait3A_1162 = arith.constant 48 : i32
    %dma_wait3A_1163 = arith.constant 0 : i32
    %dma_wait3A_1164 = tpu.memref_slice %arg5[%dma_wait3A_1162, %dma_wait3A_1163] : memref<64x8xi32, #tpu.memory_space<vmem>> -> memref<1x8xi32, #tpu.memory_space<vmem>>
    %dma_wait3A_1165 = tpu.memref_squeeze %dma_wait3A_1164 : memref<1x8xi32, #tpu.memory_space<vmem>> -> memref<8xi32, #tpu.memory_space<vmem>>
    %dma_wait3A_1166 = arith.constant 0 : i32
    %dma_wait3A_1167 = arith.constant 0 : i32
    %dma_wait3A_1168 = tpu.memref_slice %arg3[%dma_wait3A_1166, %dma_wait3A_1167] : memref<100000x2048xf32, #tpu.memory_space<hbm>> -> memref<100000x2048xf32, #tpu.memory_space<hbm>>
    tpu.wait_indirect_dma semaphore(%arg12 : memref<!tpu.dma_semaphore, #tpu.memory_space<semaphore_mem>>) src(%dma_wait3A_1168 : memref<100000x2048xf32, #tpu.memory_space<hbm>>) dst(%arg6 : memref<8x2048xf32, #tpu.memory_space<vmem>>)
    %add3A_1169 = arith.constant 384 : i32
    %add3A_1170 = arith.addi %mul3A_2, %add3A_1169 : i32
    %dma_start3A_1171 = arith.constant 0 : i32
    %dma_start3A_1172 = tpu.memref_slice %arg4[%add3A_1170, %dma_start3A_1171] : memref<16384x2048xf32, #tpu.memory_space<hbm>> -> memref<8x2048xf32, #tpu.memory_space<hbm>>
    %dma_start3A_1173 = arith.constant 0 : i32
    %dma_start3A_1174 = tpu.memref_slice %arg4[%add3A_1170, %dma_start3A_1173] : memref<16384x2048xf32, #tpu.memory_space<hbm>> -> memref<8x2048xf32, #tpu.memory_space<hbm>>
    tpu.enqueue_dma source(%arg6 : memref<8x2048xf32, #tpu.memory_space<vmem>>) target(%dma_start3A_1174 : memref<8x2048xf32, #tpu.memory_space<hbm>>) target_semaphore(%arg18 : memref<!tpu.dma_semaphore, #tpu.memory_space<semaphore_mem>>)
    %dma_wait3A_1175 = arith.constant 0 : i32
    %dma_wait3A_1176 = tpu.memref_slice %arg4[%add3A_1098, %dma_wait3A_1175] : memref<16384x2048xf32, #tpu.memory_space<hbm>> -> memref<8x2048xf32, #tpu.memory_space<hbm>>
    %dma_wait3A_1177 = arith.constant 0 : i32
    %dma_wait3A_1178 = tpu.memref_slice %arg4[%add3A_1098, %dma_wait3A_1177] : memref<16384x2048xf32, #tpu.memory_space<hbm>> -> memref<8x2048xf32, #tpu.memory_space<hbm>>
    tpu.wait_dma2 semaphore(%arg21 : memref<!tpu.dma_semaphore, #tpu.memory_space<semaphore_mem>>) src(%arg9 : memref<8x2048xf32, #tpu.memory_space<vmem>>) dst(%dma_wait3A_1178 : memref<8x2048xf32, #tpu.memory_space<hbm>>)
    %dma_start3A_1179 = arith.constant 51 : i32
    %dma_start3A_1180 = arith.constant 0 : i32
    %dma_start3A_1181 = tpu.memref_slice %arg5[%dma_start3A_1179, %dma_start3A_1180] : memref<64x8xi32, #tpu.memory_space<vmem>> -> memref<1x8xi32, #tpu.memory_space<vmem>>
    %dma_start3A_1182 = tpu.memref_squeeze %dma_start3A_1181 : memref<1x8xi32, #tpu.memory_space<vmem>> -> memref<8xi32, #tpu.memory_space<vmem>>
    %dma_start3A_1183 = arith.constant 0 : i32
    %dma_start3A_1184 = arith.constant 0 : i32
    %dma_start3A_1185 = tpu.memref_slice %arg3[%dma_start3A_1183, %dma_start3A_1184] : memref<100000x2048xf32, #tpu.memory_space<hbm>> -> memref<100000x2048xf32, #tpu.memory_space<hbm>>
    tpu.enqueue_indirect_dma source(%dma_start3A_1185 : memref<100000x2048xf32, #tpu.memory_space<hbm>>) target(%arg9 : memref<8x2048xf32, #tpu.memory_space<vmem>>) offsets(%dma_start3A_1182 : memref<8xi32, #tpu.memory_space<vmem>>) semaphore(%arg15 : memref<!tpu.dma_semaphore, #tpu.memory_space<semaphore_mem>>)
    %dma_wait3A_1186 = arith.constant 49 : i32
    %dma_wait3A_1187 = arith.constant 0 : i32
    %dma_wait3A_1188 = tpu.memref_slice %arg5[%dma_wait3A_1186, %dma_wait3A_1187] : memref<64x8xi32, #tpu.memory_space<vmem>> -> memref<1x8xi32, #tpu.memory_space<vmem>>
    %dma_wait3A_1189 = tpu.memref_squeeze %dma_wait3A_1188 : memref<1x8xi32, #tpu.memory_space<vmem>> -> memref<8xi32, #tpu.memory_space<vmem>>
    %dma_wait3A_1190 = arith.constant 0 : i32
    %dma_wait3A_1191 = arith.constant 0 : i32
    %dma_wait3A_1192 = tpu.memref_slice %arg3[%dma_wait3A_1190, %dma_wait3A_1191] : memref<100000x2048xf32, #tpu.memory_space<hbm>> -> memref<100000x2048xf32, #tpu.memory_space<hbm>>
    tpu.wait_indirect_dma semaphore(%arg13 : memref<!tpu.dma_semaphore, #tpu.memory_space<semaphore_mem>>) src(%dma_wait3A_1192 : memref<100000x2048xf32, #tpu.memory_space<hbm>>) dst(%arg7 : memref<8x2048xf32, #tpu.memory_space<vmem>>)
    %add3A_1193 = arith.constant 392 : i32
    %add3A_1194 = arith.addi %mul3A_2, %add3A_1193 : i32
    %dma_start3A_1195 = arith.constant 0 : i32
    %dma_start3A_1196 = tpu.memref_slice %arg4[%add3A_1194, %dma_start3A_1195] : memref<16384x2048xf32, #tpu.memory_space<hbm>> -> memref<8x2048xf32, #tpu.memory_space<hbm>>
    %dma_start3A_1197 = arith.constant 0 : i32
    %dma_start3A_1198 = tpu.memref_slice %arg4[%add3A_1194, %dma_start3A_1197] : memref<16384x2048xf32, #tpu.memory_space<hbm>> -> memref<8x2048xf32, #tpu.memory_space<hbm>>
    tpu.enqueue_dma source(%arg7 : memref<8x2048xf32, #tpu.memory_space<vmem>>) target(%dma_start3A_1198 : memref<8x2048xf32, #tpu.memory_space<hbm>>) target_semaphore(%arg19 : memref<!tpu.dma_semaphore, #tpu.memory_space<semaphore_mem>>)
    %dma_wait3A_1199 = arith.constant 0 : i32
    %dma_wait3A_1200 = tpu.memref_slice %arg4[%add3A_1122, %dma_wait3A_1199] : memref<16384x2048xf32, #tpu.memory_space<hbm>> -> memref<8x2048xf32, #tpu.memory_space<hbm>>
    %dma_wait3A_1201 = arith.constant 0 : i32
    %dma_wait3A_1202 = tpu.memref_slice %arg4[%add3A_1122, %dma_wait3A_1201] : memref<16384x2048xf32, #tpu.memory_space<hbm>> -> memref<8x2048xf32, #tpu.memory_space<hbm>>
    tpu.wait_dma2 semaphore(%arg22 : memref<!tpu.dma_semaphore, #tpu.memory_space<semaphore_mem>>) src(%arg10 : memref<8x2048xf32, #tpu.memory_space<vmem>>) dst(%dma_wait3A_1202 : memref<8x2048xf32, #tpu.memory_space<hbm>>)
    %dma_start3A_1203 = arith.constant 52 : i32
    %dma_start3A_1204 = arith.constant 0 : i32
    %dma_start3A_1205 = tpu.memref_slice %arg5[%dma_start3A_1203, %dma_start3A_1204] : memref<64x8xi32, #tpu.memory_space<vmem>> -> memref<1x8xi32, #tpu.memory_space<vmem>>
    %dma_start3A_1206 = tpu.memref_squeeze %dma_start3A_1205 : memref<1x8xi32, #tpu.memory_space<vmem>> -> memref<8xi32, #tpu.memory_space<vmem>>
    %dma_start3A_1207 = arith.constant 0 : i32
    %dma_start3A_1208 = arith.constant 0 : i32
    %dma_start3A_1209 = tpu.memref_slice %arg3[%dma_start3A_1207, %dma_start3A_1208] : memref<100000x2048xf32, #tpu.memory_space<hbm>> -> memref<100000x2048xf32, #tpu.memory_space<hbm>>
    tpu.enqueue_indirect_dma source(%dma_start3A_1209 : memref<100000x2048xf32, #tpu.memory_space<hbm>>) target(%arg10 : memref<8x2048xf32, #tpu.memory_space<vmem>>) offsets(%dma_start3A_1206 : memref<8xi32, #tpu.memory_space<vmem>>) semaphore(%arg16 : memref<!tpu.dma_semaphore, #tpu.memory_space<semaphore_mem>>)
    %dma_wait3A_1210 = arith.constant 50 : i32
    %dma_wait3A_1211 = arith.constant 0 : i32
    %dma_wait3A_1212 = tpu.memref_slice %arg5[%dma_wait3A_1210, %dma_wait3A_1211] : memref<64x8xi32, #tpu.memory_space<vmem>> -> memref<1x8xi32, #tpu.memory_space<vmem>>
    %dma_wait3A_1213 = tpu.memref_squeeze %dma_wait3A_1212 : memref<1x8xi32, #tpu.memory_space<vmem>> -> memref<8xi32, #tpu.memory_space<vmem>>
    %dma_wait3A_1214 = arith.constant 0 : i32
    %dma_wait3A_1215 = arith.constant 0 : i32
    %dma_wait3A_1216 = tpu.memref_slice %arg3[%dma_wait3A_1214, %dma_wait3A_1215] : memref<100000x2048xf32, #tpu.memory_space<hbm>> -> memref<100000x2048xf32, #tpu.memory_space<hbm>>
    tpu.wait_indirect_dma semaphore(%arg14 : memref<!tpu.dma_semaphore, #tpu.memory_space<semaphore_mem>>) src(%dma_wait3A_1216 : memref<100000x2048xf32, #tpu.memory_space<hbm>>) dst(%arg8 : memref<8x2048xf32, #tpu.memory_space<vmem>>)
    %add3A_1217 = arith.constant 400 : i32
    %add3A_1218 = arith.addi %mul3A_2, %add3A_1217 : i32
    %dma_start3A_1219 = arith.constant 0 : i32
    %dma_start3A_1220 = tpu.memref_slice %arg4[%add3A_1218, %dma_start3A_1219] : memref<16384x2048xf32, #tpu.memory_space<hbm>> -> memref<8x2048xf32, #tpu.memory_space<hbm>>
    %dma_start3A_1221 = arith.constant 0 : i32
    %dma_start3A_1222 = tpu.memref_slice %arg4[%add3A_1218, %dma_start3A_1221] : memref<16384x2048xf32, #tpu.memory_space<hbm>> -> memref<8x2048xf32, #tpu.memory_space<hbm>>
    tpu.enqueue_dma source(%arg8 : memref<8x2048xf32, #tpu.memory_space<vmem>>) target(%dma_start3A_1222 : memref<8x2048xf32, #tpu.memory_space<hbm>>) target_semaphore(%arg20 : memref<!tpu.dma_semaphore, #tpu.memory_space<semaphore_mem>>)
    %dma_wait3A_1223 = arith.constant 0 : i32
    %dma_wait3A_1224 = tpu.memref_slice %arg4[%add3A_1146, %dma_wait3A_1223] : memref<16384x2048xf32, #tpu.memory_space<hbm>> -> memref<8x2048xf32, #tpu.memory_space<hbm>>
    %dma_wait3A_1225 = arith.constant 0 : i32
    %dma_wait3A_1226 = tpu.memref_slice %arg4[%add3A_1146, %dma_wait3A_1225] : memref<16384x2048xf32, #tpu.memory_space<hbm>> -> memref<8x2048xf32, #tpu.memory_space<hbm>>
    tpu.wait_dma2 semaphore(%arg23 : memref<!tpu.dma_semaphore, #tpu.memory_space<semaphore_mem>>) src(%arg11 : memref<8x2048xf32, #tpu.memory_space<vmem>>) dst(%dma_wait3A_1226 : memref<8x2048xf32, #tpu.memory_space<hbm>>)
    %dma_start3A_1227 = arith.constant 53 : i32
    %dma_start3A_1228 = arith.constant 0 : i32
    %dma_start3A_1229 = tpu.memref_slice %arg5[%dma_start3A_1227, %dma_start3A_1228] : memref<64x8xi32, #tpu.memory_space<vmem>> -> memref<1x8xi32, #tpu.memory_space<vmem>>
    %dma_start3A_1230 = tpu.memref_squeeze %dma_start3A_1229 : memref<1x8xi32, #tpu.memory_space<vmem>> -> memref<8xi32, #tpu.memory_space<vmem>>
    %dma_start3A_1231 = arith.constant 0 : i32
    %dma_start3A_1232 = arith.constant 0 : i32
    %dma_start3A_1233 = tpu.memref_slice %arg3[%dma_start3A_1231, %dma_start3A_1232] : memref<100000x2048xf32, #tpu.memory_space<hbm>> -> memref<100000x2048xf32, #tpu.memory_space<hbm>>
    tpu.enqueue_indirect_dma source(%dma_start3A_1233 : memref<100000x2048xf32, #tpu.memory_space<hbm>>) target(%arg11 : memref<8x2048xf32, #tpu.memory_space<vmem>>) offsets(%dma_start3A_1230 : memref<8xi32, #tpu.memory_space<vmem>>) semaphore(%arg17 : memref<!tpu.dma_semaphore, #tpu.memory_space<semaphore_mem>>)
    %dma_wait3A_1234 = arith.constant 51 : i32
    %dma_wait3A_1235 = arith.constant 0 : i32
    %dma_wait3A_1236 = tpu.memref_slice %arg5[%dma_wait3A_1234, %dma_wait3A_1235] : memref<64x8xi32, #tpu.memory_space<vmem>> -> memref<1x8xi32, #tpu.memory_space<vmem>>
    %dma_wait3A_1237 = tpu.memref_squeeze %dma_wait3A_1236 : memref<1x8xi32, #tpu.memory_space<vmem>> -> memref<8xi32, #tpu.memory_space<vmem>>
    %dma_wait3A_1238 = arith.constant 0 : i32
    %dma_wait3A_1239 = arith.constant 0 : i32
    %dma_wait3A_1240 = tpu.memref_slice %arg3[%dma_wait3A_1238, %dma_wait3A_1239] : memref<100000x2048xf32, #tpu.memory_space<hbm>> -> memref<100000x2048xf32, #tpu.memory_space<hbm>>
    tpu.wait_indirect_dma semaphore(%arg15 : memref<!tpu.dma_semaphore, #tpu.memory_space<semaphore_mem>>) src(%dma_wait3A_1240 : memref<100000x2048xf32, #tpu.memory_space<hbm>>) dst(%arg9 : memref<8x2048xf32, #tpu.memory_space<vmem>>)
    %add3A_1241 = arith.constant 408 : i32
    %add3A_1242 = arith.addi %mul3A_2, %add3A_1241 : i32
    %dma_start3A_1243 = arith.constant 0 : i32
    %dma_start3A_1244 = tpu.memref_slice %arg4[%add3A_1242, %dma_start3A_1243] : memref<16384x2048xf32, #tpu.memory_space<hbm>> -> memref<8x2048xf32, #tpu.memory_space<hbm>>
    %dma_start3A_1245 = arith.constant 0 : i32
    %dma_start3A_1246 = tpu.memref_slice %arg4[%add3A_1242, %dma_start3A_1245] : memref<16384x2048xf32, #tpu.memory_space<hbm>> -> memref<8x2048xf32, #tpu.memory_space<hbm>>
    tpu.enqueue_dma source(%arg9 : memref<8x2048xf32, #tpu.memory_space<vmem>>) target(%dma_start3A_1246 : memref<8x2048xf32, #tpu.memory_space<hbm>>) target_semaphore(%arg21 : memref<!tpu.dma_semaphore, #tpu.memory_space<semaphore_mem>>)
    %dma_wait3A_1247 = arith.constant 0 : i32
    %dma_wait3A_1248 = tpu.memref_slice %arg4[%add3A_1170, %dma_wait3A_1247] : memref<16384x2048xf32, #tpu.memory_space<hbm>> -> memref<8x2048xf32, #tpu.memory_space<hbm>>
    %dma_wait3A_1249 = arith.constant 0 : i32
    %dma_wait3A_1250 = tpu.memref_slice %arg4[%add3A_1170, %dma_wait3A_1249] : memref<16384x2048xf32, #tpu.memory_space<hbm>> -> memref<8x2048xf32, #tpu.memory_space<hbm>>
    tpu.wait_dma2 semaphore(%arg18 : memref<!tpu.dma_semaphore, #tpu.memory_space<semaphore_mem>>) src(%arg6 : memref<8x2048xf32, #tpu.memory_space<vmem>>) dst(%dma_wait3A_1250 : memref<8x2048xf32, #tpu.memory_space<hbm>>)
    %dma_start3A_1251 = arith.constant 54 : i32
    %dma_start3A_1252 = arith.constant 0 : i32
    %dma_start3A_1253 = tpu.memref_slice %arg5[%dma_start3A_1251, %dma_start3A_1252] : memref<64x8xi32, #tpu.memory_space<vmem>> -> memref<1x8xi32, #tpu.memory_space<vmem>>
    %dma_start3A_1254 = tpu.memref_squeeze %dma_start3A_1253 : memref<1x8xi32, #tpu.memory_space<vmem>> -> memref<8xi32, #tpu.memory_space<vmem>>
    %dma_start3A_1255 = arith.constant 0 : i32
    %dma_start3A_1256 = arith.constant 0 : i32
    %dma_start3A_1257 = tpu.memref_slice %arg3[%dma_start3A_1255, %dma_start3A_1256] : memref<100000x2048xf32, #tpu.memory_space<hbm>> -> memref<100000x2048xf32, #tpu.memory_space<hbm>>
    tpu.enqueue_indirect_dma source(%dma_start3A_1257 : memref<100000x2048xf32, #tpu.memory_space<hbm>>) target(%arg6 : memref<8x2048xf32, #tpu.memory_space<vmem>>) offsets(%dma_start3A_1254 : memref<8xi32, #tpu.memory_space<vmem>>) semaphore(%arg12 : memref<!tpu.dma_semaphore, #tpu.memory_space<semaphore_mem>>)
    %dma_wait3A_1258 = arith.constant 52 : i32
    %dma_wait3A_1259 = arith.constant 0 : i32
    %dma_wait3A_1260 = tpu.memref_slice %arg5[%dma_wait3A_1258, %dma_wait3A_1259] : memref<64x8xi32, #tpu.memory_space<vmem>> -> memref<1x8xi32, #tpu.memory_space<vmem>>
    %dma_wait3A_1261 = tpu.memref_squeeze %dma_wait3A_1260 : memref<1x8xi32, #tpu.memory_space<vmem>> -> memref<8xi32, #tpu.memory_space<vmem>>
    %dma_wait3A_1262 = arith.constant 0 : i32
    %dma_wait3A_1263 = arith.constant 0 : i32
    %dma_wait3A_1264 = tpu.memref_slice %arg3[%dma_wait3A_1262, %dma_wait3A_1263] : memref<100000x2048xf32, #tpu.memory_space<hbm>> -> memref<100000x2048xf32, #tpu.memory_space<hbm>>
    tpu.wait_indirect_dma semaphore(%arg16 : memref<!tpu.dma_semaphore, #tpu.memory_space<semaphore_mem>>) src(%dma_wait3A_1264 : memref<100000x2048xf32, #tpu.memory_space<hbm>>) dst(%arg10 : memref<8x2048xf32, #tpu.memory_space<vmem>>)
    %add3A_1265 = arith.constant 416 : i32
    %add3A_1266 = arith.addi %mul3A_2, %add3A_1265 : i32
    %dma_start3A_1267 = arith.constant 0 : i32
    %dma_start3A_1268 = tpu.memref_slice %arg4[%add3A_1266, %dma_start3A_1267] : memref<16384x2048xf32, #tpu.memory_space<hbm>> -> memref<8x2048xf32, #tpu.memory_space<hbm>>
    %dma_start3A_1269 = arith.constant 0 : i32
    %dma_start3A_1270 = tpu.memref_slice %arg4[%add3A_1266, %dma_start3A_1269] : memref<16384x2048xf32, #tpu.memory_space<hbm>> -> memref<8x2048xf32, #tpu.memory_space<hbm>>
    tpu.enqueue_dma source(%arg10 : memref<8x2048xf32, #tpu.memory_space<vmem>>) target(%dma_start3A_1270 : memref<8x2048xf32, #tpu.memory_space<hbm>>) target_semaphore(%arg22 : memref<!tpu.dma_semaphore, #tpu.memory_space<semaphore_mem>>)
    %dma_wait3A_1271 = arith.constant 0 : i32
    %dma_wait3A_1272 = tpu.memref_slice %arg4[%add3A_1194, %dma_wait3A_1271] : memref<16384x2048xf32, #tpu.memory_space<hbm>> -> memref<8x2048xf32, #tpu.memory_space<hbm>>
    %dma_wait3A_1273 = arith.constant 0 : i32
    %dma_wait3A_1274 = tpu.memref_slice %arg4[%add3A_1194, %dma_wait3A_1273] : memref<16384x2048xf32, #tpu.memory_space<hbm>> -> memref<8x2048xf32, #tpu.memory_space<hbm>>
    tpu.wait_dma2 semaphore(%arg19 : memref<!tpu.dma_semaphore, #tpu.memory_space<semaphore_mem>>) src(%arg7 : memref<8x2048xf32, #tpu.memory_space<vmem>>) dst(%dma_wait3A_1274 : memref<8x2048xf32, #tpu.memory_space<hbm>>)
    %dma_start3A_1275 = arith.constant 55 : i32
    %dma_start3A_1276 = arith.constant 0 : i32
    %dma_start3A_1277 = tpu.memref_slice %arg5[%dma_start3A_1275, %dma_start3A_1276] : memref<64x8xi32, #tpu.memory_space<vmem>> -> memref<1x8xi32, #tpu.memory_space<vmem>>
    %dma_start3A_1278 = tpu.memref_squeeze %dma_start3A_1277 : memref<1x8xi32, #tpu.memory_space<vmem>> -> memref<8xi32, #tpu.memory_space<vmem>>
    %dma_start3A_1279 = arith.constant 0 : i32
    %dma_start3A_1280 = arith.constant 0 : i32
    %dma_start3A_1281 = tpu.memref_slice %arg3[%dma_start3A_1279, %dma_start3A_1280] : memref<100000x2048xf32, #tpu.memory_space<hbm>> -> memref<100000x2048xf32, #tpu.memory_space<hbm>>
    tpu.enqueue_indirect_dma source(%dma_start3A_1281 : memref<100000x2048xf32, #tpu.memory_space<hbm>>) target(%arg7 : memref<8x2048xf32, #tpu.memory_space<vmem>>) offsets(%dma_start3A_1278 : memref<8xi32, #tpu.memory_space<vmem>>) semaphore(%arg13 : memref<!tpu.dma_semaphore, #tpu.memory_space<semaphore_mem>>)
    %dma_wait3A_1282 = arith.constant 53 : i32
    %dma_wait3A_1283 = arith.constant 0 : i32
    %dma_wait3A_1284 = tpu.memref_slice %arg5[%dma_wait3A_1282, %dma_wait3A_1283] : memref<64x8xi32, #tpu.memory_space<vmem>> -> memref<1x8xi32, #tpu.memory_space<vmem>>
    %dma_wait3A_1285 = tpu.memref_squeeze %dma_wait3A_1284 : memref<1x8xi32, #tpu.memory_space<vmem>> -> memref<8xi32, #tpu.memory_space<vmem>>
    %dma_wait3A_1286 = arith.constant 0 : i32
    %dma_wait3A_1287 = arith.constant 0 : i32
    %dma_wait3A_1288 = tpu.memref_slice %arg3[%dma_wait3A_1286, %dma_wait3A_1287] : memref<100000x2048xf32, #tpu.memory_space<hbm>> -> memref<100000x2048xf32, #tpu.memory_space<hbm>>
    tpu.wait_indirect_dma semaphore(%arg17 : memref<!tpu.dma_semaphore, #tpu.memory_space<semaphore_mem>>) src(%dma_wait3A_1288 : memref<100000x2048xf32, #tpu.memory_space<hbm>>) dst(%arg11 : memref<8x2048xf32, #tpu.memory_space<vmem>>)
    %add3A_1289 = arith.constant 424 : i32
    %add3A_1290 = arith.addi %mul3A_2, %add3A_1289 : i32
    %dma_start3A_1291 = arith.constant 0 : i32
    %dma_start3A_1292 = tpu.memref_slice %arg4[%add3A_1290, %dma_start3A_1291] : memref<16384x2048xf32, #tpu.memory_space<hbm>> -> memref<8x2048xf32, #tpu.memory_space<hbm>>
    %dma_start3A_1293 = arith.constant 0 : i32
    %dma_start3A_1294 = tpu.memref_slice %arg4[%add3A_1290, %dma_start3A_1293] : memref<16384x2048xf32, #tpu.memory_space<hbm>> -> memref<8x2048xf32, #tpu.memory_space<hbm>>
    tpu.enqueue_dma source(%arg11 : memref<8x2048xf32, #tpu.memory_space<vmem>>) target(%dma_start3A_1294 : memref<8x2048xf32, #tpu.memory_space<hbm>>) target_semaphore(%arg23 : memref<!tpu.dma_semaphore, #tpu.memory_space<semaphore_mem>>)
    %dma_wait3A_1295 = arith.constant 0 : i32
    %dma_wait3A_1296 = tpu.memref_slice %arg4[%add3A_1218, %dma_wait3A_1295] : memref<16384x2048xf32, #tpu.memory_space<hbm>> -> memref<8x2048xf32, #tpu.memory_space<hbm>>
    %dma_wait3A_1297 = arith.constant 0 : i32
    %dma_wait3A_1298 = tpu.memref_slice %arg4[%add3A_1218, %dma_wait3A_1297] : memref<16384x2048xf32, #tpu.memory_space<hbm>> -> memref<8x2048xf32, #tpu.memory_space<hbm>>
    tpu.wait_dma2 semaphore(%arg20 : memref<!tpu.dma_semaphore, #tpu.memory_space<semaphore_mem>>) src(%arg8 : memref<8x2048xf32, #tpu.memory_space<vmem>>) dst(%dma_wait3A_1298 : memref<8x2048xf32, #tpu.memory_space<hbm>>)
    %dma_start3A_1299 = arith.constant 56 : i32
    %dma_start3A_1300 = arith.constant 0 : i32
    %dma_start3A_1301 = tpu.memref_slice %arg5[%dma_start3A_1299, %dma_start3A_1300] : memref<64x8xi32, #tpu.memory_space<vmem>> -> memref<1x8xi32, #tpu.memory_space<vmem>>
    %dma_start3A_1302 = tpu.memref_squeeze %dma_start3A_1301 : memref<1x8xi32, #tpu.memory_space<vmem>> -> memref<8xi32, #tpu.memory_space<vmem>>
    %dma_start3A_1303 = arith.constant 0 : i32
    %dma_start3A_1304 = arith.constant 0 : i32
    %dma_start3A_1305 = tpu.memref_slice %arg3[%dma_start3A_1303, %dma_start3A_1304] : memref<100000x2048xf32, #tpu.memory_space<hbm>> -> memref<100000x2048xf32, #tpu.memory_space<hbm>>
    tpu.enqueue_indirect_dma source(%dma_start3A_1305 : memref<100000x2048xf32, #tpu.memory_space<hbm>>) target(%arg8 : memref<8x2048xf32, #tpu.memory_space<vmem>>) offsets(%dma_start3A_1302 : memref<8xi32, #tpu.memory_space<vmem>>) semaphore(%arg14 : memref<!tpu.dma_semaphore, #tpu.memory_space<semaphore_mem>>)
    %dma_wait3A_1306 = arith.constant 54 : i32
    %dma_wait3A_1307 = arith.constant 0 : i32
    %dma_wait3A_1308 = tpu.memref_slice %arg5[%dma_wait3A_1306, %dma_wait3A_1307] : memref<64x8xi32, #tpu.memory_space<vmem>> -> memref<1x8xi32, #tpu.memory_space<vmem>>
    %dma_wait3A_1309 = tpu.memref_squeeze %dma_wait3A_1308 : memref<1x8xi32, #tpu.memory_space<vmem>> -> memref<8xi32, #tpu.memory_space<vmem>>
    %dma_wait3A_1310 = arith.constant 0 : i32
    %dma_wait3A_1311 = arith.constant 0 : i32
    %dma_wait3A_1312 = tpu.memref_slice %arg3[%dma_wait3A_1310, %dma_wait3A_1311] : memref<100000x2048xf32, #tpu.memory_space<hbm>> -> memref<100000x2048xf32, #tpu.memory_space<hbm>>
    tpu.wait_indirect_dma semaphore(%arg12 : memref<!tpu.dma_semaphore, #tpu.memory_space<semaphore_mem>>) src(%dma_wait3A_1312 : memref<100000x2048xf32, #tpu.memory_space<hbm>>) dst(%arg6 : memref<8x2048xf32, #tpu.memory_space<vmem>>)
    %add3A_1313 = arith.constant 432 : i32
    %add3A_1314 = arith.addi %mul3A_2, %add3A_1313 : i32
    %dma_start3A_1315 = arith.constant 0 : i32
    %dma_start3A_1316 = tpu.memref_slice %arg4[%add3A_1314, %dma_start3A_1315] : memref<16384x2048xf32, #tpu.memory_space<hbm>> -> memref<8x2048xf32, #tpu.memory_space<hbm>>
    %dma_start3A_1317 = arith.constant 0 : i32
    %dma_start3A_1318 = tpu.memref_slice %arg4[%add3A_1314, %dma_start3A_1317] : memref<16384x2048xf32, #tpu.memory_space<hbm>> -> memref<8x2048xf32, #tpu.memory_space<hbm>>
    tpu.enqueue_dma source(%arg6 : memref<8x2048xf32, #tpu.memory_space<vmem>>) target(%dma_start3A_1318 : memref<8x2048xf32, #tpu.memory_space<hbm>>) target_semaphore(%arg18 : memref<!tpu.dma_semaphore, #tpu.memory_space<semaphore_mem>>)
    %dma_wait3A_1319 = arith.constant 0 : i32
    %dma_wait3A_1320 = tpu.memref_slice %arg4[%add3A_1242, %dma_wait3A_1319] : memref<16384x2048xf32, #tpu.memory_space<hbm>> -> memref<8x2048xf32, #tpu.memory_space<hbm>>
    %dma_wait3A_1321 = arith.constant 0 : i32
    %dma_wait3A_1322 = tpu.memref_slice %arg4[%add3A_1242, %dma_wait3A_1321] : memref<16384x2048xf32, #tpu.memory_space<hbm>> -> memref<8x2048xf32, #tpu.memory_space<hbm>>
    tpu.wait_dma2 semaphore(%arg21 : memref<!tpu.dma_semaphore, #tpu.memory_space<semaphore_mem>>) src(%arg9 : memref<8x2048xf32, #tpu.memory_space<vmem>>) dst(%dma_wait3A_1322 : memref<8x2048xf32, #tpu.memory_space<hbm>>)
    %dma_start3A_1323 = arith.constant 57 : i32
    %dma_start3A_1324 = arith.constant 0 : i32
    %dma_start3A_1325 = tpu.memref_slice %arg5[%dma_start3A_1323, %dma_start3A_1324] : memref<64x8xi32, #tpu.memory_space<vmem>> -> memref<1x8xi32, #tpu.memory_space<vmem>>
    %dma_start3A_1326 = tpu.memref_squeeze %dma_start3A_1325 : memref<1x8xi32, #tpu.memory_space<vmem>> -> memref<8xi32, #tpu.memory_space<vmem>>
    %dma_start3A_1327 = arith.constant 0 : i32
    %dma_start3A_1328 = arith.constant 0 : i32
    %dma_start3A_1329 = tpu.memref_slice %arg3[%dma_start3A_1327, %dma_start3A_1328] : memref<100000x2048xf32, #tpu.memory_space<hbm>> -> memref<100000x2048xf32, #tpu.memory_space<hbm>>
    tpu.enqueue_indirect_dma source(%dma_start3A_1329 : memref<100000x2048xf32, #tpu.memory_space<hbm>>) target(%arg9 : memref<8x2048xf32, #tpu.memory_space<vmem>>) offsets(%dma_start3A_1326 : memref<8xi32, #tpu.memory_space<vmem>>) semaphore(%arg15 : memref<!tpu.dma_semaphore, #tpu.memory_space<semaphore_mem>>)
    %dma_wait3A_1330 = arith.constant 55 : i32
    %dma_wait3A_1331 = arith.constant 0 : i32
    %dma_wait3A_1332 = tpu.memref_slice %arg5[%dma_wait3A_1330, %dma_wait3A_1331] : memref<64x8xi32, #tpu.memory_space<vmem>> -> memref<1x8xi32, #tpu.memory_space<vmem>>
    %dma_wait3A_1333 = tpu.memref_squeeze %dma_wait3A_1332 : memref<1x8xi32, #tpu.memory_space<vmem>> -> memref<8xi32, #tpu.memory_space<vmem>>
    %dma_wait3A_1334 = arith.constant 0 : i32
    %dma_wait3A_1335 = arith.constant 0 : i32
    %dma_wait3A_1336 = tpu.memref_slice %arg3[%dma_wait3A_1334, %dma_wait3A_1335] : memref<100000x2048xf32, #tpu.memory_space<hbm>> -> memref<100000x2048xf32, #tpu.memory_space<hbm>>
    tpu.wait_indirect_dma semaphore(%arg13 : memref<!tpu.dma_semaphore, #tpu.memory_space<semaphore_mem>>) src(%dma_wait3A_1336 : memref<100000x2048xf32, #tpu.memory_space<hbm>>) dst(%arg7 : memref<8x2048xf32, #tpu.memory_space<vmem>>)
    %add3A_1337 = arith.constant 440 : i32
    %add3A_1338 = arith.addi %mul3A_2, %add3A_1337 : i32
    %dma_start3A_1339 = arith.constant 0 : i32
    %dma_start3A_1340 = tpu.memref_slice %arg4[%add3A_1338, %dma_start3A_1339] : memref<16384x2048xf32, #tpu.memory_space<hbm>> -> memref<8x2048xf32, #tpu.memory_space<hbm>>
    %dma_start3A_1341 = arith.constant 0 : i32
    %dma_start3A_1342 = tpu.memref_slice %arg4[%add3A_1338, %dma_start3A_1341] : memref<16384x2048xf32, #tpu.memory_space<hbm>> -> memref<8x2048xf32, #tpu.memory_space<hbm>>
    tpu.enqueue_dma source(%arg7 : memref<8x2048xf32, #tpu.memory_space<vmem>>) target(%dma_start3A_1342 : memref<8x2048xf32, #tpu.memory_space<hbm>>) target_semaphore(%arg19 : memref<!tpu.dma_semaphore, #tpu.memory_space<semaphore_mem>>)
    %dma_wait3A_1343 = arith.constant 0 : i32
    %dma_wait3A_1344 = tpu.memref_slice %arg4[%add3A_1266, %dma_wait3A_1343] : memref<16384x2048xf32, #tpu.memory_space<hbm>> -> memref<8x2048xf32, #tpu.memory_space<hbm>>
    %dma_wait3A_1345 = arith.constant 0 : i32
    %dma_wait3A_1346 = tpu.memref_slice %arg4[%add3A_1266, %dma_wait3A_1345] : memref<16384x2048xf32, #tpu.memory_space<hbm>> -> memref<8x2048xf32, #tpu.memory_space<hbm>>
    tpu.wait_dma2 semaphore(%arg22 : memref<!tpu.dma_semaphore, #tpu.memory_space<semaphore_mem>>) src(%arg10 : memref<8x2048xf32, #tpu.memory_space<vmem>>) dst(%dma_wait3A_1346 : memref<8x2048xf32, #tpu.memory_space<hbm>>)
    %dma_start3A_1347 = arith.constant 58 : i32
    %dma_start3A_1348 = arith.constant 0 : i32
    %dma_start3A_1349 = tpu.memref_slice %arg5[%dma_start3A_1347, %dma_start3A_1348] : memref<64x8xi32, #tpu.memory_space<vmem>> -> memref<1x8xi32, #tpu.memory_space<vmem>>
    %dma_start3A_1350 = tpu.memref_squeeze %dma_start3A_1349 : memref<1x8xi32, #tpu.memory_space<vmem>> -> memref<8xi32, #tpu.memory_space<vmem>>
    %dma_start3A_1351 = arith.constant 0 : i32
    %dma_start3A_1352 = arith.constant 0 : i32
    %dma_start3A_1353 = tpu.memref_slice %arg3[%dma_start3A_1351, %dma_start3A_1352] : memref<100000x2048xf32, #tpu.memory_space<hbm>> -> memref<100000x2048xf32, #tpu.memory_space<hbm>>
    tpu.enqueue_indirect_dma source(%dma_start3A_1353 : memref<100000x2048xf32, #tpu.memory_space<hbm>>) target(%arg10 : memref<8x2048xf32, #tpu.memory_space<vmem>>) offsets(%dma_start3A_1350 : memref<8xi32, #tpu.memory_space<vmem>>) semaphore(%arg16 : memref<!tpu.dma_semaphore, #tpu.memory_space<semaphore_mem>>)
    %dma_wait3A_1354 = arith.constant 56 : i32
    %dma_wait3A_1355 = arith.constant 0 : i32
    %dma_wait3A_1356 = tpu.memref_slice %arg5[%dma_wait3A_1354, %dma_wait3A_1355] : memref<64x8xi32, #tpu.memory_space<vmem>> -> memref<1x8xi32, #tpu.memory_space<vmem>>
    %dma_wait3A_1357 = tpu.memref_squeeze %dma_wait3A_1356 : memref<1x8xi32, #tpu.memory_space<vmem>> -> memref<8xi32, #tpu.memory_space<vmem>>
    %dma_wait3A_1358 = arith.constant 0 : i32
    %dma_wait3A_1359 = arith.constant 0 : i32
    %dma_wait3A_1360 = tpu.memref_slice %arg3[%dma_wait3A_1358, %dma_wait3A_1359] : memref<100000x2048xf32, #tpu.memory_space<hbm>> -> memref<100000x2048xf32, #tpu.memory_space<hbm>>
    tpu.wait_indirect_dma semaphore(%arg14 : memref<!tpu.dma_semaphore, #tpu.memory_space<semaphore_mem>>) src(%dma_wait3A_1360 : memref<100000x2048xf32, #tpu.memory_space<hbm>>) dst(%arg8 : memref<8x2048xf32, #tpu.memory_space<vmem>>)
    %add3A_1361 = arith.constant 448 : i32
    %add3A_1362 = arith.addi %mul3A_2, %add3A_1361 : i32
    %dma_start3A_1363 = arith.constant 0 : i32
    %dma_start3A_1364 = tpu.memref_slice %arg4[%add3A_1362, %dma_start3A_1363] : memref<16384x2048xf32, #tpu.memory_space<hbm>> -> memref<8x2048xf32, #tpu.memory_space<hbm>>
    %dma_start3A_1365 = arith.constant 0 : i32
    %dma_start3A_1366 = tpu.memref_slice %arg4[%add3A_1362, %dma_start3A_1365] : memref<16384x2048xf32, #tpu.memory_space<hbm>> -> memref<8x2048xf32, #tpu.memory_space<hbm>>
    tpu.enqueue_dma source(%arg8 : memref<8x2048xf32, #tpu.memory_space<vmem>>) target(%dma_start3A_1366 : memref<8x2048xf32, #tpu.memory_space<hbm>>) target_semaphore(%arg20 : memref<!tpu.dma_semaphore, #tpu.memory_space<semaphore_mem>>)
    %dma_wait3A_1367 = arith.constant 0 : i32
    %dma_wait3A_1368 = tpu.memref_slice %arg4[%add3A_1290, %dma_wait3A_1367] : memref<16384x2048xf32, #tpu.memory_space<hbm>> -> memref<8x2048xf32, #tpu.memory_space<hbm>>
    %dma_wait3A_1369 = arith.constant 0 : i32
    %dma_wait3A_1370 = tpu.memref_slice %arg4[%add3A_1290, %dma_wait3A_1369] : memref<16384x2048xf32, #tpu.memory_space<hbm>> -> memref<8x2048xf32, #tpu.memory_space<hbm>>
    tpu.wait_dma2 semaphore(%arg23 : memref<!tpu.dma_semaphore, #tpu.memory_space<semaphore_mem>>) src(%arg11 : memref<8x2048xf32, #tpu.memory_space<vmem>>) dst(%dma_wait3A_1370 : memref<8x2048xf32, #tpu.memory_space<hbm>>)
    %dma_start3A_1371 = arith.constant 59 : i32
    %dma_start3A_1372 = arith.constant 0 : i32
    %dma_start3A_1373 = tpu.memref_slice %arg5[%dma_start3A_1371, %dma_start3A_1372] : memref<64x8xi32, #tpu.memory_space<vmem>> -> memref<1x8xi32, #tpu.memory_space<vmem>>
    %dma_start3A_1374 = tpu.memref_squeeze %dma_start3A_1373 : memref<1x8xi32, #tpu.memory_space<vmem>> -> memref<8xi32, #tpu.memory_space<vmem>>
    %dma_start3A_1375 = arith.constant 0 : i32
    %dma_start3A_1376 = arith.constant 0 : i32
    %dma_start3A_1377 = tpu.memref_slice %arg3[%dma_start3A_1375, %dma_start3A_1376] : memref<100000x2048xf32, #tpu.memory_space<hbm>> -> memref<100000x2048xf32, #tpu.memory_space<hbm>>
    tpu.enqueue_indirect_dma source(%dma_start3A_1377 : memref<100000x2048xf32, #tpu.memory_space<hbm>>) target(%arg11 : memref<8x2048xf32, #tpu.memory_space<vmem>>) offsets(%dma_start3A_1374 : memref<8xi32, #tpu.memory_space<vmem>>) semaphore(%arg17 : memref<!tpu.dma_semaphore, #tpu.memory_space<semaphore_mem>>)
    %dma_wait3A_1378 = arith.constant 57 : i32
    %dma_wait3A_1379 = arith.constant 0 : i32
    %dma_wait3A_1380 = tpu.memref_slice %arg5[%dma_wait3A_1378, %dma_wait3A_1379] : memref<64x8xi32, #tpu.memory_space<vmem>> -> memref<1x8xi32, #tpu.memory_space<vmem>>
    %dma_wait3A_1381 = tpu.memref_squeeze %dma_wait3A_1380 : memref<1x8xi32, #tpu.memory_space<vmem>> -> memref<8xi32, #tpu.memory_space<vmem>>
    %dma_wait3A_1382 = arith.constant 0 : i32
    %dma_wait3A_1383 = arith.constant 0 : i32
    %dma_wait3A_1384 = tpu.memref_slice %arg3[%dma_wait3A_1382, %dma_wait3A_1383] : memref<100000x2048xf32, #tpu.memory_space<hbm>> -> memref<100000x2048xf32, #tpu.memory_space<hbm>>
    tpu.wait_indirect_dma semaphore(%arg15 : memref<!tpu.dma_semaphore, #tpu.memory_space<semaphore_mem>>) src(%dma_wait3A_1384 : memref<100000x2048xf32, #tpu.memory_space<hbm>>) dst(%arg9 : memref<8x2048xf32, #tpu.memory_space<vmem>>)
    %add3A_1385 = arith.constant 456 : i32
    %add3A_1386 = arith.addi %mul3A_2, %add3A_1385 : i32
    %dma_start3A_1387 = arith.constant 0 : i32
    %dma_start3A_1388 = tpu.memref_slice %arg4[%add3A_1386, %dma_start3A_1387] : memref<16384x2048xf32, #tpu.memory_space<hbm>> -> memref<8x2048xf32, #tpu.memory_space<hbm>>
    %dma_start3A_1389 = arith.constant 0 : i32
    %dma_start3A_1390 = tpu.memref_slice %arg4[%add3A_1386, %dma_start3A_1389] : memref<16384x2048xf32, #tpu.memory_space<hbm>> -> memref<8x2048xf32, #tpu.memory_space<hbm>>
    tpu.enqueue_dma source(%arg9 : memref<8x2048xf32, #tpu.memory_space<vmem>>) target(%dma_start3A_1390 : memref<8x2048xf32, #tpu.memory_space<hbm>>) target_semaphore(%arg21 : memref<!tpu.dma_semaphore, #tpu.memory_space<semaphore_mem>>)
    %dma_wait3A_1391 = arith.constant 0 : i32
    %dma_wait3A_1392 = tpu.memref_slice %arg4[%add3A_1314, %dma_wait3A_1391] : memref<16384x2048xf32, #tpu.memory_space<hbm>> -> memref<8x2048xf32, #tpu.memory_space<hbm>>
    %dma_wait3A_1393 = arith.constant 0 : i32
    %dma_wait3A_1394 = tpu.memref_slice %arg4[%add3A_1314, %dma_wait3A_1393] : memref<16384x2048xf32, #tpu.memory_space<hbm>> -> memref<8x2048xf32, #tpu.memory_space<hbm>>
    tpu.wait_dma2 semaphore(%arg18 : memref<!tpu.dma_semaphore, #tpu.memory_space<semaphore_mem>>) src(%arg6 : memref<8x2048xf32, #tpu.memory_space<vmem>>) dst(%dma_wait3A_1394 : memref<8x2048xf32, #tpu.memory_space<hbm>>)
    %dma_start3A_1395 = arith.constant 60 : i32
    %dma_start3A_1396 = arith.constant 0 : i32
    %dma_start3A_1397 = tpu.memref_slice %arg5[%dma_start3A_1395, %dma_start3A_1396] : memref<64x8xi32, #tpu.memory_space<vmem>> -> memref<1x8xi32, #tpu.memory_space<vmem>>
    %dma_start3A_1398 = tpu.memref_squeeze %dma_start3A_1397 : memref<1x8xi32, #tpu.memory_space<vmem>> -> memref<8xi32, #tpu.memory_space<vmem>>
    %dma_start3A_1399 = arith.constant 0 : i32
    %dma_start3A_1400 = arith.constant 0 : i32
    %dma_start3A_1401 = tpu.memref_slice %arg3[%dma_start3A_1399, %dma_start3A_1400] : memref<100000x2048xf32, #tpu.memory_space<hbm>> -> memref<100000x2048xf32, #tpu.memory_space<hbm>>
    tpu.enqueue_indirect_dma source(%dma_start3A_1401 : memref<100000x2048xf32, #tpu.memory_space<hbm>>) target(%arg6 : memref<8x2048xf32, #tpu.memory_space<vmem>>) offsets(%dma_start3A_1398 : memref<8xi32, #tpu.memory_space<vmem>>) semaphore(%arg12 : memref<!tpu.dma_semaphore, #tpu.memory_space<semaphore_mem>>)
    %dma_wait3A_1402 = arith.constant 58 : i32
    %dma_wait3A_1403 = arith.constant 0 : i32
    %dma_wait3A_1404 = tpu.memref_slice %arg5[%dma_wait3A_1402, %dma_wait3A_1403] : memref<64x8xi32, #tpu.memory_space<vmem>> -> memref<1x8xi32, #tpu.memory_space<vmem>>
    %dma_wait3A_1405 = tpu.memref_squeeze %dma_wait3A_1404 : memref<1x8xi32, #tpu.memory_space<vmem>> -> memref<8xi32, #tpu.memory_space<vmem>>
    %dma_wait3A_1406 = arith.constant 0 : i32
    %dma_wait3A_1407 = arith.constant 0 : i32
    %dma_wait3A_1408 = tpu.memref_slice %arg3[%dma_wait3A_1406, %dma_wait3A_1407] : memref<100000x2048xf32, #tpu.memory_space<hbm>> -> memref<100000x2048xf32, #tpu.memory_space<hbm>>
    tpu.wait_indirect_dma semaphore(%arg16 : memref<!tpu.dma_semaphore, #tpu.memory_space<semaphore_mem>>) src(%dma_wait3A_1408 : memref<100000x2048xf32, #tpu.memory_space<hbm>>) dst(%arg10 : memref<8x2048xf32, #tpu.memory_space<vmem>>)
    %add3A_1409 = arith.constant 464 : i32
    %add3A_1410 = arith.addi %mul3A_2, %add3A_1409 : i32
    %dma_start3A_1411 = arith.constant 0 : i32
    %dma_start3A_1412 = tpu.memref_slice %arg4[%add3A_1410, %dma_start3A_1411] : memref<16384x2048xf32, #tpu.memory_space<hbm>> -> memref<8x2048xf32, #tpu.memory_space<hbm>>
    %dma_start3A_1413 = arith.constant 0 : i32
    %dma_start3A_1414 = tpu.memref_slice %arg4[%add3A_1410, %dma_start3A_1413] : memref<16384x2048xf32, #tpu.memory_space<hbm>> -> memref<8x2048xf32, #tpu.memory_space<hbm>>
    tpu.enqueue_dma source(%arg10 : memref<8x2048xf32, #tpu.memory_space<vmem>>) target(%dma_start3A_1414 : memref<8x2048xf32, #tpu.memory_space<hbm>>) target_semaphore(%arg22 : memref<!tpu.dma_semaphore, #tpu.memory_space<semaphore_mem>>)
    %dma_wait3A_1415 = arith.constant 0 : i32
    %dma_wait3A_1416 = tpu.memref_slice %arg4[%add3A_1338, %dma_wait3A_1415] : memref<16384x2048xf32, #tpu.memory_space<hbm>> -> memref<8x2048xf32, #tpu.memory_space<hbm>>
    %dma_wait3A_1417 = arith.constant 0 : i32
    %dma_wait3A_1418 = tpu.memref_slice %arg4[%add3A_1338, %dma_wait3A_1417] : memref<16384x2048xf32, #tpu.memory_space<hbm>> -> memref<8x2048xf32, #tpu.memory_space<hbm>>
    tpu.wait_dma2 semaphore(%arg19 : memref<!tpu.dma_semaphore, #tpu.memory_space<semaphore_mem>>) src(%arg7 : memref<8x2048xf32, #tpu.memory_space<vmem>>) dst(%dma_wait3A_1418 : memref<8x2048xf32, #tpu.memory_space<hbm>>)
    %dma_start3A_1419 = arith.constant 61 : i32
    %dma_start3A_1420 = arith.constant 0 : i32
    %dma_start3A_1421 = tpu.memref_slice %arg5[%dma_start3A_1419, %dma_start3A_1420] : memref<64x8xi32, #tpu.memory_space<vmem>> -> memref<1x8xi32, #tpu.memory_space<vmem>>
    %dma_start3A_1422 = tpu.memref_squeeze %dma_start3A_1421 : memref<1x8xi32, #tpu.memory_space<vmem>> -> memref<8xi32, #tpu.memory_space<vmem>>
    %dma_start3A_1423 = arith.constant 0 : i32
    %dma_start3A_1424 = arith.constant 0 : i32
    %dma_start3A_1425 = tpu.memref_slice %arg3[%dma_start3A_1423, %dma_start3A_1424] : memref<100000x2048xf32, #tpu.memory_space<hbm>> -> memref<100000x2048xf32, #tpu.memory_space<hbm>>
    tpu.enqueue_indirect_dma source(%dma_start3A_1425 : memref<100000x2048xf32, #tpu.memory_space<hbm>>) target(%arg7 : memref<8x2048xf32, #tpu.memory_space<vmem>>) offsets(%dma_start3A_1422 : memref<8xi32, #tpu.memory_space<vmem>>) semaphore(%arg13 : memref<!tpu.dma_semaphore, #tpu.memory_space<semaphore_mem>>)
    %dma_wait3A_1426 = arith.constant 59 : i32
    %dma_wait3A_1427 = arith.constant 0 : i32
    %dma_wait3A_1428 = tpu.memref_slice %arg5[%dma_wait3A_1426, %dma_wait3A_1427] : memref<64x8xi32, #tpu.memory_space<vmem>> -> memref<1x8xi32, #tpu.memory_space<vmem>>
    %dma_wait3A_1429 = tpu.memref_squeeze %dma_wait3A_1428 : memref<1x8xi32, #tpu.memory_space<vmem>> -> memref<8xi32, #tpu.memory_space<vmem>>
    %dma_wait3A_1430 = arith.constant 0 : i32
    %dma_wait3A_1431 = arith.constant 0 : i32
    %dma_wait3A_1432 = tpu.memref_slice %arg3[%dma_wait3A_1430, %dma_wait3A_1431] : memref<100000x2048xf32, #tpu.memory_space<hbm>> -> memref<100000x2048xf32, #tpu.memory_space<hbm>>
    tpu.wait_indirect_dma semaphore(%arg17 : memref<!tpu.dma_semaphore, #tpu.memory_space<semaphore_mem>>) src(%dma_wait3A_1432 : memref<100000x2048xf32, #tpu.memory_space<hbm>>) dst(%arg11 : memref<8x2048xf32, #tpu.memory_space<vmem>>)
    %add3A_1433 = arith.constant 472 : i32
    %add3A_1434 = arith.addi %mul3A_2, %add3A_1433 : i32
    %dma_start3A_1435 = arith.constant 0 : i32
    %dma_start3A_1436 = tpu.memref_slice %arg4[%add3A_1434, %dma_start3A_1435] : memref<16384x2048xf32, #tpu.memory_space<hbm>> -> memref<8x2048xf32, #tpu.memory_space<hbm>>
    %dma_start3A_1437 = arith.constant 0 : i32
    %dma_start3A_1438 = tpu.memref_slice %arg4[%add3A_1434, %dma_start3A_1437] : memref<16384x2048xf32, #tpu.memory_space<hbm>> -> memref<8x2048xf32, #tpu.memory_space<hbm>>
    tpu.enqueue_dma source(%arg11 : memref<8x2048xf32, #tpu.memory_space<vmem>>) target(%dma_start3A_1438 : memref<8x2048xf32, #tpu.memory_space<hbm>>) target_semaphore(%arg23 : memref<!tpu.dma_semaphore, #tpu.memory_space<semaphore_mem>>)
    %dma_wait3A_1439 = arith.constant 0 : i32
    %dma_wait3A_1440 = tpu.memref_slice %arg4[%add3A_1362, %dma_wait3A_1439] : memref<16384x2048xf32, #tpu.memory_space<hbm>> -> memref<8x2048xf32, #tpu.memory_space<hbm>>
    %dma_wait3A_1441 = arith.constant 0 : i32
    %dma_wait3A_1442 = tpu.memref_slice %arg4[%add3A_1362, %dma_wait3A_1441] : memref<16384x2048xf32, #tpu.memory_space<hbm>> -> memref<8x2048xf32, #tpu.memory_space<hbm>>
    tpu.wait_dma2 semaphore(%arg20 : memref<!tpu.dma_semaphore, #tpu.memory_space<semaphore_mem>>) src(%arg8 : memref<8x2048xf32, #tpu.memory_space<vmem>>) dst(%dma_wait3A_1442 : memref<8x2048xf32, #tpu.memory_space<hbm>>)
    %dma_start3A_1443 = arith.constant 62 : i32
    %dma_start3A_1444 = arith.constant 0 : i32
    %dma_start3A_1445 = tpu.memref_slice %arg5[%dma_start3A_1443, %dma_start3A_1444] : memref<64x8xi32, #tpu.memory_space<vmem>> -> memref<1x8xi32, #tpu.memory_space<vmem>>
    %dma_start3A_1446 = tpu.memref_squeeze %dma_start3A_1445 : memref<1x8xi32, #tpu.memory_space<vmem>> -> memref<8xi32, #tpu.memory_space<vmem>>
    %dma_start3A_1447 = arith.constant 0 : i32
    %dma_start3A_1448 = arith.constant 0 : i32
    %dma_start3A_1449 = tpu.memref_slice %arg3[%dma_start3A_1447, %dma_start3A_1448] : memref<100000x2048xf32, #tpu.memory_space<hbm>> -> memref<100000x2048xf32, #tpu.memory_space<hbm>>
    tpu.enqueue_indirect_dma source(%dma_start3A_1449 : memref<100000x2048xf32, #tpu.memory_space<hbm>>) target(%arg8 : memref<8x2048xf32, #tpu.memory_space<vmem>>) offsets(%dma_start3A_1446 : memref<8xi32, #tpu.memory_space<vmem>>) semaphore(%arg14 : memref<!tpu.dma_semaphore, #tpu.memory_space<semaphore_mem>>)
    %dma_wait3A_1450 = arith.constant 60 : i32
    %dma_wait3A_1451 = arith.constant 0 : i32
    %dma_wait3A_1452 = tpu.memref_slice %arg5[%dma_wait3A_1450, %dma_wait3A_1451] : memref<64x8xi32, #tpu.memory_space<vmem>> -> memref<1x8xi32, #tpu.memory_space<vmem>>
    %dma_wait3A_1453 = tpu.memref_squeeze %dma_wait3A_1452 : memref<1x8xi32, #tpu.memory_space<vmem>> -> memref<8xi32, #tpu.memory_space<vmem>>
    %dma_wait3A_1454 = arith.constant 0 : i32
    %dma_wait3A_1455 = arith.constant 0 : i32
    %dma_wait3A_1456 = tpu.memref_slice %arg3[%dma_wait3A_1454, %dma_wait3A_1455] : memref<100000x2048xf32, #tpu.memory_space<hbm>> -> memref<100000x2048xf32, #tpu.memory_space<hbm>>
    tpu.wait_indirect_dma semaphore(%arg12 : memref<!tpu.dma_semaphore, #tpu.memory_space<semaphore_mem>>) src(%dma_wait3A_1456 : memref<100000x2048xf32, #tpu.memory_space<hbm>>) dst(%arg6 : memref<8x2048xf32, #tpu.memory_space<vmem>>)
    %add3A_1457 = arith.constant 480 : i32
    %add3A_1458 = arith.addi %mul3A_2, %add3A_1457 : i32
    %dma_start3A_1459 = arith.constant 0 : i32
    %dma_start3A_1460 = tpu.memref_slice %arg4[%add3A_1458, %dma_start3A_1459] : memref<16384x2048xf32, #tpu.memory_space<hbm>> -> memref<8x2048xf32, #tpu.memory_space<hbm>>
    %dma_start3A_1461 = arith.constant 0 : i32
    %dma_start3A_1462 = tpu.memref_slice %arg4[%add3A_1458, %dma_start3A_1461] : memref<16384x2048xf32, #tpu.memory_space<hbm>> -> memref<8x2048xf32, #tpu.memory_space<hbm>>
    tpu.enqueue_dma source(%arg6 : memref<8x2048xf32, #tpu.memory_space<vmem>>) target(%dma_start3A_1462 : memref<8x2048xf32, #tpu.memory_space<hbm>>) target_semaphore(%arg18 : memref<!tpu.dma_semaphore, #tpu.memory_space<semaphore_mem>>)
    %dma_wait3A_1463 = arith.constant 0 : i32
    %dma_wait3A_1464 = tpu.memref_slice %arg4[%add3A_1386, %dma_wait3A_1463] : memref<16384x2048xf32, #tpu.memory_space<hbm>> -> memref<8x2048xf32, #tpu.memory_space<hbm>>
    %dma_wait3A_1465 = arith.constant 0 : i32
    %dma_wait3A_1466 = tpu.memref_slice %arg4[%add3A_1386, %dma_wait3A_1465] : memref<16384x2048xf32, #tpu.memory_space<hbm>> -> memref<8x2048xf32, #tpu.memory_space<hbm>>
    tpu.wait_dma2 semaphore(%arg21 : memref<!tpu.dma_semaphore, #tpu.memory_space<semaphore_mem>>) src(%arg9 : memref<8x2048xf32, #tpu.memory_space<vmem>>) dst(%dma_wait3A_1466 : memref<8x2048xf32, #tpu.memory_space<hbm>>)
    %dma_start3A_1467 = arith.constant 63 : i32
    %dma_start3A_1468 = arith.constant 0 : i32
    %dma_start3A_1469 = tpu.memref_slice %arg5[%dma_start3A_1467, %dma_start3A_1468] : memref<64x8xi32, #tpu.memory_space<vmem>> -> memref<1x8xi32, #tpu.memory_space<vmem>>
    %dma_start3A_1470 = tpu.memref_squeeze %dma_start3A_1469 : memref<1x8xi32, #tpu.memory_space<vmem>> -> memref<8xi32, #tpu.memory_space<vmem>>
    %dma_start3A_1471 = arith.constant 0 : i32
    %dma_start3A_1472 = arith.constant 0 : i32
    %dma_start3A_1473 = tpu.memref_slice %arg3[%dma_start3A_1471, %dma_start3A_1472] : memref<100000x2048xf32, #tpu.memory_space<hbm>> -> memref<100000x2048xf32, #tpu.memory_space<hbm>>
    tpu.enqueue_indirect_dma source(%dma_start3A_1473 : memref<100000x2048xf32, #tpu.memory_space<hbm>>) target(%arg9 : memref<8x2048xf32, #tpu.memory_space<vmem>>) offsets(%dma_start3A_1470 : memref<8xi32, #tpu.memory_space<vmem>>) semaphore(%arg15 : memref<!tpu.dma_semaphore, #tpu.memory_space<semaphore_mem>>)
    %dma_wait3A_1474 = arith.constant 61 : i32
    %dma_wait3A_1475 = arith.constant 0 : i32
    %dma_wait3A_1476 = tpu.memref_slice %arg5[%dma_wait3A_1474, %dma_wait3A_1475] : memref<64x8xi32, #tpu.memory_space<vmem>> -> memref<1x8xi32, #tpu.memory_space<vmem>>
    %dma_wait3A_1477 = tpu.memref_squeeze %dma_wait3A_1476 : memref<1x8xi32, #tpu.memory_space<vmem>> -> memref<8xi32, #tpu.memory_space<vmem>>
    %dma_wait3A_1478 = arith.constant 0 : i32
    %dma_wait3A_1479 = arith.constant 0 : i32
    %dma_wait3A_1480 = tpu.memref_slice %arg3[%dma_wait3A_1478, %dma_wait3A_1479] : memref<100000x2048xf32, #tpu.memory_space<hbm>> -> memref<100000x2048xf32, #tpu.memory_space<hbm>>
    tpu.wait_indirect_dma semaphore(%arg13 : memref<!tpu.dma_semaphore, #tpu.memory_space<semaphore_mem>>) src(%dma_wait3A_1480 : memref<100000x2048xf32, #tpu.memory_space<hbm>>) dst(%arg7 : memref<8x2048xf32, #tpu.memory_space<vmem>>)
    %add3A_1481 = arith.constant 488 : i32
    %add3A_1482 = arith.addi %mul3A_2, %add3A_1481 : i32
    %dma_start3A_1483 = arith.constant 0 : i32
    %dma_start3A_1484 = tpu.memref_slice %arg4[%add3A_1482, %dma_start3A_1483] : memref<16384x2048xf32, #tpu.memory_space<hbm>> -> memref<8x2048xf32, #tpu.memory_space<hbm>>
    %dma_start3A_1485 = arith.constant 0 : i32
    %dma_start3A_1486 = tpu.memref_slice %arg4[%add3A_1482, %dma_start3A_1485] : memref<16384x2048xf32, #tpu.memory_space<hbm>> -> memref<8x2048xf32, #tpu.memory_space<hbm>>
    tpu.enqueue_dma source(%arg7 : memref<8x2048xf32, #tpu.memory_space<vmem>>) target(%dma_start3A_1486 : memref<8x2048xf32, #tpu.memory_space<hbm>>) target_semaphore(%arg19 : memref<!tpu.dma_semaphore, #tpu.memory_space<semaphore_mem>>)
    %dma_wait3A_1487 = arith.constant 62 : i32
    %dma_wait3A_1488 = arith.constant 0 : i32
    %dma_wait3A_1489 = tpu.memref_slice %arg5[%dma_wait3A_1487, %dma_wait3A_1488] : memref<64x8xi32, #tpu.memory_space<vmem>> -> memref<1x8xi32, #tpu.memory_space<vmem>>
    %dma_wait3A_1490 = tpu.memref_squeeze %dma_wait3A_1489 : memref<1x8xi32, #tpu.memory_space<vmem>> -> memref<8xi32, #tpu.memory_space<vmem>>
    %dma_wait3A_1491 = arith.constant 0 : i32
    %dma_wait3A_1492 = arith.constant 0 : i32
    %dma_wait3A_1493 = tpu.memref_slice %arg3[%dma_wait3A_1491, %dma_wait3A_1492] : memref<100000x2048xf32, #tpu.memory_space<hbm>> -> memref<100000x2048xf32, #tpu.memory_space<hbm>>
    tpu.wait_indirect_dma semaphore(%arg14 : memref<!tpu.dma_semaphore, #tpu.memory_space<semaphore_mem>>) src(%dma_wait3A_1493 : memref<100000x2048xf32, #tpu.memory_space<hbm>>) dst(%arg8 : memref<8x2048xf32, #tpu.memory_space<vmem>>)
    %add3A_1494 = arith.constant 496 : i32
    %add3A_1495 = arith.addi %mul3A_2, %add3A_1494 : i32
    %dma_start3A_1496 = arith.constant 0 : i32
    %dma_start3A_1497 = tpu.memref_slice %arg4[%add3A_1495, %dma_start3A_1496] : memref<16384x2048xf32, #tpu.memory_space<hbm>> -> memref<8x2048xf32, #tpu.memory_space<hbm>>
    %dma_start3A_1498 = arith.constant 0 : i32
    %dma_start3A_1499 = tpu.memref_slice %arg4[%add3A_1495, %dma_start3A_1498] : memref<16384x2048xf32, #tpu.memory_space<hbm>> -> memref<8x2048xf32, #tpu.memory_space<hbm>>
    tpu.enqueue_dma source(%arg8 : memref<8x2048xf32, #tpu.memory_space<vmem>>) target(%dma_start3A_1499 : memref<8x2048xf32, #tpu.memory_space<hbm>>) target_semaphore(%arg20 : memref<!tpu.dma_semaphore, #tpu.memory_space<semaphore_mem>>)
    %dma_wait3A_1500 = arith.constant 63 : i32
    %dma_wait3A_1501 = arith.constant 0 : i32
    %dma_wait3A_1502 = tpu.memref_slice %arg5[%dma_wait3A_1500, %dma_wait3A_1501] : memref<64x8xi32, #tpu.memory_space<vmem>> -> memref<1x8xi32, #tpu.memory_space<vmem>>
    %dma_wait3A_1503 = tpu.memref_squeeze %dma_wait3A_1502 : memref<1x8xi32, #tpu.memory_space<vmem>> -> memref<8xi32, #tpu.memory_space<vmem>>
    %dma_wait3A_1504 = arith.constant 0 : i32
    %dma_wait3A_1505 = arith.constant 0 : i32
    %dma_wait3A_1506 = tpu.memref_slice %arg3[%dma_wait3A_1504, %dma_wait3A_1505] : memref<100000x2048xf32, #tpu.memory_space<hbm>> -> memref<100000x2048xf32, #tpu.memory_space<hbm>>
    tpu.wait_indirect_dma semaphore(%arg15 : memref<!tpu.dma_semaphore, #tpu.memory_space<semaphore_mem>>) src(%dma_wait3A_1506 : memref<100000x2048xf32, #tpu.memory_space<hbm>>) dst(%arg9 : memref<8x2048xf32, #tpu.memory_space<vmem>>)
    %add3A_1507 = arith.constant 504 : i32
    %add3A_1508 = arith.addi %mul3A_2, %add3A_1507 : i32
    %dma_start3A_1509 = arith.constant 0 : i32
    %dma_start3A_1510 = tpu.memref_slice %arg4[%add3A_1508, %dma_start3A_1509] : memref<16384x2048xf32, #tpu.memory_space<hbm>> -> memref<8x2048xf32, #tpu.memory_space<hbm>>
    %dma_start3A_1511 = arith.constant 0 : i32
    %dma_start3A_1512 = tpu.memref_slice %arg4[%add3A_1508, %dma_start3A_1511] : memref<16384x2048xf32, #tpu.memory_space<hbm>> -> memref<8x2048xf32, #tpu.memory_space<hbm>>
    tpu.enqueue_dma source(%arg9 : memref<8x2048xf32, #tpu.memory_space<vmem>>) target(%dma_start3A_1512 : memref<8x2048xf32, #tpu.memory_space<hbm>>) target_semaphore(%arg21 : memref<!tpu.dma_semaphore, #tpu.memory_space<semaphore_mem>>)
    %dma_wait3A_1513 = arith.constant 0 : i32
    %dma_wait3A_1514 = tpu.memref_slice %arg4[%add3A_1410, %dma_wait3A_1513] : memref<16384x2048xf32, #tpu.memory_space<hbm>> -> memref<8x2048xf32, #tpu.memory_space<hbm>>
    %dma_wait3A_1515 = arith.constant 0 : i32
    %dma_wait3A_1516 = tpu.memref_slice %arg4[%add3A_1410, %dma_wait3A_1515] : memref<16384x2048xf32, #tpu.memory_space<hbm>> -> memref<8x2048xf32, #tpu.memory_space<hbm>>
    tpu.wait_dma2 semaphore(%arg22 : memref<!tpu.dma_semaphore, #tpu.memory_space<semaphore_mem>>) src(%arg10 : memref<8x2048xf32, #tpu.memory_space<vmem>>) dst(%dma_wait3A_1516 : memref<8x2048xf32, #tpu.memory_space<hbm>>)
    %dma_wait3A_1517 = arith.constant 0 : i32
    %dma_wait3A_1518 = tpu.memref_slice %arg4[%add3A_1434, %dma_wait3A_1517] : memref<16384x2048xf32, #tpu.memory_space<hbm>> -> memref<8x2048xf32, #tpu.memory_space<hbm>>
    %dma_wait3A_1519 = arith.constant 0 : i32
    %dma_wait3A_1520 = tpu.memref_slice %arg4[%add3A_1434, %dma_wait3A_1519] : memref<16384x2048xf32, #tpu.memory_space<hbm>> -> memref<8x2048xf32, #tpu.memory_space<hbm>>
    tpu.wait_dma2 semaphore(%arg23 : memref<!tpu.dma_semaphore, #tpu.memory_space<semaphore_mem>>) src(%arg11 : memref<8x2048xf32, #tpu.memory_space<vmem>>) dst(%dma_wait3A_1520 : memref<8x2048xf32, #tpu.memory_space<hbm>>)
    %dma_wait3A_1521 = arith.constant 0 : i32
    %dma_wait3A_1522 = tpu.memref_slice %arg4[%add3A_1458, %dma_wait3A_1521] : memref<16384x2048xf32, #tpu.memory_space<hbm>> -> memref<8x2048xf32, #tpu.memory_space<hbm>>
    %dma_wait3A_1523 = arith.constant 0 : i32
    %dma_wait3A_1524 = tpu.memref_slice %arg4[%add3A_1458, %dma_wait3A_1523] : memref<16384x2048xf32, #tpu.memory_space<hbm>> -> memref<8x2048xf32, #tpu.memory_space<hbm>>
    tpu.wait_dma2 semaphore(%arg18 : memref<!tpu.dma_semaphore, #tpu.memory_space<semaphore_mem>>) src(%arg6 : memref<8x2048xf32, #tpu.memory_space<vmem>>) dst(%dma_wait3A_1524 : memref<8x2048xf32, #tpu.memory_space<hbm>>)
    %dma_wait3A_1525 = arith.constant 0 : i32
    %dma_wait3A_1526 = tpu.memref_slice %arg4[%add3A_1482, %dma_wait3A_1525] : memref<16384x2048xf32, #tpu.memory_space<hbm>> -> memref<8x2048xf32, #tpu.memory_space<hbm>>
    %dma_wait3A_1527 = arith.constant 0 : i32
    %dma_wait3A_1528 = tpu.memref_slice %arg4[%add3A_1482, %dma_wait3A_1527] : memref<16384x2048xf32, #tpu.memory_space<hbm>> -> memref<8x2048xf32, #tpu.memory_space<hbm>>
    tpu.wait_dma2 semaphore(%arg19 : memref<!tpu.dma_semaphore, #tpu.memory_space<semaphore_mem>>) src(%arg7 : memref<8x2048xf32, #tpu.memory_space<vmem>>) dst(%dma_wait3A_1528 : memref<8x2048xf32, #tpu.memory_space<hbm>>)
    %dma_wait3A_1529 = arith.constant 0 : i32
    %dma_wait3A_1530 = tpu.memref_slice %arg4[%add3A_1495, %dma_wait3A_1529] : memref<16384x2048xf32, #tpu.memory_space<hbm>> -> memref<8x2048xf32, #tpu.memory_space<hbm>>
    %dma_wait3A_1531 = arith.constant 0 : i32
    %dma_wait3A_1532 = tpu.memref_slice %arg4[%add3A_1495, %dma_wait3A_1531] : memref<16384x2048xf32, #tpu.memory_space<hbm>> -> memref<8x2048xf32, #tpu.memory_space<hbm>>
    tpu.wait_dma2 semaphore(%arg20 : memref<!tpu.dma_semaphore, #tpu.memory_space<semaphore_mem>>) src(%arg8 : memref<8x2048xf32, #tpu.memory_space<vmem>>) dst(%dma_wait3A_1532 : memref<8x2048xf32, #tpu.memory_space<hbm>>)
    %dma_wait3A_1533 = arith.constant 0 : i32
    %dma_wait3A_1534 = tpu.memref_slice %arg4[%add3A_1508, %dma_wait3A_1533] : memref<16384x2048xf32, #tpu.memory_space<hbm>> -> memref<8x2048xf32, #tpu.memory_space<hbm>>
    %dma_wait3A_1535 = arith.constant 0 : i32
    %dma_wait3A_1536 = tpu.memref_slice %arg4[%add3A_1508, %dma_wait3A_1535] : memref<16384x2048xf32, #tpu.memory_space<hbm>> -> memref<8x2048xf32, #tpu.memory_space<hbm>>
    tpu.wait_dma2 semaphore(%arg21 : memref<!tpu.dma_semaphore, #tpu.memory_space<semaphore_mem>>) src(%arg9 : memref<8x2048xf32, #tpu.memory_space<vmem>>) dst(%dma_wait3A_1536 : memref<8x2048xf32, #tpu.memory_space<hbm>>)
    return
  }
}

</mosaic_0001>

<sc_bundles>
// kernel: kernel.3.cloned.1.call-start
scs
__scs_entry_jumppad:
0x0: {  	(pc) =	sbr.rel $0x88, $3  }
0x1: {  	(tag) =	ssettag $0x0;
	lr =	simm.s32 $0x1  }
0x2: {  	[smem:$0x3F9E] =	sst lr;
	_ =	strace $0xD0000000  }
0x3: {  	_ = 	snop  }
0x4: {  	_ = 	snop  }
0x5: {  	_ = 	snop  }
0x6: {  	_ = 	snop  }
0x7: {  	_ = 	snop  }
__scs_overlays_trampoline_lowered:
0x8: {  	[smem:$0x3FAD] =	sst s0  }
0x9: {  	[smem:$0x3FAE] =	sst s1  }
0xa: {  	[smem:$0x3FAF] =	sst s2  }
0xb: {  	[smem:$0x3FB0] =	sst s3  }
0xc: {  	[smem:$0x3FB1] =	sst s4  }
0xd: {  	[smem:$0x3FB2] =	sst s5  }
0xe: {  	[smem:$0x3FB3] =	sst s6  }
0xf: {  	[smem:$0x3FB4] =	sst s7  }
0x10: {  	[smem:$0x3FB5] =	sst s8  }
0x11: {  	[smem:$0x3FB6] =	sst s9;
	s0 =	simm.s32 @!p0 $0x0  }
0x12: {  	s1 =	sld [smem:$0x3F9C];
	s0 =	simm.s32 @p0 $0x1  }
0x13: {  	[smem:$0x3FB7] =	sst s0;
	s0 =	simm.s32 @!p1 $0x0  }
0x14: {  	s2 =	sld [smem:$0x3F9B];
	s0 =	simm.s32 @p1 $0x1  }
0x15: {  	[smem:$0x3FB8] =	sst s0;
	s0 =	simm.s32 @!p2 $0x0  }
0x16: {  	s3 =	sld [smem:$0x3FDB];
	s0 =	simm.s32 @p2 $0x1  }
0x17: {  	s4 =	simm.s32 $0x1BF5;
	[smem:$0x3FBA] =	sst s0  }
0x18: {  	s0 =	sld [smem:$0x3F9D];
	_ =	swait.ge [sflag:s4], $0x0  }
0x19: {  	s7 =	sld [smem:$0x3F9E]  }
0x1a: {  	s8 =	sadd.s32 $0xFFFFE003, lr  }
0x1b: {  	s9 =	sadd.s32 $0xFFFFFEF7, lr;
	s5 =	simm.s32 $0xFFFFFFFF;
	p2 =	slt.u32 s8, $0xFFFFF086  }
0x1c: {  	p1 =	slt.u32 s9, $0xF7A;
	s5 =	simm.s32 @!p2 $0x0  }
0x1d: {  	s5 =	simm.s32 @p1 $0x1;
	p0 =	seq.s32 s7, s2  }
0x1e: {  	s7 =	smul.u32 @!p0 $0xF7A, s2;
	p2 =	seq.s32 @!p0 s5, $0x0  }
0x1f: {  	s9 =	smul.u32 $0xF7A, s1;
	s8 =	simm.s32 @!p0 $0x1BF5;
	p2 =	por !p2, p0  }
0x20: {  	[sflag:s8] =	ssyncset.s32 @!p0 $0xFFFFF086;
	s6 =	sadd.s32 @!p0 s3, s7;
	s7 =	simm.s32 @!p0 $0x108  }
0x21: {  	s3 =	sadd.s32 s3, s9;
	s6 =	sadd.s32 @!p0 $0x88, s6;
	s7 =	simm.s32 @p2 $0x1082  }
0x22: {  	[simem:s7], [sflag:s8] =	dma.local @!p0 [hbm:s6], $0xF7A  }
0x23: {  	s9 =	sor.u32 $0xD0000000, s2;
	s6 =	simm.s32 $0x108;
	_ =	swait.ge @!p0 [sflag:s8], $0x0  }
0x24: {  	s3 =	sadd.s32 $0x88, s3;
	s6 =	simm.s32 @!p1 $0x1082;
	[sflag:s4] =	ssyncset.s32 $0xFFFFF086  }
0x25: {  	[simem:s6], [sflag:s4] =	dma.local [hbm:s3], $0xF7A  }
0x26: {  	[smem:$0x3F9E] =	sst s1;
	(tag) =	ssettag s2;
	_ =	strace s9  }
0x27: {  	s1 =	sld [smem:$0x3FAE]  }
0x28: {  	s2 =	sld [smem:$0x3FAF]  }
0x29: {  	s4 =	sld [smem:$0x3FB1]  }
0x2a: {  	p0 =	seq.s32 s5, $0x0;
	s5 =	sld [smem:$0x3FB2]  }
0x2b: {  	s6 =	sld [smem:$0x3FB3]  }
0x2c: {  	s7 =	sld [smem:$0x3FB4]  }
0x2d: {  	s3 =	simm.s32 $0x108;
	s8 =	sld [smem:$0x3FB5]  }
0x2e: {  	s3 =	simm.s32 @!p0 $0x1082;
	s9 =	sld [smem:$0x3FB6]  }
0x2f: {  	lr =	sadd.s32 s0, s3;
	s0 =	sld [smem:$0x3FAD]  }
0x30: {  	s3 =	sld [smem:$0x3FB0]  }
0x31: {  	[smem:$0x3FB9] =	sst s10  }
0x32: {  	s10 =	sld [smem:$0x3FB7];
	_ =	sdelay $0x3  }
0x33: {  	p0 =	seq.s32 s10, $0x1;
	s10 =	sld [smem:$0x3FB9];
	_ =	sdelay $0x3  }
0x34: {  	[smem:$0x3FB9] =	sst s10  }
0x35: {  	s10 =	sld [smem:$0x3FB8];
	_ =	sdelay $0x3  }
0x36: {  	p1 =	seq.s32 s10, $0x1;
	s10 =	sld [smem:$0x3FB9];
	_ =	sdelay $0x3  }
0x37: {  	[smem:$0x3FB9] =	sst s10  }
0x38: {  	s10 =	sld [smem:$0x3FBA]  }
0x39: {  	_ = 	snop;
	(pc) =	sbr.ind lr, $3  }
0x3a: {  	_ = 	snop  }
0x3b: {  	_ = 	snop  }
0x3c: {  	p2 =	seq.s32 s10, $0x1;
	s10 =	sld [smem:$0x3FB9]  }
0x3d: {  	_ =	shalt  }
0x3e: {  	_ =	shalt  }
0x3f: {  	_ =	shalt  }
0x40: {  	_ =	shalt  }
0x41: {  	_ =	shalt  }
0x42: {  	_ =	shalt  }
0x43: {  	_ =	shalt  }
0x44: {  	_ =	shalt  }
0x45: {  	_ =	shalt  }
0x46: {  	_ =	shalt  }
0x47: {  	_ =	shalt  }
0x48: {  	_ =	shalt  }
0x49: {  	_ =	shalt  }
0x4a: {  	_ =	shalt  }
0x4b: {  	_ =	shalt  }
0x4c: {  	_ =	shalt  }
0x4d: {  	_ =	shalt  }
0x4e: {  	_ =	shalt  }
0x4f: {  	_ =	shalt  }
0x50: {  	_ =	shalt  }
0x51: {  	_ =	shalt  }
0x52: {  	_ =	shalt  }
0x53: {  	_ =	shalt  }
0x54: {  	_ =	shalt  }
0x55: {  	_ =	shalt  }
0x56: {  	_ =	shalt  }
0x57: {  	_ =	shalt  }
0x58: {  	_ =	shalt  }
0x59: {  	_ =	shalt  }
0x5a: {  	_ =	shalt  }
0x5b: {  	_ =	shalt  }
0x5c: {  	_ =	shalt  }
0x5d: {  	_ =	shalt  }
0x5e: {  	_ =	shalt  }
0x5f: {  	_ =	shalt  }
0x60: {  	_ =	shalt  }
0x61: {  	_ =	shalt  }
0x62: {  	_ =	shalt  }
0x63: {  	_ =	shalt  }
0x64: {  	_ =	shalt  }
0x65: {  	_ =	shalt  }
0x66: {  	_ =	shalt  }
0x67: {  	_ =	shalt  }
0x68: {  	_ =	shalt  }
0x69: {  	_ =	shalt  }
0x6a: {  	_ =	shalt  }
0x6b: {  	_ =	shalt  }
0x6c: {  	_ =	shalt  }
0x6d: {  	_ =	shalt  }
0x6e: {  	_ =	shalt  }
0x6f: {  	_ =	shalt  }
0x70: {  	_ =	shalt  }
0x71: {  	_ =	shalt  }
0x72: {  	_ =	shalt  }
0x73: {  	_ =	shalt  }
0x74: {  	_ =	shalt  }
0x75: {  	_ =	shalt  }
0x76: {  	_ =	shalt  }
0x77: {  	_ =	shalt  }
0x78: {  	_ =	shalt  }
0x79: {  	_ =	shalt  }
0x7a: {  	_ =	shalt  }
0x7b: {  	_ =	shalt  }
0x7c: {  	_ =	shalt  }
0x7d: {  	_ =	shalt  }
0x7e: {  	_ =	shalt  }
0x7f: {  	_ =	shalt  }
0x80: {  	_ =	shalt  }
0x81: {  	_ =	shalt  }
0x82: {  	_ =	shalt  }
0x83: {  	_ =	shalt  }
0x84: {  	_ =	shalt  }
0x85: {  	_ =	shalt  }
0x86: {  	_ =	shalt  }
0x87: {  	_ =	shalt  }
.Lfunc_end0:
.L_simem_size_0:
called_computation_lowered:
.L_overlay_start_0:
0x88: {  	s2 =	sld [smem:$0x3FD9]  }
0x89: {  	s3 =	sld [smem:$0x3FFE];
	_ =	sdelay $0x1  }
0x8a: {  	s1 =	srdreg.scid  }
0x8b: {  	s0 =	sand.u32 $0x1, s1  }
0x8c: {  	s14 =	sshll.u32 s0, $0xA;
	s2 =	sadd.s32 s3, s2  }
0x8d: {  	s2 =	sadd.s32 s2, s14  }
0x8e: {  	[smem:$0x3FC5] =	sst s2  }
0x8f: {  	_ = 	snop  }
0x90: {  	s2 =	sld [smem:$0x3FD0];
	_ =	sdelay $0x2  }
0x91: {  	s4 =	simm.s32 $0xA;
	s5 =	simm.s32 $0x10;
	s15 =	sld [smem:$0x3FC7]  }
0x92: {  	[smem:s5], [sflag:s4] =	dma.local [hbm:s2], $0x1  }
0x93: {  	_ =	swait.eq [sflag:s4], $0x1  }
0x94: {  	[sflag:s4] =	ssyncset.done $0x0  }
0x95: {  	[sflag:s4] =	ssyncadd.s32 $0xFFFFFFFF  }
0x96: {  	s16 =	sld [smem:$0x10];
	(tm) =	ssettm $0x1  }
0x97: {  	s17 =	sld [smem:$0x3FFB];
	_ =	sdelay $0x3  }
0x98: {  	_ =	strace s17  }
0x99: {  	s4 =	sld [smem:$0x3FFC];
	_ =	sdelay $0x3  }
0x9a: {  	_ =	strace s4  }
0x9b: {  	s4 =	sld [smem:$0x3FFD];
	_ =	sdelay $0x3  }
0x9c: {  	_ =	strace s4  }
0x9d: {  	_ =	strace $0x8FFFFFFF  }
0x9e: {  	s18 =	sld [smem:$0x3FDB];
	_ =	sdelay $0x1  }
0x9f: {  	s19 =	simm.s32 $_scs_section_size  }
0xa0: {  	s6 =	simm.s32 $_size__tile_overlayer_lowered;
	s7 =	simm.s32 $_tile_overlayer_lowered  }
0xa1: {  	s22 =	simm.s32 $0x1BFF;
	s21 =	sshll.u32 s7, $0x1;
	s4 =	sadd.s32 s19, s18  }
0xa2: {  	s8 =	simm.s32 $0x0;
	s20 =	sshll.u32 s6, $0x1;
	s6 =	sadd.s32 s21, s4  }
0xa3: {  	[timem:s8], [sflag:s22] =	dma.local [hbm:s6], s20  }
0xa4: {  	_ =	swait.ge [sflag:s22], s20  }
0xa5: {  	s5 =	ssub.s32 $0x0, s20;
	[sflag:s22] =	ssyncset.done $0x0  }
0xa6: {  	[sflag:s22] =	ssyncadd.s32 s5;
	_ =	sdelay $0x1  }
0xa7: {  	s23 =	simm.s32 $0x1B8B  }
0xa8: {  	_ =	swait.ge [sflag:s23], $0x1  }
0xa9: {  	[sflag:s23] =	ssyncset.done $0x0  }
0xaa: {  	s25 =	simm.s32 $0x1B8E;
	s24 =	sld [smem:$0x3FFE];
	[sflag:s23] =	ssyncadd.s32 $0xFFFFFFFF  }
0xab: {  	s26 =	simm.s32 $execute0_lowered;
	[smem:$0x3FD2] =	sst s25  }
0xac: {  	s6 =	sshll.u32 s26, $0x1;
	_ =	strace $0x80000046;
	[dreg:$0x1] =	wrdreg $0xFFFFFFFF  }
0xad: {  	s28 =	simm.s32 $_size_execute0_lowered;
	s4 =	sadd.s32 s4, s6;
	[dreg:$0x0] =	wrdreg $0x0  }
0xae: {  	s6 =	sshll.u32 s28, $0x1;
	[dreg:$0x2] =	wrdreg s4  }
0xaf: {  	[dreg:$0x3] =	wrdreg s6  }
0xb0: {  	[dreg:$0x4] =	wrdreg $0xC0  }
0xb1: {  	_ =	task [dreg:s8], $0x5FFFF  }
0xb2: {  	[dreg:$0x1] =	wrdreg $0xFFFFFFFF  }
0xb3: {  	[dreg:$0x0] =	wrdreg $0x60  }
0xb4: {  	[dreg:$0x2] =	wrdreg s24  }
0xb5: {  	[dreg:$0x3] =	wrdreg s15  }
0xb6: {  	[dreg:$0x4] =	wrdreg s16  }
0xb7: {  	[dreg:$0x5] =	wrdreg $0x9  }
0xb8: {  	_ =	task.clear_ibuf [dreg:s8], $0x6FFFF;
	_ =	strace $0x90000046  }
0xb9: {  	s29 =	simm.s32 $0x9;
	_ =	strace $0x80000048  }
0xba: {  	_ =	swait.ge [sflag:s29], $0x1  }
0xbb: {  	[sflag:s29] =	ssyncadd.s32 $0xFFFFFFFF  }
0xbc: {  	_ =	strace $0x90000048  }
0xbd: {  	_ =	sfence  }
0xbe: {  	s30 =	sld [smem:$0x0];
	_ =	sdelay $0x2  }
0xbf: {  	s31 =	sshll.u32 s1, $0xD;
	s1 =	sshrl.u32 s1, $0x2  }
0xc0: {  	s3 =	sand.u32 $0x4000, s31;
	s1 =	sadd.s32 s1, s30  }
0xc1: {  	s0 =	sor.u32 s3, s0;
	s1 =	sshll.u32 s1, $0x11  }
0xc2: {  	s0 =	sor.u32 s1, s0  }
0xc3: {  	s0 =	sadd.s32 $0x8F2B, s0  }
0xc4: {  	[sflag:s0] =	ssyncadd.remote.s32 $0x1  }
0xc5: {  	_ =	sfence.sel $0xFFFF  }
0xc6: {  	[dreg:$0x0] =	wrdreg $0xFFFFFFFF;
	(pc) =	sbr.abs _section_cstart, $3  }
0xc7: {  	[dreg:$0x1] =	wrdreg $0xFFFFFFFF  }
0xc8: {  	_ =	task.clear_ibuf [dreg:s8], $0x2FFFF;
	_ =	strace $0x9FFFFFFF  }
0xc9: {  	(tm) =	ssettm $0x7FFFFFFF  }
tec
execute0_lowered:
.L_overlay_start_1:
0x0: {  	(tag) =	ssettag $0x1  }
0x1: {  	s1 =	rddreg [dreg:$0x0]  }
0x2: {  	s0 =	srdreg.scid;
	s3 =	stileid.u32  }
0x3: {  	s2 =	rddreg [dreg:$0x1];
	s0 =	sand.u32 $0x1, s0;
	s3 =	sshll.u32 s3, $0x1  }
0x4: {  	s4 =	rddreg [dreg:$0x2];
	s5 =	sor.u32 s0, s3  }
0x5: {  	s3 =	simm.s32 $0x0;
	s6 =	sshll.u32 s5, $0xA;
	s5 =	sshll.u32 s5, $0x11  }
0x6: {  	[smem:$0x7FF] =	sst s3;
	s1 =	sadd.s32 s6, s1;
	s12 =	sadd.s32 s4, s5  }
0x7: {  	_ =	strace $0x80000047;
	s1 =	sadd.s32 $0x600, s1;
	[smem:$0x7FC] =	sst s12  }
0x8: {  	s16 =	sadd.s32 $0x800, s12;
	[dreg:$0x4] =	wrdreg s1  }
0x9: {  	s17 =	sadd.s32 $0x1000, s12;
	[dreg:$0x5] =	wrdreg s16  }
0xa: {  	s18 =	sadd.s32 $0x1800, s12;
	[dreg:$0x6] =	wrdreg s17  }
0xb: {  	s19 =	sadd.s32 $0x2000, s12;
	[dreg:$0x7] =	wrdreg s18  }
0xc: {  	s20 =	sadd.s32 $0x2800, s12;
	[dreg:$0x8] =	wrdreg s19  }
0xd: {  	s21 =	sadd.s32 $0x3000, s12;
	[dreg:$0x9] =	wrdreg s20  }
0xe: {  	s22 =	sadd.s32 $0x3800, s12;
	[dreg:$0xa] =	wrdreg s21  }
0xf: {  	s23 =	sadd.s32 $0x4000, s12;
	[dreg:$0xb] =	wrdreg s22  }
0x10: {  	s24 =	sadd.s32 $0x4800, s12;
	[dreg:$0xc] =	wrdreg s23  }
0x11: {  	s25 =	sadd.s32 $0x5000, s12;
	[dreg:$0xd] =	wrdreg s24  }
0x12: {  	s26 =	sadd.s32 $0x5800, s12;
	[dreg:$0xe] =	wrdreg s25  }
0x13: {  	s28 =	sadd.s32 $0x6000, s12;
	[dreg:$0xf] =	wrdreg s26  }
0x14: {  	s30 =	sadd.s32 $0x6800, s12;
	[dreg:$0x10] =	wrdreg s28  }
0x15: {  	s31 =	sadd.s32 $0x7000, s12;
	[dreg:$0x11] =	wrdreg s30  }
0x16: {  	s4 =	sadd.s32 $0x7800, s12;
	[dreg:$0x12] =	wrdreg s31  }
0x17: {  	s5 =	sadd.s32 $0x8000, s12;
	[dreg:$0x13] =	wrdreg s4  }
0x18: {  	s6 =	sadd.s32 $0x8800, s12;
	[dreg:$0x14] =	wrdreg s5  }
0x19: {  	s7 =	sadd.s32 $0x9000, s12;
	[dreg:$0x15] =	wrdreg s6  }
0x1a: {  	s8 =	sadd.s32 $0x9800, s12;
	[dreg:$0x16] =	wrdreg s7  }
0x1b: {  	s9 =	sadd.s32 $0xA000, s12;
	[dreg:$0x17] =	wrdreg s8  }
0x1c: {  	s10 =	sadd.s32 $0xA800, s12;
	[dreg:$0x18] =	wrdreg s9  }
0x1d: {  	s11 =	sadd.s32 $0xB000, s12;
	[dreg:$0x19] =	wrdreg s10  }
0x1e: {  	s13 =	sadd.s32 $0xB800, s12;
	[dreg:$0x1a] =	wrdreg s11  }
0x1f: {  	s14 =	sadd.s32 $0xC000, s12;
	[dreg:$0x1b] =	wrdreg s13  }
0x20: {  	s15 =	sadd.s32 $0xC800, s12;
	[dreg:$0x1c] =	wrdreg s14  }
0x21: {  	[dreg:$0x1d] =	wrdreg s15;
	s16 =	sadd.s32 $0xD000, s12  }
0x22: {  	s17 =	sadd.s32 $0xD800, s12;
	[dreg:$0x1e] =	wrdreg s16  }
0x23: {  	s18 =	sadd.s32 $0xE000, s12;
	[dreg:$0x1f] =	wrdreg s17  }
0x24: {  	s19 =	sadd.s32 $0xE800, s12;
	[smem:$0x7D9] =	sst s18  }
0x25: {  	s20 =	sadd.s32 $0xF000, s12;
	[smem:$0x7DA] =	sst s19  }
0x26: {  	s21 =	sadd.s32 $0xF800, s12;
	[smem:$0x7DB] =	sst s20  }
0x27: {  	s22 =	sadd.s32 $0x10000, s12;
	[smem:$0x7DC] =	sst s21  }
0x28: {  	s23 =	sadd.s32 $0x10800, s12;
	[smem:$0x7DD] =	sst s22  }
0x29: {  	s24 =	sadd.s32 $0x11000, s12;
	[smem:$0x7DE] =	sst s23  }
0x2a: {  	s25 =	sadd.s32 $0x11800, s12;
	[smem:$0x7DF] =	sst s24  }
0x2b: {  	s26 =	sadd.s32 $0x12000, s12;
	[smem:$0x7E0] =	sst s25  }
0x2c: {  	s28 =	sadd.s32 $0x12800, s12;
	[smem:$0x7E1] =	sst s26  }
0x2d: {  	s30 =	sadd.s32 $0x13000, s12;
	[smem:$0x7E2] =	sst s28  }
0x2e: {  	s31 =	sadd.s32 $0x13800, s12;
	[smem:$0x7E3] =	sst s30  }
0x2f: {  	s4 =	sadd.s32 $0x14000, s12;
	[smem:$0x7E4] =	sst s31  }
0x30: {  	s5 =	sadd.s32 $0x14800, s12;
	[smem:$0x7E5] =	sst s4  }
0x31: {  	s6 =	sadd.s32 $0x15000, s12;
	[smem:$0x7E6] =	sst s5  }
0x32: {  	s7 =	sadd.s32 $0x15800, s12;
	[smem:$0x7E7] =	sst s6  }
0x33: {  	s8 =	sadd.s32 $0x16000, s12;
	[smem:$0x7E8] =	sst s7  }
0x34: {  	s9 =	sadd.s32 $0x16800, s12;
	[smem:$0x7E9] =	sst s8  }
0x35: {  	s10 =	sadd.s32 $0x17000, s12;
	[smem:$0x7EA] =	sst s9  }
0x36: {  	s11 =	sadd.s32 $0x17800, s12;
	[smem:$0x7EB] =	sst s10  }
0x37: {  	s13 =	sadd.s32 $0x18000, s12;
	[smem:$0x7EC] =	sst s11  }
0x38: {  	s14 =	sadd.s32 $0x18800, s12;
	[smem:$0x7ED] =	sst s13  }
0x39: {  	s15 =	sadd.s32 $0x19000, s12;
	[smem:$0x7EE] =	sst s14  }
0x3a: {  	[smem:$0x7EF] =	sst s15;
	s16 =	sadd.s32 $0x19800, s12  }
0x3b: {  	s17 =	sadd.s32 $0x1A000, s12;
	[smem:$0x7F0] =	sst s16  }
0x3c: {  	s29 =	simm.s32 $0x1;
	s18 =	sadd.s32 $0x1A800, s12;
	[smem:$0x7F1] =	sst s17  }
0x3d: {  	s0 =	ssub.s32 $0x2, s0;
	s19 =	sadd.s32 $0x1B000, s12;
	[smem:$0x7F2] =	sst s18  }
0x3e: {  	s20 =	sshrl.u32 s0, $0x1;
	s21 =	sadd.s32 $0x1B800, s12;
	[smem:$0x7F3] =	sst s19  }
0x3f: {  	s22 =	sadd.s32 $0x1C000, s12;
	s5 =	sadd.s32 $0x100, s2;
	[smem:$0x7F4] =	sst s21  }
0x40: {  	s23 =	sadd.s32 $0x1C800, s12;
	s6 =	sadd.s32 $0x200, s2;
	[smem:$0x7F5] =	sst s22  }
0x41: {  	s24 =	sadd.s32 $0x1D000, s12;
	s7 =	sadd.s32 $0x300, s2;
	[smem:$0x7F6] =	sst s23  }
0x42: {  	s25 =	sadd.s32 $0x1D800, s12;
	s8 =	sadd.s32 $0x400, s2;
	[smem:$0x7F7] =	sst s24  }
0x43: {  	s26 =	sadd.s32 $0x1E000, s12;
	s9 =	sadd.s32 $0x500, s2;
	[smem:$0x7F8] =	sst s25  }
0x44: {  	s28 =	sadd.s32 $0x1E800, s12;
	s10 =	sadd.s32 $0x600, s2;
	[smem:$0x7F9] =	sst s26  }
0x45: {  	s30 =	sadd.s32 $0x1F000, s12;
	s11 =	sadd.s32 $0x700, s2;
	[smem:$0x7FA] =	sst s28  }
0x46: {  	v0 =	vlaneseq.u32;
	s31 =	sadd.s32 $0x1F800, s12;
	s13 =	simm.s32 $0x3;
	[smem:$0x7FB] =	sst s30  }
0x47: {  	v1 =	vshrl.u32 v0, $0x3;
	s4 =	simm.s32 $0x4;
	s0 =	ssub.s32 s0, s20;
	[smem:$0x7FD] =	sst s31  }
0x48: {  	vm0 =	vmmov $0xffff;
	v0 =	vand.u32 $0x7, v0;
	v1 =	vmul.u32 $0x8, v1;
	s24 =	simm.s32 $0x2;
	s16 =	simm.s32 $0x7;
	s12 =	smax.u32 s0, $0x1  }
.LBB2_1:
0x49: {  	[smem:$0x7D8] =	sst s12  }
0x4a: {  	s25 =	rddreg [dreg:$0x4];
	s15 =	simm.s32 $0xD  }
0x4b: {  	[tilespmem:s3], [sflag:$0xD] =	stream.linear.gather [hbm4b:s25+s3], $0x2000, $0x38;
	[tilespmem:$0x1A000] =	vst v63  }
0x4c: {  	_ =	swait.ge [sflag:s15], $0x2000  }
0x4d: {  	[sflag:s15] =	ssyncset.done $0x0  }
0x4e: {  	[sflag:s15] =	ssyncadd.s32 $0xFFFFE000  }
0x4f: {  	v2 =	vld.msk [tilespmem:$0x0], $0xff;
	_ =	sdelay $0x4  }
0x50: {  	v3 =	vshll.u32 v2, $0x4  }
0x51: {  	v2 =	vand.u32 $0x7, v2;
	v3 =	vand.u32 $0xFFFFFF80, v3  }
0x52: {  	v2 =	vor.u32 v2, v3  }
0x53: {  	v2 =	vperm.xlane v2, v0;
	_ =	sdelay $0x1  }
0x54: {  	v2 =	vadd.s32 v1, v2;
	_ =	sdelay $0x3  }
0x55: {  	s0 =	simm.s32 $0x2000  }
0x56: {  	[tilespmem:s0], [sflag:$0x1] =	stream.indirect_vreg.gather [hbm4b:s2+s3], $0x80, v2, vm0, $0xb8;
	[tilespmem:$0x1A000] =	vst v63  }
0x57: {  	s17 =	simm.s32 $0x2800  }
0x58: {  	[tilespmem:s17], [sflag:$0x1] =	stream.indirect_vreg.gather [hbm4b:s5+s3], $0x80, v2, vm0, $0xb8;
	[tilespmem:$0x1A000] =	vst v63  }
0x59: {  	s18 =	simm.s32 $0x3000  }
0x5a: {  	[tilespmem:s18], [sflag:$0x1] =	stream.indirect_vreg.gather [hbm4b:s6+s3], $0x80, v2, vm0, $0xb8;
	[tilespmem:$0x1A000] =	vst v63  }
0x5b: {  	s19 =	simm.s32 $0x3800  }
0x5c: {  	[tilespmem:s19], [sflag:$0x1] =	stream.indirect_vreg.gather [hbm4b:s7+s3], $0x80, v2, vm0, $0xb8;
	[tilespmem:$0x1A000] =	vst v63  }
0x5d: {  	s20 =	simm.s32 $0x4000  }
0x5e: {  	[tilespmem:s20], [sflag:$0x1] =	stream.indirect_vreg.gather [hbm4b:s8+s3], $0x80, v2, vm0, $0xb8;
	[tilespmem:$0x1A000] =	vst v63  }
0x5f: {  	s21 =	simm.s32 $0x4800  }
0x60: {  	[tilespmem:s21], [sflag:$0x1] =	stream.indirect_vreg.gather [hbm4b:s9+s3], $0x80, v2, vm0, $0xb8;
	[tilespmem:$0x1A000] =	vst v63  }
0x61: {  	s22 =	simm.s32 $0x5000  }
0x62: {  	[tilespmem:s22], [sflag:$0x1] =	stream.indirect_vreg.gather [hbm4b:s10+s3], $0x80, v2, vm0, $0xb8;
	[tilespmem:$0x1A000] =	vst v63  }
0x63: {  	s23 =	simm.s32 $0x5800  }
0x64: {  	[tilespmem:s23], [sflag:$0x1] =	stream.indirect_vreg.gather [hbm4b:s11+s3], $0x80, v2, vm0, $0xb8;
	[tilespmem:$0x1A000] =	vst v63  }
0x65: {  	v2 =	vld.msk [tilespmem:$0x80], $0xff;
	_ =	sdelay $0x4  }
0x66: {  	v3 =	vshll.u32 v2, $0x4  }
0x67: {  	v2 =	vand.u32 $0x7, v2;
	v3 =	vand.u32 $0xFFFFFF80, v3  }
0x68: {  	v2 =	vor.u32 v2, v3  }
0x69: {  	v2 =	vperm.xlane v2, v0;
	_ =	sdelay $0x1  }
0x6a: {  	v2 =	vadd.s32 v1, v2;
	_ =	sdelay $0x3  }
0x6b: {  	s25 =	simm.s32 $0x6000  }
0x6c: {  	[tilespmem:s25], [sflag:$0x2] =	stream.indirect_vreg.gather [hbm4b:s2+s3], $0x80, v2, vm0, $0xb8;
	[tilespmem:$0x1A000] =	vst v63  }
0x6d: {  	s26 =	simm.s32 $0x6800  }
0x6e: {  	[tilespmem:s26], [sflag:$0x2] =	stream.indirect_vreg.gather [hbm4b:s5+s3], $0x80, v2, vm0, $0xb8;
	[tilespmem:$0x1A000] =	vst v63  }
0x6f: {  	s31 =	simm.s32 $0x7000  }
0x70: {  	[tilespmem:s31], [sflag:$0x2] =	stream.indirect_vreg.gather [hbm4b:s6+s3], $0x80, v2, vm0, $0xb8;
	[tilespmem:$0x1A000] =	vst v63  }
0x71: {  	s15 =	simm.s32 $0x7800  }
0x72: {  	[tilespmem:s15], [sflag:$0x2] =	stream.indirect_vreg.gather [hbm4b:s7+s3], $0x80, v2, vm0, $0xb8;
	[tilespmem:$0x1A000] =	vst v63  }
0x73: {  	s18 =	simm.s32 $0x8000  }
0x74: {  	[tilespmem:s18], [sflag:$0x2] =	stream.indirect_vreg.gather [hbm4b:s8+s3], $0x80, v2, vm0, $0xb8;
	[tilespmem:$0x1A000] =	vst v63  }
0x75: {  	s19 =	simm.s32 $0x8800  }
0x76: {  	[tilespmem:s19], [sflag:$0x2] =	stream.indirect_vreg.gather [hbm4b:s9+s3], $0x80, v2, vm0, $0xb8;
	[tilespmem:$0x1A000] =	vst v63  }
0x77: {  	s22 =	simm.s32 $0x9000  }
0x78: {  	[tilespmem:s22], [sflag:$0x2] =	stream.indirect_vreg.gather [hbm4b:s10+s3], $0x80, v2, vm0, $0xb8;
	[tilespmem:$0x1A000] =	vst v63  }
0x79: {  	s25 =	simm.s32 $0x9800  }
0x7a: {  	[tilespmem:s25], [sflag:$0x2] =	stream.indirect_vreg.gather [hbm4b:s11+s3], $0x80, v2, vm0, $0xb8;
	[tilespmem:$0x1A000] =	vst v63  }
0x7b: {  	v2 =	vld.msk [tilespmem:$0x100], $0xff;
	_ =	sdelay $0x4  }
0x7c: {  	v3 =	vshll.u32 v2, $0x4  }
0x7d: {  	v2 =	vand.u32 $0x7, v2;
	v3 =	vand.u32 $0xFFFFFF80, v3  }
0x7e: {  	v2 =	vor.u32 v2, v3  }
0x7f: {  	v2 =	vperm.xlane v2, v0;
	_ =	sdelay $0x1  }
0x80: {  	v2 =	vadd.s32 v1, v2;
	_ =	sdelay $0x3  }
0x81: {  	s26 =	simm.s32 $0xA000  }
0x82: {  	[tilespmem:s26], [sflag:$0x3] =	stream.indirect_vreg.gather [hbm4b:s2+s3], $0x80, v2, vm0, $0xb8;
	[tilespmem:$0x1A000] =	vst v63  }
0x83: {  	s31 =	simm.s32 $0xA800  }
0x84: {  	[tilespmem:s31], [sflag:$0x3] =	stream.indirect_vreg.gather [hbm4b:s5+s3], $0x80, v2, vm0, $0xb8;
	[tilespmem:$0x1A000] =	vst v63  }
0x85: {  	s15 =	simm.s32 $0xB000  }
0x86: {  	[tilespmem:s15], [sflag:$0x3] =	stream.indirect_vreg.gather [hbm4b:s6+s3], $0x80, v2, vm0, $0xb8;
	[tilespmem:$0x1A000] =	vst v63  }
0x87: {  	s18 =	simm.s32 $0xB800  }
0x88: {  	[tilespmem:s18], [sflag:$0x3] =	stream.indirect_vreg.gather [hbm4b:s7+s3], $0x80, v2, vm0, $0xb8;
	[tilespmem:$0x1A000] =	vst v63  }
0x89: {  	s19 =	simm.s32 $0xC000  }
0x8a: {  	[tilespmem:s19], [sflag:$0x3] =	stream.indirect_vreg.gather [hbm4b:s8+s3], $0x80, v2, vm0, $0xb8;
	[tilespmem:$0x1A000] =	vst v63  }
0x8b: {  	s25 =	simm.s32 $0xC800  }
0x8c: {  	[tilespmem:s25], [sflag:$0x3] =	stream.indirect_vreg.gather [hbm4b:s9+s3], $0x80, v2, vm0, $0xb8;
	[tilespmem:$0x1A000] =	vst v63  }
0x8d: {  	s26 =	simm.s32 $0xD000  }
0x8e: {  	[tilespmem:s26], [sflag:$0x3] =	stream.indirect_vreg.gather [hbm4b:s10+s3], $0x80, v2, vm0, $0xb8;
	[tilespmem:$0x1A000] =	vst v63  }
0x8f: {  	s31 =	simm.s32 $0xD800  }
0x90: {  	[tilespmem:s31], [sflag:$0x3] =	stream.indirect_vreg.gather [hbm4b:s11+s3], $0x80, v2, vm0, $0xb8;
	[tilespmem:$0x1A000] =	vst v63  }
0x91: {  	_ =	swait.ge [sflag:s29], $0x4000  }
0x92: {  	s12 =	sld [smem:$0x7FC]  }
0x93: {  	[sflag:s29] =	ssyncset.done $0x0  }
0x94: {  	s14 =	simm.s32 $0x2000;
	[sflag:s29] =	ssyncadd.s32 $0xFFFFC000  }
0x95: {  	[hbm4b:s12+s3] =	stream.linear.scatter [tilespmem:s14], [sflag:$0x7], $0x4000, $0x38;
	[tilespmem:$0x1A000] =	vst v63  }
0x96: {  	v2 =	vld.msk [tilespmem:$0x180], $0xff;
	_ =	sdelay $0x4  }
0x97: {  	v3 =	vshll.u32 v2, $0x4  }
0x98: {  	v2 =	vand.u32 $0x7, v2;
	v3 =	vand.u32 $0xFFFFFF80, v3  }
0x99: {  	v2 =	vor.u32 v2, v3  }
0x9a: {  	v2 =	vperm.xlane v2, v0;
	_ =	sdelay $0x1  }
0x9b: {  	v2 =	vadd.s32 v1, v2;
	_ =	sdelay $0x3  }
0x9c: {  	s15 =	simm.s32 $0xE000  }
0x9d: {  	[tilespmem:s15], [sflag:$0x4] =	stream.indirect_vreg.gather [hbm4b:s2+s3], $0x80, v2, vm0, $0xb8;
	[tilespmem:$0x1A000] =	vst v63  }
0x9e: {  	s18 =	simm.s32 $0xE800  }
0x9f: {  	[tilespmem:s18], [sflag:$0x4] =	stream.indirect_vreg.gather [hbm4b:s5+s3], $0x80, v2, vm0, $0xb8;
	[tilespmem:$0x1A000] =	vst v63  }
0xa0: {  	s19 =	simm.s32 $0xF000  }
0xa1: {  	[tilespmem:s19], [sflag:$0x4] =	stream.indirect_vreg.gather [hbm4b:s6+s3], $0x80, v2, vm0, $0xb8;
	[tilespmem:$0x1A000] =	vst v63  }
0xa2: {  	s26 =	simm.s32 $0xF800  }
0xa3: {  	[tilespmem:s26], [sflag:$0x4] =	stream.indirect_vreg.gather [hbm4b:s7+s3], $0x80, v2, vm0, $0xb8;
	[tilespmem:$0x1A000] =	vst v63  }
0xa4: {  	s15 =	simm.s32 $0x10000  }
0xa5: {  	[tilespmem:s15], [sflag:$0x4] =	stream.indirect_vreg.gather [hbm4b:s8+s3], $0x80, v2, vm0, $0xb8;
	[tilespmem:$0x1A000] =	vst v63  }
0xa6: {  	s19 =	simm.s32 $0x10800  }
0xa7: {  	[tilespmem:s19], [sflag:$0x4] =	stream.indirect_vreg.gather [hbm4b:s9+s3], $0x80, v2, vm0, $0xb8;
	[tilespmem:$0x1A000] =	vst v63  }
0xa8: {  	s26 =	simm.s32 $0x11000  }
0xa9: {  	[tilespmem:s26], [sflag:$0x4] =	stream.indirect_vreg.gather [hbm4b:s10+s3], $0x80, v2, vm0, $0xb8;
	[tilespmem:$0x1A000] =	vst v63  }
0xaa: {  	s15 =	simm.s32 $0x11800  }
0xab: {  	[tilespmem:s15], [sflag:$0x4] =	stream.indirect_vreg.gather [hbm4b:s11+s3], $0x80, v2, vm0, $0xb8;
	[tilespmem:$0x1A000] =	vst v63  }
0xac: {  	_ =	swait.ge [sflag:s24], $0x4000  }
0xad: {  	[sflag:s24] =	ssyncset.done $0x0  }
0xae: {  	s0 =	simm.s32 $0x6000;
	s19 =	rddreg [dreg:$0x5];
	[sflag:s24] =	ssyncadd.s32 $0xFFFFC000  }
0xaf: {  	[hbm4b:s19+s3] =	stream.linear.scatter [tilespmem:s0], [sflag:$0x8], $0x4000, $0x38;
	[tilespmem:$0x1A000] =	vst v63  }
0xb0: {  	v2 =	vld.msk [tilespmem:$0x200], $0xff;
	_ =	sdelay $0x4  }
0xb1: {  	v3 =	vshll.u32 v2, $0x4  }
0xb2: {  	v2 =	vand.u32 $0x7, v2;
	v3 =	vand.u32 $0xFFFFFF80, v3  }
0xb3: {  	v2 =	vor.u32 v2, v3  }
0xb4: {  	v2 =	vperm.xlane v2, v0;
	_ =	sdelay $0x1  }
0xb5: {  	v2 =	vadd.s32 v1, v2;
	_ =	sdelay $0x3  }
0xb6: {  	s15 =	simm.s32 $0x12000  }
0xb7: {  	[tilespmem:s15], [sflag:$0x5] =	stream.indirect_vreg.gather [hbm4b:s2+s3], $0x80, v2, vm0, $0xb8;
	[tilespmem:$0x1A000] =	vst v63  }
0xb8: {  	s25 =	simm.s32 $0x12800  }
0xb9: {  	[tilespmem:s25], [sflag:$0x5] =	stream.indirect_vreg.gather [hbm4b:s5+s3], $0x80, v2, vm0, $0xb8;
	[tilespmem:$0x1A000] =	vst v63  }
0xba: {  	s19 =	simm.s32 $0x13000  }
0xbb: {  	[tilespmem:s19], [sflag:$0x5] =	stream.indirect_vreg.gather [hbm4b:s6+s3], $0x80, v2, vm0, $0xb8;
	[tilespmem:$0x1A000] =	vst v63  }
0xbc: {  	s25 =	simm.s32 $0x13800  }
0xbd: {  	[tilespmem:s25], [sflag:$0x5] =	stream.indirect_vreg.gather [hbm4b:s7+s3], $0x80, v2, vm0, $0xb8;
	[tilespmem:$0x1A000] =	vst v63  }
0xbe: {  	s19 =	simm.s32 $0x14000  }
0xbf: {  	[tilespmem:s19], [sflag:$0x5] =	stream.indirect_vreg.gather [hbm4b:s8+s3], $0x80, v2, vm0, $0xb8;
	[tilespmem:$0x1A000] =	vst v63  }
0xc0: {  	s25 =	simm.s32 $0x14800  }
0xc1: {  	[tilespmem:s25], [sflag:$0x5] =	stream.indirect_vreg.gather [hbm4b:s9+s3], $0x80, v2, vm0, $0xb8;
	[tilespmem:$0x1A000] =	vst v63  }
0xc2: {  	s19 =	simm.s32 $0x15000  }
0xc3: {  	[tilespmem:s19], [sflag:$0x5] =	stream.indirect_vreg.gather [hbm4b:s10+s3], $0x80, v2, vm0, $0xb8;
	[tilespmem:$0x1A000] =	vst v63  }
0xc4: {  	s25 =	simm.s32 $0x15800  }
0xc5: {  	[tilespmem:s25], [sflag:$0x5] =	stream.indirect_vreg.gather [hbm4b:s11+s3], $0x80, v2, vm0, $0xb8;
	[tilespmem:$0x1A000] =	vst v63  }
0xc6: {  	_ =	swait.ge [sflag:s13], $0x4000  }
0xc7: {  	[sflag:s13] =	ssyncset.done $0x0  }
0xc8: {  	s22 =	simm.s32 $0xA000;
	s15 =	rddreg [dreg:$0x6];
	[sflag:s13] =	ssyncadd.s32 $0xFFFFC000  }
0xc9: {  	[hbm4b:s15+s3] =	stream.linear.scatter [tilespmem:s22], [sflag:$0x9], $0x4000, $0x38;
	[tilespmem:$0x1A000] =	vst v63  }
0xca: {  	v2 =	vld.msk [tilespmem:$0x280], $0xff;
	_ =	sdelay $0x4  }
0xcb: {  	v3 =	vshll.u32 v2, $0x4  }
0xcc: {  	v2 =	vand.u32 $0x7, v2;
	v3 =	vand.u32 $0xFFFFFF80, v3  }
0xcd: {  	v2 =	vor.u32 v2, v3  }
0xce: {  	v2 =	vperm.xlane v2, v0;
	_ =	sdelay $0x1  }
0xcf: {  	v2 =	vadd.s32 v1, v2;
	_ =	sdelay $0x3  }
0xd0: {  	s19 =	simm.s32 $0x16000  }
0xd1: {  	[tilespmem:s19], [sflag:$0x6] =	stream.indirect_vreg.gather [hbm4b:s2+s3], $0x80, v2, vm0, $0xb8;
	[tilespmem:$0x1A000] =	vst v63  }
0xd2: {  	s19 =	simm.s32 $0x16800  }
0xd3: {  	[tilespmem:s19], [sflag:$0x6] =	stream.indirect_vreg.gather [hbm4b:s5+s3], $0x80, v2, vm0, $0xb8;
	[tilespmem:$0x1A000] =	vst v63  }
0xd4: {  	s25 =	simm.s32 $0x17000  }
0xd5: {  	[tilespmem:s25], [sflag:$0x6] =	stream.indirect_vreg.gather [hbm4b:s6+s3], $0x80, v2, vm0, $0xb8;
	[tilespmem:$0x1A000] =	vst v63  }
0xd6: {  	s25 =	simm.s32 $0x17800  }
0xd7: {  	[tilespmem:s25], [sflag:$0x6] =	stream.indirect_vreg.gather [hbm4b:s7+s3], $0x80, v2, vm0, $0xb8;
	[tilespmem:$0x1A000] =	vst v63  }
0xd8: {  	s25 =	simm.s32 $0x18000  }
0xd9: {  	[tilespmem:s25], [sflag:$0x6] =	stream.indirect_vreg.gather [hbm4b:s8+s3], $0x80, v2, vm0, $0xb8;
	[tilespmem:$0x1A000] =	vst v63  }
0xda: {  	s25 =	simm.s32 $0x18800  }
0xdb: {  	[tilespmem:s25], [sflag:$0x6] =	stream.indirect_vreg.gather [hbm4b:s9+s3], $0x80, v2, vm0, $0xb8;
	[tilespmem:$0x1A000] =	vst v63  }
0xdc: {  	s25 =	simm.s32 $0x19000  }
0xdd: {  	[tilespmem:s25], [sflag:$0x6] =	stream.indirect_vreg.gather [hbm4b:s10+s3], $0x80, v2, vm0, $0xb8;
	[tilespmem:$0x1A000] =	vst v63  }
0xde: {  	s25 =	simm.s32 $0x19800  }
0xdf: {  	[tilespmem:s25], [sflag:$0x6] =	stream.indirect_vreg.gather [hbm4b:s11+s3], $0x80, v2, vm0, $0xb8;
	[tilespmem:$0x1A000] =	vst v63  }
0xe0: {  	_ =	swait.ge [sflag:s4], $0x4000  }
0xe1: {  	[sflag:s4] =	ssyncset.done $0x0  }
0xe2: {  	s14 =	simm.s32 $0xE000;
	s19 =	rddreg [dreg:$0x7];
	[sflag:s4] =	ssyncadd.s32 $0xFFFFC000  }
0xe3: {  	[hbm4b:s19+s3] =	stream.linear.scatter [tilespmem:s14], [sflag:$0xA], $0x4000, $0x38;
	[tilespmem:$0x1A000] =	vst v63  }
0xe4: {  	_ =	swait.ge [sflag:s16], $0x4000  }
0xe5: {  	[sflag:s16] =	ssyncset.done $0x0  }
0xe6: {  	[sflag:s16] =	ssyncadd.s32 $0xFFFFC000  }
0xe7: {  	v2 =	vld.msk [tilespmem:$0x300], $0xff;
	_ =	sdelay $0x4  }
0xe8: {  	v3 =	vshll.u32 v2, $0x4  }
0xe9: {  	v2 =	vand.u32 $0x7, v2;
	v3 =	vand.u32 $0xFFFFFF80, v3  }
0xea: {  	v2 =	vor.u32 v2, v3  }
0xeb: {  	v2 =	vperm.xlane v2, v0;
	_ =	sdelay $0x1  }
0xec: {  	v2 =	vadd.s32 v1, v2;
	_ =	sdelay $0x3  }
0xed: {  	s12 =	simm.s32 $0x2000  }
0xee: {  	[tilespmem:s12], [sflag:$0x1] =	stream.indirect_vreg.gather [hbm4b:s2+s3], $0x80, v2, vm0, $0xb8;
	[tilespmem:$0x1A000] =	vst v63  }
0xef: {  	s30 =	simm.s32 $0x2800  }
0xf0: {  	[tilespmem:s30], [sflag:$0x1] =	stream.indirect_vreg.gather [hbm4b:s5+s3], $0x80, v2, vm0, $0xb8;
	[tilespmem:$0x1A000] =	vst v63  }
0xf1: {  	s1 =	simm.s32 $0x3000  }
0xf2: {  	[tilespmem:s1], [sflag:$0x1] =	stream.indirect_vreg.gather [hbm4b:s6+s3], $0x80, v2, vm0, $0xb8;
	[tilespmem:$0x1A000] =	vst v63  }
0xf3: {  	s17 =	simm.s32 $0x3800  }
0xf4: {  	[tilespmem:s17], [sflag:$0x1] =	stream.indirect_vreg.gather [hbm4b:s7+s3], $0x80, v2, vm0, $0xb8;
	[tilespmem:$0x1A000] =	vst v63  }
0xf5: {  	s20 =	simm.s32 $0x4000  }
0xf6: {  	[tilespmem:s20], [sflag:$0x1] =	stream.indirect_vreg.gather [hbm4b:s8+s3], $0x80, v2, vm0, $0xb8;
	[tilespmem:$0x1A000] =	vst v63  }
0xf7: {  	s28 =	simm.s32 $0x4800  }
0xf8: {  	[tilespmem:s28], [sflag:$0x1] =	stream.indirect_vreg.gather [hbm4b:s9+s3], $0x80, v2, vm0, $0xb8;
	[tilespmem:$0x1A000] =	vst v63  }
0xf9: {  	s12 =	simm.s32 $0x5000  }
0xfa: {  	[tilespmem:s12], [sflag:$0x1] =	stream.indirect_vreg.gather [hbm4b:s10+s3], $0x80, v2, vm0, $0xb8;
	[tilespmem:$0x1A000] =	vst v63  }
0xfb: {  	s17 =	simm.s32 $0x5800  }
0xfc: {  	[tilespmem:s17], [sflag:$0x1] =	stream.indirect_vreg.gather [hbm4b:s11+s3], $0x80, v2, vm0, $0xb8;
	[tilespmem:$0x1A000] =	vst v63  }
0xfd: {  	s17 =	simm.s32 $0x5  }
0xfe: {  	_ =	swait.ge [sflag:s17], $0x4000  }
0xff: {  	[sflag:s17] =	ssyncset.done $0x0  }
0x100: {  	s26 =	simm.s32 $0x12000;
	s20 =	rddreg [dreg:$0x8];
	[sflag:s17] =	ssyncadd.s32 $0xFFFFC000  }
0x101: {  	[hbm4b:s20+s3] =	stream.linear.scatter [tilespmem:s26], [sflag:$0xB], $0x4000, $0x38;
	[tilespmem:$0x1A000] =	vst v63  }
0x102: {  	s20 =	simm.s32 $0x8  }
0x103: {  	_ =	swait.ge [sflag:s20], $0x4000  }
0x104: {  	[sflag:s20] =	ssyncset.done $0x0  }
0x105: {  	[sflag:s20] =	ssyncadd.s32 $0xFFFFC000  }
0x106: {  	v2 =	vld.msk [tilespmem:$0x380], $0xff;
	_ =	sdelay $0x4  }
0x107: {  	v3 =	vshll.u32 v2, $0x4  }
0x108: {  	v2 =	vand.u32 $0x7, v2;
	v3 =	vand.u32 $0xFFFFFF80, v3  }
0x109: {  	v2 =	vor.u32 v2, v3  }
0x10a: {  	v2 =	vperm.xlane v2, v0;
	_ =	sdelay $0x1  }
0x10b: {  	v2 =	vadd.s32 v1, v2;
	_ =	sdelay $0x3  }
0x10c: {  	s0 =	simm.s32 $0x6000  }
0x10d: {  	[tilespmem:s0], [sflag:$0x2] =	stream.indirect_vreg.gather [hbm4b:s2+s3], $0x80, v2, vm0, $0xb8;
	[tilespmem:$0x1A000] =	vst v63  }
0x10e: {  	s21 =	simm.s32 $0x6800  }
0x10f: {  	[tilespmem:s21], [sflag:$0x2] =	stream.indirect_vreg.gather [hbm4b:s5+s3], $0x80, v2, vm0, $0xb8;
	[tilespmem:$0x1A000] =	vst v63  }
0x110: {  	s23 =	simm.s32 $0x7000  }
0x111: {  	[tilespmem:s23], [sflag:$0x2] =	stream.indirect_vreg.gather [hbm4b:s6+s3], $0x80, v2, vm0, $0xb8;
	[tilespmem:$0x1A000] =	vst v63  }
0x112: {  	s23 =	simm.s32 $0x7800  }
0x113: {  	[tilespmem:s23], [sflag:$0x2] =	stream.indirect_vreg.gather [hbm4b:s7+s3], $0x80, v2, vm0, $0xb8;
	[tilespmem:$0x1A000] =	vst v63  }
0x114: {  	s25 =	simm.s32 $0x8000  }
0x115: {  	[tilespmem:s25], [sflag:$0x2] =	stream.indirect_vreg.gather [hbm4b:s8+s3], $0x80, v2, vm0, $0xb8;
	[tilespmem:$0x1A000] =	vst v63  }
0x116: {  	s28 =	simm.s32 $0x8800  }
0x117: {  	[tilespmem:s28], [sflag:$0x2] =	stream.indirect_vreg.gather [hbm4b:s9+s3], $0x80, v2, vm0, $0xb8;
	[tilespmem:$0x1A000] =	vst v63  }
0x118: {  	s30 =	simm.s32 $0x9000  }
0x119: {  	[tilespmem:s30], [sflag:$0x2] =	stream.indirect_vreg.gather [hbm4b:s10+s3], $0x80, v2, vm0, $0xb8;
	[tilespmem:$0x1A000] =	vst v63  }
0x11a: {  	s12 =	simm.s32 $0x9800;
	s23 =	simm.s32 $0x6  }
0x11b: {  	[tilespmem:s12], [sflag:$0x2] =	stream.indirect_vreg.gather [hbm4b:s11+s3], $0x80, v2, vm0, $0xb8;
	[tilespmem:$0x1A000] =	vst v63  }
0x11c: {  	_ =	swait.ge [sflag:s23], $0x4000  }
0x11d: {  	[sflag:s23] =	ssyncset.done $0x0  }
0x11e: {  	s15 =	simm.s32 $0x16000;
	s21 =	rddreg [dreg:$0x9];
	[sflag:s23] =	ssyncadd.s32 $0xFFFFC000  }
0x11f: {  	[hbm4b:s21+s3] =	stream.linear.scatter [tilespmem:s15], [sflag:$0xC], $0x4000, $0x38;
	[tilespmem:$0x1A000] =	vst v63  }
0x120: {  	s21 =	simm.s32 $0x9  }
0x121: {  	_ =	swait.ge [sflag:s21], $0x4000  }
0x122: {  	[sflag:s21] =	ssyncset.done $0x0  }
0x123: {  	[sflag:s21] =	ssyncadd.s32 $0xFFFFC000  }
0x124: {  	v2 =	vld.msk [tilespmem:$0x400], $0xff;
	_ =	sdelay $0x4  }
0x125: {  	v3 =	vshll.u32 v2, $0x4  }
0x126: {  	v2 =	vand.u32 $0x7, v2;
	v3 =	vand.u32 $0xFFFFFF80, v3  }
0x127: {  	v2 =	vor.u32 v2, v3  }
0x128: {  	v2 =	vperm.xlane v2, v0;
	_ =	sdelay $0x1  }
0x129: {  	v2 =	vadd.s32 v1, v2;
	_ =	sdelay $0x3  }
0x12a: {  	s22 =	simm.s32 $0xA000  }
0x12b: {  	[tilespmem:s22], [sflag:$0x3] =	stream.indirect_vreg.gather [hbm4b:s2+s3], $0x80, v2, vm0, $0xb8;
	[tilespmem:$0x1A000] =	vst v63  }
0x12c: {  	s22 =	simm.s32 $0xA800  }
0x12d: {  	[tilespmem:s22], [sflag:$0x3] =	stream.indirect_vreg.gather [hbm4b:s5+s3], $0x80, v2, vm0, $0xb8;
	[tilespmem:$0x1A000] =	vst v63  }
0x12e: {  	s25 =	simm.s32 $0xB000  }
0x12f: {  	[tilespmem:s25], [sflag:$0x3] =	stream.indirect_vreg.gather [hbm4b:s6+s3], $0x80, v2, vm0, $0xb8;
	[tilespmem:$0x1A000] =	vst v63  }
0x130: {  	s30 =	simm.s32 $0xB800  }
0x131: {  	[tilespmem:s30], [sflag:$0x3] =	stream.indirect_vreg.gather [hbm4b:s7+s3], $0x80, v2, vm0, $0xb8;
	[tilespmem:$0x1A000] =	vst v63  }
0x132: {  	s15 =	simm.s32 $0xC000  }
0x133: {  	[tilespmem:s15], [sflag:$0x3] =	stream.indirect_vreg.gather [hbm4b:s8+s3], $0x80, v2, vm0, $0xb8;
	[tilespmem:$0x1A000] =	vst v63  }
0x134: {  	s22 =	simm.s32 $0xC800  }
0x135: {  	[tilespmem:s22], [sflag:$0x3] =	stream.indirect_vreg.gather [hbm4b:s9+s3], $0x80, v2, vm0, $0xb8;
	[tilespmem:$0x1A000] =	vst v63  }
0x136: {  	s25 =	simm.s32 $0xD000  }
0x137: {  	[tilespmem:s25], [sflag:$0x3] =	stream.indirect_vreg.gather [hbm4b:s10+s3], $0x80, v2, vm0, $0xb8;
	[tilespmem:$0x1A000] =	vst v63  }
0x138: {  	s30 =	simm.s32 $0xD800  }
0x139: {  	[tilespmem:s30], [sflag:$0x3] =	stream.indirect_vreg.gather [hbm4b:s11+s3], $0x80, v2, vm0, $0xb8;
	[tilespmem:$0x1A000] =	vst v63  }
0x13a: {  	_ =	swait.ge [sflag:s29], $0x4000  }
0x13b: {  	s19 =	simm.s32 $0x2000;
	[sflag:s29] =	ssyncset.done $0x0  }
0x13c: {  	s1 =	simm.s32 $0xA;
	s15 =	rddreg [dreg:$0xa];
	[sflag:s29] =	ssyncadd.s32 $0xFFFFC000  }
0x13d: {  	[hbm4b:s15+s3] =	stream.linear.scatter [tilespmem:s19], [sflag:$0x7], $0x4000, $0x38;
	[tilespmem:$0x1A000] =	vst v63  }
0x13e: {  	_ =	swait.ge [sflag:s1], $0x4000  }
0x13f: {  	[sflag:s1] =	ssyncset.done $0x0  }
0x140: {  	[sflag:s1] =	ssyncadd.s32 $0xFFFFC000  }
0x141: {  	v2 =	vld.msk [tilespmem:$0x480], $0xff;
	_ =	sdelay $0x4  }
0x142: {  	v3 =	vshll.u32 v2, $0x4  }
0x143: {  	v2 =	vand.u32 $0x7, v2;
	v3 =	vand.u32 $0xFFFFFF80, v3  }
0x144: {  	v2 =	vor.u32 v2, v3  }
0x145: {  	v2 =	vperm.xlane v2, v0;
	_ =	sdelay $0x1  }
0x146: {  	v2 =	vadd.s32 v1, v2;
	_ =	sdelay $0x3  }
0x147: {  	s14 =	simm.s32 $0xE000  }
0x148: {  	[tilespmem:s14], [sflag:$0x4] =	stream.indirect_vreg.gather [hbm4b:s2+s3], $0x80, v2, vm0, $0xb8;
	[tilespmem:$0x1A000] =	vst v63  }
0x149: {  	s18 =	simm.s32 $0xE800  }
0x14a: {  	[tilespmem:s18], [sflag:$0x4] =	stream.indirect_vreg.gather [hbm4b:s5+s3], $0x80, v2, vm0, $0xb8;
	[tilespmem:$0x1A000] =	vst v63  }
0x14b: {  	s31 =	simm.s32 $0xF000  }
0x14c: {  	[tilespmem:s31], [sflag:$0x4] =	stream.indirect_vreg.gather [hbm4b:s6+s3], $0x80, v2, vm0, $0xb8;
	[tilespmem:$0x1A000] =	vst v63  }
0x14d: {  	s22 =	simm.s32 $0xF800  }
0x14e: {  	[tilespmem:s22], [sflag:$0x4] =	stream.indirect_vreg.gather [hbm4b:s7+s3], $0x80, v2, vm0, $0xb8;
	[tilespmem:$0x1A000] =	vst v63  }
0x14f: {  	s25 =	simm.s32 $0x10000  }
0x150: {  	[tilespmem:s25], [sflag:$0x4] =	stream.indirect_vreg.gather [hbm4b:s8+s3], $0x80, v2, vm0, $0xb8;
	[tilespmem:$0x1A000] =	vst v63  }
0x151: {  	s31 =	simm.s32 $0x10800  }
0x152: {  	[tilespmem:s31], [sflag:$0x4] =	stream.indirect_vreg.gather [hbm4b:s9+s3], $0x80, v2, vm0, $0xb8;
	[tilespmem:$0x1A000] =	vst v63  }
0x153: {  	s18 =	simm.s32 $0x11000  }
0x154: {  	[tilespmem:s18], [sflag:$0x4] =	stream.indirect_vreg.gather [hbm4b:s10+s3], $0x80, v2, vm0, $0xb8;
	[tilespmem:$0x1A000] =	vst v63  }
0x155: {  	s19 =	simm.s32 $0x11800  }
0x156: {  	[tilespmem:s19], [sflag:$0x4] =	stream.indirect_vreg.gather [hbm4b:s11+s3], $0x80, v2, vm0, $0xb8;
	[tilespmem:$0x1A000] =	vst v63  }
0x157: {  	_ =	swait.ge [sflag:s24], $0x4000  }
0x158: {  	s0 =	simm.s32 $0x6000;
	[sflag:s24] =	ssyncset.done $0x0  }
0x159: {  	s14 =	simm.s32 $0xB;
	s22 =	rddreg [dreg:$0xb];
	[sflag:s24] =	ssyncadd.s32 $0xFFFFC000  }
0x15a: {  	[hbm4b:s22+s3] =	stream.linear.scatter [tilespmem:s0], [sflag:$0x8], $0x4000, $0x38;
	[tilespmem:$0x1A000] =	vst v63  }
0x15b: {  	_ =	swait.ge [sflag:s14], $0x4000  }
0x15c: {  	[sflag:s14] =	ssyncset.done $0x0  }
0x15d: {  	[sflag:s14] =	ssyncadd.s32 $0xFFFFC000  }
0x15e: {  	v2 =	vld.msk [tilespmem:$0x500], $0xff;
	_ =	sdelay $0x4  }
0x15f: {  	v3 =	vshll.u32 v2, $0x4  }
0x160: {  	v2 =	vand.u32 $0x7, v2;
	v3 =	vand.u32 $0xFFFFFF80, v3  }
0x161: {  	v2 =	vor.u32 v2, v3  }
0x162: {  	v2 =	vperm.xlane v2, v0;
	_ =	sdelay $0x1  }
0x163: {  	v2 =	vadd.s32 v1, v2;
	_ =	sdelay $0x3  }
0x164: {  	s26 =	simm.s32 $0x12000  }
0x165: {  	[tilespmem:s26], [sflag:$0x5] =	stream.indirect_vreg.gather [hbm4b:s2+s3], $0x80, v2, vm0, $0xb8;
	[tilespmem:$0x1A000] =	vst v63  }
0x166: {  	s25 =	simm.s32 $0x12800  }
0x167: {  	[tilespmem:s25], [sflag:$0x5] =	stream.indirect_vreg.gather [hbm4b:s5+s3], $0x80, v2, vm0, $0xb8;
	[tilespmem:$0x1A000] =	vst v63  }
0x168: {  	s26 =	simm.s32 $0x13000  }
0x169: {  	[tilespmem:s26], [sflag:$0x5] =	stream.indirect_vreg.gather [hbm4b:s6+s3], $0x80, v2, vm0, $0xb8;
	[tilespmem:$0x1A000] =	vst v63  }
0x16a: {  	s18 =	simm.s32 $0x13800  }
0x16b: {  	[tilespmem:s18], [sflag:$0x5] =	stream.indirect_vreg.gather [hbm4b:s7+s3], $0x80, v2, vm0, $0xb8;
	[tilespmem:$0x1A000] =	vst v63  }
0x16c: {  	s19 =	simm.s32 $0x14000  }
0x16d: {  	[tilespmem:s19], [sflag:$0x5] =	stream.indirect_vreg.gather [hbm4b:s8+s3], $0x80, v2, vm0, $0xb8;
	[tilespmem:$0x1A000] =	vst v63  }
0x16e: {  	s25 =	simm.s32 $0x14800  }
0x16f: {  	[tilespmem:s25], [sflag:$0x5] =	stream.indirect_vreg.gather [hbm4b:s9+s3], $0x80, v2, vm0, $0xb8;
	[tilespmem:$0x1A000] =	vst v63  }
0x170: {  	s26 =	simm.s32 $0x15000  }
0x171: {  	[tilespmem:s26], [sflag:$0x5] =	stream.indirect_vreg.gather [hbm4b:s10+s3], $0x80, v2, vm0, $0xb8;
	[tilespmem:$0x1A000] =	vst v63  }
0x172: {  	s18 =	simm.s32 $0x15800  }
0x173: {  	[tilespmem:s18], [sflag:$0x5] =	stream.indirect_vreg.gather [hbm4b:s11+s3], $0x80, v2, vm0, $0xb8;
	[tilespmem:$0x1A000] =	vst v63  }
0x174: {  	_ =	swait.ge [sflag:s13], $0x4000  }
0x175: {  	s28 =	simm.s32 $0xA000;
	[sflag:s13] =	ssyncset.done $0x0  }
0x176: {  	s18 =	simm.s32 $0xC;
	s19 =	rddreg [dreg:$0xc];
	[sflag:s13] =	ssyncadd.s32 $0xFFFFC000  }
0x177: {  	[hbm4b:s19+s3] =	stream.linear.scatter [tilespmem:s28], [sflag:$0x9], $0x4000, $0x38;
	[tilespmem:$0x1A000] =	vst v63  }
0x178: {  	_ =	swait.ge [sflag:s18], $0x4000  }
0x179: {  	[sflag:s18] =	ssyncset.done $0x0  }
0x17a: {  	[sflag:s18] =	ssyncadd.s32 $0xFFFFC000  }
0x17b: {  	v2 =	vld.msk [tilespmem:$0x580], $0xff;
	_ =	sdelay $0x4  }
0x17c: {  	v3 =	vshll.u32 v2, $0x4  }
0x17d: {  	v2 =	vand.u32 $0x7, v2;
	v3 =	vand.u32 $0xFFFFFF80, v3  }
0x17e: {  	v2 =	vor.u32 v2, v3  }
0x17f: {  	v2 =	vperm.xlane v2, v0;
	_ =	sdelay $0x1  }
0x180: {  	v2 =	vadd.s32 v1, v2;
	_ =	sdelay $0x3  }
0x181: {  	s12 =	simm.s32 $0x16000  }
0x182: {  	[tilespmem:s12], [sflag:$0x6] =	stream.indirect_vreg.gather [hbm4b:s2+s3], $0x80, v2, vm0, $0xb8;
	[tilespmem:$0x1A000] =	vst v63  }
0x183: {  	s26 =	simm.s32 $0x16800  }
0x184: {  	[tilespmem:s26], [sflag:$0x6] =	stream.indirect_vreg.gather [hbm4b:s5+s3], $0x80, v2, vm0, $0xb8;
	[tilespmem:$0x1A000] =	vst v63  }
0x185: {  	s28 =	simm.s32 $0x17000  }
0x186: {  	[tilespmem:s28], [sflag:$0x6] =	stream.indirect_vreg.gather [hbm4b:s6+s3], $0x80, v2, vm0, $0xb8;
	[tilespmem:$0x1A000] =	vst v63  }
0x187: {  	s28 =	simm.s32 $0x17800  }
0x188: {  	[tilespmem:s28], [sflag:$0x6] =	stream.indirect_vreg.gather [hbm4b:s7+s3], $0x80, v2, vm0, $0xb8;
	[tilespmem:$0x1A000] =	vst v63  }
0x189: {  	s25 =	simm.s32 $0x18000  }
0x18a: {  	[tilespmem:s25], [sflag:$0x6] =	stream.indirect_vreg.gather [hbm4b:s8+s3], $0x80, v2, vm0, $0xb8;
	[tilespmem:$0x1A000] =	vst v63  }
0x18b: {  	s26 =	simm.s32 $0x18800  }
0x18c: {  	[tilespmem:s26], [sflag:$0x6] =	stream.indirect_vreg.gather [hbm4b:s9+s3], $0x80, v2, vm0, $0xb8;
	[tilespmem:$0x1A000] =	vst v63  }
0x18d: {  	s25 =	simm.s32 $0x19000  }
0x18e: {  	[tilespmem:s25], [sflag:$0x6] =	stream.indirect_vreg.gather [hbm4b:s10+s3], $0x80, v2, vm0, $0xb8;
	[tilespmem:$0x1A000] =	vst v63  }
0x18f: {  	s26 =	simm.s32 $0x19800  }
0x190: {  	[tilespmem:s26], [sflag:$0x6] =	stream.indirect_vreg.gather [hbm4b:s11+s3], $0x80, v2, vm0, $0xb8;
	[tilespmem:$0x1A000] =	vst v63  }
0x191: {  	_ =	swait.ge [sflag:s4], $0x4000  }
0x192: {  	[sflag:s4] =	ssyncset.done $0x0  }
0x193: {  	s30 =	simm.s32 $0xE000;
	s12 =	rddreg [dreg:$0xd];
	[sflag:s4] =	ssyncadd.s32 $0xFFFFC000  }
0x194: {  	[hbm4b:s12+s3] =	stream.linear.scatter [tilespmem:s30], [sflag:$0xA], $0x4000, $0x38;
	[tilespmem:$0x1A000] =	vst v63  }
0x195: {  	_ =	swait.ge [sflag:s16], $0x4000  }
0x196: {  	[sflag:s16] =	ssyncset.done $0x0  }
0x197: {  	[sflag:s16] =	ssyncadd.s32 $0xFFFFC000  }
0x198: {  	v2 =	vld.msk [tilespmem:$0x600], $0xff;
	_ =	sdelay $0x4  }
0x199: {  	v3 =	vshll.u32 v2, $0x4  }
0x19a: {  	v2 =	vand.u32 $0x7, v2;
	v3 =	vand.u32 $0xFFFFFF80, v3  }
0x19b: {  	v2 =	vor.u32 v2, v3  }
0x19c: {  	v2 =	vperm.xlane v2, v0;
	_ =	sdelay $0x1  }
0x19d: {  	v2 =	vadd.s32 v1, v2;
	_ =	sdelay $0x3  }
0x19e: {  	s15 =	simm.s32 $0x2000  }
0x19f: {  	[tilespmem:s15], [sflag:$0x1] =	stream.indirect_vreg.gather [hbm4b:s2+s3], $0x80, v2, vm0, $0xb8;
	[tilespmem:$0x1A000] =	vst v63  }
0x1a0: {  	s26 =	simm.s32 $0x2800  }
0x1a1: {  	[tilespmem:s26], [sflag:$0x1] =	stream.indirect_vreg.gather [hbm4b:s5+s3], $0x80, v2, vm0, $0xb8;
	[tilespmem:$0x1A000] =	vst v63  }
0x1a2: {  	s30 =	simm.s32 $0x3000  }
0x1a3: {  	[tilespmem:s30], [sflag:$0x1] =	stream.indirect_vreg.gather [hbm4b:s6+s3], $0x80, v2, vm0, $0xb8;
	[tilespmem:$0x1A000] =	vst v63  }
0x1a4: {  	s26 =	simm.s32 $0x3800  }
0x1a5: {  	[tilespmem:s26], [sflag:$0x1] =	stream.indirect_vreg.gather [hbm4b:s7+s3], $0x80, v2, vm0, $0xb8;
	[tilespmem:$0x1A000] =	vst v63  }
0x1a6: {  	s30 =	simm.s32 $0x4000  }
0x1a7: {  	[tilespmem:s30], [sflag:$0x1] =	stream.indirect_vreg.gather [hbm4b:s8+s3], $0x80, v2, vm0, $0xb8;
	[tilespmem:$0x1A000] =	vst v63  }
0x1a8: {  	s26 =	simm.s32 $0x4800  }
0x1a9: {  	[tilespmem:s26], [sflag:$0x1] =	stream.indirect_vreg.gather [hbm4b:s9+s3], $0x80, v2, vm0, $0xb8;
	[tilespmem:$0x1A000] =	vst v63  }
0x1aa: {  	s30 =	simm.s32 $0x5000  }
0x1ab: {  	[tilespmem:s30], [sflag:$0x1] =	stream.indirect_vreg.gather [hbm4b:s10+s3], $0x80, v2, vm0, $0xb8;
	[tilespmem:$0x1A000] =	vst v63  }
0x1ac: {  	s26 =	simm.s32 $0x5800  }
0x1ad: {  	[tilespmem:s26], [sflag:$0x1] =	stream.indirect_vreg.gather [hbm4b:s11+s3], $0x80, v2, vm0, $0xb8;
	[tilespmem:$0x1A000] =	vst v63  }
0x1ae: {  	_ =	swait.ge [sflag:s17], $0x4000  }
0x1af: {  	[sflag:s17] =	ssyncset.done $0x0  }
0x1b0: {  	s31 =	simm.s32 $0x12000;
	s30 =	rddreg [dreg:$0xe];
	[sflag:s17] =	ssyncadd.s32 $0xFFFFC000  }
0x1b1: {  	[hbm4b:s30+s3] =	stream.linear.scatter [tilespmem:s31], [sflag:$0xB], $0x4000, $0x38;
	[tilespmem:$0x1A000] =	vst v63  }
0x1b2: {  	_ =	swait.ge [sflag:s20], $0x4000  }
0x1b3: {  	[sflag:s20] =	ssyncset.done $0x0  }
0x1b4: {  	[sflag:s20] =	ssyncadd.s32 $0xFFFFC000  }
0x1b5: {  	v2 =	vld.msk [tilespmem:$0x680], $0xff;
	_ =	sdelay $0x4  }
0x1b6: {  	v3 =	vshll.u32 v2, $0x4  }
0x1b7: {  	v2 =	vand.u32 $0x7, v2;
	v3 =	vand.u32 $0xFFFFFF80, v3  }
0x1b8: {  	v2 =	vor.u32 v2, v3  }
0x1b9: {  	v2 =	vperm.xlane v2, v0;
	_ =	sdelay $0x1  }
0x1ba: {  	v2 =	vadd.s32 v1, v2;
	_ =	sdelay $0x3  }
0x1bb: {  	s22 =	simm.s32 $0x6000  }
0x1bc: {  	[tilespmem:s22], [sflag:$0x2] =	stream.indirect_vreg.gather [hbm4b:s2+s3], $0x80, v2, vm0, $0xb8;
	[tilespmem:$0x1A000] =	vst v63  }
0x1bd: {  	s25 =	simm.s32 $0x6800  }
0x1be: {  	[tilespmem:s25], [sflag:$0x2] =	stream.indirect_vreg.gather [hbm4b:s5+s3], $0x80, v2, vm0, $0xb8;
	[tilespmem:$0x1A000] =	vst v63  }
0x1bf: {  	s30 =	simm.s32 $0x7000  }
0x1c0: {  	[tilespmem:s30], [sflag:$0x2] =	stream.indirect_vreg.gather [hbm4b:s6+s3], $0x80, v2, vm0, $0xb8;
	[tilespmem:$0x1A000] =	vst v63  }
0x1c1: {  	s25 =	simm.s32 $0x7800  }
0x1c2: {  	[tilespmem:s25], [sflag:$0x2] =	stream.indirect_vreg.gather [hbm4b:s7+s3], $0x80, v2, vm0, $0xb8;
	[tilespmem:$0x1A000] =	vst v63  }
0x1c3: {  	s30 =	simm.s32 $0x8000  }
0x1c4: {  	[tilespmem:s30], [sflag:$0x2] =	stream.indirect_vreg.gather [hbm4b:s8+s3], $0x80, v2, vm0, $0xb8;
	[tilespmem:$0x1A000] =	vst v63  }
0x1c5: {  	s25 =	simm.s32 $0x8800  }
0x1c6: {  	[tilespmem:s25], [sflag:$0x2] =	stream.indirect_vreg.gather [hbm4b:s9+s3], $0x80, v2, vm0, $0xb8;
	[tilespmem:$0x1A000] =	vst v63  }
0x1c7: {  	s30 =	simm.s32 $0x9000  }
0x1c8: {  	[tilespmem:s30], [sflag:$0x2] =	stream.indirect_vreg.gather [hbm4b:s10+s3], $0x80, v2, vm0, $0xb8;
	[tilespmem:$0x1A000] =	vst v63  }
0x1c9: {  	s25 =	simm.s32 $0x9800  }
0x1ca: {  	[tilespmem:s25], [sflag:$0x2] =	stream.indirect_vreg.gather [hbm4b:s11+s3], $0x80, v2, vm0, $0xb8;
	[tilespmem:$0x1A000] =	vst v63  }
0x1cb: {  	_ =	swait.ge [sflag:s23], $0x4000  }
0x1cc: {  	[sflag:s23] =	ssyncset.done $0x0  }
0x1cd: {  	s0 =	simm.s32 $0x16000;
	s30 =	rddreg [dreg:$0xf];
	[sflag:s23] =	ssyncadd.s32 $0xFFFFC000  }
0x1ce: {  	[hbm4b:s30+s3] =	stream.linear.scatter [tilespmem:s0], [sflag:$0xC], $0x4000, $0x38;
	[tilespmem:$0x1A000] =	vst v63  }
0x1cf: {  	_ =	swait.ge [sflag:s21], $0x4000  }
0x1d0: {  	[sflag:s21] =	ssyncset.done $0x0  }
0x1d1: {  	[sflag:s21] =	ssyncadd.s32 $0xFFFFC000  }
0x1d2: {  	v2 =	vld.msk [tilespmem:$0x700], $0xff;
	_ =	sdelay $0x4  }
0x1d3: {  	v3 =	vshll.u32 v2, $0x4  }
0x1d4: {  	v2 =	vand.u32 $0x7, v2;
	v3 =	vand.u32 $0xFFFFFF80, v3  }
0x1d5: {  	v2 =	vor.u32 v2, v3  }
0x1d6: {  	v2 =	vperm.xlane v2, v0;
	_ =	sdelay $0x1  }
0x1d7: {  	v2 =	vadd.s32 v1, v2;
	_ =	sdelay $0x3  }
0x1d8: {  	s19 =	simm.s32 $0xA000  }
0x1d9: {  	[tilespmem:s19], [sflag:$0x3] =	stream.indirect_vreg.gather [hbm4b:s2+s3], $0x80, v2, vm0, $0xb8;
	[tilespmem:$0x1A000] =	vst v63  }
0x1da: {  	s22 =	simm.s32 $0xA800  }
0x1db: {  	[tilespmem:s22], [sflag:$0x3] =	stream.indirect_vreg.gather [hbm4b:s5+s3], $0x80, v2, vm0, $0xb8;
	[tilespmem:$0x1A000] =	vst v63  }
0x1dc: {  	s25 =	simm.s32 $0xB000  }
0x1dd: {  	[tilespmem:s25], [sflag:$0x3] =	stream.indirect_vreg.gather [hbm4b:s6+s3], $0x80, v2, vm0, $0xb8;
	[tilespmem:$0x1A000] =	vst v63  }
0x1de: {  	s22 =	simm.s32 $0xB800  }
0x1df: {  	[tilespmem:s22], [sflag:$0x3] =	stream.indirect_vreg.gather [hbm4b:s7+s3], $0x80, v2, vm0, $0xb8;
	[tilespmem:$0x1A000] =	vst v63  }
0x1e0: {  	s25 =	simm.s32 $0xC000  }
0x1e1: {  	[tilespmem:s25], [sflag:$0x3] =	stream.indirect_vreg.gather [hbm4b:s8+s3], $0x80, v2, vm0, $0xb8;
	[tilespmem:$0x1A000] =	vst v63  }
0x1e2: {  	s25 =	simm.s32 $0xC800  }
0x1e3: {  	[tilespmem:s25], [sflag:$0x3] =	stream.indirect_vreg.gather [hbm4b:s9+s3], $0x80, v2, vm0, $0xb8;
	[tilespmem:$0x1A000] =	vst v63  }
0x1e4: {  	s25 =	simm.s32 $0xD000  }
0x1e5: {  	[tilespmem:s25], [sflag:$0x3] =	stream.indirect_vreg.gather [hbm4b:s10+s3], $0x80, v2, vm0, $0xb8;
	[tilespmem:$0x1A000] =	vst v63  }
0x1e6: {  	s25 =	simm.s32 $0xD800  }
0x1e7: {  	[tilespmem:s25], [sflag:$0x3] =	stream.indirect_vreg.gather [hbm4b:s11+s3], $0x80, v2, vm0, $0xb8;
	[tilespmem:$0x1A000] =	vst v63  }
0x1e8: {  	_ =	swait.ge [sflag:s29], $0x4000  }
0x1e9: {  	[sflag:s29] =	ssyncset.done $0x0  }
0x1ea: {  	s15 =	simm.s32 $0x2000;
	s19 =	rddreg [dreg:$0x10];
	[sflag:s29] =	ssyncadd.s32 $0xFFFFC000  }
0x1eb: {  	[hbm4b:s19+s3] =	stream.linear.scatter [tilespmem:s15], [sflag:$0x7], $0x4000, $0x38;
	[tilespmem:$0x1A000] =	vst v63  }
0x1ec: {  	_ =	swait.ge [sflag:s1], $0x4000  }
0x1ed: {  	[sflag:s1] =	ssyncset.done $0x0  }
0x1ee: {  	[sflag:s1] =	ssyncadd.s32 $0xFFFFC000  }
0x1ef: {  	v2 =	vld.msk [tilespmem:$0x780], $0xff;
	_ =	sdelay $0x4  }
0x1f0: {  	v3 =	vshll.u32 v2, $0x4  }
0x1f1: {  	v2 =	vand.u32 $0x7, v2;
	v3 =	vand.u32 $0xFFFFFF80, v3  }
0x1f2: {  	v2 =	vor.u32 v2, v3  }
0x1f3: {  	v2 =	vperm.xlane v2, v0;
	_ =	sdelay $0x1  }
0x1f4: {  	v2 =	vadd.s32 v1, v2;
	_ =	sdelay $0x3  }
0x1f5: {  	s12 =	simm.s32 $0xE000  }
0x1f6: {  	[tilespmem:s12], [sflag:$0x4] =	stream.indirect_vreg.gather [hbm4b:s2+s3], $0x80, v2, vm0, $0xb8;
	[tilespmem:$0x1A000] =	vst v63  }
0x1f7: {  	s25 =	simm.s32 $0xE800  }
0x1f8: {  	[tilespmem:s25], [sflag:$0x4] =	stream.indirect_vreg.gather [hbm4b:s5+s3], $0x80, v2, vm0, $0xb8;
	[tilespmem:$0x1A000] =	vst v63  }
0x1f9: {  	s25 =	simm.s32 $0xF000  }
0x1fa: {  	[tilespmem:s25], [sflag:$0x4] =	stream.indirect_vreg.gather [hbm4b:s6+s3], $0x80, v2, vm0, $0xb8;
	[tilespmem:$0x1A000] =	vst v63  }
0x1fb: {  	s25 =	simm.s32 $0xF800  }
0x1fc: {  	[tilespmem:s25], [sflag:$0x4] =	stream.indirect_vreg.gather [hbm4b:s7+s3], $0x80, v2, vm0, $0xb8;
	[tilespmem:$0x1A000] =	vst v63  }
0x1fd: {  	s25 =	simm.s32 $0x10000  }
0x1fe: {  	[tilespmem:s25], [sflag:$0x4] =	stream.indirect_vreg.gather [hbm4b:s8+s3], $0x80, v2, vm0, $0xb8;
	[tilespmem:$0x1A000] =	vst v63  }
0x1ff: {  	s25 =	simm.s32 $0x10800  }
0x200: {  	[tilespmem:s25], [sflag:$0x4] =	stream.indirect_vreg.gather [hbm4b:s9+s3], $0x80, v2, vm0, $0xb8;
	[tilespmem:$0x1A000] =	vst v63  }
0x201: {  	s25 =	simm.s32 $0x11000  }
0x202: {  	[tilespmem:s25], [sflag:$0x4] =	stream.indirect_vreg.gather [hbm4b:s10+s3], $0x80, v2, vm0, $0xb8;
	[tilespmem:$0x1A000] =	vst v63  }
0x203: {  	s25 =	simm.s32 $0x11800  }
0x204: {  	[tilespmem:s25], [sflag:$0x4] =	stream.indirect_vreg.gather [hbm4b:s11+s3], $0x80, v2, vm0, $0xb8;
	[tilespmem:$0x1A000] =	vst v63  }
0x205: {  	_ =	swait.ge [sflag:s24], $0x4000  }
0x206: {  	[sflag:s24] =	ssyncset.done $0x0  }
0x207: {  	s31 =	simm.s32 $0x6000;
	s12 =	rddreg [dreg:$0x11];
	[sflag:s24] =	ssyncadd.s32 $0xFFFFC000  }
0x208: {  	[hbm4b:s12+s3] =	stream.linear.scatter [tilespmem:s31], [sflag:$0x8], $0x4000, $0x38;
	[tilespmem:$0x1A000] =	vst v63  }
0x209: {  	_ =	swait.ge [sflag:s14], $0x4000  }
0x20a: {  	[sflag:s14] =	ssyncset.done $0x0  }
0x20b: {  	[sflag:s14] =	ssyncadd.s32 $0xFFFFC000  }
0x20c: {  	v2 =	vld.msk [tilespmem:$0x800], $0xff;
	_ =	sdelay $0x4  }
0x20d: {  	v3 =	vshll.u32 v2, $0x4  }
0x20e: {  	v2 =	vand.u32 $0x7, v2;
	v3 =	vand.u32 $0xFFFFFF80, v3  }
0x20f: {  	v2 =	vor.u32 v2, v3  }
0x210: {  	v2 =	vperm.xlane v2, v0;
	_ =	sdelay $0x1  }
0x211: {  	v2 =	vadd.s32 v1, v2;
	_ =	sdelay $0x3  }
0x212: {  	s26 =	simm.s32 $0x12000  }
0x213: {  	[tilespmem:s26], [sflag:$0x5] =	stream.indirect_vreg.gather [hbm4b:s2+s3], $0x80, v2, vm0, $0xb8;
	[tilespmem:$0x1A000] =	vst v63  }
0x214: {  	s26 =	simm.s32 $0x12800  }
0x215: {  	[tilespmem:s26], [sflag:$0x5] =	stream.indirect_vreg.gather [hbm4b:s5+s3], $0x80, v2, vm0, $0xb8;
	[tilespmem:$0x1A000] =	vst v63  }
0x216: {  	s26 =	simm.s32 $0x13000  }
0x217: {  	[tilespmem:s26], [sflag:$0x5] =	stream.indirect_vreg.gather [hbm4b:s6+s3], $0x80, v2, vm0, $0xb8;
	[tilespmem:$0x1A000] =	vst v63  }
0x218: {  	s26 =	simm.s32 $0x13800  }
0x219: {  	[tilespmem:s26], [sflag:$0x5] =	stream.indirect_vreg.gather [hbm4b:s7+s3], $0x80, v2, vm0, $0xb8;
	[tilespmem:$0x1A000] =	vst v63  }
0x21a: {  	s26 =	simm.s32 $0x14000  }
0x21b: {  	[tilespmem:s26], [sflag:$0x5] =	stream.indirect_vreg.gather [hbm4b:s8+s3], $0x80, v2, vm0, $0xb8;
	[tilespmem:$0x1A000] =	vst v63  }
0x21c: {  	s26 =	simm.s32 $0x14800  }
0x21d: {  	[tilespmem:s26], [sflag:$0x5] =	stream.indirect_vreg.gather [hbm4b:s9+s3], $0x80, v2, vm0, $0xb8;
	[tilespmem:$0x1A000] =	vst v63  }
0x21e: {  	s26 =	simm.s32 $0x15000  }
0x21f: {  	[tilespmem:s26], [sflag:$0x5] =	stream.indirect_vreg.gather [hbm4b:s10+s3], $0x80, v2, vm0, $0xb8;
	[tilespmem:$0x1A000] =	vst v63  }
0x220: {  	s26 =	simm.s32 $0x15800  }
0x221: {  	[tilespmem:s26], [sflag:$0x5] =	stream.indirect_vreg.gather [hbm4b:s11+s3], $0x80, v2, vm0, $0xb8;
	[tilespmem:$0x1A000] =	vst v63  }
0x222: {  	_ =	swait.ge [sflag:s13], $0x4000  }
0x223: {  	[sflag:s13] =	ssyncset.done $0x0  }
0x224: {  	s30 =	simm.s32 $0xA000;
	s26 =	rddreg [dreg:$0x12];
	[sflag:s13] =	ssyncadd.s32 $0xFFFFC000  }
0x225: {  	[hbm4b:s26+s3] =	stream.linear.scatter [tilespmem:s30], [sflag:$0x9], $0x4000, $0x38;
	[tilespmem:$0x1A000] =	vst v63  }
0x226: {  	_ =	swait.ge [sflag:s18], $0x4000  }
0x227: {  	[sflag:s18] =	ssyncset.done $0x0  }
0x228: {  	[sflag:s18] =	ssyncadd.s32 $0xFFFFC000  }
0x229: {  	v2 =	vld.msk [tilespmem:$0x880], $0xff;
	_ =	sdelay $0x4  }
0x22a: {  	v3 =	vshll.u32 v2, $0x4  }
0x22b: {  	v2 =	vand.u32 $0x7, v2;
	v3 =	vand.u32 $0xFFFFFF80, v3  }
0x22c: {  	v2 =	vor.u32 v2, v3  }
0x22d: {  	v2 =	vperm.xlane v2, v0;
	_ =	sdelay $0x1  }
0x22e: {  	v2 =	vadd.s32 v1, v2;
	_ =	sdelay $0x3  }
0x22f: {  	s0 =	simm.s32 $0x16000  }
0x230: {  	[tilespmem:s0], [sflag:$0x6] =	stream.indirect_vreg.gather [hbm4b:s2+s3], $0x80, v2, vm0, $0xb8;
	[tilespmem:$0x1A000] =	vst v63  }
0x231: {  	s26 =	simm.s32 $0x16800  }
0x232: {  	[tilespmem:s26], [sflag:$0x6] =	stream.indirect_vreg.gather [hbm4b:s5+s3], $0x80, v2, vm0, $0xb8;
	[tilespmem:$0x1A000] =	vst v63  }
0x233: {  	s25 =	simm.s32 $0x17000  }
0x234: {  	[tilespmem:s25], [sflag:$0x6] =	stream.indirect_vreg.gather [hbm4b:s6+s3], $0x80, v2, vm0, $0xb8;
	[tilespmem:$0x1A000] =	vst v63  }
0x235: {  	_ = 	snop  }
0x236: {  	[tilespmem:s28], [sflag:$0x6] =	stream.indirect_vreg.gather [hbm4b:s7+s3], $0x80, v2, vm0, $0xb8;
	[tilespmem:$0x1A000] =	vst v63  }
0x237: {  	s25 =	simm.s32 $0x18000  }
0x238: {  	[tilespmem:s25], [sflag:$0x6] =	stream.indirect_vreg.gather [hbm4b:s8+s3], $0x80, v2, vm0, $0xb8;
	[tilespmem:$0x1A000] =	vst v63  }
0x239: {  	s25 =	simm.s32 $0x18800  }
0x23a: {  	[tilespmem:s25], [sflag:$0x6] =	stream.indirect_vreg.gather [hbm4b:s9+s3], $0x80, v2, vm0, $0xb8;
	[tilespmem:$0x1A000] =	vst v63  }
0x23b: {  	s25 =	simm.s32 $0x19000  }
0x23c: {  	[tilespmem:s25], [sflag:$0x6] =	stream.indirect_vreg.gather [hbm4b:s10+s3], $0x80, v2, vm0, $0xb8;
	[tilespmem:$0x1A000] =	vst v63  }
0x23d: {  	s25 =	simm.s32 $0x19800  }
0x23e: {  	[tilespmem:s25], [sflag:$0x6] =	stream.indirect_vreg.gather [hbm4b:s11+s3], $0x80, v2, vm0, $0xb8;
	[tilespmem:$0x1A000] =	vst v63  }
0x23f: {  	_ =	swait.ge [sflag:s4], $0x4000  }
0x240: {  	[sflag:s4] =	ssyncset.done $0x0  }
0x241: {  	s15 =	simm.s32 $0xE000;
	s25 =	rddreg [dreg:$0x13];
	[sflag:s4] =	ssyncadd.s32 $0xFFFFC000  }
0x242: {  	[hbm4b:s25+s3] =	stream.linear.scatter [tilespmem:s15], [sflag:$0xA], $0x4000, $0x38;
	[tilespmem:$0x1A000] =	vst v63  }
0x243: {  	_ =	swait.ge [sflag:s16], $0x4000  }
0x244: {  	[sflag:s16] =	ssyncset.done $0x0  }
0x245: {  	[sflag:s16] =	ssyncadd.s32 $0xFFFFC000  }
0x246: {  	v2 =	vld.msk [tilespmem:$0x900], $0xff;
	_ =	sdelay $0x4  }
0x247: {  	v3 =	vshll.u32 v2, $0x4  }
0x248: {  	v2 =	vand.u32 $0x7, v2;
	v3 =	vand.u32 $0xFFFFFF80, v3  }
0x249: {  	v2 =	vor.u32 v2, v3  }
0x24a: {  	v2 =	vperm.xlane v2, v0;
	_ =	sdelay $0x1  }
0x24b: {  	v2 =	vadd.s32 v1, v2;
	_ =	sdelay $0x3  }
0x24c: {  	s19 =	simm.s32 $0x2000  }
0x24d: {  	[tilespmem:s19], [sflag:$0x1] =	stream.indirect_vreg.gather [hbm4b:s2+s3], $0x80, v2, vm0, $0xb8;
	[tilespmem:$0x1A000] =	vst v63  }
0x24e: {  	s25 =	simm.s32 $0x2800  }
0x24f: {  	[tilespmem:s25], [sflag:$0x1] =	stream.indirect_vreg.gather [hbm4b:s5+s3], $0x80, v2, vm0, $0xb8;
	[tilespmem:$0x1A000] =	vst v63  }
0x250: {  	s25 =	simm.s32 $0x3000  }
0x251: {  	[tilespmem:s25], [sflag:$0x1] =	stream.indirect_vreg.gather [hbm4b:s6+s3], $0x80, v2, vm0, $0xb8;
	[tilespmem:$0x1A000] =	vst v63  }
0x252: {  	s25 =	simm.s32 $0x3800  }
0x253: {  	[tilespmem:s25], [sflag:$0x1] =	stream.indirect_vreg.gather [hbm4b:s7+s3], $0x80, v2, vm0, $0xb8;
	[tilespmem:$0x1A000] =	vst v63  }
0x254: {  	s25 =	simm.s32 $0x4000  }
0x255: {  	[tilespmem:s25], [sflag:$0x1] =	stream.indirect_vreg.gather [hbm4b:s8+s3], $0x80, v2, vm0, $0xb8;
	[tilespmem:$0x1A000] =	vst v63  }
0x256: {  	s25 =	simm.s32 $0x4800  }
0x257: {  	[tilespmem:s25], [sflag:$0x1] =	stream.indirect_vreg.gather [hbm4b:s9+s3], $0x80, v2, vm0, $0xb8;
	[tilespmem:$0x1A000] =	vst v63  }
0x258: {  	s25 =	simm.s32 $0x5000  }
0x259: {  	[tilespmem:s25], [sflag:$0x1] =	stream.indirect_vreg.gather [hbm4b:s10+s3], $0x80, v2, vm0, $0xb8;
	[tilespmem:$0x1A000] =	vst v63  }
0x25a: {  	s25 =	simm.s32 $0x5800  }
0x25b: {  	[tilespmem:s25], [sflag:$0x1] =	stream.indirect_vreg.gather [hbm4b:s11+s3], $0x80, v2, vm0, $0xb8;
	[tilespmem:$0x1A000] =	vst v63  }
0x25c: {  	_ =	swait.ge [sflag:s17], $0x4000  }
0x25d: {  	[sflag:s17] =	ssyncset.done $0x0  }
0x25e: {  	s12 =	simm.s32 $0x12000;
	s25 =	rddreg [dreg:$0x14];
	[sflag:s17] =	ssyncadd.s32 $0xFFFFC000  }
0x25f: {  	[hbm4b:s25+s3] =	stream.linear.scatter [tilespmem:s12], [sflag:$0xB], $0x4000, $0x38;
	[tilespmem:$0x1A000] =	vst v63  }
0x260: {  	_ =	swait.ge [sflag:s20], $0x4000  }
0x261: {  	[sflag:s20] =	ssyncset.done $0x0  }
0x262: {  	[sflag:s20] =	ssyncadd.s32 $0xFFFFC000  }
0x263: {  	v2 =	vld.msk [tilespmem:$0x980], $0xff;
	_ =	sdelay $0x4  }
0x264: {  	v3 =	vshll.u32 v2, $0x4  }
0x265: {  	v2 =	vand.u32 $0x7, v2;
	v3 =	vand.u32 $0xFFFFFF80, v3  }
0x266: {  	v2 =	vor.u32 v2, v3  }
0x267: {  	v2 =	vperm.xlane v2, v0;
	_ =	sdelay $0x1  }
0x268: {  	v2 =	vadd.s32 v1, v2;
	_ =	sdelay $0x4  }
0x269: {  	[tilespmem:s31], [sflag:$0x2] =	stream.indirect_vreg.gather [hbm4b:s2+s3], $0x80, v2, vm0, $0xb8;
	[tilespmem:$0x1A000] =	vst v63  }
0x26a: {  	s25 =	simm.s32 $0x6800  }
0x26b: {  	[tilespmem:s25], [sflag:$0x2] =	stream.indirect_vreg.gather [hbm4b:s5+s3], $0x80, v2, vm0, $0xb8;
	[tilespmem:$0x1A000] =	vst v63  }
0x26c: {  	s25 =	simm.s32 $0x7000  }
0x26d: {  	[tilespmem:s25], [sflag:$0x2] =	stream.indirect_vreg.gather [hbm4b:s6+s3], $0x80, v2, vm0, $0xb8;
	[tilespmem:$0x1A000] =	vst v63  }
0x26e: {  	s25 =	simm.s32 $0x7800  }
0x26f: {  	[tilespmem:s25], [sflag:$0x2] =	stream.indirect_vreg.gather [hbm4b:s7+s3], $0x80, v2, vm0, $0xb8;
	[tilespmem:$0x1A000] =	vst v63  }
0x270: {  	s25 =	simm.s32 $0x8000  }
0x271: {  	[tilespmem:s25], [sflag:$0x2] =	stream.indirect_vreg.gather [hbm4b:s8+s3], $0x80, v2, vm0, $0xb8;
	[tilespmem:$0x1A000] =	vst v63  }
0x272: {  	s25 =	simm.s32 $0x8800  }
0x273: {  	[tilespmem:s25], [sflag:$0x2] =	stream.indirect_vreg.gather [hbm4b:s9+s3], $0x80, v2, vm0, $0xb8;
	[tilespmem:$0x1A000] =	vst v63  }
0x274: {  	s25 =	simm.s32 $0x9000  }
0x275: {  	[tilespmem:s25], [sflag:$0x2] =	stream.indirect_vreg.gather [hbm4b:s10+s3], $0x80, v2, vm0, $0xb8;
	[tilespmem:$0x1A000] =	vst v63  }
0x276: {  	s25 =	simm.s32 $0x9800  }
0x277: {  	[tilespmem:s25], [sflag:$0x2] =	stream.indirect_vreg.gather [hbm4b:s11+s3], $0x80, v2, vm0, $0xb8;
	[tilespmem:$0x1A000] =	vst v63  }
0x278: {  	_ =	swait.ge [sflag:s23], $0x4000  }
0x279: {  	[sflag:s23] =	ssyncset.done $0x0  }
0x27a: {  	s0 =	simm.s32 $0x16000;
	s25 =	rddreg [dreg:$0x15];
	[sflag:s23] =	ssyncadd.s32 $0xFFFFC000  }
0x27b: {  	[hbm4b:s25+s3] =	stream.linear.scatter [tilespmem:s0], [sflag:$0xC], $0x4000, $0x38;
	[tilespmem:$0x1A000] =	vst v63  }
0x27c: {  	_ =	swait.ge [sflag:s21], $0x4000  }
0x27d: {  	[sflag:s21] =	ssyncset.done $0x0  }
0x27e: {  	[sflag:s21] =	ssyncadd.s32 $0xFFFFC000  }
0x27f: {  	v2 =	vld.msk [tilespmem:$0xA00], $0xff;
	_ =	sdelay $0x4  }
0x280: {  	v3 =	vshll.u32 v2, $0x4  }
0x281: {  	v2 =	vand.u32 $0x7, v2;
	v3 =	vand.u32 $0xFFFFFF80, v3  }
0x282: {  	v2 =	vor.u32 v2, v3  }
0x283: {  	v2 =	vperm.xlane v2, v0;
	_ =	sdelay $0x1  }
0x284: {  	v2 =	vadd.s32 v1, v2;
	_ =	sdelay $0x4  }
0x285: {  	[tilespmem:s30], [sflag:$0x3] =	stream.indirect_vreg.gather [hbm4b:s2+s3], $0x80, v2, vm0, $0xb8;
	[tilespmem:$0x1A000] =	vst v63  }
0x286: {  	s25 =	simm.s32 $0xA800  }
0x287: {  	[tilespmem:s25], [sflag:$0x3] =	stream.indirect_vreg.gather [hbm4b:s5+s3], $0x80, v2, vm0, $0xb8;
	[tilespmem:$0x1A000] =	vst v63  }
0x288: {  	s25 =	simm.s32 $0xB000  }
0x289: {  	[tilespmem:s25], [sflag:$0x3] =	stream.indirect_vreg.gather [hbm4b:s6+s3], $0x80, v2, vm0, $0xb8;
	[tilespmem:$0x1A000] =	vst v63  }
0x28a: {  	s22 =	simm.s32 $0xB800  }
0x28b: {  	[tilespmem:s22], [sflag:$0x3] =	stream.indirect_vreg.gather [hbm4b:s7+s3], $0x80, v2, vm0, $0xb8;
	[tilespmem:$0x1A000] =	vst v63  }
0x28c: {  	s25 =	simm.s32 $0xC000  }
0x28d: {  	[tilespmem:s25], [sflag:$0x3] =	stream.indirect_vreg.gather [hbm4b:s8+s3], $0x80, v2, vm0, $0xb8;
	[tilespmem:$0x1A000] =	vst v63  }
0x28e: {  	s25 =	simm.s32 $0xC800  }
0x28f: {  	[tilespmem:s25], [sflag:$0x3] =	stream.indirect_vreg.gather [hbm4b:s9+s3], $0x80, v2, vm0, $0xb8;
	[tilespmem:$0x1A000] =	vst v63  }
0x290: {  	s25 =	simm.s32 $0xD000  }
0x291: {  	[tilespmem:s25], [sflag:$0x3] =	stream.indirect_vreg.gather [hbm4b:s10+s3], $0x80, v2, vm0, $0xb8;
	[tilespmem:$0x1A000] =	vst v63  }
0x292: {  	s25 =	simm.s32 $0xD800  }
0x293: {  	[tilespmem:s25], [sflag:$0x3] =	stream.indirect_vreg.gather [hbm4b:s11+s3], $0x80, v2, vm0, $0xb8;
	[tilespmem:$0x1A000] =	vst v63  }
0x294: {  	_ =	swait.ge [sflag:s29], $0x4000  }
0x295: {  	[sflag:s29] =	ssyncset.done $0x0  }
0x296: {  	s25 =	rddreg [dreg:$0x16];
	[sflag:s29] =	ssyncadd.s32 $0xFFFFC000  }
0x297: {  	[hbm4b:s25+s3] =	stream.linear.scatter [tilespmem:s19], [sflag:$0x7], $0x4000, $0x38;
	[tilespmem:$0x1A000] =	vst v63  }
0x298: {  	_ =	swait.ge [sflag:s1], $0x4000  }
0x299: {  	[sflag:s1] =	ssyncset.done $0x0  }
0x29a: {  	[sflag:s1] =	ssyncadd.s32 $0xFFFFC000  }
0x29b: {  	v2 =	vld.msk [tilespmem:$0xA80], $0xff;
	_ =	sdelay $0x4  }
0x29c: {  	v3 =	vshll.u32 v2, $0x4  }
0x29d: {  	v2 =	vand.u32 $0x7, v2;
	v3 =	vand.u32 $0xFFFFFF80, v3  }
0x29e: {  	v2 =	vor.u32 v2, v3  }
0x29f: {  	v2 =	vperm.xlane v2, v0;
	_ =	sdelay $0x1  }
0x2a0: {  	v2 =	vadd.s32 v1, v2;
	_ =	sdelay $0x4  }
0x2a1: {  	[tilespmem:s15], [sflag:$0x4] =	stream.indirect_vreg.gather [hbm4b:s2+s3], $0x80, v2, vm0, $0xb8;
	[tilespmem:$0x1A000] =	vst v63  }
0x2a2: {  	s25 =	simm.s32 $0xE800  }
0x2a3: {  	[tilespmem:s25], [sflag:$0x4] =	stream.indirect_vreg.gather [hbm4b:s5+s3], $0x80, v2, vm0, $0xb8;
	[tilespmem:$0x1A000] =	vst v63  }
0x2a4: {  	s25 =	simm.s32 $0xF000  }
0x2a5: {  	[tilespmem:s25], [sflag:$0x4] =	stream.indirect_vreg.gather [hbm4b:s6+s3], $0x80, v2, vm0, $0xb8;
	[tilespmem:$0x1A000] =	vst v63  }
0x2a6: {  	s25 =	simm.s32 $0xF800  }
0x2a7: {  	[tilespmem:s25], [sflag:$0x4] =	stream.indirect_vreg.gather [hbm4b:s7+s3], $0x80, v2, vm0, $0xb8;
	[tilespmem:$0x1A000] =	vst v63  }
0x2a8: {  	s25 =	simm.s32 $0x10000  }
0x2a9: {  	[tilespmem:s25], [sflag:$0x4] =	stream.indirect_vreg.gather [hbm4b:s8+s3], $0x80, v2, vm0, $0xb8;
	[tilespmem:$0x1A000] =	vst v63  }
0x2aa: {  	s25 =	simm.s32 $0x10800  }
0x2ab: {  	[tilespmem:s25], [sflag:$0x4] =	stream.indirect_vreg.gather [hbm4b:s9+s3], $0x80, v2, vm0, $0xb8;
	[tilespmem:$0x1A000] =	vst v63  }
0x2ac: {  	s25 =	simm.s32 $0x11000  }
0x2ad: {  	[tilespmem:s25], [sflag:$0x4] =	stream.indirect_vreg.gather [hbm4b:s10+s3], $0x80, v2, vm0, $0xb8;
	[tilespmem:$0x1A000] =	vst v63  }
0x2ae: {  	s25 =	simm.s32 $0x11800  }
0x2af: {  	[tilespmem:s25], [sflag:$0x4] =	stream.indirect_vreg.gather [hbm4b:s11+s3], $0x80, v2, vm0, $0xb8;
	[tilespmem:$0x1A000] =	vst v63  }
0x2b0: {  	_ =	swait.ge [sflag:s24], $0x4000  }
0x2b1: {  	[sflag:s24] =	ssyncset.done $0x0  }
0x2b2: {  	s25 =	rddreg [dreg:$0x17];
	[sflag:s24] =	ssyncadd.s32 $0xFFFFC000  }
0x2b3: {  	[hbm4b:s25+s3] =	stream.linear.scatter [tilespmem:s31], [sflag:$0x8], $0x4000, $0x38;
	[tilespmem:$0x1A000] =	vst v63  }
0x2b4: {  	_ =	swait.ge [sflag:s14], $0x4000  }
0x2b5: {  	[sflag:s14] =	ssyncset.done $0x0  }
0x2b6: {  	[sflag:s14] =	ssyncadd.s32 $0xFFFFC000  }
0x2b7: {  	v2 =	vld.msk [tilespmem:$0xB00], $0xff;
	_ =	sdelay $0x4  }
0x2b8: {  	v3 =	vshll.u32 v2, $0x4  }
0x2b9: {  	v2 =	vand.u32 $0x7, v2;
	v3 =	vand.u32 $0xFFFFFF80, v3  }
0x2ba: {  	v2 =	vor.u32 v2, v3  }
0x2bb: {  	v2 =	vperm.xlane v2, v0;
	_ =	sdelay $0x1  }
0x2bc: {  	v2 =	vadd.s32 v1, v2;
	_ =	sdelay $0x4  }
0x2bd: {  	[tilespmem:s12], [sflag:$0x5] =	stream.indirect_vreg.gather [hbm4b:s2+s3], $0x80, v2, vm0, $0xb8;
	[tilespmem:$0x1A000] =	vst v63  }
0x2be: {  	s25 =	simm.s32 $0x12800  }
0x2bf: {  	[tilespmem:s25], [sflag:$0x5] =	stream.indirect_vreg.gather [hbm4b:s5+s3], $0x80, v2, vm0, $0xb8;
	[tilespmem:$0x1A000] =	vst v63  }
0x2c0: {  	s25 =	simm.s32 $0x13000  }
0x2c1: {  	[tilespmem:s25], [sflag:$0x5] =	stream.indirect_vreg.gather [hbm4b:s6+s3], $0x80, v2, vm0, $0xb8;
	[tilespmem:$0x1A000] =	vst v63  }
0x2c2: {  	s25 =	simm.s32 $0x13800  }
0x2c3: {  	[tilespmem:s25], [sflag:$0x5] =	stream.indirect_vreg.gather [hbm4b:s7+s3], $0x80, v2, vm0, $0xb8;
	[tilespmem:$0x1A000] =	vst v63  }
0x2c4: {  	s25 =	simm.s32 $0x14000  }
0x2c5: {  	[tilespmem:s25], [sflag:$0x5] =	stream.indirect_vreg.gather [hbm4b:s8+s3], $0x80, v2, vm0, $0xb8;
	[tilespmem:$0x1A000] =	vst v63  }
0x2c6: {  	s25 =	simm.s32 $0x14800  }
0x2c7: {  	[tilespmem:s25], [sflag:$0x5] =	stream.indirect_vreg.gather [hbm4b:s9+s3], $0x80, v2, vm0, $0xb8;
	[tilespmem:$0x1A000] =	vst v63  }
0x2c8: {  	s25 =	simm.s32 $0x15000  }
0x2c9: {  	[tilespmem:s25], [sflag:$0x5] =	stream.indirect_vreg.gather [hbm4b:s10+s3], $0x80, v2, vm0, $0xb8;
	[tilespmem:$0x1A000] =	vst v63  }
0x2ca: {  	s25 =	simm.s32 $0x15800  }
0x2cb: {  	[tilespmem:s25], [sflag:$0x5] =	stream.indirect_vreg.gather [hbm4b:s11+s3], $0x80, v2, vm0, $0xb8;
	[tilespmem:$0x1A000] =	vst v63  }
0x2cc: {  	_ =	swait.ge [sflag:s13], $0x4000  }
0x2cd: {  	[sflag:s13] =	ssyncset.done $0x0  }
0x2ce: {  	s25 =	rddreg [dreg:$0x18];
	[sflag:s13] =	ssyncadd.s32 $0xFFFFC000  }
0x2cf: {  	[hbm4b:s25+s3] =	stream.linear.scatter [tilespmem:s30], [sflag:$0x9], $0x4000, $0x38;
	[tilespmem:$0x1A000] =	vst v63  }
0x2d0: {  	_ =	swait.ge [sflag:s18], $0x4000  }
0x2d1: {  	[sflag:s18] =	ssyncset.done $0x0  }
0x2d2: {  	[sflag:s18] =	ssyncadd.s32 $0xFFFFC000  }
0x2d3: {  	v2 =	vld.msk [tilespmem:$0xB80], $0xff;
	_ =	sdelay $0x4  }
0x2d4: {  	v3 =	vshll.u32 v2, $0x4  }
0x2d5: {  	v2 =	vand.u32 $0x7, v2;
	v3 =	vand.u32 $0xFFFFFF80, v3  }
0x2d6: {  	v2 =	vor.u32 v2, v3  }
0x2d7: {  	v2 =	vperm.xlane v2, v0;
	_ =	sdelay $0x1  }
0x2d8: {  	v2 =	vadd.s32 v1, v2;
	_ =	sdelay $0x4  }
0x2d9: {  	[tilespmem:s0], [sflag:$0x6] =	stream.indirect_vreg.gather [hbm4b:s2+s3], $0x80, v2, vm0, $0xb8;
	[tilespmem:$0x1A000] =	vst v63  }
0x2da: {  	s26 =	simm.s32 $0x16800  }
0x2db: {  	[tilespmem:s26], [sflag:$0x6] =	stream.indirect_vreg.gather [hbm4b:s5+s3], $0x80, v2, vm0, $0xb8;
	[tilespmem:$0x1A000] =	vst v63  }
0x2dc: {  	s25 =	simm.s32 $0x17000  }
0x2dd: {  	[tilespmem:s25], [sflag:$0x6] =	stream.indirect_vreg.gather [hbm4b:s6+s3], $0x80, v2, vm0, $0xb8;
	[tilespmem:$0x1A000] =	vst v63  }
0x2de: {  	s28 =	simm.s32 $0x17800  }
0x2df: {  	[tilespmem:s28], [sflag:$0x6] =	stream.indirect_vreg.gather [hbm4b:s7+s3], $0x80, v2, vm0, $0xb8;
	[tilespmem:$0x1A000] =	vst v63  }
0x2e0: {  	s28 =	simm.s32 $0x18000  }
0x2e1: {  	[tilespmem:s28], [sflag:$0x6] =	stream.indirect_vreg.gather [hbm4b:s8+s3], $0x80, v2, vm0, $0xb8;
	[tilespmem:$0x1A000] =	vst v63  }
0x2e2: {  	s25 =	simm.s32 $0x18800  }
0x2e3: {  	[tilespmem:s25], [sflag:$0x6] =	stream.indirect_vreg.gather [hbm4b:s9+s3], $0x80, v2, vm0, $0xb8;
	[tilespmem:$0x1A000] =	vst v63  }
0x2e4: {  	s25 =	simm.s32 $0x19000  }
0x2e5: {  	[tilespmem:s25], [sflag:$0x6] =	stream.indirect_vreg.gather [hbm4b:s10+s3], $0x80, v2, vm0, $0xb8;
	[tilespmem:$0x1A000] =	vst v63  }
0x2e6: {  	s25 =	simm.s32 $0x19800  }
0x2e7: {  	[tilespmem:s25], [sflag:$0x6] =	stream.indirect_vreg.gather [hbm4b:s11+s3], $0x80, v2, vm0, $0xb8;
	[tilespmem:$0x1A000] =	vst v63  }
0x2e8: {  	_ =	swait.ge [sflag:s4], $0x4000  }
0x2e9: {  	[sflag:s4] =	ssyncset.done $0x0  }
0x2ea: {  	s25 =	rddreg [dreg:$0x19];
	[sflag:s4] =	ssyncadd.s32 $0xFFFFC000  }
0x2eb: {  	[hbm4b:s25+s3] =	stream.linear.scatter [tilespmem:s15], [sflag:$0xA], $0x4000, $0x38;
	[tilespmem:$0x1A000] =	vst v63  }
0x2ec: {  	_ =	swait.ge [sflag:s16], $0x4000  }
0x2ed: {  	[sflag:s16] =	ssyncset.done $0x0  }
0x2ee: {  	[sflag:s16] =	ssyncadd.s32 $0xFFFFC000  }
0x2ef: {  	v2 =	vld.msk [tilespmem:$0xC00], $0xff;
	_ =	sdelay $0x4  }
0x2f0: {  	v3 =	vshll.u32 v2, $0x4  }
0x2f1: {  	v2 =	vand.u32 $0x7, v2;
	v3 =	vand.u32 $0xFFFFFF80, v3  }
0x2f2: {  	v2 =	vor.u32 v2, v3  }
0x2f3: {  	v2 =	vperm.xlane v2, v0;
	_ =	sdelay $0x1  }
0x2f4: {  	v2 =	vadd.s32 v1, v2;
	_ =	sdelay $0x4  }
0x2f5: {  	[tilespmem:s19], [sflag:$0x1] =	stream.indirect_vreg.gather [hbm4b:s2+s3], $0x80, v2, vm0, $0xb8;
	[tilespmem:$0x1A000] =	vst v63  }
0x2f6: {  	s25 =	simm.s32 $0x2800  }
0x2f7: {  	[tilespmem:s25], [sflag:$0x1] =	stream.indirect_vreg.gather [hbm4b:s5+s3], $0x80, v2, vm0, $0xb8;
	[tilespmem:$0x1A000] =	vst v63  }
0x2f8: {  	s25 =	simm.s32 $0x3000  }
0x2f9: {  	[tilespmem:s25], [sflag:$0x1] =	stream.indirect_vreg.gather [hbm4b:s6+s3], $0x80, v2, vm0, $0xb8;
	[tilespmem:$0x1A000] =	vst v63  }
0x2fa: {  	s25 =	simm.s32 $0x3800  }
0x2fb: {  	[tilespmem:s25], [sflag:$0x1] =	stream.indirect_vreg.gather [hbm4b:s7+s3], $0x80, v2, vm0, $0xb8;
	[tilespmem:$0x1A000] =	vst v63  }
0x2fc: {  	s25 =	simm.s32 $0x4000  }
0x2fd: {  	[tilespmem:s25], [sflag:$0x1] =	stream.indirect_vreg.gather [hbm4b:s8+s3], $0x80, v2, vm0, $0xb8;
	[tilespmem:$0x1A000] =	vst v63  }
0x2fe: {  	s25 =	simm.s32 $0x4800  }
0x2ff: {  	[tilespmem:s25], [sflag:$0x1] =	stream.indirect_vreg.gather [hbm4b:s9+s3], $0x80, v2, vm0, $0xb8;
	[tilespmem:$0x1A000] =	vst v63  }
0x300: {  	s25 =	simm.s32 $0x5000  }
0x301: {  	[tilespmem:s25], [sflag:$0x1] =	stream.indirect_vreg.gather [hbm4b:s10+s3], $0x80, v2, vm0, $0xb8;
	[tilespmem:$0x1A000] =	vst v63  }
0x302: {  	s25 =	simm.s32 $0x5800  }
0x303: {  	[tilespmem:s25], [sflag:$0x1] =	stream.indirect_vreg.gather [hbm4b:s11+s3], $0x80, v2, vm0, $0xb8;
	[tilespmem:$0x1A000] =	vst v63  }
0x304: {  	_ =	swait.ge [sflag:s17], $0x4000  }
0x305: {  	[sflag:s17] =	ssyncset.done $0x0  }
0x306: {  	s25 =	rddreg [dreg:$0x1a];
	[sflag:s17] =	ssyncadd.s32 $0xFFFFC000  }
0x307: {  	[hbm4b:s25+s3] =	stream.linear.scatter [tilespmem:s12], [sflag:$0xB], $0x4000, $0x38;
	[tilespmem:$0x1A000] =	vst v63  }
0x308: {  	_ =	swait.ge [sflag:s20], $0x4000  }
0x309: {  	[sflag:s20] =	ssyncset.done $0x0  }
0x30a: {  	[sflag:s20] =	ssyncadd.s32 $0xFFFFC000  }
0x30b: {  	v2 =	vld.msk [tilespmem:$0xC80], $0xff;
	_ =	sdelay $0x4  }
0x30c: {  	v3 =	vshll.u32 v2, $0x4  }
0x30d: {  	v2 =	vand.u32 $0x7, v2;
	v3 =	vand.u32 $0xFFFFFF80, v3  }
0x30e: {  	v2 =	vor.u32 v2, v3  }
0x30f: {  	v2 =	vperm.xlane v2, v0;
	_ =	sdelay $0x1  }
0x310: {  	v2 =	vadd.s32 v1, v2;
	_ =	sdelay $0x4  }
0x311: {  	[tilespmem:s31], [sflag:$0x2] =	stream.indirect_vreg.gather [hbm4b:s2+s3], $0x80, v2, vm0, $0xb8;
	[tilespmem:$0x1A000] =	vst v63  }
0x312: {  	s25 =	simm.s32 $0x6800  }
0x313: {  	[tilespmem:s25], [sflag:$0x2] =	stream.indirect_vreg.gather [hbm4b:s5+s3], $0x80, v2, vm0, $0xb8;
	[tilespmem:$0x1A000] =	vst v63  }
0x314: {  	s25 =	simm.s32 $0x7000  }
0x315: {  	[tilespmem:s25], [sflag:$0x2] =	stream.indirect_vreg.gather [hbm4b:s6+s3], $0x80, v2, vm0, $0xb8;
	[tilespmem:$0x1A000] =	vst v63  }
0x316: {  	s25 =	simm.s32 $0x7800  }
0x317: {  	[tilespmem:s25], [sflag:$0x2] =	stream.indirect_vreg.gather [hbm4b:s7+s3], $0x80, v2, vm0, $0xb8;
	[tilespmem:$0x1A000] =	vst v63  }
0x318: {  	s25 =	simm.s32 $0x8000  }
0x319: {  	[tilespmem:s25], [sflag:$0x2] =	stream.indirect_vreg.gather [hbm4b:s8+s3], $0x80, v2, vm0, $0xb8;
	[tilespmem:$0x1A000] =	vst v63  }
0x31a: {  	s25 =	simm.s32 $0x8800  }
0x31b: {  	[tilespmem:s25], [sflag:$0x2] =	stream.indirect_vreg.gather [hbm4b:s9+s3], $0x80, v2, vm0, $0xb8;
	[tilespmem:$0x1A000] =	vst v63  }
0x31c: {  	s25 =	simm.s32 $0x9000  }
0x31d: {  	[tilespmem:s25], [sflag:$0x2] =	stream.indirect_vreg.gather [hbm4b:s10+s3], $0x80, v2, vm0, $0xb8;
	[tilespmem:$0x1A000] =	vst v63  }
0x31e: {  	s25 =	simm.s32 $0x9800  }
0x31f: {  	[tilespmem:s25], [sflag:$0x2] =	stream.indirect_vreg.gather [hbm4b:s11+s3], $0x80, v2, vm0, $0xb8;
	[tilespmem:$0x1A000] =	vst v63  }
0x320: {  	_ =	swait.ge [sflag:s23], $0x4000  }
0x321: {  	[sflag:s23] =	ssyncset.done $0x0  }
0x322: {  	s25 =	rddreg [dreg:$0x1b];
	[sflag:s23] =	ssyncadd.s32 $0xFFFFC000  }
0x323: {  	[hbm4b:s25+s3] =	stream.linear.scatter [tilespmem:s0], [sflag:$0xC], $0x4000, $0x38;
	[tilespmem:$0x1A000] =	vst v63  }
0x324: {  	_ =	swait.ge [sflag:s21], $0x4000  }
0x325: {  	[sflag:s21] =	ssyncset.done $0x0  }
0x326: {  	[sflag:s21] =	ssyncadd.s32 $0xFFFFC000  }
0x327: {  	v2 =	vld.msk [tilespmem:$0xD00], $0xff;
	_ =	sdelay $0x4  }
0x328: {  	v3 =	vshll.u32 v2, $0x4  }
0x329: {  	v2 =	vand.u32 $0x7, v2;
	v3 =	vand.u32 $0xFFFFFF80, v3  }
0x32a: {  	v2 =	vor.u32 v2, v3  }
0x32b: {  	v2 =	vperm.xlane v2, v0;
	_ =	sdelay $0x1  }
0x32c: {  	v2 =	vadd.s32 v1, v2;
	_ =	sdelay $0x4  }
0x32d: {  	[tilespmem:s30], [sflag:$0x3] =	stream.indirect_vreg.gather [hbm4b:s2+s3], $0x80, v2, vm0, $0xb8;
	[tilespmem:$0x1A000] =	vst v63  }
0x32e: {  	s25 =	simm.s32 $0xA800  }
0x32f: {  	[tilespmem:s25], [sflag:$0x3] =	stream.indirect_vreg.gather [hbm4b:s5+s3], $0x80, v2, vm0, $0xb8;
	[tilespmem:$0x1A000] =	vst v63  }
0x330: {  	s25 =	simm.s32 $0xB000  }
0x331: {  	[tilespmem:s25], [sflag:$0x3] =	stream.indirect_vreg.gather [hbm4b:s6+s3], $0x80, v2, vm0, $0xb8;
	[tilespmem:$0x1A000] =	vst v63  }
0x332: {  	s22 =	simm.s32 $0xB800  }
0x333: {  	[tilespmem:s22], [sflag:$0x3] =	stream.indirect_vreg.gather [hbm4b:s7+s3], $0x80, v2, vm0, $0xb8;
	[tilespmem:$0x1A000] =	vst v63  }
0x334: {  	s25 =	simm.s32 $0xC000  }
0x335: {  	[tilespmem:s25], [sflag:$0x3] =	stream.indirect_vreg.gather [hbm4b:s8+s3], $0x80, v2, vm0, $0xb8;
	[tilespmem:$0x1A000] =	vst v63  }
0x336: {  	s25 =	simm.s32 $0xC800  }
0x337: {  	[tilespmem:s25], [sflag:$0x3] =	stream.indirect_vreg.gather [hbm4b:s9+s3], $0x80, v2, vm0, $0xb8;
	[tilespmem:$0x1A000] =	vst v63  }
0x338: {  	s25 =	simm.s32 $0xD000  }
0x339: {  	[tilespmem:s25], [sflag:$0x3] =	stream.indirect_vreg.gather [hbm4b:s10+s3], $0x80, v2, vm0, $0xb8;
	[tilespmem:$0x1A000] =	vst v63  }
0x33a: {  	s25 =	simm.s32 $0xD800  }
0x33b: {  	[tilespmem:s25], [sflag:$0x3] =	stream.indirect_vreg.gather [hbm4b:s11+s3], $0x80, v2, vm0, $0xb8;
	[tilespmem:$0x1A000] =	vst v63  }
0x33c: {  	_ =	swait.ge [sflag:s29], $0x4000  }
0x33d: {  	[sflag:s29] =	ssyncset.done $0x0  }
0x33e: {  	s25 =	rddreg [dreg:$0x1c];
	[sflag:s29] =	ssyncadd.s32 $0xFFFFC000  }
0x33f: {  	[hbm4b:s25+s3] =	stream.linear.scatter [tilespmem:s19], [sflag:$0x7], $0x4000, $0x38;
	[tilespmem:$0x1A000] =	vst v63  }
0x340: {  	_ =	swait.ge [sflag:s1], $0x4000  }
0x341: {  	[sflag:s1] =	ssyncset.done $0x0  }
0x342: {  	[sflag:s1] =	ssyncadd.s32 $0xFFFFC000  }
0x343: {  	v2 =	vld.msk [tilespmem:$0xD80], $0xff;
	_ =	sdelay $0x4  }
0x344: {  	v3 =	vshll.u32 v2, $0x4  }
0x345: {  	v2 =	vand.u32 $0x7, v2;
	v3 =	vand.u32 $0xFFFFFF80, v3  }
0x346: {  	v2 =	vor.u32 v2, v3  }
0x347: {  	v2 =	vperm.xlane v2, v0;
	_ =	sdelay $0x1  }
0x348: {  	v2 =	vadd.s32 v1, v2;
	_ =	sdelay $0x4  }
0x349: {  	[tilespmem:s15], [sflag:$0x4] =	stream.indirect_vreg.gather [hbm4b:s2+s3], $0x80, v2, vm0, $0xb8;
	[tilespmem:$0x1A000] =	vst v63  }
0x34a: {  	s25 =	simm.s32 $0xE800  }
0x34b: {  	[tilespmem:s25], [sflag:$0x4] =	stream.indirect_vreg.gather [hbm4b:s5+s3], $0x80, v2, vm0, $0xb8;
	[tilespmem:$0x1A000] =	vst v63  }
0x34c: {  	s25 =	simm.s32 $0xF000  }
0x34d: {  	[tilespmem:s25], [sflag:$0x4] =	stream.indirect_vreg.gather [hbm4b:s6+s3], $0x80, v2, vm0, $0xb8;
	[tilespmem:$0x1A000] =	vst v63  }
0x34e: {  	s25 =	simm.s32 $0xF800  }
0x34f: {  	[tilespmem:s25], [sflag:$0x4] =	stream.indirect_vreg.gather [hbm4b:s7+s3], $0x80, v2, vm0, $0xb8;
	[tilespmem:$0x1A000] =	vst v63  }
0x350: {  	s25 =	simm.s32 $0x10000  }
0x351: {  	[tilespmem:s25], [sflag:$0x4] =	stream.indirect_vreg.gather [hbm4b:s8+s3], $0x80, v2, vm0, $0xb8;
	[tilespmem:$0x1A000] =	vst v63  }
0x352: {  	s25 =	simm.s32 $0x10800  }
0x353: {  	[tilespmem:s25], [sflag:$0x4] =	stream.indirect_vreg.gather [hbm4b:s9+s3], $0x80, v2, vm0, $0xb8;
	[tilespmem:$0x1A000] =	vst v63  }
0x354: {  	s25 =	simm.s32 $0x11000  }
0x355: {  	[tilespmem:s25], [sflag:$0x4] =	stream.indirect_vreg.gather [hbm4b:s10+s3], $0x80, v2, vm0, $0xb8;
	[tilespmem:$0x1A000] =	vst v63  }
0x356: {  	s25 =	simm.s32 $0x11800  }
0x357: {  	[tilespmem:s25], [sflag:$0x4] =	stream.indirect_vreg.gather [hbm4b:s11+s3], $0x80, v2, vm0, $0xb8;
	[tilespmem:$0x1A000] =	vst v63  }
0x358: {  	_ =	swait.ge [sflag:s24], $0x4000  }
0x359: {  	[sflag:s24] =	ssyncset.done $0x0  }
0x35a: {  	s25 =	rddreg [dreg:$0x1d];
	[sflag:s24] =	ssyncadd.s32 $0xFFFFC000  }
0x35b: {  	[hbm4b:s25+s3] =	stream.linear.scatter [tilespmem:s31], [sflag:$0x8], $0x4000, $0x38;
	[tilespmem:$0x1A000] =	vst v63  }
0x35c: {  	_ =	swait.ge [sflag:s14], $0x4000  }
0x35d: {  	[sflag:s14] =	ssyncset.done $0x0  }
0x35e: {  	[sflag:s14] =	ssyncadd.s32 $0xFFFFC000  }
0x35f: {  	v2 =	vld.msk [tilespmem:$0xE00], $0xff;
	_ =	sdelay $0x4  }
0x360: {  	v3 =	vshll.u32 v2, $0x4  }
0x361: {  	v2 =	vand.u32 $0x7, v2;
	v3 =	vand.u32 $0xFFFFFF80, v3  }
0x362: {  	v2 =	vor.u32 v2, v3  }
0x363: {  	v2 =	vperm.xlane v2, v0;
	_ =	sdelay $0x1  }
0x364: {  	v2 =	vadd.s32 v1, v2;
	_ =	sdelay $0x4  }
0x365: {  	[tilespmem:s12], [sflag:$0x5] =	stream.indirect_vreg.gather [hbm4b:s2+s3], $0x80, v2, vm0, $0xb8;
	[tilespmem:$0x1A000] =	vst v63  }
0x366: {  	s25 =	simm.s32 $0x12800  }
0x367: {  	[tilespmem:s25], [sflag:$0x5] =	stream.indirect_vreg.gather [hbm4b:s5+s3], $0x80, v2, vm0, $0xb8;
	[tilespmem:$0x1A000] =	vst v63  }
0x368: {  	s25 =	simm.s32 $0x13000  }
0x369: {  	[tilespmem:s25], [sflag:$0x5] =	stream.indirect_vreg.gather [hbm4b:s6+s3], $0x80, v2, vm0, $0xb8;
	[tilespmem:$0x1A000] =	vst v63  }
0x36a: {  	s25 =	simm.s32 $0x13800  }
0x36b: {  	[tilespmem:s25], [sflag:$0x5] =	stream.indirect_vreg.gather [hbm4b:s7+s3], $0x80, v2, vm0, $0xb8;
	[tilespmem:$0x1A000] =	vst v63  }
0x36c: {  	s25 =	simm.s32 $0x14000  }
0x36d: {  	[tilespmem:s25], [sflag:$0x5] =	stream.indirect_vreg.gather [hbm4b:s8+s3], $0x80, v2, vm0, $0xb8;
	[tilespmem:$0x1A000] =	vst v63  }
0x36e: {  	s25 =	simm.s32 $0x14800  }
0x36f: {  	[tilespmem:s25], [sflag:$0x5] =	stream.indirect_vreg.gather [hbm4b:s9+s3], $0x80, v2, vm0, $0xb8;
	[tilespmem:$0x1A000] =	vst v63  }
0x370: {  	s25 =	simm.s32 $0x15000  }
0x371: {  	[tilespmem:s25], [sflag:$0x5] =	stream.indirect_vreg.gather [hbm4b:s10+s3], $0x80, v2, vm0, $0xb8;
	[tilespmem:$0x1A000] =	vst v63  }
0x372: {  	s25 =	simm.s32 $0x15800  }
0x373: {  	[tilespmem:s25], [sflag:$0x5] =	stream.indirect_vreg.gather [hbm4b:s11+s3], $0x80, v2, vm0, $0xb8;
	[tilespmem:$0x1A000] =	vst v63  }
0x374: {  	_ =	swait.ge [sflag:s13], $0x4000  }
0x375: {  	[sflag:s13] =	ssyncset.done $0x0  }
0x376: {  	s25 =	rddreg [dreg:$0x1e];
	[sflag:s13] =	ssyncadd.s32 $0xFFFFC000  }
0x377: {  	[hbm4b:s25+s3] =	stream.linear.scatter [tilespmem:s30], [sflag:$0x9], $0x4000, $0x38;
	[tilespmem:$0x1A000] =	vst v63  }
0x378: {  	_ =	swait.ge [sflag:s18], $0x4000  }
0x379: {  	[sflag:s18] =	ssyncset.done $0x0  }
0x37a: {  	[sflag:s18] =	ssyncadd.s32 $0xFFFFC000  }
0x37b: {  	v2 =	vld.msk [tilespmem:$0xE80], $0xff;
	_ =	sdelay $0x4  }
0x37c: {  	v3 =	vshll.u32 v2, $0x4  }
0x37d: {  	v2 =	vand.u32 $0x7, v2;
	v3 =	vand.u32 $0xFFFFFF80, v3  }
0x37e: {  	v2 =	vor.u32 v2, v3  }
0x37f: {  	v2 =	vperm.xlane v2, v0;
	_ =	sdelay $0x1  }
0x380: {  	v2 =	vadd.s32 v1, v2;
	_ =	sdelay $0x4  }
0x381: {  	[tilespmem:s0], [sflag:$0x6] =	stream.indirect_vreg.gather [hbm4b:s2+s3], $0x80, v2, vm0, $0xb8;
	[tilespmem:$0x1A000] =	vst v63  }
0x382: {  	s26 =	simm.s32 $0x16800  }
0x383: {  	[tilespmem:s26], [sflag:$0x6] =	stream.indirect_vreg.gather [hbm4b:s5+s3], $0x80, v2, vm0, $0xb8;
	[tilespmem:$0x1A000] =	vst v63  }
0x384: {  	s25 =	simm.s32 $0x17000  }
0x385: {  	[tilespmem:s25], [sflag:$0x6] =	stream.indirect_vreg.gather [hbm4b:s6+s3], $0x80, v2, vm0, $0xb8;
	[tilespmem:$0x1A000] =	vst v63  }
0x386: {  	s25 =	simm.s32 $0x17800  }
0x387: {  	[tilespmem:s25], [sflag:$0x6] =	stream.indirect_vreg.gather [hbm4b:s7+s3], $0x80, v2, vm0, $0xb8;
	[tilespmem:$0x1A000] =	vst v63  }
0x388: {  	s28 =	simm.s32 $0x18000  }
0x389: {  	[tilespmem:s28], [sflag:$0x6] =	stream.indirect_vreg.gather [hbm4b:s8+s3], $0x80, v2, vm0, $0xb8;
	[tilespmem:$0x1A000] =	vst v63  }
0x38a: {  	s25 =	simm.s32 $0x18800  }
0x38b: {  	[tilespmem:s25], [sflag:$0x6] =	stream.indirect_vreg.gather [hbm4b:s9+s3], $0x80, v2, vm0, $0xb8;
	[tilespmem:$0x1A000] =	vst v63  }
0x38c: {  	s25 =	simm.s32 $0x19000  }
0x38d: {  	[tilespmem:s25], [sflag:$0x6] =	stream.indirect_vreg.gather [hbm4b:s10+s3], $0x80, v2, vm0, $0xb8;
	[tilespmem:$0x1A000] =	vst v63  }
0x38e: {  	s25 =	simm.s32 $0x19800  }
0x38f: {  	[tilespmem:s25], [sflag:$0x6] =	stream.indirect_vreg.gather [hbm4b:s11+s3], $0x80, v2, vm0, $0xb8;
	[tilespmem:$0x1A000] =	vst v63  }
0x390: {  	_ =	swait.ge [sflag:s4], $0x4000  }
0x391: {  	[sflag:s4] =	ssyncset.done $0x0  }
0x392: {  	s25 =	rddreg [dreg:$0x1f];
	[sflag:s4] =	ssyncadd.s32 $0xFFFFC000  }
0x393: {  	[hbm4b:s25+s3] =	stream.linear.scatter [tilespmem:s15], [sflag:$0xA], $0x4000, $0x38;
	[tilespmem:$0x1A000] =	vst v63  }
0x394: {  	_ =	swait.ge [sflag:s16], $0x4000  }
0x395: {  	[sflag:s16] =	ssyncset.done $0x0  }
0x396: {  	[sflag:s16] =	ssyncadd.s32 $0xFFFFC000  }
0x397: {  	v2 =	vld.msk [tilespmem:$0xF00], $0xff;
	_ =	sdelay $0x4  }
0x398: {  	v3 =	vshll.u32 v2, $0x4  }
0x399: {  	v2 =	vand.u32 $0x7, v2;
	v3 =	vand.u32 $0xFFFFFF80, v3  }
0x39a: {  	v2 =	vor.u32 v2, v3  }
0x39b: {  	v2 =	vperm.xlane v2, v0;
	_ =	sdelay $0x1  }
0x39c: {  	v2 =	vadd.s32 v1, v2;
	_ =	sdelay $0x4  }
0x39d: {  	[tilespmem:s19], [sflag:$0x1] =	stream.indirect_vreg.gather [hbm4b:s2+s3], $0x80, v2, vm0, $0xb8;
	[tilespmem:$0x1A000] =	vst v63  }
0x39e: {  	s25 =	simm.s32 $0x2800  }
0x39f: {  	[tilespmem:s25], [sflag:$0x1] =	stream.indirect_vreg.gather [hbm4b:s5+s3], $0x80, v2, vm0, $0xb8;
	[tilespmem:$0x1A000] =	vst v63  }
0x3a0: {  	s25 =	simm.s32 $0x3000  }
0x3a1: {  	[tilespmem:s25], [sflag:$0x1] =	stream.indirect_vreg.gather [hbm4b:s6+s3], $0x80, v2, vm0, $0xb8;
	[tilespmem:$0x1A000] =	vst v63  }
0x3a2: {  	s25 =	simm.s32 $0x3800  }
0x3a3: {  	[tilespmem:s25], [sflag:$0x1] =	stream.indirect_vreg.gather [hbm4b:s7+s3], $0x80, v2, vm0, $0xb8;
	[tilespmem:$0x1A000] =	vst v63  }
0x3a4: {  	s25 =	simm.s32 $0x4000  }
0x3a5: {  	[tilespmem:s25], [sflag:$0x1] =	stream.indirect_vreg.gather [hbm4b:s8+s3], $0x80, v2, vm0, $0xb8;
	[tilespmem:$0x1A000] =	vst v63  }
0x3a6: {  	s25 =	simm.s32 $0x4800  }
0x3a7: {  	[tilespmem:s25], [sflag:$0x1] =	stream.indirect_vreg.gather [hbm4b:s9+s3], $0x80, v2, vm0, $0xb8;
	[tilespmem:$0x1A000] =	vst v63  }
0x3a8: {  	s25 =	simm.s32 $0x5000  }
0x3a9: {  	[tilespmem:s25], [sflag:$0x1] =	stream.indirect_vreg.gather [hbm4b:s10+s3], $0x80, v2, vm0, $0xb8;
	[tilespmem:$0x1A000] =	vst v63  }
0x3aa: {  	s25 =	simm.s32 $0x5800  }
0x3ab: {  	[tilespmem:s25], [sflag:$0x1] =	stream.indirect_vreg.gather [hbm4b:s11+s3], $0x80, v2, vm0, $0xb8;
	[tilespmem:$0x1A000] =	vst v63  }
0x3ac: {  	_ =	swait.ge [sflag:s17], $0x4000  }
0x3ad: {  	s25 =	sld [smem:$0x7D9]  }
0x3ae: {  	[sflag:s17] =	ssyncset.done $0x0  }
0x3af: {  	[sflag:s17] =	ssyncadd.s32 $0xFFFFC000  }
0x3b0: {  	[hbm4b:s25+s3] =	stream.linear.scatter [tilespmem:s12], [sflag:$0xB], $0x4000, $0x38;
	[tilespmem:$0x1A000] =	vst v63  }
0x3b1: {  	_ =	swait.ge [sflag:s20], $0x4000  }
0x3b2: {  	[sflag:s20] =	ssyncset.done $0x0  }
0x3b3: {  	[sflag:s20] =	ssyncadd.s32 $0xFFFFC000  }
0x3b4: {  	v2 =	vld.msk [tilespmem:$0xF80], $0xff;
	_ =	sdelay $0x4  }
0x3b5: {  	v3 =	vshll.u32 v2, $0x4  }
0x3b6: {  	v2 =	vand.u32 $0x7, v2;
	v3 =	vand.u32 $0xFFFFFF80, v3  }
0x3b7: {  	v2 =	vor.u32 v2, v3  }
0x3b8: {  	v2 =	vperm.xlane v2, v0;
	_ =	sdelay $0x1  }
0x3b9: {  	v2 =	vadd.s32 v1, v2;
	_ =	sdelay $0x4  }
0x3ba: {  	[tilespmem:s31], [sflag:$0x2] =	stream.indirect_vreg.gather [hbm4b:s2+s3], $0x80, v2, vm0, $0xb8;
	[tilespmem:$0x1A000] =	vst v63  }
0x3bb: {  	s25 =	simm.s32 $0x6800  }
0x3bc: {  	[tilespmem:s25], [sflag:$0x2] =	stream.indirect_vreg.gather [hbm4b:s5+s3], $0x80, v2, vm0, $0xb8;
	[tilespmem:$0x1A000] =	vst v63  }
0x3bd: {  	s25 =	simm.s32 $0x7000  }
0x3be: {  	[tilespmem:s25], [sflag:$0x2] =	stream.indirect_vreg.gather [hbm4b:s6+s3], $0x80, v2, vm0, $0xb8;
	[tilespmem:$0x1A000] =	vst v63  }
0x3bf: {  	s25 =	simm.s32 $0x7800  }
0x3c0: {  	[tilespmem:s25], [sflag:$0x2] =	stream.indirect_vreg.gather [hbm4b:s7+s3], $0x80, v2, vm0, $0xb8;
	[tilespmem:$0x1A000] =	vst v63  }
0x3c1: {  	s25 =	simm.s32 $0x8000  }
0x3c2: {  	[tilespmem:s25], [sflag:$0x2] =	stream.indirect_vreg.gather [hbm4b:s8+s3], $0x80, v2, vm0, $0xb8;
	[tilespmem:$0x1A000] =	vst v63  }
0x3c3: {  	s25 =	simm.s32 $0x8800  }
0x3c4: {  	[tilespmem:s25], [sflag:$0x2] =	stream.indirect_vreg.gather [hbm4b:s9+s3], $0x80, v2, vm0, $0xb8;
	[tilespmem:$0x1A000] =	vst v63  }
0x3c5: {  	s25 =	simm.s32 $0x9000  }
0x3c6: {  	[tilespmem:s25], [sflag:$0x2] =	stream.indirect_vreg.gather [hbm4b:s10+s3], $0x80, v2, vm0, $0xb8;
	[tilespmem:$0x1A000] =	vst v63  }
0x3c7: {  	s25 =	simm.s32 $0x9800  }
0x3c8: {  	[tilespmem:s25], [sflag:$0x2] =	stream.indirect_vreg.gather [hbm4b:s11+s3], $0x80, v2, vm0, $0xb8;
	[tilespmem:$0x1A000] =	vst v63  }
0x3c9: {  	_ =	swait.ge [sflag:s23], $0x4000  }
0x3ca: {  	s25 =	sld [smem:$0x7DA]  }
0x3cb: {  	[sflag:s23] =	ssyncset.done $0x0  }
0x3cc: {  	[sflag:s23] =	ssyncadd.s32 $0xFFFFC000  }
0x3cd: {  	[hbm4b:s25+s3] =	stream.linear.scatter [tilespmem:s0], [sflag:$0xC], $0x4000, $0x38;
	[tilespmem:$0x1A000] =	vst v63  }
0x3ce: {  	_ =	swait.ge [sflag:s21], $0x4000  }
0x3cf: {  	[sflag:s21] =	ssyncset.done $0x0  }
0x3d0: {  	[sflag:s21] =	ssyncadd.s32 $0xFFFFC000  }
0x3d1: {  	v2 =	vld.msk [tilespmem:$0x1000], $0xff;
	_ =	sdelay $0x4  }
0x3d2: {  	v3 =	vshll.u32 v2, $0x4  }
0x3d3: {  	v2 =	vand.u32 $0x7, v2;
	v3 =	vand.u32 $0xFFFFFF80, v3  }
0x3d4: {  	v2 =	vor.u32 v2, v3  }
0x3d5: {  	v2 =	vperm.xlane v2, v0;
	_ =	sdelay $0x1  }
0x3d6: {  	v2 =	vadd.s32 v1, v2;
	_ =	sdelay $0x4  }
0x3d7: {  	[tilespmem:s30], [sflag:$0x3] =	stream.indirect_vreg.gather [hbm4b:s2+s3], $0x80, v2, vm0, $0xb8;
	[tilespmem:$0x1A000] =	vst v63  }
0x3d8: {  	s25 =	simm.s32 $0xA800  }
0x3d9: {  	[tilespmem:s25], [sflag:$0x3] =	stream.indirect_vreg.gather [hbm4b:s5+s3], $0x80, v2, vm0, $0xb8;
	[tilespmem:$0x1A000] =	vst v63  }
0x3da: {  	s25 =	simm.s32 $0xB000  }
0x3db: {  	[tilespmem:s25], [sflag:$0x3] =	stream.indirect_vreg.gather [hbm4b:s6+s3], $0x80, v2, vm0, $0xb8;
	[tilespmem:$0x1A000] =	vst v63  }
0x3dc: {  	s22 =	simm.s32 $0xB800  }
0x3dd: {  	[tilespmem:s22], [sflag:$0x3] =	stream.indirect_vreg.gather [hbm4b:s7+s3], $0x80, v2, vm0, $0xb8;
	[tilespmem:$0x1A000] =	vst v63  }
0x3de: {  	s25 =	simm.s32 $0xC000  }
0x3df: {  	[tilespmem:s25], [sflag:$0x3] =	stream.indirect_vreg.gather [hbm4b:s8+s3], $0x80, v2, vm0, $0xb8;
	[tilespmem:$0x1A000] =	vst v63  }
0x3e0: {  	s25 =	simm.s32 $0xC800  }
0x3e1: {  	[tilespmem:s25], [sflag:$0x3] =	stream.indirect_vreg.gather [hbm4b:s9+s3], $0x80, v2, vm0, $0xb8;
	[tilespmem:$0x1A000] =	vst v63  }
0x3e2: {  	s25 =	simm.s32 $0xD000  }
0x3e3: {  	[tilespmem:s25], [sflag:$0x3] =	stream.indirect_vreg.gather [hbm4b:s10+s3], $0x80, v2, vm0, $0xb8;
	[tilespmem:$0x1A000] =	vst v63  }
0x3e4: {  	s25 =	simm.s32 $0xD800  }
0x3e5: {  	[tilespmem:s25], [sflag:$0x3] =	stream.indirect_vreg.gather [hbm4b:s11+s3], $0x80, v2, vm0, $0xb8;
	[tilespmem:$0x1A000] =	vst v63  }
0x3e6: {  	_ =	swait.ge [sflag:s29], $0x4000  }
0x3e7: {  	s25 =	sld [smem:$0x7DB]  }
0x3e8: {  	[sflag:s29] =	ssyncset.done $0x0  }
0x3e9: {  	[sflag:s29] =	ssyncadd.s32 $0xFFFFC000  }
0x3ea: {  	[hbm4b:s25+s3] =	stream.linear.scatter [tilespmem:s19], [sflag:$0x7], $0x4000, $0x38;
	[tilespmem:$0x1A000] =	vst v63  }
0x3eb: {  	_ =	swait.ge [sflag:s1], $0x4000  }
0x3ec: {  	[sflag:s1] =	ssyncset.done $0x0  }
0x3ed: {  	[sflag:s1] =	ssyncadd.s32 $0xFFFFC000  }
0x3ee: {  	v2 =	vld.msk [tilespmem:$0x1080], $0xff;
	_ =	sdelay $0x4  }
0x3ef: {  	v3 =	vshll.u32 v2, $0x4  }
0x3f0: {  	v2 =	vand.u32 $0x7, v2;
	v3 =	vand.u32 $0xFFFFFF80, v3  }
0x3f1: {  	v2 =	vor.u32 v2, v3  }
0x3f2: {  	v2 =	vperm.xlane v2, v0;
	_ =	sdelay $0x1  }
0x3f3: {  	v2 =	vadd.s32 v1, v2;
	_ =	sdelay $0x4  }
0x3f4: {  	[tilespmem:s15], [sflag:$0x4] =	stream.indirect_vreg.gather [hbm4b:s2+s3], $0x80, v2, vm0, $0xb8;
	[tilespmem:$0x1A000] =	vst v63  }
0x3f5: {  	s25 =	simm.s32 $0xE800  }
0x3f6: {  	[tilespmem:s25], [sflag:$0x4] =	stream.indirect_vreg.gather [hbm4b:s5+s3], $0x80, v2, vm0, $0xb8;
	[tilespmem:$0x1A000] =	vst v63  }
0x3f7: {  	s25 =	simm.s32 $0xF000  }
0x3f8: {  	[tilespmem:s25], [sflag:$0x4] =	stream.indirect_vreg.gather [hbm4b:s6+s3], $0x80, v2, vm0, $0xb8;
	[tilespmem:$0x1A000] =	vst v63  }
0x3f9: {  	s25 =	simm.s32 $0xF800  }
0x3fa: {  	[tilespmem:s25], [sflag:$0x4] =	stream.indirect_vreg.gather [hbm4b:s7+s3], $0x80, v2, vm0, $0xb8;
	[tilespmem:$0x1A000] =	vst v63  }
0x3fb: {  	s25 =	simm.s32 $0x10000  }
0x3fc: {  	[tilespmem:s25], [sflag:$0x4] =	stream.indirect_vreg.gather [hbm4b:s8+s3], $0x80, v2, vm0, $0xb8;
	[tilespmem:$0x1A000] =	vst v63  }
0x3fd: {  	s25 =	simm.s32 $0x10800  }
0x3fe: {  	[tilespmem:s25], [sflag:$0x4] =	stream.indirect_vreg.gather [hbm4b:s9+s3], $0x80, v2, vm0, $0xb8;
	[tilespmem:$0x1A000] =	vst v63  }
0x3ff: {  	s25 =	simm.s32 $0x11000  }
0x400: {  	[tilespmem:s25], [sflag:$0x4] =	stream.indirect_vreg.gather [hbm4b:s10+s3], $0x80, v2, vm0, $0xb8;
	[tilespmem:$0x1A000] =	vst v63  }
0x401: {  	s25 =	simm.s32 $0x11800  }
0x402: {  	[tilespmem:s25], [sflag:$0x4] =	stream.indirect_vreg.gather [hbm4b:s11+s3], $0x80, v2, vm0, $0xb8;
	[tilespmem:$0x1A000] =	vst v63  }
0x403: {  	_ =	swait.ge [sflag:s24], $0x4000  }
0x404: {  	s25 =	sld [smem:$0x7DC]  }
0x405: {  	[sflag:s24] =	ssyncset.done $0x0  }
0x406: {  	[sflag:s24] =	ssyncadd.s32 $0xFFFFC000  }
0x407: {  	[hbm4b:s25+s3] =	stream.linear.scatter [tilespmem:s31], [sflag:$0x8], $0x4000, $0x38;
	[tilespmem:$0x1A000] =	vst v63  }
0x408: {  	_ =	swait.ge [sflag:s14], $0x4000  }
0x409: {  	[sflag:s14] =	ssyncset.done $0x0  }
0x40a: {  	[sflag:s14] =	ssyncadd.s32 $0xFFFFC000  }
0x40b: {  	v2 =	vld.msk [tilespmem:$0x1100], $0xff;
	_ =	sdelay $0x4  }
0x40c: {  	v3 =	vshll.u32 v2, $0x4  }
0x40d: {  	v2 =	vand.u32 $0x7, v2;
	v3 =	vand.u32 $0xFFFFFF80, v3  }
0x40e: {  	v2 =	vor.u32 v2, v3  }
0x40f: {  	v2 =	vperm.xlane v2, v0;
	_ =	sdelay $0x1  }
0x410: {  	v2 =	vadd.s32 v1, v2;
	_ =	sdelay $0x4  }
0x411: {  	[tilespmem:s12], [sflag:$0x5] =	stream.indirect_vreg.gather [hbm4b:s2+s3], $0x80, v2, vm0, $0xb8;
	[tilespmem:$0x1A000] =	vst v63  }
0x412: {  	s25 =	simm.s32 $0x12800  }
0x413: {  	[tilespmem:s25], [sflag:$0x5] =	stream.indirect_vreg.gather [hbm4b:s5+s3], $0x80, v2, vm0, $0xb8;
	[tilespmem:$0x1A000] =	vst v63  }
0x414: {  	s25 =	simm.s32 $0x13000  }
0x415: {  	[tilespmem:s25], [sflag:$0x5] =	stream.indirect_vreg.gather [hbm4b:s6+s3], $0x80, v2, vm0, $0xb8;
	[tilespmem:$0x1A000] =	vst v63  }
0x416: {  	s25 =	simm.s32 $0x13800  }
0x417: {  	[tilespmem:s25], [sflag:$0x5] =	stream.indirect_vreg.gather [hbm4b:s7+s3], $0x80, v2, vm0, $0xb8;
	[tilespmem:$0x1A000] =	vst v63  }
0x418: {  	s25 =	simm.s32 $0x14000  }
0x419: {  	[tilespmem:s25], [sflag:$0x5] =	stream.indirect_vreg.gather [hbm4b:s8+s3], $0x80, v2, vm0, $0xb8;
	[tilespmem:$0x1A000] =	vst v63  }
0x41a: {  	s25 =	simm.s32 $0x14800  }
0x41b: {  	[tilespmem:s25], [sflag:$0x5] =	stream.indirect_vreg.gather [hbm4b:s9+s3], $0x80, v2, vm0, $0xb8;
	[tilespmem:$0x1A000] =	vst v63  }
0x41c: {  	s25 =	simm.s32 $0x15000  }
0x41d: {  	[tilespmem:s25], [sflag:$0x5] =	stream.indirect_vreg.gather [hbm4b:s10+s3], $0x80, v2, vm0, $0xb8;
	[tilespmem:$0x1A000] =	vst v63  }
0x41e: {  	s25 =	simm.s32 $0x15800  }
0x41f: {  	[tilespmem:s25], [sflag:$0x5] =	stream.indirect_vreg.gather [hbm4b:s11+s3], $0x80, v2, vm0, $0xb8;
	[tilespmem:$0x1A000] =	vst v63  }
0x420: {  	_ =	swait.ge [sflag:s13], $0x4000  }
0x421: {  	s25 =	sld [smem:$0x7DD]  }
0x422: {  	[sflag:s13] =	ssyncset.done $0x0  }
0x423: {  	[sflag:s13] =	ssyncadd.s32 $0xFFFFC000  }
0x424: {  	[hbm4b:s25+s3] =	stream.linear.scatter [tilespmem:s30], [sflag:$0x9], $0x4000, $0x38;
	[tilespmem:$0x1A000] =	vst v63  }
0x425: {  	_ =	swait.ge [sflag:s18], $0x4000  }
0x426: {  	[sflag:s18] =	ssyncset.done $0x0  }
0x427: {  	[sflag:s18] =	ssyncadd.s32 $0xFFFFC000  }
0x428: {  	v2 =	vld.msk [tilespmem:$0x1180], $0xff;
	_ =	sdelay $0x4  }
0x429: {  	v3 =	vshll.u32 v2, $0x4  }
0x42a: {  	v2 =	vand.u32 $0x7, v2;
	v3 =	vand.u32 $0xFFFFFF80, v3  }
0x42b: {  	v2 =	vor.u32 v2, v3  }
0x42c: {  	v2 =	vperm.xlane v2, v0;
	_ =	sdelay $0x1  }
0x42d: {  	v2 =	vadd.s32 v1, v2;
	_ =	sdelay $0x4  }
0x42e: {  	[tilespmem:s0], [sflag:$0x6] =	stream.indirect_vreg.gather [hbm4b:s2+s3], $0x80, v2, vm0, $0xb8;
	[tilespmem:$0x1A000] =	vst v63  }
0x42f: {  	s26 =	simm.s32 $0x16800  }
0x430: {  	[tilespmem:s26], [sflag:$0x6] =	stream.indirect_vreg.gather [hbm4b:s5+s3], $0x80, v2, vm0, $0xb8;
	[tilespmem:$0x1A000] =	vst v63  }
0x431: {  	s25 =	simm.s32 $0x17000  }
0x432: {  	[tilespmem:s25], [sflag:$0x6] =	stream.indirect_vreg.gather [hbm4b:s6+s3], $0x80, v2, vm0, $0xb8;
	[tilespmem:$0x1A000] =	vst v63  }
0x433: {  	s25 =	simm.s32 $0x17800  }
0x434: {  	[tilespmem:s25], [sflag:$0x6] =	stream.indirect_vreg.gather [hbm4b:s7+s3], $0x80, v2, vm0, $0xb8;
	[tilespmem:$0x1A000] =	vst v63  }
0x435: {  	s28 =	simm.s32 $0x18000  }
0x436: {  	[tilespmem:s28], [sflag:$0x6] =	stream.indirect_vreg.gather [hbm4b:s8+s3], $0x80, v2, vm0, $0xb8;
	[tilespmem:$0x1A000] =	vst v63  }
0x437: {  	s25 =	simm.s32 $0x18800  }
0x438: {  	[tilespmem:s25], [sflag:$0x6] =	stream.indirect_vreg.gather [hbm4b:s9+s3], $0x80, v2, vm0, $0xb8;
	[tilespmem:$0x1A000] =	vst v63  }
0x439: {  	s25 =	simm.s32 $0x19000  }
0x43a: {  	[tilespmem:s25], [sflag:$0x6] =	stream.indirect_vreg.gather [hbm4b:s10+s3], $0x80, v2, vm0, $0xb8;
	[tilespmem:$0x1A000] =	vst v63  }
0x43b: {  	s25 =	simm.s32 $0x19800  }
0x43c: {  	[tilespmem:s25], [sflag:$0x6] =	stream.indirect_vreg.gather [hbm4b:s11+s3], $0x80, v2, vm0, $0xb8;
	[tilespmem:$0x1A000] =	vst v63  }
0x43d: {  	_ =	swait.ge [sflag:s4], $0x4000  }
0x43e: {  	s25 =	sld [smem:$0x7DE]  }
0x43f: {  	[sflag:s4] =	ssyncset.done $0x0  }
0x440: {  	[sflag:s4] =	ssyncadd.s32 $0xFFFFC000  }
0x441: {  	[hbm4b:s25+s3] =	stream.linear.scatter [tilespmem:s15], [sflag:$0xA], $0x4000, $0x38;
	[tilespmem:$0x1A000] =	vst v63  }
0x442: {  	_ =	swait.ge [sflag:s16], $0x4000  }
0x443: {  	[sflag:s16] =	ssyncset.done $0x0  }
0x444: {  	[sflag:s16] =	ssyncadd.s32 $0xFFFFC000  }
0x445: {  	v2 =	vld.msk [tilespmem:$0x1200], $0xff;
	_ =	sdelay $0x4  }
0x446: {  	v3 =	vshll.u32 v2, $0x4  }
0x447: {  	v2 =	vand.u32 $0x7, v2;
	v3 =	vand.u32 $0xFFFFFF80, v3  }
0x448: {  	v2 =	vor.u32 v2, v3  }
0x449: {  	v2 =	vperm.xlane v2, v0;
	_ =	sdelay $0x1  }
0x44a: {  	v2 =	vadd.s32 v1, v2;
	_ =	sdelay $0x4  }
0x44b: {  	[tilespmem:s19], [sflag:$0x1] =	stream.indirect_vreg.gather [hbm4b:s2+s3], $0x80, v2, vm0, $0xb8;
	[tilespmem:$0x1A000] =	vst v63  }
0x44c: {  	s25 =	simm.s32 $0x2800  }
0x44d: {  	[tilespmem:s25], [sflag:$0x1] =	stream.indirect_vreg.gather [hbm4b:s5+s3], $0x80, v2, vm0, $0xb8;
	[tilespmem:$0x1A000] =	vst v63  }
0x44e: {  	s25 =	simm.s32 $0x3000  }
0x44f: {  	[tilespmem:s25], [sflag:$0x1] =	stream.indirect_vreg.gather [hbm4b:s6+s3], $0x80, v2, vm0, $0xb8;
	[tilespmem:$0x1A000] =	vst v63  }
0x450: {  	s25 =	simm.s32 $0x3800  }
0x451: {  	[tilespmem:s25], [sflag:$0x1] =	stream.indirect_vreg.gather [hbm4b:s7+s3], $0x80, v2, vm0, $0xb8;
	[tilespmem:$0x1A000] =	vst v63  }
0x452: {  	s25 =	simm.s32 $0x4000  }
0x453: {  	[tilespmem:s25], [sflag:$0x1] =	stream.indirect_vreg.gather [hbm4b:s8+s3], $0x80, v2, vm0, $0xb8;
	[tilespmem:$0x1A000] =	vst v63  }
0x454: {  	s25 =	simm.s32 $0x4800  }
0x455: {  	[tilespmem:s25], [sflag:$0x1] =	stream.indirect_vreg.gather [hbm4b:s9+s3], $0x80, v2, vm0, $0xb8;
	[tilespmem:$0x1A000] =	vst v63  }
0x456: {  	s25 =	simm.s32 $0x5000  }
0x457: {  	[tilespmem:s25], [sflag:$0x1] =	stream.indirect_vreg.gather [hbm4b:s10+s3], $0x80, v2, vm0, $0xb8;
	[tilespmem:$0x1A000] =	vst v63  }
0x458: {  	s25 =	simm.s32 $0x5800  }
0x459: {  	[tilespmem:s25], [sflag:$0x1] =	stream.indirect_vreg.gather [hbm4b:s11+s3], $0x80, v2, vm0, $0xb8;
	[tilespmem:$0x1A000] =	vst v63  }
0x45a: {  	_ =	swait.ge [sflag:s17], $0x4000  }
0x45b: {  	s25 =	sld [smem:$0x7DF]  }
0x45c: {  	[sflag:s17] =	ssyncset.done $0x0  }
0x45d: {  	[sflag:s17] =	ssyncadd.s32 $0xFFFFC000  }
0x45e: {  	[hbm4b:s25+s3] =	stream.linear.scatter [tilespmem:s12], [sflag:$0xB], $0x4000, $0x38;
	[tilespmem:$0x1A000] =	vst v63  }
0x45f: {  	_ =	swait.ge [sflag:s20], $0x4000  }
0x460: {  	[sflag:s20] =	ssyncset.done $0x0  }
0x461: {  	[sflag:s20] =	ssyncadd.s32 $0xFFFFC000  }
0x462: {  	v2 =	vld.msk [tilespmem:$0x1280], $0xff;
	_ =	sdelay $0x4  }
0x463: {  	v3 =	vshll.u32 v2, $0x4  }
0x464: {  	v2 =	vand.u32 $0x7, v2;
	v3 =	vand.u32 $0xFFFFFF80, v3  }
0x465: {  	v2 =	vor.u32 v2, v3  }
0x466: {  	v2 =	vperm.xlane v2, v0;
	_ =	sdelay $0x1  }
0x467: {  	v2 =	vadd.s32 v1, v2;
	_ =	sdelay $0x4  }
0x468: {  	[tilespmem:s31], [sflag:$0x2] =	stream.indirect_vreg.gather [hbm4b:s2+s3], $0x80, v2, vm0, $0xb8;
	[tilespmem:$0x1A000] =	vst v63  }
0x469: {  	s25 =	simm.s32 $0x6800  }
0x46a: {  	[tilespmem:s25], [sflag:$0x2] =	stream.indirect_vreg.gather [hbm4b:s5+s3], $0x80, v2, vm0, $0xb8;
	[tilespmem:$0x1A000] =	vst v63  }
0x46b: {  	s25 =	simm.s32 $0x7000  }
0x46c: {  	[tilespmem:s25], [sflag:$0x2] =	stream.indirect_vreg.gather [hbm4b:s6+s3], $0x80, v2, vm0, $0xb8;
	[tilespmem:$0x1A000] =	vst v63  }
0x46d: {  	s25 =	simm.s32 $0x7800  }
0x46e: {  	[tilespmem:s25], [sflag:$0x2] =	stream.indirect_vreg.gather [hbm4b:s7+s3], $0x80, v2, vm0, $0xb8;
	[tilespmem:$0x1A000] =	vst v63  }
0x46f: {  	s25 =	simm.s32 $0x8000  }
0x470: {  	[tilespmem:s25], [sflag:$0x2] =	stream.indirect_vreg.gather [hbm4b:s8+s3], $0x80, v2, vm0, $0xb8;
	[tilespmem:$0x1A000] =	vst v63  }
0x471: {  	s25 =	simm.s32 $0x8800  }
0x472: {  	[tilespmem:s25], [sflag:$0x2] =	stream.indirect_vreg.gather [hbm4b:s9+s3], $0x80, v2, vm0, $0xb8;
	[tilespmem:$0x1A000] =	vst v63  }
0x473: {  	s25 =	simm.s32 $0x9000  }
0x474: {  	[tilespmem:s25], [sflag:$0x2] =	stream.indirect_vreg.gather [hbm4b:s10+s3], $0x80, v2, vm0, $0xb8;
	[tilespmem:$0x1A000] =	vst v63  }
0x475: {  	s25 =	simm.s32 $0x9800  }
0x476: {  	[tilespmem:s25], [sflag:$0x2] =	stream.indirect_vreg.gather [hbm4b:s11+s3], $0x80, v2, vm0, $0xb8;
	[tilespmem:$0x1A000] =	vst v63  }
0x477: {  	_ =	swait.ge [sflag:s23], $0x4000  }
0x478: {  	s25 =	sld [smem:$0x7E0]  }
0x479: {  	[sflag:s23] =	ssyncset.done $0x0  }
0x47a: {  	[sflag:s23] =	ssyncadd.s32 $0xFFFFC000  }
0x47b: {  	[hbm4b:s25+s3] =	stream.linear.scatter [tilespmem:s0], [sflag:$0xC], $0x4000, $0x38;
	[tilespmem:$0x1A000] =	vst v63  }
0x47c: {  	_ =	swait.ge [sflag:s21], $0x4000  }
0x47d: {  	[sflag:s21] =	ssyncset.done $0x0  }
0x47e: {  	[sflag:s21] =	ssyncadd.s32 $0xFFFFC000  }
0x47f: {  	v2 =	vld.msk [tilespmem:$0x1300], $0xff;
	_ =	sdelay $0x4  }
0x480: {  	v3 =	vshll.u32 v2, $0x4  }
0x481: {  	v2 =	vand.u32 $0x7, v2;
	v3 =	vand.u32 $0xFFFFFF80, v3  }
0x482: {  	v2 =	vor.u32 v2, v3  }
0x483: {  	v2 =	vperm.xlane v2, v0;
	_ =	sdelay $0x1  }
0x484: {  	v2 =	vadd.s32 v1, v2;
	_ =	sdelay $0x4  }
0x485: {  	[tilespmem:s30], [sflag:$0x3] =	stream.indirect_vreg.gather [hbm4b:s2+s3], $0x80, v2, vm0, $0xb8;
	[tilespmem:$0x1A000] =	vst v63  }
0x486: {  	s25 =	simm.s32 $0xA800  }
0x487: {  	[tilespmem:s25], [sflag:$0x3] =	stream.indirect_vreg.gather [hbm4b:s5+s3], $0x80, v2, vm0, $0xb8;
	[tilespmem:$0x1A000] =	vst v63  }
0x488: {  	s25 =	simm.s32 $0xB000  }
0x489: {  	[tilespmem:s25], [sflag:$0x3] =	stream.indirect_vreg.gather [hbm4b:s6+s3], $0x80, v2, vm0, $0xb8;
	[tilespmem:$0x1A000] =	vst v63  }
0x48a: {  	s22 =	simm.s32 $0xB800  }
0x48b: {  	[tilespmem:s22], [sflag:$0x3] =	stream.indirect_vreg.gather [hbm4b:s7+s3], $0x80, v2, vm0, $0xb8;
	[tilespmem:$0x1A000] =	vst v63  }
0x48c: {  	s25 =	simm.s32 $0xC000  }
0x48d: {  	[tilespmem:s25], [sflag:$0x3] =	stream.indirect_vreg.gather [hbm4b:s8+s3], $0x80, v2, vm0, $0xb8;
	[tilespmem:$0x1A000] =	vst v63  }
0x48e: {  	s25 =	simm.s32 $0xC800  }
0x48f: {  	[tilespmem:s25], [sflag:$0x3] =	stream.indirect_vreg.gather [hbm4b:s9+s3], $0x80, v2, vm0, $0xb8;
	[tilespmem:$0x1A000] =	vst v63  }
0x490: {  	s25 =	simm.s32 $0xD000  }
0x491: {  	[tilespmem:s25], [sflag:$0x3] =	stream.indirect_vreg.gather [hbm4b:s10+s3], $0x80, v2, vm0, $0xb8;
	[tilespmem:$0x1A000] =	vst v63  }
0x492: {  	s25 =	simm.s32 $0xD800  }
0x493: {  	[tilespmem:s25], [sflag:$0x3] =	stream.indirect_vreg.gather [hbm4b:s11+s3], $0x80, v2, vm0, $0xb8;
	[tilespmem:$0x1A000] =	vst v63  }
0x494: {  	_ =	swait.ge [sflag:s29], $0x4000  }
0x495: {  	s25 =	sld [smem:$0x7E1]  }
0x496: {  	[sflag:s29] =	ssyncset.done $0x0  }
0x497: {  	[sflag:s29] =	ssyncadd.s32 $0xFFFFC000  }
0x498: {  	[hbm4b:s25+s3] =	stream.linear.scatter [tilespmem:s19], [sflag:$0x7], $0x4000, $0x38;
	[tilespmem:$0x1A000] =	vst v63  }
0x499: {  	_ =	swait.ge [sflag:s1], $0x4000  }
0x49a: {  	[sflag:s1] =	ssyncset.done $0x0  }
0x49b: {  	[sflag:s1] =	ssyncadd.s32 $0xFFFFC000  }
0x49c: {  	v2 =	vld.msk [tilespmem:$0x1380], $0xff;
	_ =	sdelay $0x4  }
0x49d: {  	v3 =	vshll.u32 v2, $0x4  }
0x49e: {  	v2 =	vand.u32 $0x7, v2;
	v3 =	vand.u32 $0xFFFFFF80, v3  }
0x49f: {  	v2 =	vor.u32 v2, v3  }
0x4a0: {  	v2 =	vperm.xlane v2, v0;
	_ =	sdelay $0x1  }
0x4a1: {  	v2 =	vadd.s32 v1, v2;
	_ =	sdelay $0x4  }
0x4a2: {  	[tilespmem:s15], [sflag:$0x4] =	stream.indirect_vreg.gather [hbm4b:s2+s3], $0x80, v2, vm0, $0xb8;
	[tilespmem:$0x1A000] =	vst v63  }
0x4a3: {  	s25 =	simm.s32 $0xE800  }
0x4a4: {  	[tilespmem:s25], [sflag:$0x4] =	stream.indirect_vreg.gather [hbm4b:s5+s3], $0x80, v2, vm0, $0xb8;
	[tilespmem:$0x1A000] =	vst v63  }
0x4a5: {  	s25 =	simm.s32 $0xF000  }
0x4a6: {  	[tilespmem:s25], [sflag:$0x4] =	stream.indirect_vreg.gather [hbm4b:s6+s3], $0x80, v2, vm0, $0xb8;
	[tilespmem:$0x1A000] =	vst v63  }
0x4a7: {  	s25 =	simm.s32 $0xF800  }
0x4a8: {  	[tilespmem:s25], [sflag:$0x4] =	stream.indirect_vreg.gather [hbm4b:s7+s3], $0x80, v2, vm0, $0xb8;
	[tilespmem:$0x1A000] =	vst v63  }
0x4a9: {  	s25 =	simm.s32 $0x10000  }
0x4aa: {  	[tilespmem:s25], [sflag:$0x4] =	stream.indirect_vreg.gather [hbm4b:s8+s3], $0x80, v2, vm0, $0xb8;
	[tilespmem:$0x1A000] =	vst v63  }
0x4ab: {  	s25 =	simm.s32 $0x10800  }
0x4ac: {  	[tilespmem:s25], [sflag:$0x4] =	stream.indirect_vreg.gather [hbm4b:s9+s3], $0x80, v2, vm0, $0xb8;
	[tilespmem:$0x1A000] =	vst v63  }
0x4ad: {  	s25 =	simm.s32 $0x11000  }
0x4ae: {  	[tilespmem:s25], [sflag:$0x4] =	stream.indirect_vreg.gather [hbm4b:s10+s3], $0x80, v2, vm0, $0xb8;
	[tilespmem:$0x1A000] =	vst v63  }
0x4af: {  	s25 =	simm.s32 $0x11800  }
0x4b0: {  	[tilespmem:s25], [sflag:$0x4] =	stream.indirect_vreg.gather [hbm4b:s11+s3], $0x80, v2, vm0, $0xb8;
	[tilespmem:$0x1A000] =	vst v63  }
0x4b1: {  	_ =	swait.ge [sflag:s24], $0x4000  }
0x4b2: {  	s25 =	sld [smem:$0x7E2]  }
0x4b3: {  	[sflag:s24] =	ssyncset.done $0x0  }
0x4b4: {  	[sflag:s24] =	ssyncadd.s32 $0xFFFFC000  }
0x4b5: {  	[hbm4b:s25+s3] =	stream.linear.scatter [tilespmem:s31], [sflag:$0x8], $0x4000, $0x38;
	[tilespmem:$0x1A000] =	vst v63  }
0x4b6: {  	_ =	swait.ge [sflag:s14], $0x4000  }
0x4b7: {  	[sflag:s14] =	ssyncset.done $0x0  }
0x4b8: {  	[sflag:s14] =	ssyncadd.s32 $0xFFFFC000  }
0x4b9: {  	v2 =	vld.msk [tilespmem:$0x1400], $0xff;
	_ =	sdelay $0x4  }
0x4ba: {  	v3 =	vshll.u32 v2, $0x4  }
0x4bb: {  	v2 =	vand.u32 $0x7, v2;
	v3 =	vand.u32 $0xFFFFFF80, v3  }
0x4bc: {  	v2 =	vor.u32 v2, v3  }
0x4bd: {  	v2 =	vperm.xlane v2, v0;
	_ =	sdelay $0x1  }
0x4be: {  	v2 =	vadd.s32 v1, v2;
	_ =	sdelay $0x4  }
0x4bf: {  	[tilespmem:s12], [sflag:$0x5] =	stream.indirect_vreg.gather [hbm4b:s2+s3], $0x80, v2, vm0, $0xb8;
	[tilespmem:$0x1A000] =	vst v63  }
0x4c0: {  	s25 =	simm.s32 $0x12800  }
0x4c1: {  	[tilespmem:s25], [sflag:$0x5] =	stream.indirect_vreg.gather [hbm4b:s5+s3], $0x80, v2, vm0, $0xb8;
	[tilespmem:$0x1A000] =	vst v63  }
0x4c2: {  	s25 =	simm.s32 $0x13000  }
0x4c3: {  	[tilespmem:s25], [sflag:$0x5] =	stream.indirect_vreg.gather [hbm4b:s6+s3], $0x80, v2, vm0, $0xb8;
	[tilespmem:$0x1A000] =	vst v63  }
0x4c4: {  	s25 =	simm.s32 $0x13800  }
0x4c5: {  	[tilespmem:s25], [sflag:$0x5] =	stream.indirect_vreg.gather [hbm4b:s7+s3], $0x80, v2, vm0, $0xb8;
	[tilespmem:$0x1A000] =	vst v63  }
0x4c6: {  	s25 =	simm.s32 $0x14000  }
0x4c7: {  	[tilespmem:s25], [sflag:$0x5] =	stream.indirect_vreg.gather [hbm4b:s8+s3], $0x80, v2, vm0, $0xb8;
	[tilespmem:$0x1A000] =	vst v63  }
0x4c8: {  	s25 =	simm.s32 $0x14800  }
0x4c9: {  	[tilespmem:s25], [sflag:$0x5] =	stream.indirect_vreg.gather [hbm4b:s9+s3], $0x80, v2, vm0, $0xb8;
	[tilespmem:$0x1A000] =	vst v63  }
0x4ca: {  	s25 =	simm.s32 $0x15000  }
0x4cb: {  	[tilespmem:s25], [sflag:$0x5] =	stream.indirect_vreg.gather [hbm4b:s10+s3], $0x80, v2, vm0, $0xb8;
	[tilespmem:$0x1A000] =	vst v63  }
0x4cc: {  	s25 =	simm.s32 $0x15800  }
0x4cd: {  	[tilespmem:s25], [sflag:$0x5] =	stream.indirect_vreg.gather [hbm4b:s11+s3], $0x80, v2, vm0, $0xb8;
	[tilespmem:$0x1A000] =	vst v63  }
0x4ce: {  	_ =	swait.ge [sflag:s13], $0x4000  }
0x4cf: {  	s25 =	sld [smem:$0x7E3]  }
0x4d0: {  	[sflag:s13] =	ssyncset.done $0x0  }
0x4d1: {  	[sflag:s13] =	ssyncadd.s32 $0xFFFFC000  }
0x4d2: {  	[hbm4b:s25+s3] =	stream.linear.scatter [tilespmem:s30], [sflag:$0x9], $0x4000, $0x38;
	[tilespmem:$0x1A000] =	vst v63  }
0x4d3: {  	_ =	swait.ge [sflag:s18], $0x4000  }
0x4d4: {  	[sflag:s18] =	ssyncset.done $0x0  }
0x4d5: {  	[sflag:s18] =	ssyncadd.s32 $0xFFFFC000  }
0x4d6: {  	v2 =	vld.msk [tilespmem:$0x1480], $0xff;
	_ =	sdelay $0x4  }
0x4d7: {  	v3 =	vshll.u32 v2, $0x4  }
0x4d8: {  	v2 =	vand.u32 $0x7, v2;
	v3 =	vand.u32 $0xFFFFFF80, v3  }
0x4d9: {  	v2 =	vor.u32 v2, v3  }
0x4da: {  	v2 =	vperm.xlane v2, v0;
	_ =	sdelay $0x1  }
0x4db: {  	v2 =	vadd.s32 v1, v2;
	_ =	sdelay $0x4  }
0x4dc: {  	[tilespmem:s0], [sflag:$0x6] =	stream.indirect_vreg.gather [hbm4b:s2+s3], $0x80, v2, vm0, $0xb8;
	[tilespmem:$0x1A000] =	vst v63  }
0x4dd: {  	s26 =	simm.s32 $0x16800  }
0x4de: {  	[tilespmem:s26], [sflag:$0x6] =	stream.indirect_vreg.gather [hbm4b:s5+s3], $0x80, v2, vm0, $0xb8;
	[tilespmem:$0x1A000] =	vst v63  }
0x4df: {  	s25 =	simm.s32 $0x17000  }
0x4e0: {  	[tilespmem:s25], [sflag:$0x6] =	stream.indirect_vreg.gather [hbm4b:s6+s3], $0x80, v2, vm0, $0xb8;
	[tilespmem:$0x1A000] =	vst v63  }
0x4e1: {  	s25 =	simm.s32 $0x17800  }
0x4e2: {  	[tilespmem:s25], [sflag:$0x6] =	stream.indirect_vreg.gather [hbm4b:s7+s3], $0x80, v2, vm0, $0xb8;
	[tilespmem:$0x1A000] =	vst v63  }
0x4e3: {  	s28 =	simm.s32 $0x18000  }
0x4e4: {  	[tilespmem:s28], [sflag:$0x6] =	stream.indirect_vreg.gather [hbm4b:s8+s3], $0x80, v2, vm0, $0xb8;
	[tilespmem:$0x1A000] =	vst v63  }
0x4e5: {  	s25 =	simm.s32 $0x18800  }
0x4e6: {  	[tilespmem:s25], [sflag:$0x6] =	stream.indirect_vreg.gather [hbm4b:s9+s3], $0x80, v2, vm0, $0xb8;
	[tilespmem:$0x1A000] =	vst v63  }
0x4e7: {  	s25 =	simm.s32 $0x19000  }
0x4e8: {  	[tilespmem:s25], [sflag:$0x6] =	stream.indirect_vreg.gather [hbm4b:s10+s3], $0x80, v2, vm0, $0xb8;
	[tilespmem:$0x1A000] =	vst v63  }
0x4e9: {  	s25 =	simm.s32 $0x19800  }
0x4ea: {  	[tilespmem:s25], [sflag:$0x6] =	stream.indirect_vreg.gather [hbm4b:s11+s3], $0x80, v2, vm0, $0xb8;
	[tilespmem:$0x1A000] =	vst v63  }
0x4eb: {  	_ =	swait.ge [sflag:s4], $0x4000  }
0x4ec: {  	s25 =	sld [smem:$0x7E4]  }
0x4ed: {  	[sflag:s4] =	ssyncset.done $0x0  }
0x4ee: {  	[sflag:s4] =	ssyncadd.s32 $0xFFFFC000  }
0x4ef: {  	[hbm4b:s25+s3] =	stream.linear.scatter [tilespmem:s15], [sflag:$0xA], $0x4000, $0x38;
	[tilespmem:$0x1A000] =	vst v63  }
0x4f0: {  	_ =	swait.ge [sflag:s16], $0x4000  }
0x4f1: {  	[sflag:s16] =	ssyncset.done $0x0  }
0x4f2: {  	[sflag:s16] =	ssyncadd.s32 $0xFFFFC000  }
0x4f3: {  	v2 =	vld.msk [tilespmem:$0x1500], $0xff;
	_ =	sdelay $0x4  }
0x4f4: {  	v3 =	vshll.u32 v2, $0x4  }
0x4f5: {  	v2 =	vand.u32 $0x7, v2;
	v3 =	vand.u32 $0xFFFFFF80, v3  }
0x4f6: {  	v2 =	vor.u32 v2, v3  }
0x4f7: {  	v2 =	vperm.xlane v2, v0;
	_ =	sdelay $0x1  }
0x4f8: {  	v2 =	vadd.s32 v1, v2;
	_ =	sdelay $0x4  }
0x4f9: {  	[tilespmem:s19], [sflag:$0x1] =	stream.indirect_vreg.gather [hbm4b:s2+s3], $0x80, v2, vm0, $0xb8;
	[tilespmem:$0x1A000] =	vst v63  }
0x4fa: {  	s25 =	simm.s32 $0x2800  }
0x4fb: {  	[tilespmem:s25], [sflag:$0x1] =	stream.indirect_vreg.gather [hbm4b:s5+s3], $0x80, v2, vm0, $0xb8;
	[tilespmem:$0x1A000] =	vst v63  }
0x4fc: {  	s25 =	simm.s32 $0x3000  }
0x4fd: {  	[tilespmem:s25], [sflag:$0x1] =	stream.indirect_vreg.gather [hbm4b:s6+s3], $0x80, v2, vm0, $0xb8;
	[tilespmem:$0x1A000] =	vst v63  }
0x4fe: {  	s25 =	simm.s32 $0x3800  }
0x4ff: {  	[tilespmem:s25], [sflag:$0x1] =	stream.indirect_vreg.gather [hbm4b:s7+s3], $0x80, v2, vm0, $0xb8;
	[tilespmem:$0x1A000] =	vst v63  }
0x500: {  	s25 =	simm.s32 $0x4000  }
0x501: {  	[tilespmem:s25], [sflag:$0x1] =	stream.indirect_vreg.gather [hbm4b:s8+s3], $0x80, v2, vm0, $0xb8;
	[tilespmem:$0x1A000] =	vst v63  }
0x502: {  	s25 =	simm.s32 $0x4800  }
0x503: {  	[tilespmem:s25], [sflag:$0x1] =	stream.indirect_vreg.gather [hbm4b:s9+s3], $0x80, v2, vm0, $0xb8;
	[tilespmem:$0x1A000] =	vst v63  }
0x504: {  	s25 =	simm.s32 $0x5000  }
0x505: {  	[tilespmem:s25], [sflag:$0x1] =	stream.indirect_vreg.gather [hbm4b:s10+s3], $0x80, v2, vm0, $0xb8;
	[tilespmem:$0x1A000] =	vst v63  }
0x506: {  	s25 =	simm.s32 $0x5800  }
0x507: {  	[tilespmem:s25], [sflag:$0x1] =	stream.indirect_vreg.gather [hbm4b:s11+s3], $0x80, v2, vm0, $0xb8;
	[tilespmem:$0x1A000] =	vst v63  }
0x508: {  	_ =	swait.ge [sflag:s17], $0x4000  }
0x509: {  	s25 =	sld [smem:$0x7E5]  }
0x50a: {  	[sflag:s17] =	ssyncset.done $0x0  }
0x50b: {  	[sflag:s17] =	ssyncadd.s32 $0xFFFFC000  }
0x50c: {  	[hbm4b:s25+s3] =	stream.linear.scatter [tilespmem:s12], [sflag:$0xB], $0x4000, $0x38;
	[tilespmem:$0x1A000] =	vst v63  }
0x50d: {  	_ =	swait.ge [sflag:s20], $0x4000  }
0x50e: {  	[sflag:s20] =	ssyncset.done $0x0  }
0x50f: {  	[sflag:s20] =	ssyncadd.s32 $0xFFFFC000  }
0x510: {  	v2 =	vld.msk [tilespmem:$0x1580], $0xff;
	_ =	sdelay $0x4  }
0x511: {  	v3 =	vshll.u32 v2, $0x4  }
0x512: {  	v2 =	vand.u32 $0x7, v2;
	v3 =	vand.u32 $0xFFFFFF80, v3  }
0x513: {  	v2 =	vor.u32 v2, v3  }
0x514: {  	v2 =	vperm.xlane v2, v0;
	_ =	sdelay $0x1  }
0x515: {  	v2 =	vadd.s32 v1, v2;
	_ =	sdelay $0x4  }
0x516: {  	[tilespmem:s31], [sflag:$0x2] =	stream.indirect_vreg.gather [hbm4b:s2+s3], $0x80, v2, vm0, $0xb8;
	[tilespmem:$0x1A000] =	vst v63  }
0x517: {  	s25 =	simm.s32 $0x6800  }
0x518: {  	[tilespmem:s25], [sflag:$0x2] =	stream.indirect_vreg.gather [hbm4b:s5+s3], $0x80, v2, vm0, $0xb8;
	[tilespmem:$0x1A000] =	vst v63  }
0x519: {  	s25 =	simm.s32 $0x7000  }
0x51a: {  	[tilespmem:s25], [sflag:$0x2] =	stream.indirect_vreg.gather [hbm4b:s6+s3], $0x80, v2, vm0, $0xb8;
	[tilespmem:$0x1A000] =	vst v63  }
0x51b: {  	s25 =	simm.s32 $0x7800  }
0x51c: {  	[tilespmem:s25], [sflag:$0x2] =	stream.indirect_vreg.gather [hbm4b:s7+s3], $0x80, v2, vm0, $0xb8;
	[tilespmem:$0x1A000] =	vst v63  }
0x51d: {  	s25 =	simm.s32 $0x8000  }
0x51e: {  	[tilespmem:s25], [sflag:$0x2] =	stream.indirect_vreg.gather [hbm4b:s8+s3], $0x80, v2, vm0, $0xb8;
	[tilespmem:$0x1A000] =	vst v63  }
0x51f: {  	s25 =	simm.s32 $0x8800  }
0x520: {  	[tilespmem:s25], [sflag:$0x2] =	stream.indirect_vreg.gather [hbm4b:s9+s3], $0x80, v2, vm0, $0xb8;
	[tilespmem:$0x1A000] =	vst v63  }
0x521: {  	s25 =	simm.s32 $0x9000  }
0x522: {  	[tilespmem:s25], [sflag:$0x2] =	stream.indirect_vreg.gather [hbm4b:s10+s3], $0x80, v2, vm0, $0xb8;
	[tilespmem:$0x1A000] =	vst v63  }
0x523: {  	s25 =	simm.s32 $0x9800  }
0x524: {  	[tilespmem:s25], [sflag:$0x2] =	stream.indirect_vreg.gather [hbm4b:s11+s3], $0x80, v2, vm0, $0xb8;
	[tilespmem:$0x1A000] =	vst v63  }
0x525: {  	_ =	swait.ge [sflag:s23], $0x4000  }
0x526: {  	s25 =	sld [smem:$0x7E6]  }
0x527: {  	[sflag:s23] =	ssyncset.done $0x0  }
0x528: {  	[sflag:s23] =	ssyncadd.s32 $0xFFFFC000  }
0x529: {  	[hbm4b:s25+s3] =	stream.linear.scatter [tilespmem:s0], [sflag:$0xC], $0x4000, $0x38;
	[tilespmem:$0x1A000] =	vst v63  }
0x52a: {  	_ =	swait.ge [sflag:s21], $0x4000  }
0x52b: {  	[sflag:s21] =	ssyncset.done $0x0  }
0x52c: {  	[sflag:s21] =	ssyncadd.s32 $0xFFFFC000  }
0x52d: {  	v2 =	vld.msk [tilespmem:$0x1600], $0xff;
	_ =	sdelay $0x4  }
0x52e: {  	v3 =	vshll.u32 v2, $0x4  }
0x52f: {  	v2 =	vand.u32 $0x7, v2;
	v3 =	vand.u32 $0xFFFFFF80, v3  }
0x530: {  	v2 =	vor.u32 v2, v3  }
0x531: {  	v2 =	vperm.xlane v2, v0;
	_ =	sdelay $0x1  }
0x532: {  	v2 =	vadd.s32 v1, v2;
	_ =	sdelay $0x4  }
0x533: {  	[tilespmem:s30], [sflag:$0x3] =	stream.indirect_vreg.gather [hbm4b:s2+s3], $0x80, v2, vm0, $0xb8;
	[tilespmem:$0x1A000] =	vst v63  }
0x534: {  	s25 =	simm.s32 $0xA800  }
0x535: {  	[tilespmem:s25], [sflag:$0x3] =	stream.indirect_vreg.gather [hbm4b:s5+s3], $0x80, v2, vm0, $0xb8;
	[tilespmem:$0x1A000] =	vst v63  }
0x536: {  	s25 =	simm.s32 $0xB000  }
0x537: {  	[tilespmem:s25], [sflag:$0x3] =	stream.indirect_vreg.gather [hbm4b:s6+s3], $0x80, v2, vm0, $0xb8;
	[tilespmem:$0x1A000] =	vst v63  }
0x538: {  	s22 =	simm.s32 $0xB800  }
0x539: {  	[tilespmem:s22], [sflag:$0x3] =	stream.indirect_vreg.gather [hbm4b:s7+s3], $0x80, v2, vm0, $0xb8;
	[tilespmem:$0x1A000] =	vst v63  }
0x53a: {  	s25 =	simm.s32 $0xC000  }
0x53b: {  	[tilespmem:s25], [sflag:$0x3] =	stream.indirect_vreg.gather [hbm4b:s8+s3], $0x80, v2, vm0, $0xb8;
	[tilespmem:$0x1A000] =	vst v63  }
0x53c: {  	s25 =	simm.s32 $0xC800  }
0x53d: {  	[tilespmem:s25], [sflag:$0x3] =	stream.indirect_vreg.gather [hbm4b:s9+s3], $0x80, v2, vm0, $0xb8;
	[tilespmem:$0x1A000] =	vst v63  }
0x53e: {  	s25 =	simm.s32 $0xD000  }
0x53f: {  	[tilespmem:s25], [sflag:$0x3] =	stream.indirect_vreg.gather [hbm4b:s10+s3], $0x80, v2, vm0, $0xb8;
	[tilespmem:$0x1A000] =	vst v63  }
0x540: {  	s25 =	simm.s32 $0xD800  }
0x541: {  	[tilespmem:s25], [sflag:$0x3] =	stream.indirect_vreg.gather [hbm4b:s11+s3], $0x80, v2, vm0, $0xb8;
	[tilespmem:$0x1A000] =	vst v63  }
0x542: {  	_ =	swait.ge [sflag:s29], $0x4000  }
0x543: {  	s25 =	sld [smem:$0x7E7]  }
0x544: {  	[sflag:s29] =	ssyncset.done $0x0  }
0x545: {  	[sflag:s29] =	ssyncadd.s32 $0xFFFFC000  }
0x546: {  	[hbm4b:s25+s3] =	stream.linear.scatter [tilespmem:s19], [sflag:$0x7], $0x4000, $0x38;
	[tilespmem:$0x1A000] =	vst v63  }
0x547: {  	_ =	swait.ge [sflag:s1], $0x4000  }
0x548: {  	[sflag:s1] =	ssyncset.done $0x0  }
0x549: {  	[sflag:s1] =	ssyncadd.s32 $0xFFFFC000  }
0x54a: {  	v2 =	vld.msk [tilespmem:$0x1680], $0xff;
	_ =	sdelay $0x4  }
0x54b: {  	v3 =	vshll.u32 v2, $0x4  }
0x54c: {  	v2 =	vand.u32 $0x7, v2;
	v3 =	vand.u32 $0xFFFFFF80, v3  }
0x54d: {  	v2 =	vor.u32 v2, v3  }
0x54e: {  	v2 =	vperm.xlane v2, v0;
	_ =	sdelay $0x1  }
0x54f: {  	v2 =	vadd.s32 v1, v2;
	_ =	sdelay $0x4  }
0x550: {  	[tilespmem:s15], [sflag:$0x4] =	stream.indirect_vreg.gather [hbm4b:s2+s3], $0x80, v2, vm0, $0xb8;
	[tilespmem:$0x1A000] =	vst v63  }
0x551: {  	s25 =	simm.s32 $0xE800  }
0x552: {  	[tilespmem:s25], [sflag:$0x4] =	stream.indirect_vreg.gather [hbm4b:s5+s3], $0x80, v2, vm0, $0xb8;
	[tilespmem:$0x1A000] =	vst v63  }
0x553: {  	s25 =	simm.s32 $0xF000  }
0x554: {  	[tilespmem:s25], [sflag:$0x4] =	stream.indirect_vreg.gather [hbm4b:s6+s3], $0x80, v2, vm0, $0xb8;
	[tilespmem:$0x1A000] =	vst v63  }
0x555: {  	s25 =	simm.s32 $0xF800  }
0x556: {  	[tilespmem:s25], [sflag:$0x4] =	stream.indirect_vreg.gather [hbm4b:s7+s3], $0x80, v2, vm0, $0xb8;
	[tilespmem:$0x1A000] =	vst v63  }
0x557: {  	s25 =	simm.s32 $0x10000  }
0x558: {  	[tilespmem:s25], [sflag:$0x4] =	stream.indirect_vreg.gather [hbm4b:s8+s3], $0x80, v2, vm0, $0xb8;
	[tilespmem:$0x1A000] =	vst v63  }
0x559: {  	s25 =	simm.s32 $0x10800  }
0x55a: {  	[tilespmem:s25], [sflag:$0x4] =	stream.indirect_vreg.gather [hbm4b:s9+s3], $0x80, v2, vm0, $0xb8;
	[tilespmem:$0x1A000] =	vst v63  }
0x55b: {  	s25 =	simm.s32 $0x11000  }
0x55c: {  	[tilespmem:s25], [sflag:$0x4] =	stream.indirect_vreg.gather [hbm4b:s10+s3], $0x80, v2, vm0, $0xb8;
	[tilespmem:$0x1A000] =	vst v63  }
0x55d: {  	s25 =	simm.s32 $0x11800  }
0x55e: {  	[tilespmem:s25], [sflag:$0x4] =	stream.indirect_vreg.gather [hbm4b:s11+s3], $0x80, v2, vm0, $0xb8;
	[tilespmem:$0x1A000] =	vst v63  }
0x55f: {  	_ =	swait.ge [sflag:s24], $0x4000  }
0x560: {  	s25 =	sld [smem:$0x7E8]  }
0x561: {  	[sflag:s24] =	ssyncset.done $0x0  }
0x562: {  	[sflag:s24] =	ssyncadd.s32 $0xFFFFC000  }
0x563: {  	[hbm4b:s25+s3] =	stream.linear.scatter [tilespmem:s31], [sflag:$0x8], $0x4000, $0x38;
	[tilespmem:$0x1A000] =	vst v63  }
0x564: {  	_ =	swait.ge [sflag:s14], $0x4000  }
0x565: {  	[sflag:s14] =	ssyncset.done $0x0  }
0x566: {  	[sflag:s14] =	ssyncadd.s32 $0xFFFFC000  }
0x567: {  	v2 =	vld.msk [tilespmem:$0x1700], $0xff;
	_ =	sdelay $0x4  }
0x568: {  	v3 =	vshll.u32 v2, $0x4  }
0x569: {  	v2 =	vand.u32 $0x7, v2;
	v3 =	vand.u32 $0xFFFFFF80, v3  }
0x56a: {  	v2 =	vor.u32 v2, v3  }
0x56b: {  	v2 =	vperm.xlane v2, v0;
	_ =	sdelay $0x1  }
0x56c: {  	v2 =	vadd.s32 v1, v2;
	_ =	sdelay $0x4  }
0x56d: {  	[tilespmem:s12], [sflag:$0x5] =	stream.indirect_vreg.gather [hbm4b:s2+s3], $0x80, v2, vm0, $0xb8;
	[tilespmem:$0x1A000] =	vst v63  }
0x56e: {  	s25 =	simm.s32 $0x12800  }
0x56f: {  	[tilespmem:s25], [sflag:$0x5] =	stream.indirect_vreg.gather [hbm4b:s5+s3], $0x80, v2, vm0, $0xb8;
	[tilespmem:$0x1A000] =	vst v63  }
0x570: {  	s25 =	simm.s32 $0x13000  }
0x571: {  	[tilespmem:s25], [sflag:$0x5] =	stream.indirect_vreg.gather [hbm4b:s6+s3], $0x80, v2, vm0, $0xb8;
	[tilespmem:$0x1A000] =	vst v63  }
0x572: {  	s25 =	simm.s32 $0x13800  }
0x573: {  	[tilespmem:s25], [sflag:$0x5] =	stream.indirect_vreg.gather [hbm4b:s7+s3], $0x80, v2, vm0, $0xb8;
	[tilespmem:$0x1A000] =	vst v63  }
0x574: {  	s25 =	simm.s32 $0x14000  }
0x575: {  	[tilespmem:s25], [sflag:$0x5] =	stream.indirect_vreg.gather [hbm4b:s8+s3], $0x80, v2, vm0, $0xb8;
	[tilespmem:$0x1A000] =	vst v63  }
0x576: {  	s25 =	simm.s32 $0x14800  }
0x577: {  	[tilespmem:s25], [sflag:$0x5] =	stream.indirect_vreg.gather [hbm4b:s9+s3], $0x80, v2, vm0, $0xb8;
	[tilespmem:$0x1A000] =	vst v63  }
0x578: {  	s25 =	simm.s32 $0x15000  }
0x579: {  	[tilespmem:s25], [sflag:$0x5] =	stream.indirect_vreg.gather [hbm4b:s10+s3], $0x80, v2, vm0, $0xb8;
	[tilespmem:$0x1A000] =	vst v63  }
0x57a: {  	s25 =	simm.s32 $0x15800  }
0x57b: {  	[tilespmem:s25], [sflag:$0x5] =	stream.indirect_vreg.gather [hbm4b:s11+s3], $0x80, v2, vm0, $0xb8;
	[tilespmem:$0x1A000] =	vst v63  }
0x57c: {  	_ =	swait.ge [sflag:s13], $0x4000  }
0x57d: {  	s25 =	sld [smem:$0x7E9]  }
0x57e: {  	[sflag:s13] =	ssyncset.done $0x0  }
0x57f: {  	[sflag:s13] =	ssyncadd.s32 $0xFFFFC000  }
0x580: {  	[hbm4b:s25+s3] =	stream.linear.scatter [tilespmem:s30], [sflag:$0x9], $0x4000, $0x38;
	[tilespmem:$0x1A000] =	vst v63  }
0x581: {  	_ =	swait.ge [sflag:s18], $0x4000  }
0x582: {  	[sflag:s18] =	ssyncset.done $0x0  }
0x583: {  	[sflag:s18] =	ssyncadd.s32 $0xFFFFC000  }
0x584: {  	v2 =	vld.msk [tilespmem:$0x1780], $0xff;
	_ =	sdelay $0x4  }
0x585: {  	v3 =	vshll.u32 v2, $0x4  }
0x586: {  	v2 =	vand.u32 $0x7, v2;
	v3 =	vand.u32 $0xFFFFFF80, v3  }
0x587: {  	v2 =	vor.u32 v2, v3  }
0x588: {  	v2 =	vperm.xlane v2, v0;
	_ =	sdelay $0x1  }
0x589: {  	v2 =	vadd.s32 v1, v2;
	_ =	sdelay $0x4  }
0x58a: {  	[tilespmem:s0], [sflag:$0x6] =	stream.indirect_vreg.gather [hbm4b:s2+s3], $0x80, v2, vm0, $0xb8;
	[tilespmem:$0x1A000] =	vst v63  }
0x58b: {  	s26 =	simm.s32 $0x16800  }
0x58c: {  	[tilespmem:s26], [sflag:$0x6] =	stream.indirect_vreg.gather [hbm4b:s5+s3], $0x80, v2, vm0, $0xb8;
	[tilespmem:$0x1A000] =	vst v63  }
0x58d: {  	s25 =	simm.s32 $0x17000  }
0x58e: {  	[tilespmem:s25], [sflag:$0x6] =	stream.indirect_vreg.gather [hbm4b:s6+s3], $0x80, v2, vm0, $0xb8;
	[tilespmem:$0x1A000] =	vst v63  }
0x58f: {  	s25 =	simm.s32 $0x17800  }
0x590: {  	[tilespmem:s25], [sflag:$0x6] =	stream.indirect_vreg.gather [hbm4b:s7+s3], $0x80, v2, vm0, $0xb8;
	[tilespmem:$0x1A000] =	vst v63  }
0x591: {  	s28 =	simm.s32 $0x18000  }
0x592: {  	[tilespmem:s28], [sflag:$0x6] =	stream.indirect_vreg.gather [hbm4b:s8+s3], $0x80, v2, vm0, $0xb8;
	[tilespmem:$0x1A000] =	vst v63  }
0x593: {  	s28 =	simm.s32 $0x18800  }
0x594: {  	[tilespmem:s28], [sflag:$0x6] =	stream.indirect_vreg.gather [hbm4b:s9+s3], $0x80, v2, vm0, $0xb8;
	[tilespmem:$0x1A000] =	vst v63  }
0x595: {  	s28 =	simm.s32 $0x19000  }
0x596: {  	[tilespmem:s28], [sflag:$0x6] =	stream.indirect_vreg.gather [hbm4b:s10+s3], $0x80, v2, vm0, $0xb8;
	[tilespmem:$0x1A000] =	vst v63  }
0x597: {  	s28 =	simm.s32 $0x19800  }
0x598: {  	[tilespmem:s28], [sflag:$0x6] =	stream.indirect_vreg.gather [hbm4b:s11+s3], $0x80, v2, vm0, $0xb8;
	[tilespmem:$0x1A000] =	vst v63  }
0x599: {  	_ =	swait.ge [sflag:s4], $0x4000  }
0x59a: {  	s28 =	sld [smem:$0x7EA]  }
0x59b: {  	[sflag:s4] =	ssyncset.done $0x0  }
0x59c: {  	[sflag:s4] =	ssyncadd.s32 $0xFFFFC000  }
0x59d: {  	[hbm4b:s28+s3] =	stream.linear.scatter [tilespmem:s15], [sflag:$0xA], $0x4000, $0x38;
	[tilespmem:$0x1A000] =	vst v63  }
0x59e: {  	_ =	swait.ge [sflag:s16], $0x4000  }
0x59f: {  	[sflag:s16] =	ssyncset.done $0x0  }
0x5a0: {  	[sflag:s16] =	ssyncadd.s32 $0xFFFFC000  }
0x5a1: {  	v2 =	vld.msk [tilespmem:$0x1800], $0xff;
	_ =	sdelay $0x4  }
0x5a2: {  	v3 =	vshll.u32 v2, $0x4  }
0x5a3: {  	v2 =	vand.u32 $0x7, v2;
	v3 =	vand.u32 $0xFFFFFF80, v3  }
0x5a4: {  	v2 =	vor.u32 v2, v3  }
0x5a5: {  	v2 =	vperm.xlane v2, v0;
	_ =	sdelay $0x1  }
0x5a6: {  	v2 =	vadd.s32 v1, v2;
	_ =	sdelay $0x4  }
0x5a7: {  	[tilespmem:s19], [sflag:$0x1] =	stream.indirect_vreg.gather [hbm4b:s2+s3], $0x80, v2, vm0, $0xb8;
	[tilespmem:$0x1A000] =	vst v63  }
0x5a8: {  	s28 =	simm.s32 $0x2800  }
0x5a9: {  	[tilespmem:s28], [sflag:$0x1] =	stream.indirect_vreg.gather [hbm4b:s5+s3], $0x80, v2, vm0, $0xb8;
	[tilespmem:$0x1A000] =	vst v63  }
0x5aa: {  	s28 =	simm.s32 $0x3000  }
0x5ab: {  	[tilespmem:s28], [sflag:$0x1] =	stream.indirect_vreg.gather [hbm4b:s6+s3], $0x80, v2, vm0, $0xb8;
	[tilespmem:$0x1A000] =	vst v63  }
0x5ac: {  	s28 =	simm.s32 $0x3800  }
0x5ad: {  	[tilespmem:s28], [sflag:$0x1] =	stream.indirect_vreg.gather [hbm4b:s7+s3], $0x80, v2, vm0, $0xb8;
	[tilespmem:$0x1A000] =	vst v63  }
0x5ae: {  	s28 =	simm.s32 $0x4000  }
0x5af: {  	[tilespmem:s28], [sflag:$0x1] =	stream.indirect_vreg.gather [hbm4b:s8+s3], $0x80, v2, vm0, $0xb8;
	[tilespmem:$0x1A000] =	vst v63  }
0x5b0: {  	s28 =	simm.s32 $0x4800  }
0x5b1: {  	[tilespmem:s28], [sflag:$0x1] =	stream.indirect_vreg.gather [hbm4b:s9+s3], $0x80, v2, vm0, $0xb8;
	[tilespmem:$0x1A000] =	vst v63  }
0x5b2: {  	s28 =	simm.s32 $0x5000  }
0x5b3: {  	[tilespmem:s28], [sflag:$0x1] =	stream.indirect_vreg.gather [hbm4b:s10+s3], $0x80, v2, vm0, $0xb8;
	[tilespmem:$0x1A000] =	vst v63  }
0x5b4: {  	s28 =	simm.s32 $0x5800  }
0x5b5: {  	[tilespmem:s28], [sflag:$0x1] =	stream.indirect_vreg.gather [hbm4b:s11+s3], $0x80, v2, vm0, $0xb8;
	[tilespmem:$0x1A000] =	vst v63  }
0x5b6: {  	_ =	swait.ge [sflag:s17], $0x4000  }
0x5b7: {  	s28 =	sld [smem:$0x7EB]  }
0x5b8: {  	[sflag:s17] =	ssyncset.done $0x0  }
0x5b9: {  	[sflag:s17] =	ssyncadd.s32 $0xFFFFC000  }
0x5ba: {  	[hbm4b:s28+s3] =	stream.linear.scatter [tilespmem:s12], [sflag:$0xB], $0x4000, $0x38;
	[tilespmem:$0x1A000] =	vst v63  }
0x5bb: {  	_ =	swait.ge [sflag:s20], $0x4000  }
0x5bc: {  	[sflag:s20] =	ssyncset.done $0x0  }
0x5bd: {  	[sflag:s20] =	ssyncadd.s32 $0xFFFFC000  }
0x5be: {  	v2 =	vld.msk [tilespmem:$0x1880], $0xff;
	_ =	sdelay $0x4  }
0x5bf: {  	v3 =	vshll.u32 v2, $0x4  }
0x5c0: {  	v2 =	vand.u32 $0x7, v2;
	v3 =	vand.u32 $0xFFFFFF80, v3  }
0x5c1: {  	v2 =	vor.u32 v2, v3  }
0x5c2: {  	v2 =	vperm.xlane v2, v0;
	_ =	sdelay $0x1  }
0x5c3: {  	v2 =	vadd.s32 v1, v2;
	_ =	sdelay $0x4  }
0x5c4: {  	[tilespmem:s31], [sflag:$0x2] =	stream.indirect_vreg.gather [hbm4b:s2+s3], $0x80, v2, vm0, $0xb8;
	[tilespmem:$0x1A000] =	vst v63  }
0x5c5: {  	s28 =	simm.s32 $0x6800  }
0x5c6: {  	[tilespmem:s28], [sflag:$0x2] =	stream.indirect_vreg.gather [hbm4b:s5+s3], $0x80, v2, vm0, $0xb8;
	[tilespmem:$0x1A000] =	vst v63  }
0x5c7: {  	s28 =	simm.s32 $0x7000  }
0x5c8: {  	[tilespmem:s28], [sflag:$0x2] =	stream.indirect_vreg.gather [hbm4b:s6+s3], $0x80, v2, vm0, $0xb8;
	[tilespmem:$0x1A000] =	vst v63  }
0x5c9: {  	s28 =	simm.s32 $0x7800  }
0x5ca: {  	[tilespmem:s28], [sflag:$0x2] =	stream.indirect_vreg.gather [hbm4b:s7+s3], $0x80, v2, vm0, $0xb8;
	[tilespmem:$0x1A000] =	vst v63  }
0x5cb: {  	s28 =	simm.s32 $0x8000  }
0x5cc: {  	[tilespmem:s28], [sflag:$0x2] =	stream.indirect_vreg.gather [hbm4b:s8+s3], $0x80, v2, vm0, $0xb8;
	[tilespmem:$0x1A000] =	vst v63  }
0x5cd: {  	s28 =	simm.s32 $0x8800  }
0x5ce: {  	[tilespmem:s28], [sflag:$0x2] =	stream.indirect_vreg.gather [hbm4b:s9+s3], $0x80, v2, vm0, $0xb8;
	[tilespmem:$0x1A000] =	vst v63  }
0x5cf: {  	s28 =	simm.s32 $0x9000  }
0x5d0: {  	[tilespmem:s28], [sflag:$0x2] =	stream.indirect_vreg.gather [hbm4b:s10+s3], $0x80, v2, vm0, $0xb8;
	[tilespmem:$0x1A000] =	vst v63  }
0x5d1: {  	s28 =	simm.s32 $0x9800  }
0x5d2: {  	[tilespmem:s28], [sflag:$0x2] =	stream.indirect_vreg.gather [hbm4b:s11+s3], $0x80, v2, vm0, $0xb8;
	[tilespmem:$0x1A000] =	vst v63  }
0x5d3: {  	_ =	swait.ge [sflag:s23], $0x4000  }
0x5d4: {  	s28 =	sld [smem:$0x7EC]  }
0x5d5: {  	[sflag:s23] =	ssyncset.done $0x0  }
0x5d6: {  	[sflag:s23] =	ssyncadd.s32 $0xFFFFC000  }
0x5d7: {  	[hbm4b:s28+s3] =	stream.linear.scatter [tilespmem:s0], [sflag:$0xC], $0x4000, $0x38;
	[tilespmem:$0x1A000] =	vst v63  }
0x5d8: {  	_ =	swait.ge [sflag:s21], $0x4000  }
0x5d9: {  	[sflag:s21] =	ssyncset.done $0x0  }
0x5da: {  	[sflag:s21] =	ssyncadd.s32 $0xFFFFC000  }
0x5db: {  	v2 =	vld.msk [tilespmem:$0x1900], $0xff;
	_ =	sdelay $0x4  }
0x5dc: {  	v3 =	vshll.u32 v2, $0x4  }
0x5dd: {  	v2 =	vand.u32 $0x7, v2;
	v3 =	vand.u32 $0xFFFFFF80, v3  }
0x5de: {  	v2 =	vor.u32 v2, v3  }
0x5df: {  	v2 =	vperm.xlane v2, v0;
	_ =	sdelay $0x1  }
0x5e0: {  	v2 =	vadd.s32 v1, v2;
	_ =	sdelay $0x4  }
0x5e1: {  	[tilespmem:s30], [sflag:$0x3] =	stream.indirect_vreg.gather [hbm4b:s2+s3], $0x80, v2, vm0, $0xb8;
	[tilespmem:$0x1A000] =	vst v63  }
0x5e2: {  	s28 =	simm.s32 $0xA800  }
0x5e3: {  	[tilespmem:s28], [sflag:$0x3] =	stream.indirect_vreg.gather [hbm4b:s5+s3], $0x80, v2, vm0, $0xb8;
	[tilespmem:$0x1A000] =	vst v63  }
0x5e4: {  	s28 =	simm.s32 $0xB000  }
0x5e5: {  	[tilespmem:s28], [sflag:$0x3] =	stream.indirect_vreg.gather [hbm4b:s6+s3], $0x80, v2, vm0, $0xb8;
	[tilespmem:$0x1A000] =	vst v63  }
0x5e6: {  	s22 =	simm.s32 $0xB800  }
0x5e7: {  	[tilespmem:s22], [sflag:$0x3] =	stream.indirect_vreg.gather [hbm4b:s7+s3], $0x80, v2, vm0, $0xb8;
	[tilespmem:$0x1A000] =	vst v63  }
0x5e8: {  	s25 =	simm.s32 $0xC000  }
0x5e9: {  	[tilespmem:s25], [sflag:$0x3] =	stream.indirect_vreg.gather [hbm4b:s8+s3], $0x80, v2, vm0, $0xb8;
	[tilespmem:$0x1A000] =	vst v63  }
0x5ea: {  	s28 =	simm.s32 $0xC800  }
0x5eb: {  	[tilespmem:s28], [sflag:$0x3] =	stream.indirect_vreg.gather [hbm4b:s9+s3], $0x80, v2, vm0, $0xb8;
	[tilespmem:$0x1A000] =	vst v63  }
0x5ec: {  	s25 =	simm.s32 $0xD000  }
0x5ed: {  	[tilespmem:s25], [sflag:$0x3] =	stream.indirect_vreg.gather [hbm4b:s10+s3], $0x80, v2, vm0, $0xb8;
	[tilespmem:$0x1A000] =	vst v63  }
0x5ee: {  	s28 =	simm.s32 $0xD800  }
0x5ef: {  	[tilespmem:s28], [sflag:$0x3] =	stream.indirect_vreg.gather [hbm4b:s11+s3], $0x80, v2, vm0, $0xb8;
	[tilespmem:$0x1A000] =	vst v63  }
0x5f0: {  	_ =	swait.ge [sflag:s29], $0x4000  }
0x5f1: {  	s22 =	sld [smem:$0x7ED]  }
0x5f2: {  	[sflag:s29] =	ssyncset.done $0x0  }
0x5f3: {  	[sflag:s29] =	ssyncadd.s32 $0xFFFFC000  }
0x5f4: {  	[hbm4b:s22+s3] =	stream.linear.scatter [tilespmem:s19], [sflag:$0x7], $0x4000, $0x38;
	[tilespmem:$0x1A000] =	vst v63  }
0x5f5: {  	_ =	swait.ge [sflag:s1], $0x4000  }
0x5f6: {  	[sflag:s1] =	ssyncset.done $0x0  }
0x5f7: {  	[sflag:s1] =	ssyncadd.s32 $0xFFFFC000  }
0x5f8: {  	v2 =	vld.msk [tilespmem:$0x1980], $0xff;
	_ =	sdelay $0x4  }
0x5f9: {  	v3 =	vshll.u32 v2, $0x4  }
0x5fa: {  	v2 =	vand.u32 $0x7, v2;
	v3 =	vand.u32 $0xFFFFFF80, v3  }
0x5fb: {  	v2 =	vor.u32 v2, v3  }
0x5fc: {  	v2 =	vperm.xlane v2, v0;
	_ =	sdelay $0x1  }
0x5fd: {  	v2 =	vadd.s32 v1, v2;
	_ =	sdelay $0x4  }
0x5fe: {  	[tilespmem:s15], [sflag:$0x4] =	stream.indirect_vreg.gather [hbm4b:s2+s3], $0x80, v2, vm0, $0xb8;
	[tilespmem:$0x1A000] =	vst v63  }
0x5ff: {  	s28 =	simm.s32 $0xE800  }
0x600: {  	[tilespmem:s28], [sflag:$0x4] =	stream.indirect_vreg.gather [hbm4b:s5+s3], $0x80, v2, vm0, $0xb8;
	[tilespmem:$0x1A000] =	vst v63  }
0x601: {  	s25 =	simm.s32 $0xF000  }
0x602: {  	[tilespmem:s25], [sflag:$0x4] =	stream.indirect_vreg.gather [hbm4b:s6+s3], $0x80, v2, vm0, $0xb8;
	[tilespmem:$0x1A000] =	vst v63  }
0x603: {  	s28 =	simm.s32 $0xF800  }
0x604: {  	[tilespmem:s28], [sflag:$0x4] =	stream.indirect_vreg.gather [hbm4b:s7+s3], $0x80, v2, vm0, $0xb8;
	[tilespmem:$0x1A000] =	vst v63  }
0x605: {  	s25 =	simm.s32 $0x10000  }
0x606: {  	[tilespmem:s25], [sflag:$0x4] =	stream.indirect_vreg.gather [hbm4b:s8+s3], $0x80, v2, vm0, $0xb8;
	[tilespmem:$0x1A000] =	vst v63  }
0x607: {  	s28 =	simm.s32 $0x10800  }
0x608: {  	[tilespmem:s28], [sflag:$0x4] =	stream.indirect_vreg.gather [hbm4b:s9+s3], $0x80, v2, vm0, $0xb8;
	[tilespmem:$0x1A000] =	vst v63  }
0x609: {  	s25 =	simm.s32 $0x11000  }
0x60a: {  	[tilespmem:s25], [sflag:$0x4] =	stream.indirect_vreg.gather [hbm4b:s10+s3], $0x80, v2, vm0, $0xb8;
	[tilespmem:$0x1A000] =	vst v63  }
0x60b: {  	s28 =	simm.s32 $0x11800  }
0x60c: {  	[tilespmem:s28], [sflag:$0x4] =	stream.indirect_vreg.gather [hbm4b:s11+s3], $0x80, v2, vm0, $0xb8;
	[tilespmem:$0x1A000] =	vst v63  }
0x60d: {  	_ =	swait.ge [sflag:s24], $0x4000  }
0x60e: {  	s22 =	sld [smem:$0x7EE]  }
0x60f: {  	[sflag:s24] =	ssyncset.done $0x0  }
0x610: {  	[sflag:s24] =	ssyncadd.s32 $0xFFFFC000  }
0x611: {  	[hbm4b:s22+s3] =	stream.linear.scatter [tilespmem:s31], [sflag:$0x8], $0x4000, $0x38;
	[tilespmem:$0x1A000] =	vst v63  }
0x612: {  	_ =	swait.ge [sflag:s14], $0x4000  }
0x613: {  	[sflag:s14] =	ssyncset.done $0x0  }
0x614: {  	[sflag:s14] =	ssyncadd.s32 $0xFFFFC000  }
0x615: {  	v2 =	vld.msk [tilespmem:$0x1A00], $0xff;
	_ =	sdelay $0x4  }
0x616: {  	v3 =	vshll.u32 v2, $0x4  }
0x617: {  	v2 =	vand.u32 $0x7, v2;
	v3 =	vand.u32 $0xFFFFFF80, v3  }
0x618: {  	v2 =	vor.u32 v2, v3  }
0x619: {  	v2 =	vperm.xlane v2, v0;
	_ =	sdelay $0x1  }
0x61a: {  	v2 =	vadd.s32 v1, v2;
	_ =	sdelay $0x4  }
0x61b: {  	[tilespmem:s12], [sflag:$0x5] =	stream.indirect_vreg.gather [hbm4b:s2+s3], $0x80, v2, vm0, $0xb8;
	[tilespmem:$0x1A000] =	vst v63  }
0x61c: {  	s28 =	simm.s32 $0x12800  }
0x61d: {  	[tilespmem:s28], [sflag:$0x5] =	stream.indirect_vreg.gather [hbm4b:s5+s3], $0x80, v2, vm0, $0xb8;
	[tilespmem:$0x1A000] =	vst v63  }
0x61e: {  	s25 =	simm.s32 $0x13000  }
0x61f: {  	[tilespmem:s25], [sflag:$0x5] =	stream.indirect_vreg.gather [hbm4b:s6+s3], $0x80, v2, vm0, $0xb8;
	[tilespmem:$0x1A000] =	vst v63  }
0x620: {  	s28 =	simm.s32 $0x13800  }
0x621: {  	[tilespmem:s28], [sflag:$0x5] =	stream.indirect_vreg.gather [hbm4b:s7+s3], $0x80, v2, vm0, $0xb8;
	[tilespmem:$0x1A000] =	vst v63  }
0x622: {  	s25 =	simm.s32 $0x14000  }
0x623: {  	[tilespmem:s25], [sflag:$0x5] =	stream.indirect_vreg.gather [hbm4b:s8+s3], $0x80, v2, vm0, $0xb8;
	[tilespmem:$0x1A000] =	vst v63  }
0x624: {  	s28 =	simm.s32 $0x14800  }
0x625: {  	[tilespmem:s28], [sflag:$0x5] =	stream.indirect_vreg.gather [hbm4b:s9+s3], $0x80, v2, vm0, $0xb8;
	[tilespmem:$0x1A000] =	vst v63  }
0x626: {  	s25 =	simm.s32 $0x15000  }
0x627: {  	[tilespmem:s25], [sflag:$0x5] =	stream.indirect_vreg.gather [hbm4b:s10+s3], $0x80, v2, vm0, $0xb8;
	[tilespmem:$0x1A000] =	vst v63  }
0x628: {  	s28 =	simm.s32 $0x15800  }
0x629: {  	[tilespmem:s28], [sflag:$0x5] =	stream.indirect_vreg.gather [hbm4b:s11+s3], $0x80, v2, vm0, $0xb8;
	[tilespmem:$0x1A000] =	vst v63  }
0x62a: {  	_ =	swait.ge [sflag:s13], $0x4000  }
0x62b: {  	s22 =	sld [smem:$0x7EF]  }
0x62c: {  	[sflag:s13] =	ssyncset.done $0x0  }
0x62d: {  	[sflag:s13] =	ssyncadd.s32 $0xFFFFC000  }
0x62e: {  	[hbm4b:s22+s3] =	stream.linear.scatter [tilespmem:s30], [sflag:$0x9], $0x4000, $0x38;
	[tilespmem:$0x1A000] =	vst v63  }
0x62f: {  	_ =	swait.ge [sflag:s18], $0x4000  }
0x630: {  	[sflag:s18] =	ssyncset.done $0x0  }
0x631: {  	[sflag:s18] =	ssyncadd.s32 $0xFFFFC000  }
0x632: {  	v2 =	vld.msk [tilespmem:$0x1A80], $0xff;
	_ =	sdelay $0x4  }
0x633: {  	v3 =	vshll.u32 v2, $0x4  }
0x634: {  	v2 =	vand.u32 $0x7, v2;
	v3 =	vand.u32 $0xFFFFFF80, v3  }
0x635: {  	v2 =	vor.u32 v2, v3  }
0x636: {  	v2 =	vperm.xlane v2, v0;
	_ =	sdelay $0x1  }
0x637: {  	v2 =	vadd.s32 v1, v2;
	_ =	sdelay $0x4  }
0x638: {  	[tilespmem:s0], [sflag:$0x6] =	stream.indirect_vreg.gather [hbm4b:s2+s3], $0x80, v2, vm0, $0xb8;
	[tilespmem:$0x1A000] =	vst v63  }
0x639: {  	s26 =	simm.s32 $0x16800  }
0x63a: {  	[tilespmem:s26], [sflag:$0x6] =	stream.indirect_vreg.gather [hbm4b:s5+s3], $0x80, v2, vm0, $0xb8;
	[tilespmem:$0x1A000] =	vst v63  }
0x63b: {  	s26 =	simm.s32 $0x17000  }
0x63c: {  	[tilespmem:s26], [sflag:$0x6] =	stream.indirect_vreg.gather [hbm4b:s6+s3], $0x80, v2, vm0, $0xb8;
	[tilespmem:$0x1A000] =	vst v63  }
0x63d: {  	s28 =	simm.s32 $0x17800  }
0x63e: {  	[tilespmem:s28], [sflag:$0x6] =	stream.indirect_vreg.gather [hbm4b:s7+s3], $0x80, v2, vm0, $0xb8;
	[tilespmem:$0x1A000] =	vst v63  }
0x63f: {  	s25 =	simm.s32 $0x18000  }
0x640: {  	[tilespmem:s25], [sflag:$0x6] =	stream.indirect_vreg.gather [hbm4b:s8+s3], $0x80, v2, vm0, $0xb8;
	[tilespmem:$0x1A000] =	vst v63  }
0x641: {  	s25 =	simm.s32 $0x18800  }
0x642: {  	[tilespmem:s25], [sflag:$0x6] =	stream.indirect_vreg.gather [hbm4b:s9+s3], $0x80, v2, vm0, $0xb8;
	[tilespmem:$0x1A000] =	vst v63  }
0x643: {  	s25 =	simm.s32 $0x19000  }
0x644: {  	[tilespmem:s25], [sflag:$0x6] =	stream.indirect_vreg.gather [hbm4b:s10+s3], $0x80, v2, vm0, $0xb8;
	[tilespmem:$0x1A000] =	vst v63  }
0x645: {  	s25 =	simm.s32 $0x19800  }
0x646: {  	[tilespmem:s25], [sflag:$0x6] =	stream.indirect_vreg.gather [hbm4b:s11+s3], $0x80, v2, vm0, $0xb8;
	[tilespmem:$0x1A000] =	vst v63  }
0x647: {  	_ =	swait.ge [sflag:s4], $0x4000  }
0x648: {  	s25 =	sld [smem:$0x7F0]  }
0x649: {  	[sflag:s4] =	ssyncset.done $0x0  }
0x64a: {  	[sflag:s4] =	ssyncadd.s32 $0xFFFFC000  }
0x64b: {  	[hbm4b:s25+s3] =	stream.linear.scatter [tilespmem:s15], [sflag:$0xA], $0x4000, $0x38;
	[tilespmem:$0x1A000] =	vst v63  }
0x64c: {  	_ =	swait.ge [sflag:s16], $0x4000  }
0x64d: {  	[sflag:s16] =	ssyncset.done $0x0  }
0x64e: {  	[sflag:s16] =	ssyncadd.s32 $0xFFFFC000  }
0x64f: {  	v2 =	vld.msk [tilespmem:$0x1B00], $0xff;
	_ =	sdelay $0x4  }
0x650: {  	v3 =	vshll.u32 v2, $0x4  }
0x651: {  	v2 =	vand.u32 $0x7, v2;
	v3 =	vand.u32 $0xFFFFFF80, v3  }
0x652: {  	v2 =	vor.u32 v2, v3  }
0x653: {  	v2 =	vperm.xlane v2, v0;
	_ =	sdelay $0x1  }
0x654: {  	v2 =	vadd.s32 v1, v2;
	_ =	sdelay $0x4  }
0x655: {  	[tilespmem:s19], [sflag:$0x1] =	stream.indirect_vreg.gather [hbm4b:s2+s3], $0x80, v2, vm0, $0xb8;
	[tilespmem:$0x1A000] =	vst v63  }
0x656: {  	s25 =	simm.s32 $0x2800  }
0x657: {  	[tilespmem:s25], [sflag:$0x1] =	stream.indirect_vreg.gather [hbm4b:s5+s3], $0x80, v2, vm0, $0xb8;
	[tilespmem:$0x1A000] =	vst v63  }
0x658: {  	s25 =	simm.s32 $0x3000  }
0x659: {  	[tilespmem:s25], [sflag:$0x1] =	stream.indirect_vreg.gather [hbm4b:s6+s3], $0x80, v2, vm0, $0xb8;
	[tilespmem:$0x1A000] =	vst v63  }
0x65a: {  	s25 =	simm.s32 $0x3800  }
0x65b: {  	[tilespmem:s25], [sflag:$0x1] =	stream.indirect_vreg.gather [hbm4b:s7+s3], $0x80, v2, vm0, $0xb8;
	[tilespmem:$0x1A000] =	vst v63  }
0x65c: {  	s25 =	simm.s32 $0x4000  }
0x65d: {  	[tilespmem:s25], [sflag:$0x1] =	stream.indirect_vreg.gather [hbm4b:s8+s3], $0x80, v2, vm0, $0xb8;
	[tilespmem:$0x1A000] =	vst v63  }
0x65e: {  	s25 =	simm.s32 $0x4800  }
0x65f: {  	[tilespmem:s25], [sflag:$0x1] =	stream.indirect_vreg.gather [hbm4b:s9+s3], $0x80, v2, vm0, $0xb8;
	[tilespmem:$0x1A000] =	vst v63  }
0x660: {  	s25 =	simm.s32 $0x5000  }
0x661: {  	[tilespmem:s25], [sflag:$0x1] =	stream.indirect_vreg.gather [hbm4b:s10+s3], $0x80, v2, vm0, $0xb8;
	[tilespmem:$0x1A000] =	vst v63  }
0x662: {  	s25 =	simm.s32 $0x5800  }
0x663: {  	[tilespmem:s25], [sflag:$0x1] =	stream.indirect_vreg.gather [hbm4b:s11+s3], $0x80, v2, vm0, $0xb8;
	[tilespmem:$0x1A000] =	vst v63  }
0x664: {  	_ =	swait.ge [sflag:s17], $0x4000  }
0x665: {  	s25 =	sld [smem:$0x7F1]  }
0x666: {  	[sflag:s17] =	ssyncset.done $0x0  }
0x667: {  	[sflag:s17] =	ssyncadd.s32 $0xFFFFC000  }
0x668: {  	[hbm4b:s25+s3] =	stream.linear.scatter [tilespmem:s12], [sflag:$0xB], $0x4000, $0x38;
	[tilespmem:$0x1A000] =	vst v63  }
0x669: {  	_ =	swait.ge [sflag:s20], $0x4000  }
0x66a: {  	[sflag:s20] =	ssyncset.done $0x0  }
0x66b: {  	[sflag:s20] =	ssyncadd.s32 $0xFFFFC000  }
0x66c: {  	v2 =	vld.msk [tilespmem:$0x1B80], $0xff;
	_ =	sdelay $0x4  }
0x66d: {  	v3 =	vshll.u32 v2, $0x4  }
0x66e: {  	v2 =	vand.u32 $0x7, v2;
	v3 =	vand.u32 $0xFFFFFF80, v3  }
0x66f: {  	v2 =	vor.u32 v2, v3  }
0x670: {  	v2 =	vperm.xlane v2, v0;
	_ =	sdelay $0x1  }
0x671: {  	v2 =	vadd.s32 v1, v2;
	_ =	sdelay $0x4  }
0x672: {  	[tilespmem:s31], [sflag:$0x2] =	stream.indirect_vreg.gather [hbm4b:s2+s3], $0x80, v2, vm0, $0xb8;
	[tilespmem:$0x1A000] =	vst v63  }
0x673: {  	s25 =	simm.s32 $0x6800  }
0x674: {  	[tilespmem:s25], [sflag:$0x2] =	stream.indirect_vreg.gather [hbm4b:s5+s3], $0x80, v2, vm0, $0xb8;
	[tilespmem:$0x1A000] =	vst v63  }
0x675: {  	s25 =	simm.s32 $0x7000  }
0x676: {  	[tilespmem:s25], [sflag:$0x2] =	stream.indirect_vreg.gather [hbm4b:s6+s3], $0x80, v2, vm0, $0xb8;
	[tilespmem:$0x1A000] =	vst v63  }
0x677: {  	s25 =	simm.s32 $0x7800  }
0x678: {  	[tilespmem:s25], [sflag:$0x2] =	stream.indirect_vreg.gather [hbm4b:s7+s3], $0x80, v2, vm0, $0xb8;
	[tilespmem:$0x1A000] =	vst v63  }
0x679: {  	s25 =	simm.s32 $0x8000  }
0x67a: {  	[tilespmem:s25], [sflag:$0x2] =	stream.indirect_vreg.gather [hbm4b:s8+s3], $0x80, v2, vm0, $0xb8;
	[tilespmem:$0x1A000] =	vst v63  }
0x67b: {  	s25 =	simm.s32 $0x8800  }
0x67c: {  	[tilespmem:s25], [sflag:$0x2] =	stream.indirect_vreg.gather [hbm4b:s9+s3], $0x80, v2, vm0, $0xb8;
	[tilespmem:$0x1A000] =	vst v63  }
0x67d: {  	s25 =	simm.s32 $0x9000  }
0x67e: {  	[tilespmem:s25], [sflag:$0x2] =	stream.indirect_vreg.gather [hbm4b:s10+s3], $0x80, v2, vm0, $0xb8;
	[tilespmem:$0x1A000] =	vst v63  }
0x67f: {  	s25 =	simm.s32 $0x9800  }
0x680: {  	[tilespmem:s25], [sflag:$0x2] =	stream.indirect_vreg.gather [hbm4b:s11+s3], $0x80, v2, vm0, $0xb8;
	[tilespmem:$0x1A000] =	vst v63  }
0x681: {  	_ =	swait.ge [sflag:s23], $0x4000  }
0x682: {  	s25 =	sld [smem:$0x7F2]  }
0x683: {  	[sflag:s23] =	ssyncset.done $0x0  }
0x684: {  	[sflag:s23] =	ssyncadd.s32 $0xFFFFC000  }
0x685: {  	[hbm4b:s25+s3] =	stream.linear.scatter [tilespmem:s0], [sflag:$0xC], $0x4000, $0x38;
	[tilespmem:$0x1A000] =	vst v63  }
0x686: {  	_ =	swait.ge [sflag:s21], $0x4000  }
0x687: {  	[sflag:s21] =	ssyncset.done $0x0  }
0x688: {  	[sflag:s21] =	ssyncadd.s32 $0xFFFFC000  }
0x689: {  	v2 =	vld.msk [tilespmem:$0x1C00], $0xff;
	_ =	sdelay $0x4  }
0x68a: {  	v3 =	vshll.u32 v2, $0x4  }
0x68b: {  	v2 =	vand.u32 $0x7, v2;
	v3 =	vand.u32 $0xFFFFFF80, v3  }
0x68c: {  	v2 =	vor.u32 v2, v3  }
0x68d: {  	v2 =	vperm.xlane v2, v0;
	_ =	sdelay $0x1  }
0x68e: {  	v2 =	vadd.s32 v1, v2;
	_ =	sdelay $0x4  }
0x68f: {  	[tilespmem:s30], [sflag:$0x3] =	stream.indirect_vreg.gather [hbm4b:s2+s3], $0x80, v2, vm0, $0xb8;
	[tilespmem:$0x1A000] =	vst v63  }
0x690: {  	s25 =	simm.s32 $0xA800  }
0x691: {  	[tilespmem:s25], [sflag:$0x3] =	stream.indirect_vreg.gather [hbm4b:s5+s3], $0x80, v2, vm0, $0xb8;
	[tilespmem:$0x1A000] =	vst v63  }
0x692: {  	s25 =	simm.s32 $0xB000  }
0x693: {  	[tilespmem:s25], [sflag:$0x3] =	stream.indirect_vreg.gather [hbm4b:s6+s3], $0x80, v2, vm0, $0xb8;
	[tilespmem:$0x1A000] =	vst v63  }
0x694: {  	s25 =	simm.s32 $0xB800  }
0x695: {  	[tilespmem:s25], [sflag:$0x3] =	stream.indirect_vreg.gather [hbm4b:s7+s3], $0x80, v2, vm0, $0xb8;
	[tilespmem:$0x1A000] =	vst v63  }
0x696: {  	s25 =	simm.s32 $0xC000  }
0x697: {  	[tilespmem:s25], [sflag:$0x3] =	stream.indirect_vreg.gather [hbm4b:s8+s3], $0x80, v2, vm0, $0xb8;
	[tilespmem:$0x1A000] =	vst v63  }
0x698: {  	s25 =	simm.s32 $0xC800  }
0x699: {  	[tilespmem:s25], [sflag:$0x3] =	stream.indirect_vreg.gather [hbm4b:s9+s3], $0x80, v2, vm0, $0xb8;
	[tilespmem:$0x1A000] =	vst v63  }
0x69a: {  	s25 =	simm.s32 $0xD000  }
0x69b: {  	[tilespmem:s25], [sflag:$0x3] =	stream.indirect_vreg.gather [hbm4b:s10+s3], $0x80, v2, vm0, $0xb8;
	[tilespmem:$0x1A000] =	vst v63  }
0x69c: {  	s25 =	simm.s32 $0xD800  }
0x69d: {  	[tilespmem:s25], [sflag:$0x3] =	stream.indirect_vreg.gather [hbm4b:s11+s3], $0x80, v2, vm0, $0xb8;
	[tilespmem:$0x1A000] =	vst v63  }
0x69e: {  	_ =	swait.ge [sflag:s29], $0x4000  }
0x69f: {  	s25 =	sld [smem:$0x7F3]  }
0x6a0: {  	[sflag:s29] =	ssyncset.done $0x0  }
0x6a1: {  	[sflag:s29] =	ssyncadd.s32 $0xFFFFC000  }
0x6a2: {  	[hbm4b:s25+s3] =	stream.linear.scatter [tilespmem:s19], [sflag:$0x7], $0x4000, $0x38;
	[tilespmem:$0x1A000] =	vst v63  }
0x6a3: {  	_ =	swait.ge [sflag:s1], $0x4000  }
0x6a4: {  	[sflag:s1] =	ssyncset.done $0x0  }
0x6a5: {  	[sflag:s1] =	ssyncadd.s32 $0xFFFFC000  }
0x6a6: {  	v2 =	vld.msk [tilespmem:$0x1C80], $0xff;
	_ =	sdelay $0x4  }
0x6a7: {  	v3 =	vshll.u32 v2, $0x4  }
0x6a8: {  	v2 =	vand.u32 $0x7, v2;
	v3 =	vand.u32 $0xFFFFFF80, v3  }
0x6a9: {  	v2 =	vor.u32 v2, v3  }
0x6aa: {  	v2 =	vperm.xlane v2, v0;
	_ =	sdelay $0x1  }
0x6ab: {  	v2 =	vadd.s32 v1, v2;
	_ =	sdelay $0x4  }
0x6ac: {  	[tilespmem:s15], [sflag:$0x4] =	stream.indirect_vreg.gather [hbm4b:s2+s3], $0x80, v2, vm0, $0xb8;
	[tilespmem:$0x1A000] =	vst v63  }
0x6ad: {  	s25 =	simm.s32 $0xE800  }
0x6ae: {  	[tilespmem:s25], [sflag:$0x4] =	stream.indirect_vreg.gather [hbm4b:s5+s3], $0x80, v2, vm0, $0xb8;
	[tilespmem:$0x1A000] =	vst v63  }
0x6af: {  	s25 =	simm.s32 $0xF000  }
0x6b0: {  	[tilespmem:s25], [sflag:$0x4] =	stream.indirect_vreg.gather [hbm4b:s6+s3], $0x80, v2, vm0, $0xb8;
	[tilespmem:$0x1A000] =	vst v63  }
0x6b1: {  	s25 =	simm.s32 $0xF800  }
0x6b2: {  	[tilespmem:s25], [sflag:$0x4] =	stream.indirect_vreg.gather [hbm4b:s7+s3], $0x80, v2, vm0, $0xb8;
	[tilespmem:$0x1A000] =	vst v63  }
0x6b3: {  	s25 =	simm.s32 $0x10000  }
0x6b4: {  	[tilespmem:s25], [sflag:$0x4] =	stream.indirect_vreg.gather [hbm4b:s8+s3], $0x80, v2, vm0, $0xb8;
	[tilespmem:$0x1A000] =	vst v63  }
0x6b5: {  	s25 =	simm.s32 $0x10800  }
0x6b6: {  	[tilespmem:s25], [sflag:$0x4] =	stream.indirect_vreg.gather [hbm4b:s9+s3], $0x80, v2, vm0, $0xb8;
	[tilespmem:$0x1A000] =	vst v63  }
0x6b7: {  	s25 =	simm.s32 $0x11000  }
0x6b8: {  	[tilespmem:s25], [sflag:$0x4] =	stream.indirect_vreg.gather [hbm4b:s10+s3], $0x80, v2, vm0, $0xb8;
	[tilespmem:$0x1A000] =	vst v63  }
0x6b9: {  	s25 =	simm.s32 $0x11800  }
0x6ba: {  	[tilespmem:s25], [sflag:$0x4] =	stream.indirect_vreg.gather [hbm4b:s11+s3], $0x80, v2, vm0, $0xb8;
	[tilespmem:$0x1A000] =	vst v63  }
0x6bb: {  	_ =	swait.ge [sflag:s24], $0x4000  }
0x6bc: {  	s25 =	sld [smem:$0x7F4]  }
0x6bd: {  	[sflag:s24] =	ssyncset.done $0x0  }
0x6be: {  	[sflag:s24] =	ssyncadd.s32 $0xFFFFC000  }
0x6bf: {  	[hbm4b:s25+s3] =	stream.linear.scatter [tilespmem:s31], [sflag:$0x8], $0x4000, $0x38;
	[tilespmem:$0x1A000] =	vst v63  }
0x6c0: {  	_ =	swait.ge [sflag:s14], $0x4000  }
0x6c1: {  	[sflag:s14] =	ssyncset.done $0x0  }
0x6c2: {  	[sflag:s14] =	ssyncadd.s32 $0xFFFFC000  }
0x6c3: {  	v2 =	vld.msk [tilespmem:$0x1D00], $0xff;
	_ =	sdelay $0x4  }
0x6c4: {  	v3 =	vshll.u32 v2, $0x4  }
0x6c5: {  	v2 =	vand.u32 $0x7, v2;
	v3 =	vand.u32 $0xFFFFFF80, v3  }
0x6c6: {  	v2 =	vor.u32 v2, v3  }
0x6c7: {  	v2 =	vperm.xlane v2, v0;
	_ =	sdelay $0x1  }
0x6c8: {  	v2 =	vadd.s32 v1, v2;
	_ =	sdelay $0x4  }
0x6c9: {  	[tilespmem:s12], [sflag:$0x5] =	stream.indirect_vreg.gather [hbm4b:s2+s3], $0x80, v2, vm0, $0xb8;
	[tilespmem:$0x1A000] =	vst v63  }
0x6ca: {  	s25 =	simm.s32 $0x12800  }
0x6cb: {  	[tilespmem:s25], [sflag:$0x5] =	stream.indirect_vreg.gather [hbm4b:s5+s3], $0x80, v2, vm0, $0xb8;
	[tilespmem:$0x1A000] =	vst v63  }
0x6cc: {  	s25 =	simm.s32 $0x13000  }
0x6cd: {  	[tilespmem:s25], [sflag:$0x5] =	stream.indirect_vreg.gather [hbm4b:s6+s3], $0x80, v2, vm0, $0xb8;
	[tilespmem:$0x1A000] =	vst v63  }
0x6ce: {  	s25 =	simm.s32 $0x13800  }
0x6cf: {  	[tilespmem:s25], [sflag:$0x5] =	stream.indirect_vreg.gather [hbm4b:s7+s3], $0x80, v2, vm0, $0xb8;
	[tilespmem:$0x1A000] =	vst v63  }
0x6d0: {  	s25 =	simm.s32 $0x14000  }
0x6d1: {  	[tilespmem:s25], [sflag:$0x5] =	stream.indirect_vreg.gather [hbm4b:s8+s3], $0x80, v2, vm0, $0xb8;
	[tilespmem:$0x1A000] =	vst v63  }
0x6d2: {  	s25 =	simm.s32 $0x14800  }
0x6d3: {  	[tilespmem:s25], [sflag:$0x5] =	stream.indirect_vreg.gather [hbm4b:s9+s3], $0x80, v2, vm0, $0xb8;
	[tilespmem:$0x1A000] =	vst v63  }
0x6d4: {  	s25 =	simm.s32 $0x15000  }
0x6d5: {  	[tilespmem:s25], [sflag:$0x5] =	stream.indirect_vreg.gather [hbm4b:s10+s3], $0x80, v2, vm0, $0xb8;
	[tilespmem:$0x1A000] =	vst v63  }
0x6d6: {  	s25 =	simm.s32 $0x15800  }
0x6d7: {  	[tilespmem:s25], [sflag:$0x5] =	stream.indirect_vreg.gather [hbm4b:s11+s3], $0x80, v2, vm0, $0xb8;
	[tilespmem:$0x1A000] =	vst v63  }
0x6d8: {  	_ =	swait.ge [sflag:s13], $0x4000  }
0x6d9: {  	s25 =	sld [smem:$0x7F5]  }
0x6da: {  	[sflag:s13] =	ssyncset.done $0x0  }
0x6db: {  	[sflag:s13] =	ssyncadd.s32 $0xFFFFC000  }
0x6dc: {  	[hbm4b:s25+s3] =	stream.linear.scatter [tilespmem:s30], [sflag:$0x9], $0x4000, $0x38;
	[tilespmem:$0x1A000] =	vst v63  }
0x6dd: {  	_ =	swait.ge [sflag:s18], $0x4000  }
0x6de: {  	[sflag:s18] =	ssyncset.done $0x0  }
0x6df: {  	[sflag:s18] =	ssyncadd.s32 $0xFFFFC000  }
0x6e0: {  	v2 =	vld.msk [tilespmem:$0x1D80], $0xff;
	_ =	sdelay $0x4  }
0x6e1: {  	v3 =	vshll.u32 v2, $0x4  }
0x6e2: {  	v2 =	vand.u32 $0x7, v2;
	v3 =	vand.u32 $0xFFFFFF80, v3  }
0x6e3: {  	v2 =	vor.u32 v2, v3  }
0x6e4: {  	v2 =	vperm.xlane v2, v0;
	_ =	sdelay $0x1  }
0x6e5: {  	v2 =	vadd.s32 v1, v2;
	_ =	sdelay $0x4  }
0x6e6: {  	[tilespmem:s0], [sflag:$0x6] =	stream.indirect_vreg.gather [hbm4b:s2+s3], $0x80, v2, vm0, $0xb8;
	[tilespmem:$0x1A000] =	vst v63  }
0x6e7: {  	s22 =	simm.s32 $0x16800  }
0x6e8: {  	[tilespmem:s22], [sflag:$0x6] =	stream.indirect_vreg.gather [hbm4b:s5+s3], $0x80, v2, vm0, $0xb8;
	[tilespmem:$0x1A000] =	vst v63  }
0x6e9: {  	s26 =	simm.s32 $0x17000  }
0x6ea: {  	[tilespmem:s26], [sflag:$0x6] =	stream.indirect_vreg.gather [hbm4b:s6+s3], $0x80, v2, vm0, $0xb8;
	[tilespmem:$0x1A000] =	vst v63  }
0x6eb: {  	s28 =	simm.s32 $0x17800  }
0x6ec: {  	[tilespmem:s28], [sflag:$0x6] =	stream.indirect_vreg.gather [hbm4b:s7+s3], $0x80, v2, vm0, $0xb8;
	[tilespmem:$0x1A000] =	vst v63  }
0x6ed: {  	s28 =	simm.s32 $0x18000  }
0x6ee: {  	[tilespmem:s28], [sflag:$0x6] =	stream.indirect_vreg.gather [hbm4b:s8+s3], $0x80, v2, vm0, $0xb8;
	[tilespmem:$0x1A000] =	vst v63  }
0x6ef: {  	s25 =	simm.s32 $0x18800  }
0x6f0: {  	[tilespmem:s25], [sflag:$0x6] =	stream.indirect_vreg.gather [hbm4b:s9+s3], $0x80, v2, vm0, $0xb8;
	[tilespmem:$0x1A000] =	vst v63  }
0x6f1: {  	s26 =	simm.s32 $0x19000  }
0x6f2: {  	[tilespmem:s26], [sflag:$0x6] =	stream.indirect_vreg.gather [hbm4b:s10+s3], $0x80, v2, vm0, $0xb8;
	[tilespmem:$0x1A000] =	vst v63  }
0x6f3: {  	s28 =	simm.s32 $0x19800  }
0x6f4: {  	[tilespmem:s28], [sflag:$0x6] =	stream.indirect_vreg.gather [hbm4b:s11+s3], $0x80, v2, vm0, $0xb8;
	[tilespmem:$0x1A000] =	vst v63  }
0x6f5: {  	_ =	swait.ge [sflag:s4], $0x4000  }
0x6f6: {  	s22 =	sld [smem:$0x7F6]  }
0x6f7: {  	[sflag:s4] =	ssyncset.done $0x0  }
0x6f8: {  	[sflag:s4] =	ssyncadd.s32 $0xFFFFC000  }
0x6f9: {  	[hbm4b:s22+s3] =	stream.linear.scatter [tilespmem:s15], [sflag:$0xA], $0x4000, $0x38;
	[tilespmem:$0x1A000] =	vst v63  }
0x6fa: {  	_ =	swait.ge [sflag:s16], $0x4000  }
0x6fb: {  	[sflag:s16] =	ssyncset.done $0x0  }
0x6fc: {  	[sflag:s16] =	ssyncadd.s32 $0xFFFFC000  }
0x6fd: {  	v2 =	vld.msk [tilespmem:$0x1E00], $0xff;
	_ =	sdelay $0x4  }
0x6fe: {  	v3 =	vshll.u32 v2, $0x4  }
0x6ff: {  	v2 =	vand.u32 $0x7, v2;
	v3 =	vand.u32 $0xFFFFFF80, v3  }
0x700: {  	v2 =	vor.u32 v2, v3  }
0x701: {  	v2 =	vperm.xlane v2, v0;
	_ =	sdelay $0x1  }
0x702: {  	v2 =	vadd.s32 v1, v2;
	_ =	sdelay $0x4  }
0x703: {  	[tilespmem:s19], [sflag:$0x1] =	stream.indirect_vreg.gather [hbm4b:s2+s3], $0x80, v2, vm0, $0xb8;
	[tilespmem:$0x1A000] =	vst v63  }
0x704: {  	s25 =	simm.s32 $0x2800  }
0x705: {  	[tilespmem:s25], [sflag:$0x1] =	stream.indirect_vreg.gather [hbm4b:s5+s3], $0x80, v2, vm0, $0xb8;
	[tilespmem:$0x1A000] =	vst v63  }
0x706: {  	s26 =	simm.s32 $0x3000  }
0x707: {  	[tilespmem:s26], [sflag:$0x1] =	stream.indirect_vreg.gather [hbm4b:s6+s3], $0x80, v2, vm0, $0xb8;
	[tilespmem:$0x1A000] =	vst v63  }
0x708: {  	s28 =	simm.s32 $0x3800  }
0x709: {  	[tilespmem:s28], [sflag:$0x1] =	stream.indirect_vreg.gather [hbm4b:s7+s3], $0x80, v2, vm0, $0xb8;
	[tilespmem:$0x1A000] =	vst v63  }
0x70a: {  	s22 =	simm.s32 $0x4000  }
0x70b: {  	[tilespmem:s22], [sflag:$0x1] =	stream.indirect_vreg.gather [hbm4b:s8+s3], $0x80, v2, vm0, $0xb8;
	[tilespmem:$0x1A000] =	vst v63  }
0x70c: {  	s25 =	simm.s32 $0x4800  }
0x70d: {  	[tilespmem:s25], [sflag:$0x1] =	stream.indirect_vreg.gather [hbm4b:s9+s3], $0x80, v2, vm0, $0xb8;
	[tilespmem:$0x1A000] =	vst v63  }
0x70e: {  	s26 =	simm.s32 $0x5000  }
0x70f: {  	[tilespmem:s26], [sflag:$0x1] =	stream.indirect_vreg.gather [hbm4b:s10+s3], $0x80, v2, vm0, $0xb8;
	[tilespmem:$0x1A000] =	vst v63  }
0x710: {  	s28 =	simm.s32 $0x5800  }
0x711: {  	[tilespmem:s28], [sflag:$0x1] =	stream.indirect_vreg.gather [hbm4b:s11+s3], $0x80, v2, vm0, $0xb8;
	[tilespmem:$0x1A000] =	vst v63  }
0x712: {  	_ =	swait.ge [sflag:s17], $0x4000  }
0x713: {  	s22 =	sld [smem:$0x7F7]  }
0x714: {  	[sflag:s17] =	ssyncset.done $0x0  }
0x715: {  	[sflag:s17] =	ssyncadd.s32 $0xFFFFC000  }
0x716: {  	[hbm4b:s22+s3] =	stream.linear.scatter [tilespmem:s12], [sflag:$0xB], $0x4000, $0x38;
	[tilespmem:$0x1A000] =	vst v63  }
0x717: {  	_ =	swait.ge [sflag:s20], $0x4000  }
0x718: {  	[sflag:s20] =	ssyncset.done $0x0  }
0x719: {  	[sflag:s20] =	ssyncadd.s32 $0xFFFFC000  }
0x71a: {  	v2 =	vld.msk [tilespmem:$0x1E80], $0xff;
	_ =	sdelay $0x4  }
0x71b: {  	v3 =	vshll.u32 v2, $0x4  }
0x71c: {  	v2 =	vand.u32 $0x7, v2;
	v3 =	vand.u32 $0xFFFFFF80, v3  }
0x71d: {  	v2 =	vor.u32 v2, v3  }
0x71e: {  	v2 =	vperm.xlane v2, v0;
	_ =	sdelay $0x1  }
0x71f: {  	v2 =	vadd.s32 v1, v2;
	_ =	sdelay $0x4  }
0x720: {  	[tilespmem:s31], [sflag:$0x2] =	stream.indirect_vreg.gather [hbm4b:s2+s3], $0x80, v2, vm0, $0xb8;
	[tilespmem:$0x1A000] =	vst v63  }
0x721: {  	s25 =	simm.s32 $0x6800  }
0x722: {  	[tilespmem:s25], [sflag:$0x2] =	stream.indirect_vreg.gather [hbm4b:s5+s3], $0x80, v2, vm0, $0xb8;
	[tilespmem:$0x1A000] =	vst v63  }
0x723: {  	s26 =	simm.s32 $0x7000  }
0x724: {  	[tilespmem:s26], [sflag:$0x2] =	stream.indirect_vreg.gather [hbm4b:s6+s3], $0x80, v2, vm0, $0xb8;
	[tilespmem:$0x1A000] =	vst v63  }
0x725: {  	s28 =	simm.s32 $0x7800  }
0x726: {  	[tilespmem:s28], [sflag:$0x2] =	stream.indirect_vreg.gather [hbm4b:s7+s3], $0x80, v2, vm0, $0xb8;
	[tilespmem:$0x1A000] =	vst v63  }
0x727: {  	s15 =	simm.s32 $0x8000  }
0x728: {  	[tilespmem:s15], [sflag:$0x2] =	stream.indirect_vreg.gather [hbm4b:s8+s3], $0x80, v2, vm0, $0xb8;
	[tilespmem:$0x1A000] =	vst v63  }
0x729: {  	s17 =	simm.s32 $0x8800  }
0x72a: {  	[tilespmem:s17], [sflag:$0x2] =	stream.indirect_vreg.gather [hbm4b:s9+s3], $0x80, v2, vm0, $0xb8;
	[tilespmem:$0x1A000] =	vst v63  }
0x72b: {  	s22 =	simm.s32 $0x9000  }
0x72c: {  	[tilespmem:s22], [sflag:$0x2] =	stream.indirect_vreg.gather [hbm4b:s10+s3], $0x80, v2, vm0, $0xb8;
	[tilespmem:$0x1A000] =	vst v63  }
0x72d: {  	s25 =	simm.s32 $0x9800  }
0x72e: {  	[tilespmem:s25], [sflag:$0x2] =	stream.indirect_vreg.gather [hbm4b:s11+s3], $0x80, v2, vm0, $0xb8;
	[tilespmem:$0x1A000] =	vst v63  }
0x72f: {  	_ =	swait.ge [sflag:s23], $0x4000  }
0x730: {  	s26 =	sld [smem:$0x7F8]  }
0x731: {  	[sflag:s23] =	ssyncset.done $0x0  }
0x732: {  	[sflag:s23] =	ssyncadd.s32 $0xFFFFC000  }
0x733: {  	[hbm4b:s26+s3] =	stream.linear.scatter [tilespmem:s0], [sflag:$0xC], $0x4000, $0x38;
	[tilespmem:$0x1A000] =	vst v63  }
0x734: {  	_ =	swait.ge [sflag:s21], $0x4000  }
0x735: {  	[sflag:s21] =	ssyncset.done $0x0  }
0x736: {  	[sflag:s21] =	ssyncadd.s32 $0xFFFFC000  }
0x737: {  	v2 =	vld.msk [tilespmem:$0x1F00], $0xff;
	_ =	sdelay $0x4  }
0x738: {  	v3 =	vshll.u32 v2, $0x4  }
0x739: {  	v2 =	vand.u32 $0x7, v2;
	v3 =	vand.u32 $0xFFFFFF80, v3  }
0x73a: {  	v2 =	vor.u32 v2, v3  }
0x73b: {  	v2 =	vperm.xlane v2, v0;
	_ =	sdelay $0x1  }
0x73c: {  	v2 =	vadd.s32 v1, v2;
	_ =	sdelay $0x4  }
0x73d: {  	[tilespmem:s30], [sflag:$0x3] =	stream.indirect_vreg.gather [hbm4b:s2+s3], $0x80, v2, vm0, $0xb8;
	[tilespmem:$0x1A000] =	vst v63  }
0x73e: {  	s28 =	simm.s32 $0xA800  }
0x73f: {  	[tilespmem:s28], [sflag:$0x3] =	stream.indirect_vreg.gather [hbm4b:s5+s3], $0x80, v2, vm0, $0xb8;
	[tilespmem:$0x1A000] =	vst v63  }
0x740: {  	s12 =	simm.s32 $0xB000  }
0x741: {  	[tilespmem:s12], [sflag:$0x3] =	stream.indirect_vreg.gather [hbm4b:s6+s3], $0x80, v2, vm0, $0xb8;
	[tilespmem:$0x1A000] =	vst v63  }
0x742: {  	s15 =	simm.s32 $0xB800  }
0x743: {  	[tilespmem:s15], [sflag:$0x3] =	stream.indirect_vreg.gather [hbm4b:s7+s3], $0x80, v2, vm0, $0xb8;
	[tilespmem:$0x1A000] =	vst v63  }
0x744: {  	s17 =	simm.s32 $0xC000  }
0x745: {  	[tilespmem:s17], [sflag:$0x3] =	stream.indirect_vreg.gather [hbm4b:s8+s3], $0x80, v2, vm0, $0xb8;
	[tilespmem:$0x1A000] =	vst v63  }
0x746: {  	s22 =	simm.s32 $0xC800  }
0x747: {  	[tilespmem:s22], [sflag:$0x3] =	stream.indirect_vreg.gather [hbm4b:s9+s3], $0x80, v2, vm0, $0xb8;
	[tilespmem:$0x1A000] =	vst v63  }
0x748: {  	s23 =	simm.s32 $0xD000  }
0x749: {  	[tilespmem:s23], [sflag:$0x3] =	stream.indirect_vreg.gather [hbm4b:s10+s3], $0x80, v2, vm0, $0xb8;
	[tilespmem:$0x1A000] =	vst v63  }
0x74a: {  	s25 =	simm.s32 $0xD800  }
0x74b: {  	[tilespmem:s25], [sflag:$0x3] =	stream.indirect_vreg.gather [hbm4b:s11+s3], $0x80, v2, vm0, $0xb8;
	[tilespmem:$0x1A000] =	vst v63  }
0x74c: {  	_ =	swait.ge [sflag:s29], $0x4000  }
0x74d: {  	s26 =	sld [smem:$0x7F9]  }
0x74e: {  	[sflag:s29] =	ssyncset.done $0x0  }
0x74f: {  	[sflag:s29] =	ssyncadd.s32 $0xFFFFC000  }
0x750: {  	[hbm4b:s26+s3] =	stream.linear.scatter [tilespmem:s19], [sflag:$0x7], $0x4000, $0x38;
	[tilespmem:$0x1A000] =	vst v63  }
0x751: {  	_ =	swait.ge [sflag:s1], $0x4000  }
0x752: {  	[sflag:s1] =	ssyncset.done $0x0  }
0x753: {  	[sflag:s1] =	ssyncadd.s32 $0xFFFFC000  }
0x754: {  	v2 =	vld.msk [tilespmem:$0x1F80], $0xff;
	_ =	sdelay $0x4  }
0x755: {  	v3 =	vshll.u32 v2, $0x4  }
0x756: {  	v2 =	vand.u32 $0x7, v2;
	v3 =	vand.u32 $0xFFFFFF80, v3  }
0x757: {  	v2 =	vor.u32 v2, v3  }
0x758: {  	v2 =	vperm.xlane v2, v0;
	_ =	sdelay $0x1  }
0x759: {  	v2 =	vadd.s32 v1, v2;
	_ =	sdelay $0x3  }
0x75a: {  	s0 =	simm.s32 $0xE000  }
0x75b: {  	[tilespmem:s0], [sflag:$0x4] =	stream.indirect_vreg.gather [hbm4b:s2+s3], $0x80, v2, vm0, $0xb8;
	[tilespmem:$0x1A000] =	vst v63  }
0x75c: {  	s28 =	simm.s32 $0xE800  }
0x75d: {  	[tilespmem:s28], [sflag:$0x4] =	stream.indirect_vreg.gather [hbm4b:s5+s3], $0x80, v2, vm0, $0xb8;
	[tilespmem:$0x1A000] =	vst v63  }
0x75e: {  	s15 =	simm.s32 $0xF000  }
0x75f: {  	[tilespmem:s15], [sflag:$0x4] =	stream.indirect_vreg.gather [hbm4b:s6+s3], $0x80, v2, vm0, $0xb8;
	[tilespmem:$0x1A000] =	vst v63  }
0x760: {  	s17 =	simm.s32 $0xF800  }
0x761: {  	[tilespmem:s17], [sflag:$0x4] =	stream.indirect_vreg.gather [hbm4b:s7+s3], $0x80, v2, vm0, $0xb8;
	[tilespmem:$0x1A000] =	vst v63  }
0x762: {  	s19 =	simm.s32 $0x10000  }
0x763: {  	[tilespmem:s19], [sflag:$0x4] =	stream.indirect_vreg.gather [hbm4b:s8+s3], $0x80, v2, vm0, $0xb8;
	[tilespmem:$0x1A000] =	vst v63  }
0x764: {  	s22 =	simm.s32 $0x10800  }
0x765: {  	[tilespmem:s22], [sflag:$0x4] =	stream.indirect_vreg.gather [hbm4b:s9+s3], $0x80, v2, vm0, $0xb8;
	[tilespmem:$0x1A000] =	vst v63  }
0x766: {  	s23 =	simm.s32 $0x11000  }
0x767: {  	[tilespmem:s23], [sflag:$0x4] =	stream.indirect_vreg.gather [hbm4b:s10+s3], $0x80, v2, vm0, $0xb8;
	[tilespmem:$0x1A000] =	vst v63  }
0x768: {  	s25 =	simm.s32 $0x11800  }
0x769: {  	[tilespmem:s25], [sflag:$0x4] =	stream.indirect_vreg.gather [hbm4b:s11+s3], $0x80, v2, vm0, $0xb8;
	[tilespmem:$0x1A000] =	vst v63  }
0x76a: {  	s12 =	sld [smem:$0x7D8];
	_ =	swait.ge [sflag:s24], $0x4000  }
0x76b: {  	s26 =	sld [smem:$0x7FA]  }
0x76c: {  	[sflag:s24] =	ssyncset.done $0x0  }
0x76d: {  	[sflag:s24] =	ssyncadd.s32 $0xFFFFC000  }
0x76e: {  	[hbm4b:s26+s3] =	stream.linear.scatter [tilespmem:s31], [sflag:$0x8], $0x4000, $0x38;
	[tilespmem:$0x1A000] =	vst v63  }
0x76f: {  	_ =	swait.ge [sflag:s13], $0x4000  }
0x770: {  	s28 =	sld [smem:$0x7FB]  }
0x771: {  	[sflag:s13] =	ssyncset.done $0x0  }
0x772: {  	[sflag:s13] =	ssyncadd.s32 $0xFFFFC000  }
0x773: {  	[hbm4b:s28+s3] =	stream.linear.scatter [tilespmem:s30], [sflag:$0x9], $0x4000, $0x38;
	[tilespmem:$0x1A000] =	vst v63  }
0x774: {  	_ =	swait.ge [sflag:s4], $0x4000  }
0x775: {  	s31 =	sld [smem:$0x7FD]  }
0x776: {  	[sflag:s4] =	ssyncset.done $0x0  }
0x777: {  	[sflag:s4] =	ssyncadd.s32 $0xFFFFC000  }
0x778: {  	[hbm4b:s31+s3] =	stream.linear.scatter [tilespmem:s0], [sflag:$0xA], $0x4000, $0x38;
	[tilespmem:$0x1A000] =	vst v63  }
0x779: {  	_ =	swait.ge [sflag:s14], $0x4000  }
0x77a: {  	[sflag:s14] =	ssyncset.done $0x0  }
0x77b: {  	[sflag:s14] =	ssyncadd.s32 $0xFFFFC000  }
0x77c: {  	_ =	swait.ge [sflag:s18], $0x4000  }
0x77d: {  	[sflag:s18] =	ssyncset.done $0x0  }
0x77e: {  	[sflag:s18] =	ssyncadd.s32 $0xFFFFC000  }
0x77f: {  	_ =	swait.ge [sflag:s16], $0x4000  }
0x780: {  	[sflag:s16] =	ssyncset.done $0x0  }
0x781: {  	[sflag:s16] =	ssyncadd.s32 $0xFFFFC000  }
0x782: {  	_ =	swait.ge [sflag:s20], $0x4000  }
0x783: {  	[sflag:s20] =	ssyncset.done $0x0  }
0x784: {  	[sflag:s20] =	ssyncadd.s32 $0xFFFFC000  }
0x785: {  	p0 =	sne.s32 s12, $0x1;
	_ =	swait.ge [sflag:s21], $0x4000  }
.Ltmp0:
0x786: {  	[sflag:s21] =	ssyncset.done $0x0;
	(pc) =	sbr.rel @p0 .LBB2_1-.Ltmp0, $4  }
0x787: {  	[sflag:s21] =	ssyncadd.s32 $0xFFFFC000  }
0x788: {  	_ =	swait.ge [sflag:s1], $0x4000  }
0x789: {  	[sflag:s1] =	ssyncset.done $0x0  }
0x78a: {  	s12 =	sadd.s32 $0xFFFFFFFF, s12;
	[sflag:s1] =	ssyncadd.s32 $0xFFFFC000  }
0x78b: {  	_ =	sfence.sel $0x180000  }
0x78c: {  	[bflag:$0x0] =	sbarrier.arrive $0xFFFF  }
0x78d: {  	_ =	strace $0x90000047  }
0x78e: {  	s0 =	stileid.u32;
	[bflag:$0x2] =	sbarrier.arrive $0xFFFF  }
0x78f: {  	p0 =	sne.s32 s0, $0x0;
	s0 =	rddreg [dreg:$0x3]  }
0x790: {  	s0 =	sadd.s32 @!p0 $0x100000, s0  }
0x791: {  	[sflag:s0] =	ssyncadd.tile.s32 @!p0 $0x1;
	_ =	shalt  }
.Lfunc_end2:
_tile_overlayer_lowered:
.L_overlay_start_2:
0x792: {  	(tag) =	ssettag $0x2  }
0x793: {  	s0 =	rddreg [dreg:$0x0];
	s2 =	stileid.u32  }
0x794: {  	s1 =	rddreg [dreg:$0x1];
	p0 =	sne.s32 s2, $0x0  }
0x795: {  	s3 =	rddreg [dreg:$0x2];
	[bflag:$0x3] =	sbarrier.arrive $0xFFFF;
	s2 =	simm.s32 @!p0 $0x1C0D  }
0x796: {  	[timem:s3], [sflag:s2] =	dma.local @!p0 [hbm:s0], s1  }
0x797: {  	s0 =	simm.s32 @!p0 $0xD  }
0x798: {  	_ =	swait.ge @!p0 [sflag:s0], s1  }
0x799: {  	s1 =	ssub.s32 @!p0 $0x0, s1;
	[sflag:s0] =	ssyncset.done @!p0 $0x0  }
0x79a: {  	[sflag:s0] =	ssyncadd.s32 @!p0 s1  }
0x79b: {  	[bflag:$0x3] =	sbarrier.arrive $0xFFFF  }
0x79c: {  	_ =	shalt  }

</sc_bundles>
